<compile_context>
chip_gen: v7x
topology: tpu7x:2x2x1
jax: 0.10.2.dev20260603
libtpu: 0.0.44.dev20260713+nightly
codegen_flags: <defaults>
</compile_context>

<pallas_src>
import functools

import numpy as np

import jax
import jax.numpy as jnp
from jax import lax
from jax.experimental import pallas as pl
from jax.experimental.pallas import tpu as pltpu
from jax.experimental.pallas import tpu_sc as plsc

_N = 40000
_C = 128
_B = 4
_HF, _WF = 48, 160
_HI, _WI = 384, 1280
_STRIDE = 8
_MAX_BEV = 76.37
_HID = 64
_HW = _HF * _WF

_NPAD = 40960
_T = 2048
_GRID = _NPAD // _T
_NW = 32
_PER_W = _NPAD // _NW
_CH = 64
_NCH = _PER_W // _CH
_IVR = _PER_W // 128


def _stage1_body(xf, idf, tr_ref, geo_ref, fgw1, fgb1, fgw2r, fgb2,
                 rtw1a, rtw1b, rtb1, rtw2t, rtb2,
                 idx_out, w_out, aux_out):
    f32 = jnp.float32
    sx = idf[:, 3:4]
    sy = idf[:, 2:3]
    sz = idf[:, 1:2]
    bidf = idf[:, 0:1]

    sp3 = jnp.concatenate([sx, sy, sz], axis=1)
    cen = sp3 * geo_ref[0:1, :] + geo_ref[1:2, :] + geo_ref[2:3, :]
    cx = cen[:, 0:1]
    cy = cen[:, 1:2]
    cz = cen[:, 2:3]
    rng = jnp.sqrt(cx * cx + cy * cy)
    rn = jnp.clip(rng / _MAX_BEV, 0.0, 1.0)

    p0 = jnp.zeros_like(sx)
    p1 = jnp.zeros_like(sx)
    dep = jnp.zeros_like(sx)
    for b in range(_B):
        mb = (bidf == float(b)).astype(f32)

        def t(i, j, _b=b):
            return tr_ref[_b:_b + 1, 4 * i + j:4 * i + j + 1]

        q0 = t(0, 0) * cx + t(0, 1) * cy + t(0, 2) * cz + t(0, 3)
        q1 = t(1, 0) * cx + t(1, 1) * cy + t(1, 2) * cz + t(1, 3)
        q2 = t(2, 0) * cx + t(2, 1) * cy + t(2, 2) * cz + t(2, 3)
        p0 = p0 + mb * q0
        p1 = p1 + mb * q1
        dep = dep + mb * q2
    safe = jnp.maximum(dep, 1e-5)
    u_img = p0 / safe
    v_img = p1 / safe
    u_feat = u_img * (float(_WF) / float(_WI))
    v_feat = v_img * (float(_HF) / float(_HI))
    u_norm = 2.0 * (u_feat / float(_WF - 1)) - 1.0
    v_norm = 2.0 * (v_feat / float(_HF - 1)) - 1.0
    validf = ((dep > 1e-5) & (jnp.abs(u_norm) <= 1.0)
              & (jnp.abs(v_norm) <= 1.0)).astype(f32)

    gx = (u_norm + 1.0) * 0.5 * float(_WF - 1)
    gy = (v_norm + 1.0) * 0.5 * float(_HF - 1)
    x0 = jnp.floor(gx)
    y0 = jnp.floor(gy)
    x1 = x0 + 1.0
    y1 = y0 + 1.0
    wx1 = gx - x0
    wx0 = 1.0 - wx1
    wy1 = gy - y0
    wy0 = 1.0 - wy1
    px = jnp.clip(x0, 0.0, float(_WF - 1))
    py = jnp.clip(y0, 0.0, float(_HF - 1))
    qidx = (bidf * float(_HW) + py * float(_WF) + px).astype(jnp.int32)
    zero1 = jnp.zeros_like(gx)

    def contrib(pc, c0, c1, w0c, w1c, hi):
        in0 = (c0 >= 0.0) & (c0 <= hi)
        in1 = (c1 >= 0.0) & (c1 <= hi)
        return (jnp.where((pc == c0) & in0, w0c, zero1)
                + jnp.where((pc == c1) & in1, w1c, zero1))

    w_cols = []
    lane16 = jnp.ones((1, 16), f32)
    for dx in (0.0, 1.0):
        wxc = contrib(px + dx, x0, x1, wx0, wx1, float(_WF - 1))
        for dy in (0.0, 1.0):
            wyc = contrib(py + dy, y0, y1, wy0, wy1, float(_HF - 1))
            w_cols.append((wxc * wyc) * lane16)
    idx_out[...] = jnp.concatenate([qidx, qidx, qidx, qidx], axis=1)
    w_out[...] = jnp.concatenate(w_cols, axis=1)

    x = xf[...]
    h1 = jnp.maximum(jnp.dot(x, fgw1[...], preferred_element_type=f32)
                     + fgb1[...], 0.0)
    pfg = jax.nn.sigmoid(jnp.sum(h1 * fgw2r[...], axis=1, keepdims=True)
                         + fgb2[...])

    h2 = (jnp.dot(x, rtw1a[...], preferred_element_type=f32)
          + rn * rtw1b[0:1, :] + pfg * rtw1b[1:2, :]
          + validf * rtw1b[2:3, :] + rtb1[...])
    h2 = jnp.maximum(h2, 0.0)
    l0 = jnp.sum(h2 * rtw2t[0:1, :], axis=1, keepdims=True) + rtb2[0:1, 0:1]
    l1 = jnp.sum(h2 * rtw2t[1:2, :], axis=1, keepdims=True) + rtb2[0:1, 1:2]
    l2 = jnp.sum(h2 * rtw2t[2:3, :], axis=1, keepdims=True) + rtb2[0:1, 2:3]
    m = jnp.maximum(jnp.maximum(l0, l1), l2)
    e0 = jnp.exp(l0 - m)
    e1 = jnp.exp(l1 - m)
    e2 = jnp.exp(l2 - m)
    s = e0 + e1 + e2
    z = jnp.zeros_like(pfg)
    aux_out[...] = jnp.concatenate(
        [e0 / s, e1 / s, e2 / s, pfg, rn, validf, z, z], axis=1)


def _sc_body(t4, i0, whb, out,
             iv, wv0, wv1, r0, r1, ov0, ov1,
             sg0, sg1, sw0, sw1, so0, so1):
    nc = 2
    wid = lax.axis_index("s") * nc + lax.axis_index("c")
    rows = (r0, r1)
    wvs = (wv0, wv1)
    ovs = (ov0, ov1)
    sgs = (sg0, sg1)
    sws = (sw0, sw1)
    sos = (so0, so1)

    pltpu.sync_copy(i0.at[wid], iv)

    def issue(c, b):
        pltpu.async_copy(whb.at[wid, c], wvs[b], sws[b])
        r_i = c // (128 // _CH)
        off = (c % (128 // _CH)) * _CH
        pltpu.async_copy(t4.at[iv.at[r_i, pl.ds(off, _CH)]], rows[b], sgs[b])

    def drain(b):
        pltpu.make_async_copy(whb.at[0, 0], wvs[b], sws[b]).wait()
        pltpu.make_async_copy(
            t4.at[iv.at[0, pl.ds(0, _CH)]], rows[b], sgs[b]).wait()

    def compute(b):
        wv = wvs[b]
        r = rows[b]
        ov = ovs[b]

        @plsc.parallel_loop(0, _CH, unroll=4)
        def _tok(i):
            a0 = wv[i, pl.ds(0, 16)]
            a1 = wv[i, pl.ds(16, 16)]
            a2 = wv[i, pl.ds(32, 16)]
            a3 = wv[i, pl.ds(48, 16)]
            for si in range(_C // 16):
                acc = (a0 * r[i, pl.ds(si * 16, 16)]
                       + a1 * r[i, pl.ds(_C + si * 16, 16)]
                       + a2 * r[i, pl.ds(2 * _C + si * 16, 16)]
                       + a3 * r[i, pl.ds(3 * _C + si * 16, 16)])
                ov[i, pl.ds(si * 16, 16)] = acc

    issue(0, 0)
    issue(1, 1)

    def step(g, carry):
        for b in range(2):
            c = g * 2 + b
            drain(b)

            @pl.when(c >= 2)
            def _wait_flush(_b=b):
                pltpu.make_async_copy(
                    ovs[_b], out.at[pl.ds(0, _CH)], sos[_b]).wait()

            compute(b)
            base = wid * _PER_W + c * _CH
            pltpu.async_copy(ovs[b], out.at[pl.ds(base, _CH)], sos[b])

            @pl.when(c + 2 < _NCH)
            def _issue_next(_b=b, _c=c):
                issue(_c + 2, _b)
        return carry

    lax.fori_loop(0, _NCH // 2, step, 0)
    for b in range(2):
        pltpu.make_async_copy(ovs[b], out.at[pl.ds(0, _CH)], sos[b]).wait()


def _stage3_body(x_ref, s_ref, aux_ref, w1a, w1b, b1, w2, b2, g_ref, bl_ref,
                 out_ref, q_ref):
    f32 = jnp.float32
    x = x_ref[...]
    smp = s_ref[...].astype(f32)
    vf = aux_ref[:, 5:6]
    rw1 = aux_ref[:, 1:2]
    h = jnp.maximum(jnp.dot(x, w1a[...], preferred_element_type=f32)
                    + jnp.dot(smp, w1b[...], preferred_element_type=f32)
                    + b1[...], 0.0)
    dl = (jnp.dot(h, w2[...], preferred_element_type=f32) + b2[...]) * vf
    delta = rw1 * dl
    nd = jnp.sqrt(jnp.sum(delta * delta, axis=1, keepdims=True))
    nx = jnp.sqrt(jnp.sum(x * x, axis=1, keepdims=True))
    fg = jnp.clip(1.0 - jnp.exp(-(nd / (nx + 1e-6))), 0.0, 1.0)
    y = x + delta
    mu = jnp.mean(y, axis=1, keepdims=True)
    var = jnp.mean((y - mu) ** 2, axis=1, keepdims=True)
    out_ref[...] = (y - mu) / jnp.sqrt(var + 1e-5) * g_ref[...] + bl_ref[...]
    z = jnp.zeros_like(fg)
    q = jnp.concatenate(
        [aux_ref[:, 0:6], z, fg, z, z, z, z, z, z, z, z], axis=1)
    q_ref[...] = jnp.clip(q, 0.0, 1.0)


def _full_spec(r, c):
    return pl.BlockSpec((r, c), lambda i: (0, 0))


def _tok_spec(c):
    return pl.BlockSpec((_T, c), lambda i: (i, 0))


def kernel(features, indices, voxel_size, point_cloud_range,
           trans_lidar_to_img, images, img_feats,
           fg_w1, fg_b1, fg_w2, fg_b2, rt_w1, rt_b1, rt_w2, rt_b2,
           le_w1, le_b1, le_w2, le_b2, ln_g, ln_b):
    f32 = jnp.float32
    xp = jnp.pad(features, ((0, _NPAD - _N), (0, 0)))
    idf = jnp.pad(indices.astype(f32), ((0, _NPAD - _N), (0, 0)))

    cvs = voxel_size * float(_STRIDE)
    geo = jnp.stack([cvs, point_cloud_range[:3], cvs * 0.5])
    tr_flat = trans_lidar_to_img.reshape(_B, 16)

    idx_i32, w_f32, aux = pl.pallas_call(
        _stage1_body,
        grid=(_GRID,),
        in_specs=[
            _tok_spec(_C), _tok_spec(4),
            _full_spec(_B, 16), _full_spec(3, 3),
            _full_spec(_C, _HID), _full_spec(1, _HID),
            _full_spec(1, _HID), _full_spec(1, 1),
            _full_spec(_C, _HID), _full_spec(3, _HID),
            _full_spec(1, _HID), _full_spec(3, _HID), _full_spec(1, 3),
        ],
        out_specs=[_tok_spec(4), _tok_spec(64), _tok_spec(8)],
        out_shape=[
            jax.ShapeDtypeStruct((_NPAD, 4), jnp.int32),
            jax.ShapeDtypeStruct((_NPAD, 64), f32),
            jax.ShapeDtypeStruct((_NPAD, 8), f32),
        ],
    )(xp, idf, tr_flat, geo, fg_w1, fg_b1.reshape(1, _HID),
      fg_w2.reshape(1, _HID), fg_b2.reshape(1, 1),
      rt_w1[:_C], rt_w1[_C:], rt_b1.reshape(1, _HID),
      rt_w2.T, rt_b2.reshape(1, 3))

    flat = img_feats.transpose(0, 2, 3, 1).reshape(_B * _HW, _C)
    t4 = jnp.concatenate(
        [flat,
         jnp.roll(flat, -_WF, axis=0),
         jnp.roll(flat, -1, axis=0),
         jnp.roll(flat, -(_WF + 1), axis=0)], axis=1)
    i_arr = idx_i32[:, 0].reshape(_NW, _IVR, 128)
    w_arr = w_f32.reshape(_NW, _NCH, _CH, 64)

    sc_call = functools.partial(
        pl.kernel,
        out_type=jax.ShapeDtypeStruct((_NPAD, _C), f32),
        mesh=plsc.VectorSubcoreMesh(core_axis_name="c", subcore_axis_name="s"),
        scratch_types=[
            pltpu.VMEM((_IVR, 128), jnp.int32),
            pltpu.VMEM((_CH, 64), f32),
            pltpu.VMEM((_CH, 64), f32),
            pltpu.VMEM((_CH, 4 * _C), f32),
            pltpu.VMEM((_CH, 4 * _C), f32),
            pltpu.VMEM((_CH, _C), f32),
            pltpu.VMEM((_CH, _C), f32),
            pltpu.SemaphoreType.DMA,
            pltpu.SemaphoreType.DMA,
            pltpu.SemaphoreType.DMA,
            pltpu.SemaphoreType.DMA,
            pltpu.SemaphoreType.DMA,
            pltpu.SemaphoreType.DMA,
        ],
    )(_sc_body)
    sampled = sc_call(t4, i_arr, w_arr)

    out_p, q_p = pl.pallas_call(
        _stage3_body,
        grid=(_GRID,),
        in_specs=[
            _tok_spec(_C), _tok_spec(_C), _tok_spec(8),
            _full_spec(_C, _C), _full_spec(_C, _C), _full_spec(1, _C),
            _full_spec(_C, _C), _full_spec(1, _C),
            _full_spec(1, _C), _full_spec(1, _C),
        ],
        out_specs=[_tok_spec(_C), _tok_spec(16)],
        out_shape=[
            jax.ShapeDtypeStruct((_NPAD, _C), f32),
            jax.ShapeDtypeStruct((_NPAD, 16), f32),
        ],
    )(xp, sampled, aux, le_w1[:_C], le_w1[_C:], le_b1.reshape(1, _C),
      le_w2, le_b2.reshape(1, _C), ln_g.reshape(1, _C), ln_b.reshape(1, _C))

    return (out_p[:_N], q_p[:_N, :11])

# --- scband reference (transcript-rebuilt; emitter-appended) ---
"""Pipeline reference for scband-selective-mo-efusion-block-231928234756 (READ-ONLY COPY).

The authoritative reference and input builder live on the scoring server;
editing this copy changes nothing except your own understanding.
"""

import jax, jax.numpy as jnp
import numpy as np

N = 40000
C = 128
B = 4
HF, WF = 48, 160
HI, WI = 384, 1280
STRIDE = 8
MAX_BEV = 76.37
HID = 64


def setup_inputs(seed: int = 0) -> dict:
    key = jax.random.key(seed)
    ks = jax.random.split(key, 16)
    features = jax.random.normal(ks[0], (N, C), dtype=jnp.float32)
    bi = jax.random.randint(ks[1], (N, 1), 0, B)
    zi = jax.random.randint(ks[2], (N, 1), 0, 5)
    yi = jax.random.randint(ks[3], (N, 1), 0, 180)
    xi = jax.random.randint(ks[4], (N, 1), 0, 180)
    indices = jnp.concatenate([bi, zi, yi, xi], axis=1).astype(jnp.int32)
    voxel_size = jnp.array([0.075, 0.075, 0.2], dtype=jnp.float32)
    point_cloud_range = jnp.array([-54.0, -54.0, -5.0, 54.0, 54.0, 3.0], dtype=jnp.float32)
    K = np.array([[600.0, 0.0, 640.0, 0.0], [0.0, 600.0, 192.0, 0.0], [0.0, 0.0, 1.0, 0.0], [0.0, 0.0, 0.0, 1.0]], dtype=np.float32)
    T = np.array([[0.0, -1.0, 0.0, 0.0], [0.0, 0.0, -1.0, 0.5], [1.0, 0.0, 0.0, 0.0], [0.0, 0.0, 0.0, 1.0]], dtype=np.float32)
    P = K @ T
    trans_lidar_to_img = jnp.asarray(np.tile(P[None], (B, 1, 1)))
    images = jnp.zeros((B, 3, HI, WI), dtype=jnp.float32)
    img_feats = jax.random.normal(ks[5], (B, C, HF, WF), dtype=jnp.float32)

    def lin(k, fin, fout, scale=1.0):
        return jax.random.normal(k, (fin, fout), dtype=jnp.float32) * (scale / np.sqrt(fin))

    return {
        'features': features, 'indices': indices, 'voxel_size': voxel_size,
        'point_cloud_range': point_cloud_range, 'trans_lidar_to_img': trans_lidar_to_img,
        'images': images, 'img_feats': img_feats,
        'fg_w1': lin(ks[6], C, HID), 'fg_b1': jnp.zeros((HID,), jnp.float32),
        'fg_w2': lin(ks[7], HID, 1), 'fg_b2': jnp.zeros((1,), jnp.float32),
        'rt_w1': lin(ks[8], C + 3, HID), 'rt_b1': jnp.zeros((HID,), jnp.float32),
        'rt_w2': lin(ks[9], HID, 3, 0.1), 'rt_b2': jnp.array([2.0, 0.0, -1.0], jnp.float32),
        'le_w1': lin(ks[10], 2 * C, C), 'le_b1': jnp.zeros((C,), jnp.float32),
        'le_w2': lin(ks[11], C, C, 0.1), 'le_b2': jnp.zeros((C,), jnp.float32),
        'ln_g': jnp.ones((C,), jnp.float32), 'ln_b': jnp.zeros((C,), jnp.float32),
    }


def _grid_sample(img_feats, uv, batch_ids):
    Bc, Cc, H, W = img_feats.shape
    flat = img_feats.transpose(0, 2, 3, 1).reshape(Bc * H * W, Cc)
    x = (uv[:, 0] + 1.0) * 0.5 * (W - 1)
    y = (uv[:, 1] + 1.0) * 0.5 * (H - 1)
    x0 = jnp.floor(x); y0 = jnp.floor(y)
    x1 = x0 + 1.0; y1 = y0 + 1.0
    wx1 = x - x0; wx0 = 1.0 - wx1
    wy1 = y - y0; wy0 = 1.0 - wy1
    out = jnp.zeros((uv.shape[0], Cc), dtype=img_feats.dtype)
    for xc, wx in ((x0, wx0), (x1, wx1)):
        for yc, wy in ((y0, wy0), (y1, wy1)):
            inb = (xc >= 0) & (xc <= W - 1) & (yc >= 0) & (yc <= H - 1)
            xi = jnp.clip(xc, 0, W - 1).astype(jnp.int32)
            yi = jnp.clip(yc, 0, H - 1).astype(jnp.int32)
            idx = batch_ids * (H * W) + yi * W + xi
            w = (wx * wy * inb.astype(jnp.float32))[:, None]
            out = out + flat[idx] * w
    return out


def reference(features, indices, voxel_size, point_cloud_range, trans_lidar_to_img, images, img_feats,
              fg_w1, fg_b1, fg_w2, fg_b2, rt_w1, rt_b1, rt_w2, rt_b2,
              le_w1, le_b1, le_w2, le_b2, ln_g, ln_b):
    x = features
    spatial = indices[:, 1:][:, ::-1].astype(jnp.float32)
    cvs = voxel_size * STRIDE
    centers = spatial * cvs + point_cloud_range[:3] + cvs * 0.5
    rng = jnp.linalg.norm(centers[:, :2], axis=-1, keepdims=True)
    range_norm = jnp.clip(rng / max(MAX_BEV, 1e-6), 0.0, 1.0)
    xyz_hom = jnp.concatenate([centers, jnp.ones((centers.shape[0], 1), centers.dtype)], axis=1)
    batch_ids = indices[:, 0]
    trans = trans_lidar_to_img[batch_ids]
    pts = jnp.einsum('nij,nj->ni', trans, xyz_hom)
    depth = pts[:, 2]
    safe = jnp.clip(depth, 1e-5, None)
    u_img = pts[:, 0] / safe
    v_img = pts[:, 1] / safe
    Bf, Cf, Hf, Wf = img_feats.shape
    Hi, Wi = images.shape[2], images.shape[3]
    u_feat = u_img * (float(Wf) / float(Wi))
    v_feat = v_img * (float(Hf) / float(Hi))
    u_norm = 2.0 * (u_feat / max(Wf - 1, 1)) - 1.0
    v_norm = 2.0 * (v_feat / max(Hf - 1, 1)) - 1.0
    uv = jnp.stack([u_norm, v_norm], axis=-1)
    valid = ((depth > 1e-5) & (jnp.abs(u_norm) <= 1.0) & (jnp.abs(v_norm) <= 1.0))[:, None]
    vf = valid.astype(jnp.float32)
    p_fg = jax.nn.sigmoid(jax.nn.relu(x @ fg_w1 + fg_b1) @ fg_w2 + fg_b2)
    ri = jnp.concatenate([x, range_norm, p_fg, vf], axis=-1)
    route_weights = jax.nn.softmax(jax.nn.relu(ri @ rt_w1 + rt_b1) @ rt_w2 + rt_b2, axis=-1)
    sampled = _grid_sample(img_feats, uv, batch_ids)
    delta_light = (jax.nn.relu(jnp.concatenate([x, sampled], axis=-1) @ le_w1 + le_b1) @ le_w2 + le_b2) * vf
    delta = route_weights[:, 1:2] * delta_light
    fusion_gain = jnp.linalg.norm(delta, axis=-1, keepdims=True) / (jnp.linalg.norm(x, axis=-1, keepdims=True) + 1e-6)
    fusion_gain = jnp.clip(1.0 - jnp.exp(-fusion_gain), 0.0, 1.0)
    y = x + delta
    mu = jnp.mean(y, axis=-1, keepdims=True)
    var = jnp.var(y, axis=-1, keepdims=True)
    out = (y - mu) / jnp.sqrt(var + 1e-5) * ln_g + ln_b
    z = jnp.zeros_like(p_fg)
    quality = jnp.clip(jnp.concatenate([route_weights, p_fg, range_norm, vf, z, fusion_gain, z, z, z], axis=-1), 0.0, 1.0)
    return (out, quality)

if __name__ == "__main__":
    import jax
    _d = setup_inputs()
    print(jax.jit(kernel)(*tuple(_d.values())))

</pallas_src>

<mosaic_0001>
#map = affine_map<(d0, d1) -> (0, 0)>
#map1 = affine_map<(d0, d1) -> (0, 0, 0)>
#map2 = affine_map<(d0, d1) -> (0, 0, 0, 0)>
module attributes {stable_mosaic.version = 14 : i64} {
  func.func @_sc_body(%arg0: i32, %arg1: i32, %arg2: memref<30720x512xf32, #tpu.memory_space<hbm>>, %arg3: memref<32x10x128xi32, #tpu.memory_space<hbm>>, %arg4: memref<32x20x64x64xf32, #tpu.memory_space<hbm>>, %arg5: memref<40960x128xf32, #tpu.memory_space<hbm>>, %arg6: memref<10x128xi32, #tpu.memory_space<vmem>>, %arg7: memref<64x64xf32, #tpu.memory_space<vmem>>, %arg8: memref<64x64xf32, #tpu.memory_space<vmem>>, %arg9: memref<64x512xf32, #tpu.memory_space<vmem>>, %arg10: memref<64x512xf32, #tpu.memory_space<vmem>>, %arg11: memref<64x128xf32, #tpu.memory_space<vmem>>, %arg12: memref<64x128xf32, #tpu.memory_space<vmem>>, %arg13: memref<!tpu.dma_semaphore, #tpu.memory_space<semaphore_mem>>, %arg14: memref<!tpu.dma_semaphore, #tpu.memory_space<semaphore_mem>>, %arg15: memref<!tpu.dma_semaphore, #tpu.memory_space<semaphore_mem>>, %arg16: memref<!tpu.dma_semaphore, #tpu.memory_space<semaphore_mem>>, %arg17: memref<!tpu.dma_semaphore, #tpu.memory_space<semaphore_mem>>, %arg18: memref<!tpu.dma_semaphore, #tpu.memory_space<semaphore_mem>>) attributes {dimension_semantics = [#tpu.dimension_semantics<core_parallel>, #tpu.dimension_semantics<subcore_parallel>], iteration_bounds = array<i64: 2, 16>, scalar_prefetch = 0 : i64, scratch_operands = 13 : i64, tpu.core_type = #tpu.core_type<sc_vector_subcore>, window_params = [{transform_indices = #map}, {transform_indices = #map1}, {transform_indices = #map2}, {transform_indices = #map}]} {
    %mul3A = arith.constant 2 : i32
    %mul3A_0 = arith.muli %arg1, %mul3A : i32
    %add3A = arith.addi %mul3A_0, %arg0 : i32
    "tpu.region"() ({
      %run_scoped3A = tpu.sem_alloc : memref<!tpu.dma_semaphore, #tpu.memory_space<semaphore_mem>>
      %dma_start3A_48 = arith.constant 0 : i32
      %dma_start3A_49 = arith.constant 0 : i32
      %dma_start3A_50 = tpu.memref_slice %arg3[%add3A, %dma_start3A_48, %dma_start3A_49] : memref<32x10x128xi32, #tpu.memory_space<hbm>> -> memref<1x10x128xi32, #tpu.memory_space<hbm>>
      %dma_start3A_51 = tpu.memref_squeeze %dma_start3A_50 : memref<1x10x128xi32, #tpu.memory_space<hbm>> -> memref<10x128xi32, #tpu.memory_space<hbm>>
      %dma_start3A_52 = arith.constant 0 : i32
      %dma_start3A_53 = arith.constant 0 : i32
      %dma_start3A_54 = tpu.memref_slice %arg3[%add3A, %dma_start3A_52, %dma_start3A_53] : memref<32x10x128xi32, #tpu.memory_space<hbm>> -> memref<1x10x128xi32, #tpu.memory_space<hbm>>
      %dma_start3A_55 = tpu.memref_squeeze %dma_start3A_54 : memref<1x10x128xi32, #tpu.memory_space<hbm>> -> memref<10x128xi32, #tpu.memory_space<hbm>>
      tpu.enqueue_dma source(%dma_start3A_55 : memref<10x128xi32, #tpu.memory_space<hbm>>) target(%arg6 : memref<10x128xi32, #tpu.memory_space<vmem>>) target_semaphore(%run_scoped3A : memref<!tpu.dma_semaphore, #tpu.memory_space<semaphore_mem>>)
      %dma_wait3A_56 = arith.constant 0 : i32
      %dma_wait3A_57 = arith.constant 0 : i32
      %dma_wait3A_58 = tpu.memref_slice %arg3[%add3A, %dma_wait3A_56, %dma_wait3A_57] : memref<32x10x128xi32, #tpu.memory_space<hbm>> -> memref<1x10x128xi32, #tpu.memory_space<hbm>>
      %dma_wait3A_59 = tpu.memref_squeeze %dma_wait3A_58 : memref<1x10x128xi32, #tpu.memory_space<hbm>> -> memref<10x128xi32, #tpu.memory_space<hbm>>
      %dma_wait3A_60 = arith.constant 0 : i32
      %dma_wait3A_61 = arith.constant 0 : i32
      %dma_wait3A_62 = tpu.memref_slice %arg3[%add3A, %dma_wait3A_60, %dma_wait3A_61] : memref<32x10x128xi32, #tpu.memory_space<hbm>> -> memref<1x10x128xi32, #tpu.memory_space<hbm>>
      %dma_wait3A_63 = tpu.memref_squeeze %dma_wait3A_62 : memref<1x10x128xi32, #tpu.memory_space<hbm>> -> memref<10x128xi32, #tpu.memory_space<hbm>>
      tpu.wait_dma2 semaphore(%run_scoped3A : memref<!tpu.dma_semaphore, #tpu.memory_space<semaphore_mem>>) src(%dma_wait3A_63 : memref<10x128xi32, #tpu.memory_space<hbm>>) dst(%arg6 : memref<10x128xi32, #tpu.memory_space<vmem>>)
      tpu.yield
    }) : () -> ()
    %dma_start3A = arith.constant 0 : i32
    %dma_start3A_1 = arith.constant 0 : i32
    %dma_start3A_2 = arith.constant 0 : i32
    %dma_start3A_3 = tpu.memref_slice %arg4[%add3A, %dma_start3A, %dma_start3A_1, %dma_start3A_2] : memref<32x20x64x64xf32, #tpu.memory_space<hbm>> -> memref<1x1x64x64xf32, #tpu.memory_space<hbm>>
    %dma_start3A_4 = tpu.memref_squeeze %dma_start3A_3 : memref<1x1x64x64xf32, #tpu.memory_space<hbm>> -> memref<64x64xf32, #tpu.memory_space<hbm>>
    %dma_start3A_5 = arith.constant 0 : i32
    %dma_start3A_6 = arith.constant 0 : i32
    %dma_start3A_7 = tpu.memref_slice %arg4[%add3A, %dma_start3A, %dma_start3A_5, %dma_start3A_6] : memref<32x20x64x64xf32, #tpu.memory_space<hbm>> -> memref<1x1x64x64xf32, #tpu.memory_space<hbm>>
    %dma_start3A_8 = tpu.memref_squeeze %dma_start3A_7 : memref<1x1x64x64xf32, #tpu.memory_space<hbm>> -> memref<64x64xf32, #tpu.memory_space<hbm>>
    tpu.enqueue_dma source(%dma_start3A_8 : memref<64x64xf32, #tpu.memory_space<hbm>>) target(%arg7 : memref<64x64xf32, #tpu.memory_space<vmem>>) target_semaphore(%arg15 : memref<!tpu.dma_semaphore, #tpu.memory_space<semaphore_mem>>)
    %dma_start3A_9 = arith.constant 0 : i32
    %dma_start3A_10 = arith.constant 0 : i32
    %dma_start3A_11 = tpu.memref_slice %arg6[%dma_start3A_9, %dma_start3A_10] : memref<10x128xi32, #tpu.memory_space<vmem>> -> memref<1x64xi32, #tpu.memory_space<vmem>>
    %dma_start3A_12 = tpu.memref_squeeze %dma_start3A_11 : memref<1x64xi32, #tpu.memory_space<vmem>> -> memref<64xi32, #tpu.memory_space<vmem>>
    %dma_start3A_13 = arith.constant 0 : i32
    %dma_start3A_14 = arith.constant 0 : i32
    %dma_start3A_15 = tpu.memref_slice %arg2[%dma_start3A_13, %dma_start3A_14] : memref<30720x512xf32, #tpu.memory_space<hbm>> -> memref<30720x512xf32, #tpu.memory_space<hbm>>
    tpu.enqueue_indirect_dma source(%dma_start3A_15 : memref<30720x512xf32, #tpu.memory_space<hbm>>) target(%arg9 : memref<64x512xf32, #tpu.memory_space<vmem>>) offsets(%dma_start3A_12 : memref<64xi32, #tpu.memory_space<vmem>>) semaphore(%arg13 : memref<!tpu.dma_semaphore, #tpu.memory_space<semaphore_mem>>)
    %dma_start3A_16 = arith.constant 1 : i32
    %dma_start3A_17 = arith.constant 0 : i32
    %dma_start3A_18 = arith.constant 0 : i32
    %dma_start3A_19 = tpu.memref_slice %arg4[%add3A, %dma_start3A_16, %dma_start3A_17, %dma_start3A_18] : memref<32x20x64x64xf32, #tpu.memory_space<hbm>> -> memref<1x1x64x64xf32, #tpu.memory_space<hbm>>
    %dma_start3A_20 = tpu.memref_squeeze %dma_start3A_19 : memref<1x1x64x64xf32, #tpu.memory_space<hbm>> -> memref<64x64xf32, #tpu.memory_space<hbm>>
    %dma_start3A_21 = arith.constant 0 : i32
    %dma_start3A_22 = arith.constant 0 : i32
    %dma_start3A_23 = tpu.memref_slice %arg4[%add3A, %dma_start3A_16, %dma_start3A_21, %dma_start3A_22] : memref<32x20x64x64xf32, #tpu.memory_space<hbm>> -> memref<1x1x64x64xf32, #tpu.memory_space<hbm>>
    %dma_start3A_24 = tpu.memref_squeeze %dma_start3A_23 : memref<1x1x64x64xf32, #tpu.memory_space<hbm>> -> memref<64x64xf32, #tpu.memory_space<hbm>>
    tpu.enqueue_dma source(%dma_start3A_24 : memref<64x64xf32, #tpu.memory_space<hbm>>) target(%arg8 : memref<64x64xf32, #tpu.memory_space<vmem>>) target_semaphore(%arg16 : memref<!tpu.dma_semaphore, #tpu.memory_space<semaphore_mem>>)
    %dma_start3A_25 = arith.constant 0 : i32
    %dma_start3A_26 = arith.constant 64 : i32
    %dma_start3A_27 = tpu.memref_slice %arg6[%dma_start3A_25, %dma_start3A_26] : memref<10x128xi32, #tpu.memory_space<vmem>> -> memref<1x64xi32, #tpu.memory_space<vmem>>
    %dma_start3A_28 = tpu.memref_squeeze %dma_start3A_27 : memref<1x64xi32, #tpu.memory_space<vmem>> -> memref<64xi32, #tpu.memory_space<vmem>>
    %dma_start3A_29 = arith.constant 0 : i32
    %dma_start3A_30 = arith.constant 0 : i32
    %dma_start3A_31 = tpu.memref_slice %arg2[%dma_start3A_29, %dma_start3A_30] : memref<30720x512xf32, #tpu.memory_space<hbm>> -> memref<30720x512xf32, #tpu.memory_space<hbm>>
    tpu.enqueue_indirect_dma source(%dma_start3A_31 : memref<30720x512xf32, #tpu.memory_space<hbm>>) target(%arg10 : memref<64x512xf32, #tpu.memory_space<vmem>>) offsets(%dma_start3A_28 : memref<64xi32, #tpu.memory_space<vmem>>) semaphore(%arg14 : memref<!tpu.dma_semaphore, #tpu.memory_space<semaphore_mem>>)
    %scan3A = arith.constant 0 : i32
    %scan3A_32 = arith.constant 0 : i32
    %scan3A_33 = arith.constant 10 : i32
    %scan3A_34 = arith.addi %scan3A_32, %scan3A_33 : i32
    %scan3A_35 = arith.constant 1 : i32
    scf.for %scan3A_48 = %scan3A_32 to %scan3A_34 step %scan3A_35  : i32 {
      %mul3A_49 = arith.constant 2 : i32
      %mul3A_50 = arith.muli %scan3A_48, %mul3A_49 : i32
      %add3A_51 = arith.constant 0 : i32
      %add3A_52 = arith.addi %mul3A_50, %add3A_51 : i32
      %dma_wait3A_53 = arith.constant 0 : i32
      %dma_wait3A_54 = arith.constant 0 : i32
      %dma_wait3A_55 = arith.constant 0 : i32
      %dma_wait3A_56 = arith.constant 0 : i32
      %dma_wait3A_57 = tpu.memref_slice %arg4[%dma_wait3A_53, %dma_wait3A_54, %dma_wait3A_55, %dma_wait3A_56] : memref<32x20x64x64xf32, #tpu.memory_space<hbm>> -> memref<1x1x64x64xf32, #tpu.memory_space<hbm>>
      %dma_wait3A_58 = tpu.memref_squeeze %dma_wait3A_57 : memref<1x1x64x64xf32, #tpu.memory_space<hbm>> -> memref<64x64xf32, #tpu.memory_space<hbm>>
      %dma_wait3A_59 = arith.constant 0 : i32
      %dma_wait3A_60 = arith.constant 0 : i32
      %dma_wait3A_61 = tpu.memref_slice %arg4[%dma_wait3A_53, %dma_wait3A_54, %dma_wait3A_59, %dma_wait3A_60] : memref<32x20x64x64xf32, #tpu.memory_space<hbm>> -> memref<1x1x64x64xf32, #tpu.memory_space<hbm>>
      %dma_wait3A_62 = tpu.memref_squeeze %dma_wait3A_61 : memref<1x1x64x64xf32, #tpu.memory_space<hbm>> -> memref<64x64xf32, #tpu.memory_space<hbm>>
      tpu.wait_dma2 semaphore(%arg15 : memref<!tpu.dma_semaphore, #tpu.memory_space<semaphore_mem>>) src(%dma_wait3A_62 : memref<64x64xf32, #tpu.memory_space<hbm>>) dst(%arg7 : memref<64x64xf32, #tpu.memory_space<vmem>>)
      %dma_wait3A_63 = arith.constant 0 : i32
      %dma_wait3A_64 = arith.constant 0 : i32
      %dma_wait3A_65 = tpu.memref_slice %arg6[%dma_wait3A_63, %dma_wait3A_64] : memref<10x128xi32, #tpu.memory_space<vmem>> -> memref<1x64xi32, #tpu.memory_space<vmem>>
      %dma_wait3A_66 = tpu.memref_squeeze %dma_wait3A_65 : memref<1x64xi32, #tpu.memory_space<vmem>> -> memref<64xi32, #tpu.memory_space<vmem>>
      %dma_wait3A_67 = arith.constant 0 : i32
      %dma_wait3A_68 = arith.constant 0 : i32
      %dma_wait3A_69 = tpu.memref_slice %arg2[%dma_wait3A_67, %dma_wait3A_68] : memref<30720x512xf32, #tpu.memory_space<hbm>> -> memref<30720x512xf32, #tpu.memory_space<hbm>>
      tpu.wait_indirect_dma semaphore(%arg13 : memref<!tpu.dma_semaphore, #tpu.memory_space<semaphore_mem>>) src(%dma_wait3A_69 : memref<30720x512xf32, #tpu.memory_space<hbm>>) dst(%arg9 : memref<64x512xf32, #tpu.memory_space<vmem>>)
      %ge3A = arith.constant 2 : i32
      %ge3A_70 = arith.cmpi sge, %add3A_52, %ge3A : i32
      %convert_element_type3A = arith.extui %ge3A_70 : i1 to i32
      %cond3A = arith.constant 0 : i32
      %cond3A_71 = arith.cmpi ne, %convert_element_type3A, %cond3A : i32
      scf.if %cond3A_71 {
        %dma_wait3A_134 = arith.constant 0 : i32
        %dma_wait3A_135 = arith.constant 0 : i32
        %dma_wait3A_136 = tpu.memref_slice %arg5[%dma_wait3A_134, %dma_wait3A_135] : memref<40960x128xf32, #tpu.memory_space<hbm>> -> memref<64x128xf32, #tpu.memory_space<hbm>>
        %dma_wait3A_137 = arith.constant 0 : i32
        %dma_wait3A_138 = arith.constant 0 : i32
        %dma_wait3A_139 = tpu.memref_slice %arg5[%dma_wait3A_137, %dma_wait3A_138] : memref<40960x128xf32, #tpu.memory_space<hbm>> -> memref<64x128xf32, #tpu.memory_space<hbm>>
        tpu.wait_dma2 semaphore(%arg17 : memref<!tpu.dma_semaphore, #tpu.memory_space<semaphore_mem>>) src(%arg11 : memref<64x128xf32, #tpu.memory_space<vmem>>) dst(%dma_wait3A_139 : memref<64x128xf32, #tpu.memory_space<hbm>>)
      } else {
      }
      %parallel_loop3A = arith.constant 0 : i32
      %parallel_loop3A_72 = arith.constant 64 : i32
      %parallel_loop3A_73 = arith.constant 1 : i32
      scf.for %parallel_loop3A_134 = %parallel_loop3A to %parallel_loop3A_72 step %parallel_loop3A_73  : i32 {
        %parallel_loop3A_135 = arith.index_cast %parallel_loop3A_134 : i32 to index
        %parallel_loop3A_136 = arith.constant 0 : index
        %parallel_loop3A_137 = tpu.vector_load %arg7[%parallel_loop3A_135, %parallel_loop3A_136] {strides = array<i32>} : memref<64x64xf32, #tpu.memory_space<vmem>>, vector<1x16xf32>,
        %parallel_loop3A_138 = vector.shape_cast %parallel_loop3A_137 : vector<1x16xf32> to vector<16xf32>
        %parallel_loop3A_139 = arith.index_cast %parallel_loop3A_134 : i32 to index
        %parallel_loop3A_140 = arith.constant 16 : index
        %parallel_loop3A_141 = tpu.vector_load %arg7[%parallel_loop3A_139, %parallel_loop3A_140] {strides = array<i32>} : memref<64x64xf32, #tpu.memory_space<vmem>>, vector<1x16xf32>,
        %parallel_loop3A_142 = vector.shape_cast %parallel_loop3A_141 : vector<1x16xf32> to vector<16xf32>
        %parallel_loop3A_143 = arith.index_cast %parallel_loop3A_134 : i32 to index
        %parallel_loop3A_144 = arith.constant 32 : index
        %parallel_loop3A_145 = tpu.vector_load %arg7[%parallel_loop3A_143, %parallel_loop3A_144] {strides = array<i32>} : memref<64x64xf32, #tpu.memory_space<vmem>>, vector<1x16xf32>,
        %parallel_loop3A_146 = vector.shape_cast %parallel_loop3A_145 : vector<1x16xf32> to vector<16xf32>
        %parallel_loop3A_147 = arith.index_cast %parallel_loop3A_134 : i32 to index
        %parallel_loop3A_148 = arith.constant 48 : index
        %parallel_loop3A_149 = tpu.vector_load %arg7[%parallel_loop3A_147, %parallel_loop3A_148] {strides = array<i32>} : memref<64x64xf32, #tpu.memory_space<vmem>>, vector<1x16xf32>,
        %parallel_loop3A_150 = vector.shape_cast %parallel_loop3A_149 : vector<1x16xf32> to vector<16xf32>
        %parallel_loop3A_151 = arith.index_cast %parallel_loop3A_134 : i32 to index
        %parallel_loop3A_152 = arith.constant 0 : index
        %parallel_loop3A_153 = tpu.vector_load %arg9[%parallel_loop3A_151, %parallel_loop3A_152] {strides = array<i32>} : memref<64x512xf32, #tpu.memory_space<vmem>>, vector<1x16xf32>,
        %parallel_loop3A_154 = vector.shape_cast %parallel_loop3A_153 : vector<1x16xf32> to vector<16xf32>
        %parallel_loop3A_155 = arith.mulf %parallel_loop3A_138, %parallel_loop3A_154 : vector<16xf32>
        %parallel_loop3A_156 = arith.index_cast %parallel_loop3A_134 : i32 to index
        %parallel_loop3A_157 = arith.constant 128 : index
        %parallel_loop3A_158 = tpu.vector_load %arg9[%parallel_loop3A_156, %parallel_loop3A_157] {strides = array<i32>} : memref<64x512xf32, #tpu.memory_space<vmem>>, vector<1x16xf32>,
        %parallel_loop3A_159 = vector.shape_cast %parallel_loop3A_158 : vector<1x16xf32> to vector<16xf32>
        %parallel_loop3A_160 = arith.mulf %parallel_loop3A_142, %parallel_loop3A_159 : vector<16xf32>
        %parallel_loop3A_161 = arith.addf %parallel_loop3A_155, %parallel_loop3A_160 : vector<16xf32>
        %parallel_loop3A_162 = arith.index_cast %parallel_loop3A_134 : i32 to index
        %parallel_loop3A_163 = arith.constant 256 : index
        %parallel_loop3A_164 = tpu.vector_load %arg9[%parallel_loop3A_162, %parallel_loop3A_163] {strides = array<i32>} : memref<64x512xf32, #tpu.memory_space<vmem>>, vector<1x16xf32>,
        %parallel_loop3A_165 = vector.shape_cast %parallel_loop3A_164 : vector<1x16xf32> to vector<16xf32>
        %parallel_loop3A_166 = arith.mulf %parallel_loop3A_146, %parallel_loop3A_165 : vector<16xf32>
        %parallel_loop3A_167 = arith.addf %parallel_loop3A_161, %parallel_loop3A_166 : vector<16xf32>
        %parallel_loop3A_168 = arith.index_cast %parallel_loop3A_134 : i32 to index
        %parallel_loop3A_169 = arith.constant 384 : index
        %parallel_loop3A_170 = tpu.vector_load %arg9[%parallel_loop3A_168, %parallel_loop3A_169] {strides = array<i32>} : memref<64x512xf32, #tpu.memory_space<vmem>>, vector<1x16xf32>,
        %parallel_loop3A_171 = vector.shape_cast %parallel_loop3A_170 : vector<1x16xf32> to vector<16xf32>
        %parallel_loop3A_172 = arith.mulf %parallel_loop3A_150, %parallel_loop3A_171 : vector<16xf32>
        %parallel_loop3A_173 = arith.addf %parallel_loop3A_167, %parallel_loop3A_172 : vector<16xf32>
        %parallel_loop3A_174 = arith.index_cast %parallel_loop3A_134 : i32 to index
        %parallel_loop3A_175 = arith.constant 0 : index
        %parallel_loop3A_176 = tpu.vector_load %arg11[%parallel_loop3A_174, %parallel_loop3A_175] {strides = array<i32>} : memref<64x128xf32, #tpu.memory_space<vmem>>, vector<1x16xf32>,
        %parallel_loop3A_177 = vector.shape_cast %parallel_loop3A_176 : vector<1x16xf32> to vector<16xf32>
        %parallel_loop3A_178 = vector.shape_cast %parallel_loop3A_173 : vector<16xf32> to vector<1x16xf32>
        tpu.vector_store %arg11[%parallel_loop3A_174, %parallel_loop3A_175], %parallel_loop3A_178 {strides = array<i32>} : memref<64x128xf32, #tpu.memory_space<vmem>>, vector<1x16xf32>,
        %parallel_loop3A_179 = arith.index_cast %parallel_loop3A_134 : i32 to index
        %parallel_loop3A_180 = arith.constant 16 : index
        %parallel_loop3A_181 = tpu.vector_load %arg9[%parallel_loop3A_179, %parallel_loop3A_180] {strides = array<i32>} : memref<64x512xf32, #tpu.memory_space<vmem>>, vector<1x16xf32>,
        %parallel_loop3A_182 = vector.shape_cast %parallel_loop3A_181 : vector<1x16xf32> to vector<16xf32>
        %parallel_loop3A_183 = arith.mulf %parallel_loop3A_138, %parallel_loop3A_182 : vector<16xf32>
        %parallel_loop3A_184 = arith.index_cast %parallel_loop3A_134 : i32 to index
        %parallel_loop3A_185 = arith.constant 144 : index
        %parallel_loop3A_186 = tpu.vector_load %arg9[%parallel_loop3A_184, %parallel_loop3A_185] {strides = array<i32>} : memref<64x512xf32, #tpu.memory_space<vmem>>, vector<1x16xf32>,
        %parallel_loop3A_187 = vector.shape_cast %parallel_loop3A_186 : vector<1x16xf32> to vector<16xf32>
        %parallel_loop3A_188 = arith.mulf %parallel_loop3A_142, %parallel_loop3A_187 : vector<16xf32>
        %parallel_loop3A_189 = arith.addf %parallel_loop3A_183, %parallel_loop3A_188 : vector<16xf32>
        %parallel_loop3A_190 = arith.index_cast %parallel_loop3A_134 : i32 to index
        %parallel_loop3A_191 = arith.constant 272 : index
        %parallel_loop3A_192 = tpu.vector_load %arg9[%parallel_loop3A_190, %parallel_loop3A_191] {strides = array<i32>} : memref<64x512xf32, #tpu.memory_space<vmem>>, vector<1x16xf32>,
        %parallel_loop3A_193 = vector.shape_cast %parallel_loop3A_192 : vector<1x16xf32> to vector<16xf32>
        %parallel_loop3A_194 = arith.mulf %parallel_loop3A_146, %parallel_loop3A_193 : vector<16xf32>
        %parallel_loop3A_195 = arith.addf %parallel_loop3A_189, %parallel_loop3A_194 : vector<16xf32>
        %parallel_loop3A_196 = arith.index_cast %parallel_loop3A_134 : i32 to index
        %parallel_loop3A_197 = arith.constant 400 : index
        %parallel_loop3A_198 = tpu.vector_load %arg9[%parallel_loop3A_196, %parallel_loop3A_197] {strides = array<i32>} : memref<64x512xf32, #tpu.memory_space<vmem>>, vector<1x16xf32>,
        %parallel_loop3A_199 = vector.shape_cast %parallel_loop3A_198 : vector<1x16xf32> to vector<16xf32>
        %parallel_loop3A_200 = arith.mulf %parallel_loop3A_150, %parallel_loop3A_199 : vector<16xf32>
        %parallel_loop3A_201 = arith.addf %parallel_loop3A_195, %parallel_loop3A_200 : vector<16xf32>
        %parallel_loop3A_202 = arith.index_cast %parallel_loop3A_134 : i32 to index
        %parallel_loop3A_203 = arith.constant 16 : index
        %parallel_loop3A_204 = tpu.vector_load %arg11[%parallel_loop3A_202, %parallel_loop3A_203] {strides = array<i32>} : memref<64x128xf32, #tpu.memory_space<vmem>>, vector<1x16xf32>,
        %parallel_loop3A_205 = vector.shape_cast %parallel_loop3A_204 : vector<1x16xf32> to vector<16xf32>
        %parallel_loop3A_206 = vector.shape_cast %parallel_loop3A_201 : vector<16xf32> to vector<1x16xf32>
        tpu.vector_store %arg11[%parallel_loop3A_202, %parallel_loop3A_203], %parallel_loop3A_206 {strides = array<i32>} : memref<64x128xf32, #tpu.memory_space<vmem>>, vector<1x16xf32>,
        %parallel_loop3A_207 = arith.index_cast %parallel_loop3A_134 : i32 to index
        %parallel_loop3A_208 = arith.constant 32 : index
        %parallel_loop3A_209 = tpu.vector_load %arg9[%parallel_loop3A_207, %parallel_loop3A_208] {strides = array<i32>} : memref<64x512xf32, #tpu.memory_space<vmem>>, vector<1x16xf32>,
        %parallel_loop3A_210 = vector.shape_cast %parallel_loop3A_209 : vector<1x16xf32> to vector<16xf32>
        %parallel_loop3A_211 = arith.mulf %parallel_loop3A_138, %parallel_loop3A_210 : vector<16xf32>
        %parallel_loop3A_212 = arith.index_cast %parallel_loop3A_134 : i32 to index
        %parallel_loop3A_213 = arith.constant 160 : index
        %parallel_loop3A_214 = tpu.vector_load %arg9[%parallel_loop3A_212, %parallel_loop3A_213] {strides = array<i32>} : memref<64x512xf32, #tpu.memory_space<vmem>>, vector<1x16xf32>,
        %parallel_loop3A_215 = vector.shape_cast %parallel_loop3A_214 : vector<1x16xf32> to vector<16xf32>
        %parallel_loop3A_216 = arith.mulf %parallel_loop3A_142, %parallel_loop3A_215 : vector<16xf32>
        %parallel_loop3A_217 = arith.addf %parallel_loop3A_211, %parallel_loop3A_216 : vector<16xf32>
        %parallel_loop3A_218 = arith.index_cast %parallel_loop3A_134 : i32 to index
        %parallel_loop3A_219 = arith.constant 288 : index
        %parallel_loop3A_220 = tpu.vector_load %arg9[%parallel_loop3A_218, %parallel_loop3A_219] {strides = array<i32>} : memref<64x512xf32, #tpu.memory_space<vmem>>, vector<1x16xf32>,
        %parallel_loop3A_221 = vector.shape_cast %parallel_loop3A_220 : vector<1x16xf32> to vector<16xf32>
        %parallel_loop3A_222 = arith.mulf %parallel_loop3A_146, %parallel_loop3A_221 : vector<16xf32>
        %parallel_loop3A_223 = arith.addf %parallel_loop3A_217, %parallel_loop3A_222 : vector<16xf32>
        %parallel_loop3A_224 = arith.index_cast %parallel_loop3A_134 : i32 to index
        %parallel_loop3A_225 = arith.constant 416 : index
        %parallel_loop3A_226 = tpu.vector_load %arg9[%parallel_loop3A_224, %parallel_loop3A_225] {strides = array<i32>} : memref<64x512xf32, #tpu.memory_space<vmem>>, vector<1x16xf32>,
        %parallel_loop3A_227 = vector.shape_cast %parallel_loop3A_226 : vector<1x16xf32> to vector<16xf32>
        %parallel_loop3A_228 = arith.mulf %parallel_loop3A_150, %parallel_loop3A_227 : vector<16xf32>
        %parallel_loop3A_229 = arith.addf %parallel_loop3A_223, %parallel_loop3A_228 : vector<16xf32>
        %parallel_loop3A_230 = arith.index_cast %parallel_loop3A_134 : i32 to index
        %parallel_loop3A_231 = arith.constant 32 : index
        %parallel_loop3A_232 = tpu.vector_load %arg11[%parallel_loop3A_230, %parallel_loop3A_231] {strides = array<i32>} : memref<64x128xf32, #tpu.memory_space<vmem>>, vector<1x16xf32>,
        %parallel_loop3A_233 = vector.shape_cast %parallel_loop3A_232 : vector<1x16xf32> to vector<16xf32>
        %parallel_loop3A_234 = vector.shape_cast %parallel_loop3A_229 : vector<16xf32> to vector<1x16xf32>
        tpu.vector_store %arg11[%parallel_loop3A_230, %parallel_loop3A_231], %parallel_loop3A_234 {strides = array<i32>} : memref<64x128xf32, #tpu.memory_space<vmem>>, vector<1x16xf32>,
        %parallel_loop3A_235 = arith.index_cast %parallel_loop3A_134 : i32 to index
        %parallel_loop3A_236 = arith.constant 48 : index
        %parallel_loop3A_237 = tpu.vector_load %arg9[%parallel_loop3A_235, %parallel_loop3A_236] {strides = array<i32>} : memref<64x512xf32, #tpu.memory_space<vmem>>, vector<1x16xf32>,
        %parallel_loop3A_238 = vector.shape_cast %parallel_loop3A_237 : vector<1x16xf32> to vector<16xf32>
        %parallel_loop3A_239 = arith.mulf %parallel_loop3A_138, %parallel_loop3A_238 : vector<16xf32>
        %parallel_loop3A_240 = arith.index_cast %parallel_loop3A_134 : i32 to index
        %parallel_loop3A_241 = arith.constant 176 : index
        %parallel_loop3A_242 = tpu.vector_load %arg9[%parallel_loop3A_240, %parallel_loop3A_241] {strides = array<i32>} : memref<64x512xf32, #tpu.memory_space<vmem>>, vector<1x16xf32>,
        %parallel_loop3A_243 = vector.shape_cast %parallel_loop3A_242 : vector<1x16xf32> to vector<16xf32>
        %parallel_loop3A_244 = arith.mulf %parallel_loop3A_142, %parallel_loop3A_243 : vector<16xf32>
        %parallel_loop3A_245 = arith.addf %parallel_loop3A_239, %parallel_loop3A_244 : vector<16xf32>
        %parallel_loop3A_246 = arith.index_cast %parallel_loop3A_134 : i32 to index
        %parallel_loop3A_247 = arith.constant 304 : index
        %parallel_loop3A_248 = tpu.vector_load %arg9[%parallel_loop3A_246, %parallel_loop3A_247] {strides = array<i32>} : memref<64x512xf32, #tpu.memory_space<vmem>>, vector<1x16xf32>,
        %parallel_loop3A_249 = vector.shape_cast %parallel_loop3A_248 : vector<1x16xf32> to vector<16xf32>
        %parallel_loop3A_250 = arith.mulf %parallel_loop3A_146, %parallel_loop3A_249 : vector<16xf32>
        %parallel_loop3A_251 = arith.addf %parallel_loop3A_245, %parallel_loop3A_250 : vector<16xf32>
        %parallel_loop3A_252 = arith.index_cast %parallel_loop3A_134 : i32 to index
        %parallel_loop3A_253 = arith.constant 432 : index
        %parallel_loop3A_254 = tpu.vector_load %arg9[%parallel_loop3A_252, %parallel_loop3A_253] {strides = array<i32>} : memref<64x512xf32, #tpu.memory_space<vmem>>, vector<1x16xf32>,
        %parallel_loop3A_255 = vector.shape_cast %parallel_loop3A_254 : vector<1x16xf32> to vector<16xf32>
        %parallel_loop3A_256 = arith.mulf %parallel_loop3A_150, %parallel_loop3A_255 : vector<16xf32>
        %parallel_loop3A_257 = arith.addf %parallel_loop3A_251, %parallel_loop3A_256 : vector<16xf32>
        %parallel_loop3A_258 = arith.index_cast %parallel_loop3A_134 : i32 to index
        %parallel_loop3A_259 = arith.constant 48 : index
        %parallel_loop3A_260 = tpu.vector_load %arg11[%parallel_loop3A_258, %parallel_loop3A_259] {strides = array<i32>} : memref<64x128xf32, #tpu.memory_space<vmem>>, vector<1x16xf32>,
        %parallel_loop3A_261 = vector.shape_cast %parallel_loop3A_260 : vector<1x16xf32> to vector<16xf32>
        %parallel_loop3A_262 = vector.shape_cast %parallel_loop3A_257 : vector<16xf32> to vector<1x16xf32>
        tpu.vector_store %arg11[%parallel_loop3A_258, %parallel_loop3A_259], %parallel_loop3A_262 {strides = array<i32>} : memref<64x128xf32, #tpu.memory_space<vmem>>, vector<1x16xf32>,
        %parallel_loop3A_263 = arith.index_cast %parallel_loop3A_134 : i32 to index
        %parallel_loop3A_264 = arith.constant 64 : index
        %parallel_loop3A_265 = tpu.vector_load %arg9[%parallel_loop3A_263, %parallel_loop3A_264] {strides = array<i32>} : memref<64x512xf32, #tpu.memory_space<vmem>>, vector<1x16xf32>,
        %parallel_loop3A_266 = vector.shape_cast %parallel_loop3A_265 : vector<1x16xf32> to vector<16xf32>
        %parallel_loop3A_267 = arith.mulf %parallel_loop3A_138, %parallel_loop3A_266 : vector<16xf32>
        %parallel_loop3A_268 = arith.index_cast %parallel_loop3A_134 : i32 to index
        %parallel_loop3A_269 = arith.constant 192 : index
        %parallel_loop3A_270 = tpu.vector_load %arg9[%parallel_loop3A_268, %parallel_loop3A_269] {strides = array<i32>} : memref<64x512xf32, #tpu.memory_space<vmem>>, vector<1x16xf32>,
        %parallel_loop3A_271 = vector.shape_cast %parallel_loop3A_270 : vector<1x16xf32> to vector<16xf32>
        %parallel_loop3A_272 = arith.mulf %parallel_loop3A_142, %parallel_loop3A_271 : vector<16xf32>
        %parallel_loop3A_273 = arith.addf %parallel_loop3A_267, %parallel_loop3A_272 : vector<16xf32>
        %parallel_loop3A_274 = arith.index_cast %parallel_loop3A_134 : i32 to index
        %parallel_loop3A_275 = arith.constant 320 : index
        %parallel_loop3A_276 = tpu.vector_load %arg9[%parallel_loop3A_274, %parallel_loop3A_275] {strides = array<i32>} : memref<64x512xf32, #tpu.memory_space<vmem>>, vector<1x16xf32>,
        %parallel_loop3A_277 = vector.shape_cast %parallel_loop3A_276 : vector<1x16xf32> to vector<16xf32>
        %parallel_loop3A_278 = arith.mulf %parallel_loop3A_146, %parallel_loop3A_277 : vector<16xf32>
        %parallel_loop3A_279 = arith.addf %parallel_loop3A_273, %parallel_loop3A_278 : vector<16xf32>
        %parallel_loop3A_280 = arith.index_cast %parallel_loop3A_134 : i32 to index
        %parallel_loop3A_281 = arith.constant 448 : index
        %parallel_loop3A_282 = tpu.vector_load %arg9[%parallel_loop3A_280, %parallel_loop3A_281] {strides = array<i32>} : memref<64x512xf32, #tpu.memory_space<vmem>>, vector<1x16xf32>,
        %parallel_loop3A_283 = vector.shape_cast %parallel_loop3A_282 : vector<1x16xf32> to vector<16xf32>
        %parallel_loop3A_284 = arith.mulf %parallel_loop3A_150, %parallel_loop3A_283 : vector<16xf32>
        %parallel_loop3A_285 = arith.addf %parallel_loop3A_279, %parallel_loop3A_284 : vector<16xf32>
        %parallel_loop3A_286 = arith.index_cast %parallel_loop3A_134 : i32 to index
        %parallel_loop3A_287 = arith.constant 64 : index
        %parallel_loop3A_288 = tpu.vector_load %arg11[%parallel_loop3A_286, %parallel_loop3A_287] {strides = array<i32>} : memref<64x128xf32, #tpu.memory_space<vmem>>, vector<1x16xf32>,
        %parallel_loop3A_289 = vector.shape_cast %parallel_loop3A_288 : vector<1x16xf32> to vector<16xf32>
        %parallel_loop3A_290 = vector.shape_cast %parallel_loop3A_285 : vector<16xf32> to vector<1x16xf32>
        tpu.vector_store %arg11[%parallel_loop3A_286, %parallel_loop3A_287], %parallel_loop3A_290 {strides = array<i32>} : memref<64x128xf32, #tpu.memory_space<vmem>>, vector<1x16xf32>,
        %parallel_loop3A_291 = arith.index_cast %parallel_loop3A_134 : i32 to index
        %parallel_loop3A_292 = arith.constant 80 : index
        %parallel_loop3A_293 = tpu.vector_load %arg9[%parallel_loop3A_291, %parallel_loop3A_292] {strides = array<i32>} : memref<64x512xf32, #tpu.memory_space<vmem>>, vector<1x16xf32>,
        %parallel_loop3A_294 = vector.shape_cast %parallel_loop3A_293 : vector<1x16xf32> to vector<16xf32>
        %parallel_loop3A_295 = arith.mulf %parallel_loop3A_138, %parallel_loop3A_294 : vector<16xf32>
        %parallel_loop3A_296 = arith.index_cast %parallel_loop3A_134 : i32 to index
        %parallel_loop3A_297 = arith.constant 208 : index
        %parallel_loop3A_298 = tpu.vector_load %arg9[%parallel_loop3A_296, %parallel_loop3A_297] {strides = array<i32>} : memref<64x512xf32, #tpu.memory_space<vmem>>, vector<1x16xf32>,
        %parallel_loop3A_299 = vector.shape_cast %parallel_loop3A_298 : vector<1x16xf32> to vector<16xf32>
        %parallel_loop3A_300 = arith.mulf %parallel_loop3A_142, %parallel_loop3A_299 : vector<16xf32>
        %parallel_loop3A_301 = arith.addf %parallel_loop3A_295, %parallel_loop3A_300 : vector<16xf32>
        %parallel_loop3A_302 = arith.index_cast %parallel_loop3A_134 : i32 to index
        %parallel_loop3A_303 = arith.constant 336 : index
        %parallel_loop3A_304 = tpu.vector_load %arg9[%parallel_loop3A_302, %parallel_loop3A_303] {strides = array<i32>} : memref<64x512xf32, #tpu.memory_space<vmem>>, vector<1x16xf32>,
        %parallel_loop3A_305 = vector.shape_cast %parallel_loop3A_304 : vector<1x16xf32> to vector<16xf32>
        %parallel_loop3A_306 = arith.mulf %parallel_loop3A_146, %parallel_loop3A_305 : vector<16xf32>
        %parallel_loop3A_307 = arith.addf %parallel_loop3A_301, %parallel_loop3A_306 : vector<16xf32>
        %parallel_loop3A_308 = arith.index_cast %parallel_loop3A_134 : i32 to index
        %parallel_loop3A_309 = arith.constant 464 : index
        %parallel_loop3A_310 = tpu.vector_load %arg9[%parallel_loop3A_308, %parallel_loop3A_309] {strides = array<i32>} : memref<64x512xf32, #tpu.memory_space<vmem>>, vector<1x16xf32>,
        %parallel_loop3A_311 = vector.shape_cast %parallel_loop3A_310 : vector<1x16xf32> to vector<16xf32>
        %parallel_loop3A_312 = arith.mulf %parallel_loop3A_150, %parallel_loop3A_311 : vector<16xf32>
        %parallel_loop3A_313 = arith.addf %parallel_loop3A_307, %parallel_loop3A_312 : vector<16xf32>
        %parallel_loop3A_314 = arith.index_cast %parallel_loop3A_134 : i32 to index
        %parallel_loop3A_315 = arith.constant 80 : index
        %parallel_loop3A_316 = tpu.vector_load %arg11[%parallel_loop3A_314, %parallel_loop3A_315] {strides = array<i32>} : memref<64x128xf32, #tpu.memory_space<vmem>>, vector<1x16xf32>,
        %parallel_loop3A_317 = vector.shape_cast %parallel_loop3A_316 : vector<1x16xf32> to vector<16xf32>
        %parallel_loop3A_318 = vector.shape_cast %parallel_loop3A_313 : vector<16xf32> to vector<1x16xf32>
        tpu.vector_store %arg11[%parallel_loop3A_314, %parallel_loop3A_315], %parallel_loop3A_318 {strides = array<i32>} : memref<64x128xf32, #tpu.memory_space<vmem>>, vector<1x16xf32>,
        %parallel_loop3A_319 = arith.index_cast %parallel_loop3A_134 : i32 to index
        %parallel_loop3A_320 = arith.constant 96 : index
        %parallel_loop3A_321 = tpu.vector_load %arg9[%parallel_loop3A_319, %parallel_loop3A_320] {strides = array<i32>} : memref<64x512xf32, #tpu.memory_space<vmem>>, vector<1x16xf32>,
        %parallel_loop3A_322 = vector.shape_cast %parallel_loop3A_321 : vector<1x16xf32> to vector<16xf32>
        %parallel_loop3A_323 = arith.mulf %parallel_loop3A_138, %parallel_loop3A_322 : vector<16xf32>
        %parallel_loop3A_324 = arith.index_cast %parallel_loop3A_134 : i32 to index
        %parallel_loop3A_325 = arith.constant 224 : index
        %parallel_loop3A_326 = tpu.vector_load %arg9[%parallel_loop3A_324, %parallel_loop3A_325] {strides = array<i32>} : memref<64x512xf32, #tpu.memory_space<vmem>>, vector<1x16xf32>,
        %parallel_loop3A_327 = vector.shape_cast %parallel_loop3A_326 : vector<1x16xf32> to vector<16xf32>
        %parallel_loop3A_328 = arith.mulf %parallel_loop3A_142, %parallel_loop3A_327 : vector<16xf32>
        %parallel_loop3A_329 = arith.addf %parallel_loop3A_323, %parallel_loop3A_328 : vector<16xf32>
        %parallel_loop3A_330 = arith.index_cast %parallel_loop3A_134 : i32 to index
        %parallel_loop3A_331 = arith.constant 352 : index
        %parallel_loop3A_332 = tpu.vector_load %arg9[%parallel_loop3A_330, %parallel_loop3A_331] {strides = array<i32>} : memref<64x512xf32, #tpu.memory_space<vmem>>, vector<1x16xf32>,
        %parallel_loop3A_333 = vector.shape_cast %parallel_loop3A_332 : vector<1x16xf32> to vector<16xf32>
        %parallel_loop3A_334 = arith.mulf %parallel_loop3A_146, %parallel_loop3A_333 : vector<16xf32>
        %parallel_loop3A_335 = arith.addf %parallel_loop3A_329, %parallel_loop3A_334 : vector<16xf32>
        %parallel_loop3A_336 = arith.index_cast %parallel_loop3A_134 : i32 to index
        %parallel_loop3A_337 = arith.constant 480 : index
        %parallel_loop3A_338 = tpu.vector_load %arg9[%parallel_loop3A_336, %parallel_loop3A_337] {strides = array<i32>} : memref<64x512xf32, #tpu.memory_space<vmem>>, vector<1x16xf32>,
        %parallel_loop3A_339 = vector.shape_cast %parallel_loop3A_338 : vector<1x16xf32> to vector<16xf32>
        %parallel_loop3A_340 = arith.mulf %parallel_loop3A_150, %parallel_loop3A_339 : vector<16xf32>
        %parallel_loop3A_341 = arith.addf %parallel_loop3A_335, %parallel_loop3A_340 : vector<16xf32>
        %parallel_loop3A_342 = arith.index_cast %parallel_loop3A_134 : i32 to index
        %parallel_loop3A_343 = arith.constant 96 : index
        %parallel_loop3A_344 = tpu.vector_load %arg11[%parallel_loop3A_342, %parallel_loop3A_343] {strides = array<i32>} : memref<64x128xf32, #tpu.memory_space<vmem>>, vector<1x16xf32>,
        %parallel_loop3A_345 = vector.shape_cast %parallel_loop3A_344 : vector<1x16xf32> to vector<16xf32>
        %parallel_loop3A_346 = vector.shape_cast %parallel_loop3A_341 : vector<16xf32> to vector<1x16xf32>
        tpu.vector_store %arg11[%parallel_loop3A_342, %parallel_loop3A_343], %parallel_loop3A_346 {strides = array<i32>} : memref<64x128xf32, #tpu.memory_space<vmem>>, vector<1x16xf32>,
        %parallel_loop3A_347 = arith.index_cast %parallel_loop3A_134 : i32 to index
        %parallel_loop3A_348 = arith.constant 112 : index
        %parallel_loop3A_349 = tpu.vector_load %arg9[%parallel_loop3A_347, %parallel_loop3A_348] {strides = array<i32>} : memref<64x512xf32, #tpu.memory_space<vmem>>, vector<1x16xf32>,
        %parallel_loop3A_350 = vector.shape_cast %parallel_loop3A_349 : vector<1x16xf32> to vector<16xf32>
        %parallel_loop3A_351 = arith.mulf %parallel_loop3A_138, %parallel_loop3A_350 : vector<16xf32>
        %parallel_loop3A_352 = arith.index_cast %parallel_loop3A_134 : i32 to index
        %parallel_loop3A_353 = arith.constant 240 : index
        %parallel_loop3A_354 = tpu.vector_load %arg9[%parallel_loop3A_352, %parallel_loop3A_353] {strides = array<i32>} : memref<64x512xf32, #tpu.memory_space<vmem>>, vector<1x16xf32>,
        %parallel_loop3A_355 = vector.shape_cast %parallel_loop3A_354 : vector<1x16xf32> to vector<16xf32>
        %parallel_loop3A_356 = arith.mulf %parallel_loop3A_142, %parallel_loop3A_355 : vector<16xf32>
        %parallel_loop3A_357 = arith.addf %parallel_loop3A_351, %parallel_loop3A_356 : vector<16xf32>
        %parallel_loop3A_358 = arith.index_cast %parallel_loop3A_134 : i32 to index
        %parallel_loop3A_359 = arith.constant 368 : index
        %parallel_loop3A_360 = tpu.vector_load %arg9[%parallel_loop3A_358, %parallel_loop3A_359] {strides = array<i32>} : memref<64x512xf32, #tpu.memory_space<vmem>>, vector<1x16xf32>,
        %parallel_loop3A_361 = vector.shape_cast %parallel_loop3A_360 : vector<1x16xf32> to vector<16xf32>
        %parallel_loop3A_362 = arith.mulf %parallel_loop3A_146, %parallel_loop3A_361 : vector<16xf32>
        %parallel_loop3A_363 = arith.addf %parallel_loop3A_357, %parallel_loop3A_362 : vector<16xf32>
        %parallel_loop3A_364 = arith.index_cast %parallel_loop3A_134 : i32 to index
        %parallel_loop3A_365 = arith.constant 496 : index
        %parallel_loop3A_366 = tpu.vector_load %arg9[%parallel_loop3A_364, %parallel_loop3A_365] {strides = array<i32>} : memref<64x512xf32, #tpu.memory_space<vmem>>, vector<1x16xf32>,
        %parallel_loop3A_367 = vector.shape_cast %parallel_loop3A_366 : vector<1x16xf32> to vector<16xf32>
        %parallel_loop3A_368 = arith.mulf %parallel_loop3A_150, %parallel_loop3A_367 : vector<16xf32>
        %parallel_loop3A_369 = arith.addf %parallel_loop3A_363, %parallel_loop3A_368 : vector<16xf32>
        %parallel_loop3A_370 = arith.index_cast %parallel_loop3A_134 : i32 to index
        %parallel_loop3A_371 = arith.constant 112 : index
        %parallel_loop3A_372 = tpu.vector_load %arg11[%parallel_loop3A_370, %parallel_loop3A_371] {strides = array<i32>} : memref<64x128xf32, #tpu.memory_space<vmem>>, vector<1x16xf32>,
        %parallel_loop3A_373 = vector.shape_cast %parallel_loop3A_372 : vector<1x16xf32> to vector<16xf32>
        %parallel_loop3A_374 = vector.shape_cast %parallel_loop3A_369 : vector<16xf32> to vector<1x16xf32>
        tpu.vector_store %arg11[%parallel_loop3A_370, %parallel_loop3A_371], %parallel_loop3A_374 {strides = array<i32>} : memref<64x128xf32, #tpu.memory_space<vmem>>, vector<1x16xf32>,
      } {sc.loop_unroll_factor = 4 : i64, sc.parallel_access}
      %mul3A_74 = arith.constant 1280 : i32
      %mul3A_75 = arith.muli %add3A, %mul3A_74 : i32
      %mul3A_76 = arith.constant 64 : i32
      %mul3A_77 = arith.muli %add3A_52, %mul3A_76 : i32
      %add3A_78 = arith.addi %mul3A_75, %mul3A_77 : i32
      %dma_start3A_79 = arith.constant 0 : i32
      %dma_start3A_80 = tpu.memref_slice %arg5[%add3A_78, %dma_start3A_79] : memref<40960x128xf32, #tpu.memory_space<hbm>> -> memref<64x128xf32, #tpu.memory_space<hbm>>
      %dma_start3A_81 = arith.constant 0 : i32
      %dma_start3A_82 = tpu.memref_slice %arg5[%add3A_78, %dma_start3A_81] : memref<40960x128xf32, #tpu.memory_space<hbm>> -> memref<64x128xf32, #tpu.memory_space<hbm>>
      tpu.enqueue_dma source(%arg11 : memref<64x128xf32, #tpu.memory_space<vmem>>) target(%dma_start3A_82 : memref<64x128xf32, #tpu.memory_space<hbm>>) target_semaphore(%arg17 : memref<!tpu.dma_semaphore, #tpu.memory_space<semaphore_mem>>)
      %add3A_83 = arith.constant 2 : i32
      %add3A_84 = arith.addi %add3A_52, %add3A_83 : i32
      %lt3A = arith.constant 20 : i32
      %lt3A_85 = arith.cmpi slt, %add3A_84, %lt3A : i32
      %convert_element_type3A_86 = arith.extui %lt3A_85 : i1 to i32
      %cond3A_87 = arith.constant 0 : i32
      %cond3A_88 = arith.cmpi ne, %convert_element_type3A_86, %cond3A_87 : i32
      scf.if %cond3A_88 {
        %add3A_134 = arith.constant 2 : i32
        %add3A_135 = arith.addi %add3A_52, %add3A_134 : i32
        %dma_start3A_136 = arith.constant 0 : i32
        %dma_start3A_137 = arith.constant 0 : i32
        %dma_start3A_138 = tpu.memref_slice %arg4[%add3A, %add3A_135, %dma_start3A_136, %dma_start3A_137] : memref<32x20x64x64xf32, #tpu.memory_space<hbm>> -> memref<1x1x64x64xf32, #tpu.memory_space<hbm>>
        %dma_start3A_139 = tpu.memref_squeeze %dma_start3A_138 : memref<1x1x64x64xf32, #tpu.memory_space<hbm>> -> memref<64x64xf32, #tpu.memory_space<hbm>>
        %dma_start3A_140 = arith.constant 0 : i32
        %dma_start3A_141 = arith.constant 0 : i32
        %dma_start3A_142 = tpu.memref_slice %arg4[%add3A, %add3A_135, %dma_start3A_140, %dma_start3A_141] : memref<32x20x64x64xf32, #tpu.memory_space<hbm>> -> memref<1x1x64x64xf32, #tpu.memory_space<hbm>>
        %dma_start3A_143 = tpu.memref_squeeze %dma_start3A_142 : memref<1x1x64x64xf32, #tpu.memory_space<hbm>> -> memref<64x64xf32, #tpu.memory_space<hbm>>
        tpu.enqueue_dma source(%dma_start3A_143 : memref<64x64xf32, #tpu.memory_space<hbm>>) target(%arg7 : memref<64x64xf32, #tpu.memory_space<vmem>>) target_semaphore(%arg15 : memref<!tpu.dma_semaphore, #tpu.memory_space<semaphore_mem>>)
        %jit3A = arith.constant 2 : i32
        %div3A = arith.divsi %add3A_135, %jit3A : i32
        %sign3A = arith.constant 0 : i32
        %sign3A_144 = arith.cmpi sgt, %add3A_135, %sign3A : i32
        %sign3A_145 = arith.extui %sign3A_144 : i1 to i32
        %sign3A_146 = arith.constant 0 : i32
        %sign3A_147 = arith.cmpi slt, %add3A_135, %sign3A_146 : i32
        %sign3A_148 = arith.extui %sign3A_147 : i1 to i32
        %sign3A_149 = arith.subi %sign3A_145, %sign3A_148 : i32
        %sign3A_150 = arith.constant 0 : i32
        %sign3A_151 = arith.cmpi sgt, %jit3A, %sign3A_150 : i32
        %sign3A_152 = arith.extui %sign3A_151 : i1 to i32
        %sign3A_153 = arith.constant 0 : i32
        %sign3A_154 = arith.cmpi slt, %jit3A, %sign3A_153 : i32
        %sign3A_155 = arith.extui %sign3A_154 : i1 to i32
        %sign3A_156 = arith.subi %sign3A_152, %sign3A_155 : i32
        %ne3A = arith.cmpi ne, %sign3A_149, %sign3A_156 : i32
        %rem3A = arith.remsi %add3A_135, %jit3A : i32
        %ne3A_157 = arith.constant 0 : i32
        %ne3A_158 = arith.cmpi ne, %rem3A, %ne3A_157 : i32
        %and3A = arith.andi %ne3A, %ne3A_158 : i1
        %sub3A = arith.constant 1 : i32
        %sub3A_159 = arith.subi %div3A, %sub3A : i32
        %select_n3A = arith.select %and3A, %sub3A_159, %div3A : i32
        %jit3A_160 = arith.constant 2 : i32
        %eq3A = arith.constant 0 : i32
        %eq3A_161 = arith.cmpi eq, %jit3A_160, %eq3A : i32
        %jit3A_162 = arith.constant 1 : i32
        %select_n3A_163 = arith.select %eq3A_161, %jit3A_162, %jit3A_160 : i32
        %rem3A_164 = arith.remsi %add3A_135, %select_n3A_163 : i32
        %ne3A_165 = arith.constant 0 : i32
        %ne3A_166 = arith.cmpi ne, %rem3A_164, %ne3A_165 : i32
        %lt3A_167 = arith.constant 0 : i32
        %lt3A_168 = arith.cmpi slt, %rem3A_164, %lt3A_167 : i32
        %lt3A_169 = arith.constant 0 : i32
        %lt3A_170 = arith.cmpi slt, %select_n3A_163, %lt3A_169 : i32
        %ne3A_171 = arith.xori %lt3A_168, %lt3A_170 : i1
        %and3A_172 = arith.andi %ne3A_171, %ne3A_166 : i1
        %add3A_173 = arith.addi %rem3A_164, %select_n3A_163 : i32
        %select_n3A_174 = arith.select %and3A_172, %add3A_173, %rem3A_164 : i32
        %mul3A_175 = arith.constant 64 : i32
        %mul3A_176 = arith.muli %select_n3A_174, %mul3A_175 : i32
        %dma_start3A_177 = tpu.memref_slice %arg6[%select_n3A, %mul3A_176] : memref<10x128xi32, #tpu.memory_space<vmem>> -> memref<1x64xi32, #tpu.memory_space<vmem>>
        %dma_start3A_178 = tpu.memref_squeeze %dma_start3A_177 : memref<1x64xi32, #tpu.memory_space<vmem>> -> memref<64xi32, #tpu.memory_space<vmem>>
        %dma_start3A_179 = arith.constant 0 : i32
        %dma_start3A_180 = arith.constant 0 : i32
        %dma_start3A_181 = tpu.memref_slice %arg2[%dma_start3A_179, %dma_start3A_180] : memref<30720x512xf32, #tpu.memory_space<hbm>> -> memref<30720x512xf32, #tpu.memory_space<hbm>>
        tpu.enqueue_indirect_dma source(%dma_start3A_181 : memref<30720x512xf32, #tpu.memory_space<hbm>>) target(%arg9 : memref<64x512xf32, #tpu.memory_space<vmem>>) offsets(%dma_start3A_178 : memref<64xi32, #tpu.memory_space<vmem>>) semaphore(%arg13 : memref<!tpu.dma_semaphore, #tpu.memory_space<semaphore_mem>>)
      } else {
      }
      %mul3A_89 = arith.constant 2 : i32
      %mul3A_90 = arith.muli %scan3A_48, %mul3A_89 : i32
      %add3A_91 = arith.constant 1 : i32
      %add3A_92 = arith.addi %mul3A_90, %add3A_91 : i32
      %dma_wait3A_93 = arith.constant 0 : i32
      %dma_wait3A_94 = arith.constant 0 : i32
      %dma_wait3A_95 = arith.constant 0 : i32
      %dma_wait3A_96 = arith.constant 0 : i32
      %dma_wait3A_97 = tpu.memref_slice %arg4[%dma_wait3A_93, %dma_wait3A_94, %dma_wait3A_95, %dma_wait3A_96] : memref<32x20x64x64xf32, #tpu.memory_space<hbm>> -> memref<1x1x64x64xf32, #tpu.memory_space<hbm>>
      %dma_wait3A_98 = tpu.memref_squeeze %dma_wait3A_97 : memref<1x1x64x64xf32, #tpu.memory_space<hbm>> -> memref<64x64xf32, #tpu.memory_space<hbm>>
      %dma_wait3A_99 = arith.constant 0 : i32
      %dma_wait3A_100 = arith.constant 0 : i32
      %dma_wait3A_101 = tpu.memref_slice %arg4[%dma_wait3A_93, %dma_wait3A_94, %dma_wait3A_99, %dma_wait3A_100] : memref<32x20x64x64xf32, #tpu.memory_space<hbm>> -> memref<1x1x64x64xf32, #tpu.memory_space<hbm>>
      %dma_wait3A_102 = tpu.memref_squeeze %dma_wait3A_101 : memref<1x1x64x64xf32, #tpu.memory_space<hbm>> -> memref<64x64xf32, #tpu.memory_space<hbm>>
      tpu.wait_dma2 semaphore(%arg16 : memref<!tpu.dma_semaphore, #tpu.memory_space<semaphore_mem>>) src(%dma_wait3A_102 : memref<64x64xf32, #tpu.memory_space<hbm>>) dst(%arg8 : memref<64x64xf32, #tpu.memory_space<vmem>>)
      %dma_wait3A_103 = arith.constant 0 : i32
      %dma_wait3A_104 = arith.constant 0 : i32
      %dma_wait3A_105 = tpu.memref_slice %arg6[%dma_wait3A_103, %dma_wait3A_104] : memref<10x128xi32, #tpu.memory_space<vmem>> -> memref<1x64xi32, #tpu.memory_space<vmem>>
      %dma_wait3A_106 = tpu.memref_squeeze %dma_wait3A_105 : memref<1x64xi32, #tpu.memory_space<vmem>> -> memref<64xi32, #tpu.memory_space<vmem>>
      %dma_wait3A_107 = arith.constant 0 : i32
      %dma_wait3A_108 = arith.constant 0 : i32
      %dma_wait3A_109 = tpu.memref_slice %arg2[%dma_wait3A_107, %dma_wait3A_108] : memref<30720x512xf32, #tpu.memory_space<hbm>> -> memref<30720x512xf32, #tpu.memory_space<hbm>>
      tpu.wait_indirect_dma semaphore(%arg14 : memref<!tpu.dma_semaphore, #tpu.memory_space<semaphore_mem>>) src(%dma_wait3A_109 : memref<30720x512xf32, #tpu.memory_space<hbm>>) dst(%arg10 : memref<64x512xf32, #tpu.memory_space<vmem>>)
      %ge3A_110 = arith.constant 2 : i32
      %ge3A_111 = arith.cmpi sge, %add3A_92, %ge3A_110 : i32
      %convert_element_type3A_112 = arith.extui %ge3A_111 : i1 to i32
      %cond3A_113 = arith.constant 0 : i32
      %cond3A_114 = arith.cmpi ne, %convert_element_type3A_112, %cond3A_113 : i32
      scf.if %cond3A_114 {
        %dma_wait3A_134 = arith.constant 0 : i32
        %dma_wait3A_135 = arith.constant 0 : i32
        %dma_wait3A_136 = tpu.memref_slice %arg5[%dma_wait3A_134, %dma_wait3A_135] : memref<40960x128xf32, #tpu.memory_space<hbm>> -> memref<64x128xf32, #tpu.memory_space<hbm>>
        %dma_wait3A_137 = arith.constant 0 : i32
        %dma_wait3A_138 = arith.constant 0 : i32
        %dma_wait3A_139 = tpu.memref_slice %arg5[%dma_wait3A_137, %dma_wait3A_138] : memref<40960x128xf32, #tpu.memory_space<hbm>> -> memref<64x128xf32, #tpu.memory_space<hbm>>
        tpu.wait_dma2 semaphore(%arg18 : memref<!tpu.dma_semaphore, #tpu.memory_space<semaphore_mem>>) src(%arg12 : memref<64x128xf32, #tpu.memory_space<vmem>>) dst(%dma_wait3A_139 : memref<64x128xf32, #tpu.memory_space<hbm>>)
      } else {
      }
      %parallel_loop3A_115 = arith.constant 0 : i32
      %parallel_loop3A_116 = arith.constant 64 : i32
      %parallel_loop3A_117 = arith.constant 1 : i32
      scf.for %parallel_loop3A_134 = %parallel_loop3A_115 to %parallel_loop3A_116 step %parallel_loop3A_117  : i32 {
        %parallel_loop3A_135 = arith.index_cast %parallel_loop3A_134 : i32 to index
        %parallel_loop3A_136 = arith.constant 0 : index
        %parallel_loop3A_137 = tpu.vector_load %arg8[%parallel_loop3A_135, %parallel_loop3A_136] {strides = array<i32>} : memref<64x64xf32, #tpu.memory_space<vmem>>, vector<1x16xf32>,
        %parallel_loop3A_138 = vector.shape_cast %parallel_loop3A_137 : vector<1x16xf32> to vector<16xf32>
        %parallel_loop3A_139 = arith.index_cast %parallel_loop3A_134 : i32 to index
        %parallel_loop3A_140 = arith.constant 16 : index
        %parallel_loop3A_141 = tpu.vector_load %arg8[%parallel_loop3A_139, %parallel_loop3A_140] {strides = array<i32>} : memref<64x64xf32, #tpu.memory_space<vmem>>, vector<1x16xf32>,
        %parallel_loop3A_142 = vector.shape_cast %parallel_loop3A_141 : vector<1x16xf32> to vector<16xf32>
        %parallel_loop3A_143 = arith.index_cast %parallel_loop3A_134 : i32 to index
        %parallel_loop3A_144 = arith.constant 32 : index
        %parallel_loop3A_145 = tpu.vector_load %arg8[%parallel_loop3A_143, %parallel_loop3A_144] {strides = array<i32>} : memref<64x64xf32, #tpu.memory_space<vmem>>, vector<1x16xf32>,
        %parallel_loop3A_146 = vector.shape_cast %parallel_loop3A_145 : vector<1x16xf32> to vector<16xf32>
        %parallel_loop3A_147 = arith.index_cast %parallel_loop3A_134 : i32 to index
        %parallel_loop3A_148 = arith.constant 48 : index
        %parallel_loop3A_149 = tpu.vector_load %arg8[%parallel_loop3A_147, %parallel_loop3A_148] {strides = array<i32>} : memref<64x64xf32, #tpu.memory_space<vmem>>, vector<1x16xf32>,
        %parallel_loop3A_150 = vector.shape_cast %parallel_loop3A_149 : vector<1x16xf32> to vector<16xf32>
        %parallel_loop3A_151 = arith.index_cast %parallel_loop3A_134 : i32 to index
        %parallel_loop3A_152 = arith.constant 0 : index
        %parallel_loop3A_153 = tpu.vector_load %arg10[%parallel_loop3A_151, %parallel_loop3A_152] {strides = array<i32>} : memref<64x512xf32, #tpu.memory_space<vmem>>, vector<1x16xf32>,
        %parallel_loop3A_154 = vector.shape_cast %parallel_loop3A_153 : vector<1x16xf32> to vector<16xf32>
        %parallel_loop3A_155 = arith.mulf %parallel_loop3A_138, %parallel_loop3A_154 : vector<16xf32>
        %parallel_loop3A_156 = arith.index_cast %parallel_loop3A_134 : i32 to index
        %parallel_loop3A_157 = arith.constant 128 : index
        %parallel_loop3A_158 = tpu.vector_load %arg10[%parallel_loop3A_156, %parallel_loop3A_157] {strides = array<i32>} : memref<64x512xf32, #tpu.memory_space<vmem>>, vector<1x16xf32>,
        %parallel_loop3A_159 = vector.shape_cast %parallel_loop3A_158 : vector<1x16xf32> to vector<16xf32>
        %parallel_loop3A_160 = arith.mulf %parallel_loop3A_142, %parallel_loop3A_159 : vector<16xf32>
        %parallel_loop3A_161 = arith.addf %parallel_loop3A_155, %parallel_loop3A_160 : vector<16xf32>
        %parallel_loop3A_162 = arith.index_cast %parallel_loop3A_134 : i32 to index
        %parallel_loop3A_163 = arith.constant 256 : index
        %parallel_loop3A_164 = tpu.vector_load %arg10[%parallel_loop3A_162, %parallel_loop3A_163] {strides = array<i32>} : memref<64x512xf32, #tpu.memory_space<vmem>>, vector<1x16xf32>,
        %parallel_loop3A_165 = vector.shape_cast %parallel_loop3A_164 : vector<1x16xf32> to vector<16xf32>
        %parallel_loop3A_166 = arith.mulf %parallel_loop3A_146, %parallel_loop3A_165 : vector<16xf32>
        %parallel_loop3A_167 = arith.addf %parallel_loop3A_161, %parallel_loop3A_166 : vector<16xf32>
        %parallel_loop3A_168 = arith.index_cast %parallel_loop3A_134 : i32 to index
        %parallel_loop3A_169 = arith.constant 384 : index
        %parallel_loop3A_170 = tpu.vector_load %arg10[%parallel_loop3A_168, %parallel_loop3A_169] {strides = array<i32>} : memref<64x512xf32, #tpu.memory_space<vmem>>, vector<1x16xf32>,
        %parallel_loop3A_171 = vector.shape_cast %parallel_loop3A_170 : vector<1x16xf32> to vector<16xf32>
        %parallel_loop3A_172 = arith.mulf %parallel_loop3A_150, %parallel_loop3A_171 : vector<16xf32>
        %parallel_loop3A_173 = arith.addf %parallel_loop3A_167, %parallel_loop3A_172 : vector<16xf32>
        %parallel_loop3A_174 = arith.index_cast %parallel_loop3A_134 : i32 to index
        %parallel_loop3A_175 = arith.constant 0 : index
        %parallel_loop3A_176 = tpu.vector_load %arg12[%parallel_loop3A_174, %parallel_loop3A_175] {strides = array<i32>} : memref<64x128xf32, #tpu.memory_space<vmem>>, vector<1x16xf32>,
        %parallel_loop3A_177 = vector.shape_cast %parallel_loop3A_176 : vector<1x16xf32> to vector<16xf32>
        %parallel_loop3A_178 = vector.shape_cast %parallel_loop3A_173 : vector<16xf32> to vector<1x16xf32>
        tpu.vector_store %arg12[%parallel_loop3A_174, %parallel_loop3A_175], %parallel_loop3A_178 {strides = array<i32>} : memref<64x128xf32, #tpu.memory_space<vmem>>, vector<1x16xf32>,
        %parallel_loop3A_179 = arith.index_cast %parallel_loop3A_134 : i32 to index
        %parallel_loop3A_180 = arith.constant 16 : index
        %parallel_loop3A_181 = tpu.vector_load %arg10[%parallel_loop3A_179, %parallel_loop3A_180] {strides = array<i32>} : memref<64x512xf32, #tpu.memory_space<vmem>>, vector<1x16xf32>,
        %parallel_loop3A_182 = vector.shape_cast %parallel_loop3A_181 : vector<1x16xf32> to vector<16xf32>
        %parallel_loop3A_183 = arith.mulf %parallel_loop3A_138, %parallel_loop3A_182 : vector<16xf32>
        %parallel_loop3A_184 = arith.index_cast %parallel_loop3A_134 : i32 to index
        %parallel_loop3A_185 = arith.constant 144 : index
        %parallel_loop3A_186 = tpu.vector_load %arg10[%parallel_loop3A_184, %parallel_loop3A_185] {strides = array<i32>} : memref<64x512xf32, #tpu.memory_space<vmem>>, vector<1x16xf32>,
        %parallel_loop3A_187 = vector.shape_cast %parallel_loop3A_186 : vector<1x16xf32> to vector<16xf32>
        %parallel_loop3A_188 = arith.mulf %parallel_loop3A_142, %parallel_loop3A_187 : vector<16xf32>
        %parallel_loop3A_189 = arith.addf %parallel_loop3A_183, %parallel_loop3A_188 : vector<16xf32>
        %parallel_loop3A_190 = arith.index_cast %parallel_loop3A_134 : i32 to index
        %parallel_loop3A_191 = arith.constant 272 : index
        %parallel_loop3A_192 = tpu.vector_load %arg10[%parallel_loop3A_190, %parallel_loop3A_191] {strides = array<i32>} : memref<64x512xf32, #tpu.memory_space<vmem>>, vector<1x16xf32>,
        %parallel_loop3A_193 = vector.shape_cast %parallel_loop3A_192 : vector<1x16xf32> to vector<16xf32>
        %parallel_loop3A_194 = arith.mulf %parallel_loop3A_146, %parallel_loop3A_193 : vector<16xf32>
        %parallel_loop3A_195 = arith.addf %parallel_loop3A_189, %parallel_loop3A_194 : vector<16xf32>
        %parallel_loop3A_196 = arith.index_cast %parallel_loop3A_134 : i32 to index
        %parallel_loop3A_197 = arith.constant 400 : index
        %parallel_loop3A_198 = tpu.vector_load %arg10[%parallel_loop3A_196, %parallel_loop3A_197] {strides = array<i32>} : memref<64x512xf32, #tpu.memory_space<vmem>>, vector<1x16xf32>,
        %parallel_loop3A_199 = vector.shape_cast %parallel_loop3A_198 : vector<1x16xf32> to vector<16xf32>
        %parallel_loop3A_200 = arith.mulf %parallel_loop3A_150, %parallel_loop3A_199 : vector<16xf32>
        %parallel_loop3A_201 = arith.addf %parallel_loop3A_195, %parallel_loop3A_200 : vector<16xf32>
        %parallel_loop3A_202 = arith.index_cast %parallel_loop3A_134 : i32 to index
        %parallel_loop3A_203 = arith.constant 16 : index
        %parallel_loop3A_204 = tpu.vector_load %arg12[%parallel_loop3A_202, %parallel_loop3A_203] {strides = array<i32>} : memref<64x128xf32, #tpu.memory_space<vmem>>, vector<1x16xf32>,
        %parallel_loop3A_205 = vector.shape_cast %parallel_loop3A_204 : vector<1x16xf32> to vector<16xf32>
        %parallel_loop3A_206 = vector.shape_cast %parallel_loop3A_201 : vector<16xf32> to vector<1x16xf32>
        tpu.vector_store %arg12[%parallel_loop3A_202, %parallel_loop3A_203], %parallel_loop3A_206 {strides = array<i32>} : memref<64x128xf32, #tpu.memory_space<vmem>>, vector<1x16xf32>,
        %parallel_loop3A_207 = arith.index_cast %parallel_loop3A_134 : i32 to index
        %parallel_loop3A_208 = arith.constant 32 : index
        %parallel_loop3A_209 = tpu.vector_load %arg10[%parallel_loop3A_207, %parallel_loop3A_208] {strides = array<i32>} : memref<64x512xf32, #tpu.memory_space<vmem>>, vector<1x16xf32>,
        %parallel_loop3A_210 = vector.shape_cast %parallel_loop3A_209 : vector<1x16xf32> to vector<16xf32>
        %parallel_loop3A_211 = arith.mulf %parallel_loop3A_138, %parallel_loop3A_210 : vector<16xf32>
        %parallel_loop3A_212 = arith.index_cast %parallel_loop3A_134 : i32 to index
        %parallel_loop3A_213 = arith.constant 160 : index
        %parallel_loop3A_214 = tpu.vector_load %arg10[%parallel_loop3A_212, %parallel_loop3A_213] {strides = array<i32>} : memref<64x512xf32, #tpu.memory_space<vmem>>, vector<1x16xf32>,
        %parallel_loop3A_215 = vector.shape_cast %parallel_loop3A_214 : vector<1x16xf32> to vector<16xf32>
        %parallel_loop3A_216 = arith.mulf %parallel_loop3A_142, %parallel_loop3A_215 : vector<16xf32>
        %parallel_loop3A_217 = arith.addf %parallel_loop3A_211, %parallel_loop3A_216 : vector<16xf32>
        %parallel_loop3A_218 = arith.index_cast %parallel_loop3A_134 : i32 to index
        %parallel_loop3A_219 = arith.constant 288 : index
        %parallel_loop3A_220 = tpu.vector_load %arg10[%parallel_loop3A_218, %parallel_loop3A_219] {strides = array<i32>} : memref<64x512xf32, #tpu.memory_space<vmem>>, vector<1x16xf32>,
        %parallel_loop3A_221 = vector.shape_cast %parallel_loop3A_220 : vector<1x16xf32> to vector<16xf32>
        %parallel_loop3A_222 = arith.mulf %parallel_loop3A_146, %parallel_loop3A_221 : vector<16xf32>
        %parallel_loop3A_223 = arith.addf %parallel_loop3A_217, %parallel_loop3A_222 : vector<16xf32>
        %parallel_loop3A_224 = arith.index_cast %parallel_loop3A_134 : i32 to index
        %parallel_loop3A_225 = arith.constant 416 : index
        %parallel_loop3A_226 = tpu.vector_load %arg10[%parallel_loop3A_224, %parallel_loop3A_225] {strides = array<i32>} : memref<64x512xf32, #tpu.memory_space<vmem>>, vector<1x16xf32>,
        %parallel_loop3A_227 = vector.shape_cast %parallel_loop3A_226 : vector<1x16xf32> to vector<16xf32>
        %parallel_loop3A_228 = arith.mulf %parallel_loop3A_150, %parallel_loop3A_227 : vector<16xf32>
        %parallel_loop3A_229 = arith.addf %parallel_loop3A_223, %parallel_loop3A_228 : vector<16xf32>
        %parallel_loop3A_230 = arith.index_cast %parallel_loop3A_134 : i32 to index
        %parallel_loop3A_231 = arith.constant 32 : index
        %parallel_loop3A_232 = tpu.vector_load %arg12[%parallel_loop3A_230, %parallel_loop3A_231] {strides = array<i32>} : memref<64x128xf32, #tpu.memory_space<vmem>>, vector<1x16xf32>,
        %parallel_loop3A_233 = vector.shape_cast %parallel_loop3A_232 : vector<1x16xf32> to vector<16xf32>
        %parallel_loop3A_234 = vector.shape_cast %parallel_loop3A_229 : vector<16xf32> to vector<1x16xf32>
        tpu.vector_store %arg12[%parallel_loop3A_230, %parallel_loop3A_231], %parallel_loop3A_234 {strides = array<i32>} : memref<64x128xf32, #tpu.memory_space<vmem>>, vector<1x16xf32>,
        %parallel_loop3A_235 = arith.index_cast %parallel_loop3A_134 : i32 to index
        %parallel_loop3A_236 = arith.constant 48 : index
        %parallel_loop3A_237 = tpu.vector_load %arg10[%parallel_loop3A_235, %parallel_loop3A_236] {strides = array<i32>} : memref<64x512xf32, #tpu.memory_space<vmem>>, vector<1x16xf32>,
        %parallel_loop3A_238 = vector.shape_cast %parallel_loop3A_237 : vector<1x16xf32> to vector<16xf32>
        %parallel_loop3A_239 = arith.mulf %parallel_loop3A_138, %parallel_loop3A_238 : vector<16xf32>
        %parallel_loop3A_240 = arith.index_cast %parallel_loop3A_134 : i32 to index
        %parallel_loop3A_241 = arith.constant 176 : index
        %parallel_loop3A_242 = tpu.vector_load %arg10[%parallel_loop3A_240, %parallel_loop3A_241] {strides = array<i32>} : memref<64x512xf32, #tpu.memory_space<vmem>>, vector<1x16xf32>,
        %parallel_loop3A_243 = vector.shape_cast %parallel_loop3A_242 : vector<1x16xf32> to vector<16xf32>
        %parallel_loop3A_244 = arith.mulf %parallel_loop3A_142, %parallel_loop3A_243 : vector<16xf32>
        %parallel_loop3A_245 = arith.addf %parallel_loop3A_239, %parallel_loop3A_244 : vector<16xf32>
        %parallel_loop3A_246 = arith.index_cast %parallel_loop3A_134 : i32 to index
        %parallel_loop3A_247 = arith.constant 304 : index
        %parallel_loop3A_248 = tpu.vector_load %arg10[%parallel_loop3A_246, %parallel_loop3A_247] {strides = array<i32>} : memref<64x512xf32, #tpu.memory_space<vmem>>, vector<1x16xf32>,
        %parallel_loop3A_249 = vector.shape_cast %parallel_loop3A_248 : vector<1x16xf32> to vector<16xf32>
        %parallel_loop3A_250 = arith.mulf %parallel_loop3A_146, %parallel_loop3A_249 : vector<16xf32>
        %parallel_loop3A_251 = arith.addf %parallel_loop3A_245, %parallel_loop3A_250 : vector<16xf32>
        %parallel_loop3A_252 = arith.index_cast %parallel_loop3A_134 : i32 to index
        %parallel_loop3A_253 = arith.constant 432 : index
        %parallel_loop3A_254 = tpu.vector_load %arg10[%parallel_loop3A_252, %parallel_loop3A_253] {strides = array<i32>} : memref<64x512xf32, #tpu.memory_space<vmem>>, vector<1x16xf32>,
        %parallel_loop3A_255 = vector.shape_cast %parallel_loop3A_254 : vector<1x16xf32> to vector<16xf32>
        %parallel_loop3A_256 = arith.mulf %parallel_loop3A_150, %parallel_loop3A_255 : vector<16xf32>
        %parallel_loop3A_257 = arith.addf %parallel_loop3A_251, %parallel_loop3A_256 : vector<16xf32>
        %parallel_loop3A_258 = arith.index_cast %parallel_loop3A_134 : i32 to index
        %parallel_loop3A_259 = arith.constant 48 : index
        %parallel_loop3A_260 = tpu.vector_load %arg12[%parallel_loop3A_258, %parallel_loop3A_259] {strides = array<i32>} : memref<64x128xf32, #tpu.memory_space<vmem>>, vector<1x16xf32>,
        %parallel_loop3A_261 = vector.shape_cast %parallel_loop3A_260 : vector<1x16xf32> to vector<16xf32>
        %parallel_loop3A_262 = vector.shape_cast %parallel_loop3A_257 : vector<16xf32> to vector<1x16xf32>
        tpu.vector_store %arg12[%parallel_loop3A_258, %parallel_loop3A_259], %parallel_loop3A_262 {strides = array<i32>} : memref<64x128xf32, #tpu.memory_space<vmem>>, vector<1x16xf32>,
        %parallel_loop3A_263 = arith.index_cast %parallel_loop3A_134 : i32 to index
        %parallel_loop3A_264 = arith.constant 64 : index
        %parallel_loop3A_265 = tpu.vector_load %arg10[%parallel_loop3A_263, %parallel_loop3A_264] {strides = array<i32>} : memref<64x512xf32, #tpu.memory_space<vmem>>, vector<1x16xf32>,
        %parallel_loop3A_266 = vector.shape_cast %parallel_loop3A_265 : vector<1x16xf32> to vector<16xf32>
        %parallel_loop3A_267 = arith.mulf %parallel_loop3A_138, %parallel_loop3A_266 : vector<16xf32>
        %parallel_loop3A_268 = arith.index_cast %parallel_loop3A_134 : i32 to index
        %parallel_loop3A_269 = arith.constant 192 : index
        %parallel_loop3A_270 = tpu.vector_load %arg10[%parallel_loop3A_268, %parallel_loop3A_269] {strides = array<i32>} : memref<64x512xf32, #tpu.memory_space<vmem>>, vector<1x16xf32>,
        %parallel_loop3A_271 = vector.shape_cast %parallel_loop3A_270 : vector<1x16xf32> to vector<16xf32>
        %parallel_loop3A_272 = arith.mulf %parallel_loop3A_142, %parallel_loop3A_271 : vector<16xf32>
        %parallel_loop3A_273 = arith.addf %parallel_loop3A_267, %parallel_loop3A_272 : vector<16xf32>
        %parallel_loop3A_274 = arith.index_cast %parallel_loop3A_134 : i32 to index
        %parallel_loop3A_275 = arith.constant 320 : index
        %parallel_loop3A_276 = tpu.vector_load %arg10[%parallel_loop3A_274, %parallel_loop3A_275] {strides = array<i32>} : memref<64x512xf32, #tpu.memory_space<vmem>>, vector<1x16xf32>,
        %parallel_loop3A_277 = vector.shape_cast %parallel_loop3A_276 : vector<1x16xf32> to vector<16xf32>
        %parallel_loop3A_278 = arith.mulf %parallel_loop3A_146, %parallel_loop3A_277 : vector<16xf32>
        %parallel_loop3A_279 = arith.addf %parallel_loop3A_273, %parallel_loop3A_278 : vector<16xf32>
        %parallel_loop3A_280 = arith.index_cast %parallel_loop3A_134 : i32 to index
        %parallel_loop3A_281 = arith.constant 448 : index
        %parallel_loop3A_282 = tpu.vector_load %arg10[%parallel_loop3A_280, %parallel_loop3A_281] {strides = array<i32>} : memref<64x512xf32, #tpu.memory_space<vmem>>, vector<1x16xf32>,
        %parallel_loop3A_283 = vector.shape_cast %parallel_loop3A_282 : vector<1x16xf32> to vector<16xf32>
        %parallel_loop3A_284 = arith.mulf %parallel_loop3A_150, %parallel_loop3A_283 : vector<16xf32>
        %parallel_loop3A_285 = arith.addf %parallel_loop3A_279, %parallel_loop3A_284 : vector<16xf32>
        %parallel_loop3A_286 = arith.index_cast %parallel_loop3A_134 : i32 to index
        %parallel_loop3A_287 = arith.constant 64 : index
        %parallel_loop3A_288 = tpu.vector_load %arg12[%parallel_loop3A_286, %parallel_loop3A_287] {strides = array<i32>} : memref<64x128xf32, #tpu.memory_space<vmem>>, vector<1x16xf32>,
        %parallel_loop3A_289 = vector.shape_cast %parallel_loop3A_288 : vector<1x16xf32> to vector<16xf32>
        %parallel_loop3A_290 = vector.shape_cast %parallel_loop3A_285 : vector<16xf32> to vector<1x16xf32>
        tpu.vector_store %arg12[%parallel_loop3A_286, %parallel_loop3A_287], %parallel_loop3A_290 {strides = array<i32>} : memref<64x128xf32, #tpu.memory_space<vmem>>, vector<1x16xf32>,
        %parallel_loop3A_291 = arith.index_cast %parallel_loop3A_134 : i32 to index
        %parallel_loop3A_292 = arith.constant 80 : index
        %parallel_loop3A_293 = tpu.vector_load %arg10[%parallel_loop3A_291, %parallel_loop3A_292] {strides = array<i32>} : memref<64x512xf32, #tpu.memory_space<vmem>>, vector<1x16xf32>,
        %parallel_loop3A_294 = vector.shape_cast %parallel_loop3A_293 : vector<1x16xf32> to vector<16xf32>
        %parallel_loop3A_295 = arith.mulf %parallel_loop3A_138, %parallel_loop3A_294 : vector<16xf32>
        %parallel_loop3A_296 = arith.index_cast %parallel_loop3A_134 : i32 to index
        %parallel_loop3A_297 = arith.constant 208 : index
        %parallel_loop3A_298 = tpu.vector_load %arg10[%parallel_loop3A_296, %parallel_loop3A_297] {strides = array<i32>} : memref<64x512xf32, #tpu.memory_space<vmem>>, vector<1x16xf32>,
        %parallel_loop3A_299 = vector.shape_cast %parallel_loop3A_298 : vector<1x16xf32> to vector<16xf32>
        %parallel_loop3A_300 = arith.mulf %parallel_loop3A_142, %parallel_loop3A_299 : vector<16xf32>
        %parallel_loop3A_301 = arith.addf %parallel_loop3A_295, %parallel_loop3A_300 : vector<16xf32>
        %parallel_loop3A_302 = arith.index_cast %parallel_loop3A_134 : i32 to index
        %parallel_loop3A_303 = arith.constant 336 : index
        %parallel_loop3A_304 = tpu.vector_load %arg10[%parallel_loop3A_302, %parallel_loop3A_303] {strides = array<i32>} : memref<64x512xf32, #tpu.memory_space<vmem>>, vector<1x16xf32>,
        %parallel_loop3A_305 = vector.shape_cast %parallel_loop3A_304 : vector<1x16xf32> to vector<16xf32>
        %parallel_loop3A_306 = arith.mulf %parallel_loop3A_146, %parallel_loop3A_305 : vector<16xf32>
        %parallel_loop3A_307 = arith.addf %parallel_loop3A_301, %parallel_loop3A_306 : vector<16xf32>
        %parallel_loop3A_308 = arith.index_cast %parallel_loop3A_134 : i32 to index
        %parallel_loop3A_309 = arith.constant 464 : index
        %parallel_loop3A_310 = tpu.vector_load %arg10[%parallel_loop3A_308, %parallel_loop3A_309] {strides = array<i32>} : memref<64x512xf32, #tpu.memory_space<vmem>>, vector<1x16xf32>,
        %parallel_loop3A_311 = vector.shape_cast %parallel_loop3A_310 : vector<1x16xf32> to vector<16xf32>
        %parallel_loop3A_312 = arith.mulf %parallel_loop3A_150, %parallel_loop3A_311 : vector<16xf32>
        %parallel_loop3A_313 = arith.addf %parallel_loop3A_307, %parallel_loop3A_312 : vector<16xf32>
        %parallel_loop3A_314 = arith.index_cast %parallel_loop3A_134 : i32 to index
        %parallel_loop3A_315 = arith.constant 80 : index
        %parallel_loop3A_316 = tpu.vector_load %arg12[%parallel_loop3A_314, %parallel_loop3A_315] {strides = array<i32>} : memref<64x128xf32, #tpu.memory_space<vmem>>, vector<1x16xf32>,
        %parallel_loop3A_317 = vector.shape_cast %parallel_loop3A_316 : vector<1x16xf32> to vector<16xf32>
        %parallel_loop3A_318 = vector.shape_cast %parallel_loop3A_313 : vector<16xf32> to vector<1x16xf32>
        tpu.vector_store %arg12[%parallel_loop3A_314, %parallel_loop3A_315], %parallel_loop3A_318 {strides = array<i32>} : memref<64x128xf32, #tpu.memory_space<vmem>>, vector<1x16xf32>,
        %parallel_loop3A_319 = arith.index_cast %parallel_loop3A_134 : i32 to index
        %parallel_loop3A_320 = arith.constant 96 : index
        %parallel_loop3A_321 = tpu.vector_load %arg10[%parallel_loop3A_319, %parallel_loop3A_320] {strides = array<i32>} : memref<64x512xf32, #tpu.memory_space<vmem>>, vector<1x16xf32>,
        %parallel_loop3A_322 = vector.shape_cast %parallel_loop3A_321 : vector<1x16xf32> to vector<16xf32>
        %parallel_loop3A_323 = arith.mulf %parallel_loop3A_138, %parallel_loop3A_322 : vector<16xf32>
        %parallel_loop3A_324 = arith.index_cast %parallel_loop3A_134 : i32 to index
        %parallel_loop3A_325 = arith.constant 224 : index
        %parallel_loop3A_326 = tpu.vector_load %arg10[%parallel_loop3A_324, %parallel_loop3A_325] {strides = array<i32>} : memref<64x512xf32, #tpu.memory_space<vmem>>, vector<1x16xf32>,
        %parallel_loop3A_327 = vector.shape_cast %parallel_loop3A_326 : vector<1x16xf32> to vector<16xf32>
        %parallel_loop3A_328 = arith.mulf %parallel_loop3A_142, %parallel_loop3A_327 : vector<16xf32>
        %parallel_loop3A_329 = arith.addf %parallel_loop3A_323, %parallel_loop3A_328 : vector<16xf32>
        %parallel_loop3A_330 = arith.index_cast %parallel_loop3A_134 : i32 to index
        %parallel_loop3A_331 = arith.constant 352 : index
        %parallel_loop3A_332 = tpu.vector_load %arg10[%parallel_loop3A_330, %parallel_loop3A_331] {strides = array<i32>} : memref<64x512xf32, #tpu.memory_space<vmem>>, vector<1x16xf32>,
        %parallel_loop3A_333 = vector.shape_cast %parallel_loop3A_332 : vector<1x16xf32> to vector<16xf32>
        %parallel_loop3A_334 = arith.mulf %parallel_loop3A_146, %parallel_loop3A_333 : vector<16xf32>
        %parallel_loop3A_335 = arith.addf %parallel_loop3A_329, %parallel_loop3A_334 : vector<16xf32>
        %parallel_loop3A_336 = arith.index_cast %parallel_loop3A_134 : i32 to index
        %parallel_loop3A_337 = arith.constant 480 : index
        %parallel_loop3A_338 = tpu.vector_load %arg10[%parallel_loop3A_336, %parallel_loop3A_337] {strides = array<i32>} : memref<64x512xf32, #tpu.memory_space<vmem>>, vector<1x16xf32>,
        %parallel_loop3A_339 = vector.shape_cast %parallel_loop3A_338 : vector<1x16xf32> to vector<16xf32>
        %parallel_loop3A_340 = arith.mulf %parallel_loop3A_150, %parallel_loop3A_339 : vector<16xf32>
        %parallel_loop3A_341 = arith.addf %parallel_loop3A_335, %parallel_loop3A_340 : vector<16xf32>
        %parallel_loop3A_342 = arith.index_cast %parallel_loop3A_134 : i32 to index
        %parallel_loop3A_343 = arith.constant 96 : index
        %parallel_loop3A_344 = tpu.vector_load %arg12[%parallel_loop3A_342, %parallel_loop3A_343] {strides = array<i32>} : memref<64x128xf32, #tpu.memory_space<vmem>>, vector<1x16xf32>,
        %parallel_loop3A_345 = vector.shape_cast %parallel_loop3A_344 : vector<1x16xf32> to vector<16xf32>
        %parallel_loop3A_346 = vector.shape_cast %parallel_loop3A_341 : vector<16xf32> to vector<1x16xf32>
        tpu.vector_store %arg12[%parallel_loop3A_342, %parallel_loop3A_343], %parallel_loop3A_346 {strides = array<i32>} : memref<64x128xf32, #tpu.memory_space<vmem>>, vector<1x16xf32>,
        %parallel_loop3A_347 = arith.index_cast %parallel_loop3A_134 : i32 to index
        %parallel_loop3A_348 = arith.constant 112 : index
        %parallel_loop3A_349 = tpu.vector_load %arg10[%parallel_loop3A_347, %parallel_loop3A_348] {strides = array<i32>} : memref<64x512xf32, #tpu.memory_space<vmem>>, vector<1x16xf32>,
        %parallel_loop3A_350 = vector.shape_cast %parallel_loop3A_349 : vector<1x16xf32> to vector<16xf32>
        %parallel_loop3A_351 = arith.mulf %parallel_loop3A_138, %parallel_loop3A_350 : vector<16xf32>
        %parallel_loop3A_352 = arith.index_cast %parallel_loop3A_134 : i32 to index
        %parallel_loop3A_353 = arith.constant 240 : index
        %parallel_loop3A_354 = tpu.vector_load %arg10[%parallel_loop3A_352, %parallel_loop3A_353] {strides = array<i32>} : memref<64x512xf32, #tpu.memory_space<vmem>>, vector<1x16xf32>,
        %parallel_loop3A_355 = vector.shape_cast %parallel_loop3A_354 : vector<1x16xf32> to vector<16xf32>
        %parallel_loop3A_356 = arith.mulf %parallel_loop3A_142, %parallel_loop3A_355 : vector<16xf32>
        %parallel_loop3A_357 = arith.addf %parallel_loop3A_351, %parallel_loop3A_356 : vector<16xf32>
        %parallel_loop3A_358 = arith.index_cast %parallel_loop3A_134 : i32 to index
        %parallel_loop3A_359 = arith.constant 368 : index
        %parallel_loop3A_360 = tpu.vector_load %arg10[%parallel_loop3A_358, %parallel_loop3A_359] {strides = array<i32>} : memref<64x512xf32, #tpu.memory_space<vmem>>, vector<1x16xf32>,
        %parallel_loop3A_361 = vector.shape_cast %parallel_loop3A_360 : vector<1x16xf32> to vector<16xf32>
        %parallel_loop3A_362 = arith.mulf %parallel_loop3A_146, %parallel_loop3A_361 : vector<16xf32>
        %parallel_loop3A_363 = arith.addf %parallel_loop3A_357, %parallel_loop3A_362 : vector<16xf32>
        %parallel_loop3A_364 = arith.index_cast %parallel_loop3A_134 : i32 to index
        %parallel_loop3A_365 = arith.constant 496 : index
        %parallel_loop3A_366 = tpu.vector_load %arg10[%parallel_loop3A_364, %parallel_loop3A_365] {strides = array<i32>} : memref<64x512xf32, #tpu.memory_space<vmem>>, vector<1x16xf32>,
        %parallel_loop3A_367 = vector.shape_cast %parallel_loop3A_366 : vector<1x16xf32> to vector<16xf32>
        %parallel_loop3A_368 = arith.mulf %parallel_loop3A_150, %parallel_loop3A_367 : vector<16xf32>
        %parallel_loop3A_369 = arith.addf %parallel_loop3A_363, %parallel_loop3A_368 : vector<16xf32>
        %parallel_loop3A_370 = arith.index_cast %parallel_loop3A_134 : i32 to index
        %parallel_loop3A_371 = arith.constant 112 : index
        %parallel_loop3A_372 = tpu.vector_load %arg12[%parallel_loop3A_370, %parallel_loop3A_371] {strides = array<i32>} : memref<64x128xf32, #tpu.memory_space<vmem>>, vector<1x16xf32>,
        %parallel_loop3A_373 = vector.shape_cast %parallel_loop3A_372 : vector<1x16xf32> to vector<16xf32>
        %parallel_loop3A_374 = vector.shape_cast %parallel_loop3A_369 : vector<16xf32> to vector<1x16xf32>
        tpu.vector_store %arg12[%parallel_loop3A_370, %parallel_loop3A_371], %parallel_loop3A_374 {strides = array<i32>} : memref<64x128xf32, #tpu.memory_space<vmem>>, vector<1x16xf32>,
      } {sc.loop_unroll_factor = 4 : i64, sc.parallel_access}
      %mul3A_118 = arith.constant 1280 : i32
      %mul3A_119 = arith.muli %add3A, %mul3A_118 : i32
      %mul3A_120 = arith.constant 64 : i32
      %mul3A_121 = arith.muli %add3A_92, %mul3A_120 : i32
      %add3A_122 = arith.addi %mul3A_119, %mul3A_121 : i32
      %dma_start3A_123 = arith.constant 0 : i32
      %dma_start3A_124 = tpu.memref_slice %arg5[%add3A_122, %dma_start3A_123] : memref<40960x128xf32, #tpu.memory_space<hbm>> -> memref<64x128xf32, #tpu.memory_space<hbm>>
      %dma_start3A_125 = arith.constant 0 : i32
      %dma_start3A_126 = tpu.memref_slice %arg5[%add3A_122, %dma_start3A_125] : memref<40960x128xf32, #tpu.memory_space<hbm>> -> memref<64x128xf32, #tpu.memory_space<hbm>>
      tpu.enqueue_dma source(%arg12 : memref<64x128xf32, #tpu.memory_space<vmem>>) target(%dma_start3A_126 : memref<64x128xf32, #tpu.memory_space<hbm>>) target_semaphore(%arg18 : memref<!tpu.dma_semaphore, #tpu.memory_space<semaphore_mem>>)
      %add3A_127 = arith.constant 2 : i32
      %add3A_128 = arith.addi %add3A_92, %add3A_127 : i32
      %lt3A_129 = arith.constant 20 : i32
      %lt3A_130 = arith.cmpi slt, %add3A_128, %lt3A_129 : i32
      %convert_element_type3A_131 = arith.extui %lt3A_130 : i1 to i32
      %cond3A_132 = arith.constant 0 : i32
      %cond3A_133 = arith.cmpi ne, %convert_element_type3A_131, %cond3A_132 : i32
      scf.if %cond3A_133 {
        %add3A_134 = arith.constant 2 : i32
        %add3A_135 = arith.addi %add3A_92, %add3A_134 : i32
        %dma_start3A_136 = arith.constant 0 : i32
        %dma_start3A_137 = arith.constant 0 : i32
        %dma_start3A_138 = tpu.memref_slice %arg4[%add3A, %add3A_135, %dma_start3A_136, %dma_start3A_137] : memref<32x20x64x64xf32, #tpu.memory_space<hbm>> -> memref<1x1x64x64xf32, #tpu.memory_space<hbm>>
        %dma_start3A_139 = tpu.memref_squeeze %dma_start3A_138 : memref<1x1x64x64xf32, #tpu.memory_space<hbm>> -> memref<64x64xf32, #tpu.memory_space<hbm>>
        %dma_start3A_140 = arith.constant 0 : i32
        %dma_start3A_141 = arith.constant 0 : i32
        %dma_start3A_142 = tpu.memref_slice %arg4[%add3A, %add3A_135, %dma_start3A_140, %dma_start3A_141] : memref<32x20x64x64xf32, #tpu.memory_space<hbm>> -> memref<1x1x64x64xf32, #tpu.memory_space<hbm>>
        %dma_start3A_143 = tpu.memref_squeeze %dma_start3A_142 : memref<1x1x64x64xf32, #tpu.memory_space<hbm>> -> memref<64x64xf32, #tpu.memory_space<hbm>>
        tpu.enqueue_dma source(%dma_start3A_143 : memref<64x64xf32, #tpu.memory_space<hbm>>) target(%arg8 : memref<64x64xf32, #tpu.memory_space<vmem>>) target_semaphore(%arg16 : memref<!tpu.dma_semaphore, #tpu.memory_space<semaphore_mem>>)
        %jit3A = arith.constant 2 : i32
        %div3A = arith.divsi %add3A_135, %jit3A : i32
        %sign3A = arith.constant 0 : i32
        %sign3A_144 = arith.cmpi sgt, %add3A_135, %sign3A : i32
        %sign3A_145 = arith.extui %sign3A_144 : i1 to i32
        %sign3A_146 = arith.constant 0 : i32
        %sign3A_147 = arith.cmpi slt, %add3A_135, %sign3A_146 : i32
        %sign3A_148 = arith.extui %sign3A_147 : i1 to i32
        %sign3A_149 = arith.subi %sign3A_145, %sign3A_148 : i32
        %sign3A_150 = arith.constant 0 : i32
        %sign3A_151 = arith.cmpi sgt, %jit3A, %sign3A_150 : i32
        %sign3A_152 = arith.extui %sign3A_151 : i1 to i32
        %sign3A_153 = arith.constant 0 : i32
        %sign3A_154 = arith.cmpi slt, %jit3A, %sign3A_153 : i32
        %sign3A_155 = arith.extui %sign3A_154 : i1 to i32
        %sign3A_156 = arith.subi %sign3A_152, %sign3A_155 : i32
        %ne3A = arith.cmpi ne, %sign3A_149, %sign3A_156 : i32
        %rem3A = arith.remsi %add3A_135, %jit3A : i32
        %ne3A_157 = arith.constant 0 : i32
        %ne3A_158 = arith.cmpi ne, %rem3A, %ne3A_157 : i32
        %and3A = arith.andi %ne3A, %ne3A_158 : i1
        %sub3A = arith.constant 1 : i32
        %sub3A_159 = arith.subi %div3A, %sub3A : i32
        %select_n3A = arith.select %and3A, %sub3A_159, %div3A : i32
        %jit3A_160 = arith.constant 2 : i32
        %eq3A = arith.constant 0 : i32
        %eq3A_161 = arith.cmpi eq, %jit3A_160, %eq3A : i32
        %jit3A_162 = arith.constant 1 : i32
        %select_n3A_163 = arith.select %eq3A_161, %jit3A_162, %jit3A_160 : i32
        %rem3A_164 = arith.remsi %add3A_135, %select_n3A_163 : i32
        %ne3A_165 = arith.constant 0 : i32
        %ne3A_166 = arith.cmpi ne, %rem3A_164, %ne3A_165 : i32
        %lt3A_167 = arith.constant 0 : i32
        %lt3A_168 = arith.cmpi slt, %rem3A_164, %lt3A_167 : i32
        %lt3A_169 = arith.constant 0 : i32
        %lt3A_170 = arith.cmpi slt, %select_n3A_163, %lt3A_169 : i32
        %ne3A_171 = arith.xori %lt3A_168, %lt3A_170 : i1
        %and3A_172 = arith.andi %ne3A_171, %ne3A_166 : i1
        %add3A_173 = arith.addi %rem3A_164, %select_n3A_163 : i32
        %select_n3A_174 = arith.select %and3A_172, %add3A_173, %rem3A_164 : i32
        %mul3A_175 = arith.constant 64 : i32
        %mul3A_176 = arith.muli %select_n3A_174, %mul3A_175 : i32
        %dma_start3A_177 = tpu.memref_slice %arg6[%select_n3A, %mul3A_176] : memref<10x128xi32, #tpu.memory_space<vmem>> -> memref<1x64xi32, #tpu.memory_space<vmem>>
        %dma_start3A_178 = tpu.memref_squeeze %dma_start3A_177 : memref<1x64xi32, #tpu.memory_space<vmem>> -> memref<64xi32, #tpu.memory_space<vmem>>
        %dma_start3A_179 = arith.constant 0 : i32
        %dma_start3A_180 = arith.constant 0 : i32
        %dma_start3A_181 = tpu.memref_slice %arg2[%dma_start3A_179, %dma_start3A_180] : memref<30720x512xf32, #tpu.memory_space<hbm>> -> memref<30720x512xf32, #tpu.memory_space<hbm>>
        tpu.enqueue_indirect_dma source(%dma_start3A_181 : memref<30720x512xf32, #tpu.memory_space<hbm>>) target(%arg10 : memref<64x512xf32, #tpu.memory_space<vmem>>) offsets(%dma_start3A_178 : memref<64xi32, #tpu.memory_space<vmem>>) semaphore(%arg14 : memref<!tpu.dma_semaphore, #tpu.memory_space<semaphore_mem>>)
      } else {
      }
    }
    %scan3A_36 = arith.constant 10 : i32
    %dma_wait3A = arith.constant 0 : i32
    %dma_wait3A_37 = arith.constant 0 : i32
    %dma_wait3A_38 = tpu.memref_slice %arg5[%dma_wait3A, %dma_wait3A_37] : memref<40960x128xf32, #tpu.memory_space<hbm>> -> memref<64x128xf32, #tpu.memory_space<hbm>>
    %dma_wait3A_39 = arith.constant 0 : i32
    %dma_wait3A_40 = arith.constant 0 : i32
    %dma_wait3A_41 = tpu.memref_slice %arg5[%dma_wait3A_39, %dma_wait3A_40] : memref<40960x128xf32, #tpu.memory_space<hbm>> -> memref<64x128xf32, #tpu.memory_space<hbm>>
    tpu.wait_dma2 semaphore(%arg17 : memref<!tpu.dma_semaphore, #tpu.memory_space<semaphore_mem>>) src(%arg11 : memref<64x128xf32, #tpu.memory_space<vmem>>) dst(%dma_wait3A_41 : memref<64x128xf32, #tpu.memory_space<hbm>>)
    %dma_wait3A_42 = arith.constant 0 : i32
    %dma_wait3A_43 = arith.constant 0 : i32
    %dma_wait3A_44 = tpu.memref_slice %arg5[%dma_wait3A_42, %dma_wait3A_43] : memref<40960x128xf32, #tpu.memory_space<hbm>> -> memref<64x128xf32, #tpu.memory_space<hbm>>
    %dma_wait3A_45 = arith.constant 0 : i32
    %dma_wait3A_46 = arith.constant 0 : i32
    %dma_wait3A_47 = tpu.memref_slice %arg5[%dma_wait3A_45, %dma_wait3A_46] : memref<40960x128xf32, #tpu.memory_space<hbm>> -> memref<64x128xf32, #tpu.memory_space<hbm>>
    tpu.wait_dma2 semaphore(%arg18 : memref<!tpu.dma_semaphore, #tpu.memory_space<semaphore_mem>>) src(%arg12 : memref<64x128xf32, #tpu.memory_space<vmem>>) dst(%dma_wait3A_47 : memref<64x128xf32, #tpu.memory_space<hbm>>)
    return
  }
}

module attributes {stable_mosaic.version = 14 : i64} {
  func.func @_stage1_body(%arg0: i32, %arg1: memref<2048x128xf32, #tpu.memory_space<vmem>>, %arg2: memref<2048x4xf32, #tpu.memory_space<vmem>>, %arg3: memref<4x16xf32, #tpu.memory_space<vmem>>, %arg4: memref<3x3xf32, #tpu.memory_space<vmem>>, %arg5: memref<128x64xf32, #tpu.memory_space<vmem>>, %arg6: memref<1x64xf32, #tpu.memory_space<vmem>>, %arg7: memref<1x64xf32, #tpu.memory_space<vmem>>, %arg8: memref<1x1xf32, #tpu.memory_space<vmem>>, %arg9: memref<128x64xf32, #tpu.memory_space<vmem>>, %arg10: memref<3x64xf32, #tpu.memory_space<vmem>>, %arg11: memref<1x64xf32, #tpu.memory_space<vmem>>, %arg12: memref<3x64xf32, #tpu.memory_space<vmem>>, %arg13: memref<1x3xf32, #tpu.memory_space<vmem>>, %arg14: memref<2048x4xi32, #tpu.memory_space<vmem>>, %arg15: memref<2048x64xf32, #tpu.memory_space<vmem>>, %arg16: memref<2048x8xf32, #tpu.memory_space<vmem>>) attributes {dimension_semantics = [#tpu.dimension_semantics<arbitrary>], iteration_bounds = array<i64: 20>, scalar_prefetch = 0 : i64, scratch_operands = 0 : i64, tpu.core_type = #tpu.core_type<tc>, window_params = [{transform_indices = @transform_0, window_bounds = array<i64: 2048, 128>}, {transform_indices = @transform_1, window_bounds = array<i64: 2048, 4>}, {pipeline_mode = #tpu.pipeline_mode<synchronous>, transform_indices = @transform_2, window_bounds = array<i64: 4, 16>}, {pipeline_mode = #tpu.pipeline_mode<synchronous>, transform_indices = @transform_3, window_bounds = array<i64: 3, 3>}, {pipeline_mode = #tpu.pipeline_mode<synchronous>, transform_indices = @transform_4, window_bounds = array<i64: 128, 64>}, {pipeline_mode = #tpu.pipeline_mode<synchronous>, transform_indices = @transform_5, window_bounds = array<i64: 1, 64>}, {pipeline_mode = #tpu.pipeline_mode<synchronous>, transform_indices = @transform_6, window_bounds = array<i64: 1, 64>}, {pipeline_mode = #tpu.pipeline_mode<synchronous>, transform_indices = @transform_7, window_bounds = array<i64: 1, 1>}, {pipeline_mode = #tpu.pipeline_mode<synchronous>, transform_indices = @transform_8, window_bounds = array<i64: 128, 64>}, {pipeline_mode = #tpu.pipeline_mode<synchronous>, transform_indices = @transform_9, window_bounds = array<i64: 3, 64>}, {pipeline_mode = #tpu.pipeline_mode<synchronous>, transform_indices = @transform_10, window_bounds = array<i64: 1, 64>}, {pipeline_mode = #tpu.pipeline_mode<synchronous>, transform_indices = @transform_11, window_bounds = array<i64: 3, 64>}, {pipeline_mode = #tpu.pipeline_mode<synchronous>, transform_indices = @transform_12, window_bounds = array<i64: 1, 3>}, {transform_indices = @transform_13, window_bounds = array<i64: 2048, 4>}, {transform_indices = @transform_14, window_bounds = array<i64: 2048, 64>}, {transform_indices = @transform_15, window_bounds = array<i64: 2048, 8>}]} {
    %get3A = arith.constant 0 : index
    %get3A_0 = arith.constant 3 : index
    %get3A_1 = vector.load %arg2[%get3A, %get3A_0] : memref<2048x4xf32, #tpu.memory_space<vmem>>, vector<2048x1xf32>
    %get3A_2 = arith.constant 0 : index
    %get3A_3 = arith.constant 2 : index
    %get3A_4 = vector.load %arg2[%get3A_2, %get3A_3] : memref<2048x4xf32, #tpu.memory_space<vmem>>, vector<2048x1xf32>
    %get3A_5 = arith.constant 0 : index
    %get3A_6 = arith.constant 1 : index
    %get3A_7 = vector.load %arg2[%get3A_5, %get3A_6] : memref<2048x4xf32, #tpu.memory_space<vmem>>, vector<2048x1xf32>
    %get3A_8 = arith.constant 0 : index
    %get3A_9 = arith.constant 0 : index
    %get3A_10 = vector.load %arg2[%get3A_8, %get3A_9] : memref<2048x4xf32, #tpu.memory_space<vmem>>, vector<2048x1xf32>
    %concatenate3A = tpu.concatenate %get3A_1, %get3A_4, %get3A_7 in 1 : vector<2048x1xf32>, vector<2048x1xf32>, vector<2048x1xf32> -> vector<2048x3xf32>
    %get3A_11 = arith.constant 0 : index
    %get3A_12 = arith.constant 0 : index
    %get3A_13 = vector.load %arg4[%get3A_11, %get3A_12] : memref<3x3xf32, #tpu.memory_space<vmem>>, vector<1x3xf32>
    %mul3A = vector.broadcast %get3A_13 : vector<1x3xf32> to vector<2048x3xf32>
    %mul3A_14 = arith.mulf %concatenate3A, %mul3A : vector<2048x3xf32>
    %get3A_15 = arith.constant 1 : index
    %get3A_16 = arith.constant 0 : index
    %get3A_17 = vector.load %arg4[%get3A_15, %get3A_16] : memref<3x3xf32, #tpu.memory_space<vmem>>, vector<1x3xf32>
    %add3A = vector.broadcast %get3A_17 : vector<1x3xf32> to vector<2048x3xf32>
    %add3A_18 = arith.addf %mul3A_14, %add3A : vector<2048x3xf32>
    %get3A_19 = arith.constant 2 : index
    %get3A_20 = arith.constant 0 : index
    %get3A_21 = vector.load %arg4[%get3A_19, %get3A_20] : memref<3x3xf32, #tpu.memory_space<vmem>>, vector<1x3xf32>
    %add3A_22 = vector.broadcast %get3A_21 : vector<1x3xf32> to vector<2048x3xf32>
    %add3A_23 = arith.addf %add3A_18, %add3A_22 : vector<2048x3xf32>
    %slice3A = vector.extract_strided_slice %add3A_23 {offsets = [0, 0], sizes = [2048, 1], strides = [1, 1]} : vector<2048x3xf32> to vector<2048x1xf32>
    %slice3A_24 = vector.extract_strided_slice %add3A_23 {offsets = [0, 1], sizes = [2048, 1], strides = [1, 1]} : vector<2048x3xf32> to vector<2048x1xf32>
    %slice3A_25 = vector.extract_strided_slice %add3A_23 {offsets = [0, 2], sizes = [2048, 1], strides = [1, 1]} : vector<2048x3xf32> to vector<2048x1xf32>
    %mul3A_26 = arith.mulf %slice3A, %slice3A : vector<2048x1xf32>
    %mul3A_27 = arith.mulf %slice3A_24, %slice3A_24 : vector<2048x1xf32>
    %add3A_28 = arith.addf %mul3A_26, %mul3A_27 : vector<2048x1xf32>
    %sqrt3A = math.sqrt %add3A_28 : vector<2048x1xf32>
    %div3A = arith.constant 7.637000e+01 : f32
    %div3A_29 = vector.broadcast %div3A : f32 to vector<2048x1xf32>
    %div3A_30 = arith.divf %sqrt3A, %div3A_29 : vector<2048x1xf32>
    %jit3A = arith.constant 0.000000e+00 : f32
    %jit3A_31 = arith.constant 1.000000e+00 : f32
    %max3A = vector.broadcast %jit3A : f32 to vector<2048x1xf32>
    %max3A_32 = arith.maximumf %max3A, %div3A_30 : vector<2048x1xf32>
    %min3A = vector.broadcast %jit3A_31 : f32 to vector<2048x1xf32>
    %min3A_33 = arith.minimumf %min3A, %max3A_32 : vector<2048x1xf32>
    %broadcast_in_dim3A = arith.constant 0.000000e+00 : f32
    %broadcast_in_dim3A_34 = vector.broadcast %broadcast_in_dim3A : f32 to vector<2048x1xf32>
    %broadcast_in_dim3A_35 = arith.constant 0.000000e+00 : f32
    %broadcast_in_dim3A_36 = vector.broadcast %broadcast_in_dim3A_35 : f32 to vector<2048x1xf32>
    %broadcast_in_dim3A_37 = arith.constant 0.000000e+00 : f32
    %broadcast_in_dim3A_38 = vector.broadcast %broadcast_in_dim3A_37 : f32 to vector<2048x1xf32>
    %eq3A = arith.constant 0.000000e+00 : f32
    %eq3A_39 = vector.broadcast %eq3A : f32 to vector<2048x1xf32>
    %eq3A_40 = arith.cmpf oeq, %get3A_10, %eq3A_39 : vector<2048x1xf32>
    %convert_element_type3A = arith.extui %eq3A_40 : vector<2048x1xi1> to vector<2048x1xi32>
    %convert_element_type3A_41 = arith.sitofp %convert_element_type3A : vector<2048x1xi32> to vector<2048x1xf32>
    %get3A_42 = arith.constant 0 : index
    %get3A_43 = arith.constant 0 : index
    %get3A_44 = vector.load %arg3[%get3A_42, %get3A_43] : memref<4x16xf32, #tpu.memory_space<vmem>>, vector<1x1xf32>
    %mul3A_45 = vector.broadcast %get3A_44 : vector<1x1xf32> to vector<2048x1xf32>
    %mul3A_46 = arith.mulf %mul3A_45, %slice3A : vector<2048x1xf32>
    %get3A_47 = arith.constant 0 : index
    %get3A_48 = arith.constant 1 : index
    %get3A_49 = vector.load %arg3[%get3A_47, %get3A_48] : memref<4x16xf32, #tpu.memory_space<vmem>>, vector<1x1xf32>
    %mul3A_50 = vector.broadcast %get3A_49 : vector<1x1xf32> to vector<2048x1xf32>
    %mul3A_51 = arith.mulf %mul3A_50, %slice3A_24 : vector<2048x1xf32>
    %add3A_52 = arith.addf %mul3A_46, %mul3A_51 : vector<2048x1xf32>
    %get3A_53 = arith.constant 0 : index
    %get3A_54 = arith.constant 2 : index
    %get3A_55 = vector.load %arg3[%get3A_53, %get3A_54] : memref<4x16xf32, #tpu.memory_space<vmem>>, vector<1x1xf32>
    %mul3A_56 = vector.broadcast %get3A_55 : vector<1x1xf32> to vector<2048x1xf32>
    %mul3A_57 = arith.mulf %mul3A_56, %slice3A_25 : vector<2048x1xf32>
    %add3A_58 = arith.addf %add3A_52, %mul3A_57 : vector<2048x1xf32>
    %get3A_59 = arith.constant 0 : index
    %get3A_60 = arith.constant 3 : index
    %get3A_61 = vector.load %arg3[%get3A_59, %get3A_60] : memref<4x16xf32, #tpu.memory_space<vmem>>, vector<1x1xf32>
    %add3A_62 = vector.broadcast %get3A_61 : vector<1x1xf32> to vector<2048x1xf32>
    %add3A_63 = arith.addf %add3A_58, %add3A_62 : vector<2048x1xf32>
    %get3A_64 = arith.constant 0 : index
    %get3A_65 = arith.constant 4 : index
    %get3A_66 = vector.load %arg3[%get3A_64, %get3A_65] : memref<4x16xf32, #tpu.memory_space<vmem>>, vector<1x1xf32>
    %mul3A_67 = vector.broadcast %get3A_66 : vector<1x1xf32> to vector<2048x1xf32>
    %mul3A_68 = arith.mulf %mul3A_67, %slice3A : vector<2048x1xf32>
    %get3A_69 = arith.constant 0 : index
    %get3A_70 = arith.constant 5 : index
    %get3A_71 = vector.load %arg3[%get3A_69, %get3A_70] : memref<4x16xf32, #tpu.memory_space<vmem>>, vector<1x1xf32>
    %mul3A_72 = vector.broadcast %get3A_71 : vector<1x1xf32> to vector<2048x1xf32>
    %mul3A_73 = arith.mulf %mul3A_72, %slice3A_24 : vector<2048x1xf32>
    %add3A_74 = arith.addf %mul3A_68, %mul3A_73 : vector<2048x1xf32>
    %get3A_75 = arith.constant 0 : index
    %get3A_76 = arith.constant 6 : index
    %get3A_77 = vector.load %arg3[%get3A_75, %get3A_76] : memref<4x16xf32, #tpu.memory_space<vmem>>, vector<1x1xf32>
    %mul3A_78 = vector.broadcast %get3A_77 : vector<1x1xf32> to vector<2048x1xf32>
    %mul3A_79 = arith.mulf %mul3A_78, %slice3A_25 : vector<2048x1xf32>
    %add3A_80 = arith.addf %add3A_74, %mul3A_79 : vector<2048x1xf32>
    %get3A_81 = arith.constant 0 : index
    %get3A_82 = arith.constant 7 : index
    %get3A_83 = vector.load %arg3[%get3A_81, %get3A_82] : memref<4x16xf32, #tpu.memory_space<vmem>>, vector<1x1xf32>
    %add3A_84 = vector.broadcast %get3A_83 : vector<1x1xf32> to vector<2048x1xf32>
    %add3A_85 = arith.addf %add3A_80, %add3A_84 : vector<2048x1xf32>
    %get3A_86 = arith.constant 0 : index
    %get3A_87 = arith.constant 8 : index
    %get3A_88 = vector.load %arg3[%get3A_86, %get3A_87] : memref<4x16xf32, #tpu.memory_space<vmem>>, vector<1x1xf32>
    %mul3A_89 = vector.broadcast %get3A_88 : vector<1x1xf32> to vector<2048x1xf32>
    %mul3A_90 = arith.mulf %mul3A_89, %slice3A : vector<2048x1xf32>
    %get3A_91 = arith.constant 0 : index
    %get3A_92 = arith.constant 9 : index
    %get3A_93 = vector.load %arg3[%get3A_91, %get3A_92] : memref<4x16xf32, #tpu.memory_space<vmem>>, vector<1x1xf32>
    %mul3A_94 = vector.broadcast %get3A_93 : vector<1x1xf32> to vector<2048x1xf32>
    %mul3A_95 = arith.mulf %mul3A_94, %slice3A_24 : vector<2048x1xf32>
    %add3A_96 = arith.addf %mul3A_90, %mul3A_95 : vector<2048x1xf32>
    %get3A_97 = arith.constant 0 : index
    %get3A_98 = arith.constant 10 : index
    %get3A_99 = vector.load %arg3[%get3A_97, %get3A_98] : memref<4x16xf32, #tpu.memory_space<vmem>>, vector<1x1xf32>
    %mul3A_100 = vector.broadcast %get3A_99 : vector<1x1xf32> to vector<2048x1xf32>
    %mul3A_101 = arith.mulf %mul3A_100, %slice3A_25 : vector<2048x1xf32>
    %add3A_102 = arith.addf %add3A_96, %mul3A_101 : vector<2048x1xf32>
    %get3A_103 = arith.constant 0 : index
    %get3A_104 = arith.constant 11 : index
    %get3A_105 = vector.load %arg3[%get3A_103, %get3A_104] : memref<4x16xf32, #tpu.memory_space<vmem>>, vector<1x1xf32>
    %add3A_106 = vector.broadcast %get3A_105 : vector<1x1xf32> to vector<2048x1xf32>
    %add3A_107 = arith.addf %add3A_102, %add3A_106 : vector<2048x1xf32>
    %mul3A_108 = arith.mulf %convert_element_type3A_41, %add3A_63 : vector<2048x1xf32>
    %add3A_109 = arith.addf %broadcast_in_dim3A_34, %mul3A_108 : vector<2048x1xf32>
    %mul3A_110 = arith.mulf %convert_element_type3A_41, %add3A_85 : vector<2048x1xf32>
    %add3A_111 = arith.addf %broadcast_in_dim3A_36, %mul3A_110 : vector<2048x1xf32>
    %mul3A_112 = arith.mulf %convert_element_type3A_41, %add3A_107 : vector<2048x1xf32>
    %add3A_113 = arith.addf %broadcast_in_dim3A_38, %mul3A_112 : vector<2048x1xf32>
    %eq3A_114 = arith.constant 1.000000e+00 : f32
    %eq3A_115 = vector.broadcast %eq3A_114 : f32 to vector<2048x1xf32>
    %eq3A_116 = arith.cmpf oeq, %get3A_10, %eq3A_115 : vector<2048x1xf32>
    %convert_element_type3A_117 = arith.extui %eq3A_116 : vector<2048x1xi1> to vector<2048x1xi32>
    %convert_element_type3A_118 = arith.sitofp %convert_element_type3A_117 : vector<2048x1xi32> to vector<2048x1xf32>
    %get3A_119 = arith.constant 1 : index
    %get3A_120 = arith.constant 0 : index
    %get3A_121 = vector.load %arg3[%get3A_119, %get3A_120] : memref<4x16xf32, #tpu.memory_space<vmem>>, vector<1x1xf32>
    %mul3A_122 = vector.broadcast %get3A_121 : vector<1x1xf32> to vector<2048x1xf32>
    %mul3A_123 = arith.mulf %mul3A_122, %slice3A : vector<2048x1xf32>
    %get3A_124 = arith.constant 1 : index
    %get3A_125 = arith.constant 1 : index
    %get3A_126 = vector.load %arg3[%get3A_124, %get3A_125] : memref<4x16xf32, #tpu.memory_space<vmem>>, vector<1x1xf32>
    %mul3A_127 = vector.broadcast %get3A_126 : vector<1x1xf32> to vector<2048x1xf32>
    %mul3A_128 = arith.mulf %mul3A_127, %slice3A_24 : vector<2048x1xf32>
    %add3A_129 = arith.addf %mul3A_123, %mul3A_128 : vector<2048x1xf32>
    %get3A_130 = arith.constant 1 : index
    %get3A_131 = arith.constant 2 : index
    %get3A_132 = vector.load %arg3[%get3A_130, %get3A_131] : memref<4x16xf32, #tpu.memory_space<vmem>>, vector<1x1xf32>
    %mul3A_133 = vector.broadcast %get3A_132 : vector<1x1xf32> to vector<2048x1xf32>
    %mul3A_134 = arith.mulf %mul3A_133, %slice3A_25 : vector<2048x1xf32>
    %add3A_135 = arith.addf %add3A_129, %mul3A_134 : vector<2048x1xf32>
    %get3A_136 = arith.constant 1 : index
    %get3A_137 = arith.constant 3 : index
    %get3A_138 = vector.load %arg3[%get3A_136, %get3A_137] : memref<4x16xf32, #tpu.memory_space<vmem>>, vector<1x1xf32>
    %add3A_139 = vector.broadcast %get3A_138 : vector<1x1xf32> to vector<2048x1xf32>
    %add3A_140 = arith.addf %add3A_135, %add3A_139 : vector<2048x1xf32>
    %get3A_141 = arith.constant 1 : index
    %get3A_142 = arith.constant 4 : index
    %get3A_143 = vector.load %arg3[%get3A_141, %get3A_142] : memref<4x16xf32, #tpu.memory_space<vmem>>, vector<1x1xf32>
    %mul3A_144 = vector.broadcast %get3A_143 : vector<1x1xf32> to vector<2048x1xf32>
    %mul3A_145 = arith.mulf %mul3A_144, %slice3A : vector<2048x1xf32>
    %get3A_146 = arith.constant 1 : index
    %get3A_147 = arith.constant 5 : index
    %get3A_148 = vector.load %arg3[%get3A_146, %get3A_147] : memref<4x16xf32, #tpu.memory_space<vmem>>, vector<1x1xf32>
    %mul3A_149 = vector.broadcast %get3A_148 : vector<1x1xf32> to vector<2048x1xf32>
    %mul3A_150 = arith.mulf %mul3A_149, %slice3A_24 : vector<2048x1xf32>
    %add3A_151 = arith.addf %mul3A_145, %mul3A_150 : vector<2048x1xf32>
    %get3A_152 = arith.constant 1 : index
    %get3A_153 = arith.constant 6 : index
    %get3A_154 = vector.load %arg3[%get3A_152, %get3A_153] : memref<4x16xf32, #tpu.memory_space<vmem>>, vector<1x1xf32>
    %mul3A_155 = vector.broadcast %get3A_154 : vector<1x1xf32> to vector<2048x1xf32>
    %mul3A_156 = arith.mulf %mul3A_155, %slice3A_25 : vector<2048x1xf32>
    %add3A_157 = arith.addf %add3A_151, %mul3A_156 : vector<2048x1xf32>
    %get3A_158 = arith.constant 1 : index
    %get3A_159 = arith.constant 7 : index
    %get3A_160 = vector.load %arg3[%get3A_158, %get3A_159] : memref<4x16xf32, #tpu.memory_space<vmem>>, vector<1x1xf32>
    %add3A_161 = vector.broadcast %get3A_160 : vector<1x1xf32> to vector<2048x1xf32>
    %add3A_162 = arith.addf %add3A_157, %add3A_161 : vector<2048x1xf32>
    %get3A_163 = arith.constant 1 : index
    %get3A_164 = arith.constant 8 : index
    %get3A_165 = vector.load %arg3[%get3A_163, %get3A_164] : memref<4x16xf32, #tpu.memory_space<vmem>>, vector<1x1xf32>
    %mul3A_166 = vector.broadcast %get3A_165 : vector<1x1xf32> to vector<2048x1xf32>
    %mul3A_167 = arith.mulf %mul3A_166, %slice3A : vector<2048x1xf32>
    %get3A_168 = arith.constant 1 : index
    %get3A_169 = arith.constant 9 : index
    %get3A_170 = vector.load %arg3[%get3A_168, %get3A_169] : memref<4x16xf32, #tpu.memory_space<vmem>>, vector<1x1xf32>
    %mul3A_171 = vector.broadcast %get3A_170 : vector<1x1xf32> to vector<2048x1xf32>
    %mul3A_172 = arith.mulf %mul3A_171, %slice3A_24 : vector<2048x1xf32>
    %add3A_173 = arith.addf %mul3A_167, %mul3A_172 : vector<2048x1xf32>
    %get3A_174 = arith.constant 1 : index
    %get3A_175 = arith.constant 10 : index
    %get3A_176 = vector.load %arg3[%get3A_174, %get3A_175] : memref<4x16xf32, #tpu.memory_space<vmem>>, vector<1x1xf32>
    %mul3A_177 = vector.broadcast %get3A_176 : vector<1x1xf32> to vector<2048x1xf32>
    %mul3A_178 = arith.mulf %mul3A_177, %slice3A_25 : vector<2048x1xf32>
    %add3A_179 = arith.addf %add3A_173, %mul3A_178 : vector<2048x1xf32>
    %get3A_180 = arith.constant 1 : index
    %get3A_181 = arith.constant 11 : index
    %get3A_182 = vector.load %arg3[%get3A_180, %get3A_181] : memref<4x16xf32, #tpu.memory_space<vmem>>, vector<1x1xf32>
    %add3A_183 = vector.broadcast %get3A_182 : vector<1x1xf32> to vector<2048x1xf32>
    %add3A_184 = arith.addf %add3A_179, %add3A_183 : vector<2048x1xf32>
    %mul3A_185 = arith.mulf %convert_element_type3A_118, %add3A_140 : vector<2048x1xf32>
    %add3A_186 = arith.addf %add3A_109, %mul3A_185 : vector<2048x1xf32>
    %mul3A_187 = arith.mulf %convert_element_type3A_118, %add3A_162 : vector<2048x1xf32>
    %add3A_188 = arith.addf %add3A_111, %mul3A_187 : vector<2048x1xf32>
    %mul3A_189 = arith.mulf %convert_element_type3A_118, %add3A_184 : vector<2048x1xf32>
    %add3A_190 = arith.addf %add3A_113, %mul3A_189 : vector<2048x1xf32>
    %eq3A_191 = arith.constant 2.000000e+00 : f32
    %eq3A_192 = vector.broadcast %eq3A_191 : f32 to vector<2048x1xf32>
    %eq3A_193 = arith.cmpf oeq, %get3A_10, %eq3A_192 : vector<2048x1xf32>
    %convert_element_type3A_194 = arith.extui %eq3A_193 : vector<2048x1xi1> to vector<2048x1xi32>
    %convert_element_type3A_195 = arith.sitofp %convert_element_type3A_194 : vector<2048x1xi32> to vector<2048x1xf32>
    %get3A_196 = arith.constant 2 : index
    %get3A_197 = arith.constant 0 : index
    %get3A_198 = vector.load %arg3[%get3A_196, %get3A_197] : memref<4x16xf32, #tpu.memory_space<vmem>>, vector<1x1xf32>
    %mul3A_199 = vector.broadcast %get3A_198 : vector<1x1xf32> to vector<2048x1xf32>
    %mul3A_200 = arith.mulf %mul3A_199, %slice3A : vector<2048x1xf32>
    %get3A_201 = arith.constant 2 : index
    %get3A_202 = arith.constant 1 : index
    %get3A_203 = vector.load %arg3[%get3A_201, %get3A_202] : memref<4x16xf32, #tpu.memory_space<vmem>>, vector<1x1xf32>
    %mul3A_204 = vector.broadcast %get3A_203 : vector<1x1xf32> to vector<2048x1xf32>
    %mul3A_205 = arith.mulf %mul3A_204, %slice3A_24 : vector<2048x1xf32>
    %add3A_206 = arith.addf %mul3A_200, %mul3A_205 : vector<2048x1xf32>
    %get3A_207 = arith.constant 2 : index
    %get3A_208 = arith.constant 2 : index
    %get3A_209 = vector.load %arg3[%get3A_207, %get3A_208] : memref<4x16xf32, #tpu.memory_space<vmem>>, vector<1x1xf32>
    %mul3A_210 = vector.broadcast %get3A_209 : vector<1x1xf32> to vector<2048x1xf32>
    %mul3A_211 = arith.mulf %mul3A_210, %slice3A_25 : vector<2048x1xf32>
    %add3A_212 = arith.addf %add3A_206, %mul3A_211 : vector<2048x1xf32>
    %get3A_213 = arith.constant 2 : index
    %get3A_214 = arith.constant 3 : index
    %get3A_215 = vector.load %arg3[%get3A_213, %get3A_214] : memref<4x16xf32, #tpu.memory_space<vmem>>, vector<1x1xf32>
    %add3A_216 = vector.broadcast %get3A_215 : vector<1x1xf32> to vector<2048x1xf32>
    %add3A_217 = arith.addf %add3A_212, %add3A_216 : vector<2048x1xf32>
    %get3A_218 = arith.constant 2 : index
    %get3A_219 = arith.constant 4 : index
    %get3A_220 = vector.load %arg3[%get3A_218, %get3A_219] : memref<4x16xf32, #tpu.memory_space<vmem>>, vector<1x1xf32>
    %mul3A_221 = vector.broadcast %get3A_220 : vector<1x1xf32> to vector<2048x1xf32>
    %mul3A_222 = arith.mulf %mul3A_221, %slice3A : vector<2048x1xf32>
    %get3A_223 = arith.constant 2 : index
    %get3A_224 = arith.constant 5 : index
    %get3A_225 = vector.load %arg3[%get3A_223, %get3A_224] : memref<4x16xf32, #tpu.memory_space<vmem>>, vector<1x1xf32>
    %mul3A_226 = vector.broadcast %get3A_225 : vector<1x1xf32> to vector<2048x1xf32>
    %mul3A_227 = arith.mulf %mul3A_226, %slice3A_24 : vector<2048x1xf32>
    %add3A_228 = arith.addf %mul3A_222, %mul3A_227 : vector<2048x1xf32>
    %get3A_229 = arith.constant 2 : index
    %get3A_230 = arith.constant 6 : index
    %get3A_231 = vector.load %arg3[%get3A_229, %get3A_230] : memref<4x16xf32, #tpu.memory_space<vmem>>, vector<1x1xf32>
    %mul3A_232 = vector.broadcast %get3A_231 : vector<1x1xf32> to vector<2048x1xf32>
    %mul3A_233 = arith.mulf %mul3A_232, %slice3A_25 : vector<2048x1xf32>
    %add3A_234 = arith.addf %add3A_228, %mul3A_233 : vector<2048x1xf32>
    %get3A_235 = arith.constant 2 : index
    %get3A_236 = arith.constant 7 : index
    %get3A_237 = vector.load %arg3[%get3A_235, %get3A_236] : memref<4x16xf32, #tpu.memory_space<vmem>>, vector<1x1xf32>
    %add3A_238 = vector.broadcast %get3A_237 : vector<1x1xf32> to vector<2048x1xf32>
    %add3A_239 = arith.addf %add3A_234, %add3A_238 : vector<2048x1xf32>
    %get3A_240 = arith.constant 2 : index
    %get3A_241 = arith.constant 8 : index
    %get3A_242 = vector.load %arg3[%get3A_240, %get3A_241] : memref<4x16xf32, #tpu.memory_space<vmem>>, vector<1x1xf32>
    %mul3A_243 = vector.broadcast %get3A_242 : vector<1x1xf32> to vector<2048x1xf32>
    %mul3A_244 = arith.mulf %mul3A_243, %slice3A : vector<2048x1xf32>
    %get3A_245 = arith.constant 2 : index
    %get3A_246 = arith.constant 9 : index
    %get3A_247 = vector.load %arg3[%get3A_245, %get3A_246] : memref<4x16xf32, #tpu.memory_space<vmem>>, vector<1x1xf32>
    %mul3A_248 = vector.broadcast %get3A_247 : vector<1x1xf32> to vector<2048x1xf32>
    %mul3A_249 = arith.mulf %mul3A_248, %slice3A_24 : vector<2048x1xf32>
    %add3A_250 = arith.addf %mul3A_244, %mul3A_249 : vector<2048x1xf32>
    %get3A_251 = arith.constant 2 : index
    %get3A_252 = arith.constant 10 : index
    %get3A_253 = vector.load %arg3[%get3A_251, %get3A_252] : memref<4x16xf32, #tpu.memory_space<vmem>>, vector<1x1xf32>
    %mul3A_254 = vector.broadcast %get3A_253 : vector<1x1xf32> to vector<2048x1xf32>
    %mul3A_255 = arith.mulf %mul3A_254, %slice3A_25 : vector<2048x1xf32>
    %add3A_256 = arith.addf %add3A_250, %mul3A_255 : vector<2048x1xf32>
    %get3A_257 = arith.constant 2 : index
    %get3A_258 = arith.constant 11 : index
    %get3A_259 = vector.load %arg3[%get3A_257, %get3A_258] : memref<4x16xf32, #tpu.memory_space<vmem>>, vector<1x1xf32>
    %add3A_260 = vector.broadcast %get3A_259 : vector<1x1xf32> to vector<2048x1xf32>
    %add3A_261 = arith.addf %add3A_256, %add3A_260 : vector<2048x1xf32>
    %mul3A_262 = arith.mulf %convert_element_type3A_195, %add3A_217 : vector<2048x1xf32>
    %add3A_263 = arith.addf %add3A_186, %mul3A_262 : vector<2048x1xf32>
    %mul3A_264 = arith.mulf %convert_element_type3A_195, %add3A_239 : vector<2048x1xf32>
    %add3A_265 = arith.addf %add3A_188, %mul3A_264 : vector<2048x1xf32>
    %mul3A_266 = arith.mulf %convert_element_type3A_195, %add3A_261 : vector<2048x1xf32>
    %add3A_267 = arith.addf %add3A_190, %mul3A_266 : vector<2048x1xf32>
    %eq3A_268 = arith.constant 3.000000e+00 : f32
    %eq3A_269 = vector.broadcast %eq3A_268 : f32 to vector<2048x1xf32>
    %eq3A_270 = arith.cmpf oeq, %get3A_10, %eq3A_269 : vector<2048x1xf32>
    %convert_element_type3A_271 = arith.extui %eq3A_270 : vector<2048x1xi1> to vector<2048x1xi32>
    %convert_element_type3A_272 = arith.sitofp %convert_element_type3A_271 : vector<2048x1xi32> to vector<2048x1xf32>
    %get3A_273 = arith.constant 3 : index
    %get3A_274 = arith.constant 0 : index
    %get3A_275 = vector.load %arg3[%get3A_273, %get3A_274] : memref<4x16xf32, #tpu.memory_space<vmem>>, vector<1x1xf32>
    %mul3A_276 = vector.broadcast %get3A_275 : vector<1x1xf32> to vector<2048x1xf32>
    %mul3A_277 = arith.mulf %mul3A_276, %slice3A : vector<2048x1xf32>
    %get3A_278 = arith.constant 3 : index
    %get3A_279 = arith.constant 1 : index
    %get3A_280 = vector.load %arg3[%get3A_278, %get3A_279] : memref<4x16xf32, #tpu.memory_space<vmem>>, vector<1x1xf32>
    %mul3A_281 = vector.broadcast %get3A_280 : vector<1x1xf32> to vector<2048x1xf32>
    %mul3A_282 = arith.mulf %mul3A_281, %slice3A_24 : vector<2048x1xf32>
    %add3A_283 = arith.addf %mul3A_277, %mul3A_282 : vector<2048x1xf32>
    %get3A_284 = arith.constant 3 : index
    %get3A_285 = arith.constant 2 : index
    %get3A_286 = vector.load %arg3[%get3A_284, %get3A_285] : memref<4x16xf32, #tpu.memory_space<vmem>>, vector<1x1xf32>
    %mul3A_287 = vector.broadcast %get3A_286 : vector<1x1xf32> to vector<2048x1xf32>
    %mul3A_288 = arith.mulf %mul3A_287, %slice3A_25 : vector<2048x1xf32>
    %add3A_289 = arith.addf %add3A_283, %mul3A_288 : vector<2048x1xf32>
    %get3A_290 = arith.constant 3 : index
    %get3A_291 = arith.constant 3 : index
    %get3A_292 = vector.load %arg3[%get3A_290, %get3A_291] : memref<4x16xf32, #tpu.memory_space<vmem>>, vector<1x1xf32>
    %add3A_293 = vector.broadcast %get3A_292 : vector<1x1xf32> to vector<2048x1xf32>
    %add3A_294 = arith.addf %add3A_289, %add3A_293 : vector<2048x1xf32>
    %get3A_295 = arith.constant 3 : index
    %get3A_296 = arith.constant 4 : index
    %get3A_297 = vector.load %arg3[%get3A_295, %get3A_296] : memref<4x16xf32, #tpu.memory_space<vmem>>, vector<1x1xf32>
    %mul3A_298 = vector.broadcast %get3A_297 : vector<1x1xf32> to vector<2048x1xf32>
    %mul3A_299 = arith.mulf %mul3A_298, %slice3A : vector<2048x1xf32>
    %get3A_300 = arith.constant 3 : index
    %get3A_301 = arith.constant 5 : index
    %get3A_302 = vector.load %arg3[%get3A_300, %get3A_301] : memref<4x16xf32, #tpu.memory_space<vmem>>, vector<1x1xf32>
    %mul3A_303 = vector.broadcast %get3A_302 : vector<1x1xf32> to vector<2048x1xf32>
    %mul3A_304 = arith.mulf %mul3A_303, %slice3A_24 : vector<2048x1xf32>
    %add3A_305 = arith.addf %mul3A_299, %mul3A_304 : vector<2048x1xf32>
    %get3A_306 = arith.constant 3 : index
    %get3A_307 = arith.constant 6 : index
    %get3A_308 = vector.load %arg3[%get3A_306, %get3A_307] : memref<4x16xf32, #tpu.memory_space<vmem>>, vector<1x1xf32>
    %mul3A_309 = vector.broadcast %get3A_308 : vector<1x1xf32> to vector<2048x1xf32>
    %mul3A_310 = arith.mulf %mul3A_309, %slice3A_25 : vector<2048x1xf32>
    %add3A_311 = arith.addf %add3A_305, %mul3A_310 : vector<2048x1xf32>
    %get3A_312 = arith.constant 3 : index
    %get3A_313 = arith.constant 7 : index
    %get3A_314 = vector.load %arg3[%get3A_312, %get3A_313] : memref<4x16xf32, #tpu.memory_space<vmem>>, vector<1x1xf32>
    %add3A_315 = vector.broadcast %get3A_314 : vector<1x1xf32> to vector<2048x1xf32>
    %add3A_316 = arith.addf %add3A_311, %add3A_315 : vector<2048x1xf32>
    %get3A_317 = arith.constant 3 : index
    %get3A_318 = arith.constant 8 : index
    %get3A_319 = vector.load %arg3[%get3A_317, %get3A_318] : memref<4x16xf32, #tpu.memory_space<vmem>>, vector<1x1xf32>
    %mul3A_320 = vector.broadcast %get3A_319 : vector<1x1xf32> to vector<2048x1xf32>
    %mul3A_321 = arith.mulf %mul3A_320, %slice3A : vector<2048x1xf32>
    %get3A_322 = arith.constant 3 : index
    %get3A_323 = arith.constant 9 : index
    %get3A_324 = vector.load %arg3[%get3A_322, %get3A_323] : memref<4x16xf32, #tpu.memory_space<vmem>>, vector<1x1xf32>
    %mul3A_325 = vector.broadcast %get3A_324 : vector<1x1xf32> to vector<2048x1xf32>
    %mul3A_326 = arith.mulf %mul3A_325, %slice3A_24 : vector<2048x1xf32>
    %add3A_327 = arith.addf %mul3A_321, %mul3A_326 : vector<2048x1xf32>
    %get3A_328 = arith.constant 3 : index
    %get3A_329 = arith.constant 10 : index
    %get3A_330 = vector.load %arg3[%get3A_328, %get3A_329] : memref<4x16xf32, #tpu.memory_space<vmem>>, vector<1x1xf32>
    %mul3A_331 = vector.broadcast %get3A_330 : vector<1x1xf32> to vector<2048x1xf32>
    %mul3A_332 = arith.mulf %mul3A_331, %slice3A_25 : vector<2048x1xf32>
    %add3A_333 = arith.addf %add3A_327, %mul3A_332 : vector<2048x1xf32>
    %get3A_334 = arith.constant 3 : index
    %get3A_335 = arith.constant 11 : index
    %get3A_336 = vector.load %arg3[%get3A_334, %get3A_335] : memref<4x16xf32, #tpu.memory_space<vmem>>, vector<1x1xf32>
    %add3A_337 = vector.broadcast %get3A_336 : vector<1x1xf32> to vector<2048x1xf32>
    %add3A_338 = arith.addf %add3A_333, %add3A_337 : vector<2048x1xf32>
    %mul3A_339 = arith.mulf %convert_element_type3A_272, %add3A_294 : vector<2048x1xf32>
    %add3A_340 = arith.addf %add3A_263, %mul3A_339 : vector<2048x1xf32>
    %mul3A_341 = arith.mulf %convert_element_type3A_272, %add3A_316 : vector<2048x1xf32>
    %add3A_342 = arith.addf %add3A_265, %mul3A_341 : vector<2048x1xf32>
    %mul3A_343 = arith.mulf %convert_element_type3A_272, %add3A_338 : vector<2048x1xf32>
    %add3A_344 = arith.addf %add3A_267, %mul3A_343 : vector<2048x1xf32>
    %max3A_345 = arith.constant 9.99999974E-6 : f32
    %max3A_346 = vector.broadcast %max3A_345 : f32 to vector<2048x1xf32>
    %max3A_347 = arith.maximumf %add3A_344, %max3A_346 : vector<2048x1xf32>
    %div3A_348 = arith.divf %add3A_340, %max3A_347 : vector<2048x1xf32>
    %div3A_349 = arith.divf %add3A_342, %max3A_347 : vector<2048x1xf32>
    %mul3A_350 = arith.constant 1.250000e-01 : f32
    %mul3A_351 = vector.broadcast %mul3A_350 : f32 to vector<2048x1xf32>
    %mul3A_352 = arith.mulf %div3A_348, %mul3A_351 : vector<2048x1xf32>
    %mul3A_353 = arith.constant 1.250000e-01 : f32
    %mul3A_354 = vector.broadcast %mul3A_353 : f32 to vector<2048x1xf32>
    %mul3A_355 = arith.mulf %div3A_349, %mul3A_354 : vector<2048x1xf32>
    %div3A_356 = arith.constant 1.590000e+02 : f32
    %div3A_357 = vector.broadcast %div3A_356 : f32 to vector<2048x1xf32>
    %div3A_358 = arith.divf %mul3A_352, %div3A_357 : vector<2048x1xf32>
    %mul3A_359 = arith.constant 2.000000e+00 : f32
    %mul3A_360 = vector.broadcast %mul3A_359 : f32 to vector<2048x1xf32>
    %mul3A_361 = arith.mulf %mul3A_360, %div3A_358 : vector<2048x1xf32>
    %sub3A = arith.constant 1.000000e+00 : f32
    %sub3A_362 = vector.broadcast %sub3A : f32 to vector<2048x1xf32>
    %sub3A_363 = arith.subf %mul3A_361, %sub3A_362 : vector<2048x1xf32>
    %div3A_364 = arith.constant 4.700000e+01 : f32
    %div3A_365 = vector.broadcast %div3A_364 : f32 to vector<2048x1xf32>
    %div3A_366 = arith.divf %mul3A_355, %div3A_365 : vector<2048x1xf32>
    %mul3A_367 = arith.constant 2.000000e+00 : f32
    %mul3A_368 = vector.broadcast %mul3A_367 : f32 to vector<2048x1xf32>
    %mul3A_369 = arith.mulf %mul3A_368, %div3A_366 : vector<2048x1xf32>
    %sub3A_370 = arith.constant 1.000000e+00 : f32
    %sub3A_371 = vector.broadcast %sub3A_370 : f32 to vector<2048x1xf32>
    %sub3A_372 = arith.subf %mul3A_369, %sub3A_371 : vector<2048x1xf32>
    %gt3A = arith.constant 9.99999974E-6 : f32
    %gt3A_373 = vector.broadcast %gt3A : f32 to vector<2048x1xf32>
    %gt3A_374 = arith.cmpf ogt, %add3A_344, %gt3A_373 : vector<2048x1xf32>
    %abs3A = math.absf %sub3A_363 : vector<2048x1xf32>
    %le3A = arith.constant 1.000000e+00 : f32
    %le3A_375 = vector.broadcast %le3A : f32 to vector<2048x1xf32>
    %le3A_376 = arith.cmpf ole, %abs3A, %le3A_375 : vector<2048x1xf32>
    %and3A = arith.andi %gt3A_374, %le3A_376 : vector<2048x1xi1>
    %abs3A_377 = math.absf %sub3A_372 : vector<2048x1xf32>
    %le3A_378 = arith.constant 1.000000e+00 : f32
    %le3A_379 = vector.broadcast %le3A_378 : f32 to vector<2048x1xf32>
    %le3A_380 = arith.cmpf ole, %abs3A_377, %le3A_379 : vector<2048x1xf32>
    %and3A_381 = arith.andi %and3A, %le3A_380 : vector<2048x1xi1>
    %convert_element_type3A_382 = arith.extui %and3A_381 : vector<2048x1xi1> to vector<2048x1xi32>
    %convert_element_type3A_383 = arith.sitofp %convert_element_type3A_382 : vector<2048x1xi32> to vector<2048x1xf32>
    %add3A_384 = arith.constant 1.000000e+00 : f32
    %add3A_385 = vector.broadcast %add3A_384 : f32 to vector<2048x1xf32>
    %add3A_386 = arith.addf %sub3A_363, %add3A_385 : vector<2048x1xf32>
    %mul3A_387 = arith.constant 5.000000e-01 : f32
    %mul3A_388 = vector.broadcast %mul3A_387 : f32 to vector<2048x1xf32>
    %mul3A_389 = arith.mulf %add3A_386, %mul3A_388 : vector<2048x1xf32>
    %mul3A_390 = arith.constant 1.590000e+02 : f32
    %mul3A_391 = vector.broadcast %mul3A_390 : f32 to vector<2048x1xf32>
    %mul3A_392 = arith.mulf %mul3A_389, %mul3A_391 : vector<2048x1xf32>
    %add3A_393 = arith.constant 1.000000e+00 : f32
    %add3A_394 = vector.broadcast %add3A_393 : f32 to vector<2048x1xf32>
    %add3A_395 = arith.addf %sub3A_372, %add3A_394 : vector<2048x1xf32>
    %mul3A_396 = arith.constant 5.000000e-01 : f32
    %mul3A_397 = vector.broadcast %mul3A_396 : f32 to vector<2048x1xf32>
    %mul3A_398 = arith.mulf %add3A_395, %mul3A_397 : vector<2048x1xf32>
    %mul3A_399 = arith.constant 4.700000e+01 : f32
    %mul3A_400 = vector.broadcast %mul3A_399 : f32 to vector<2048x1xf32>
    %mul3A_401 = arith.mulf %mul3A_398, %mul3A_400 : vector<2048x1xf32>
    %floor3A = math.floor %mul3A_392 : vector<2048x1xf32>
    %floor3A_402 = math.floor %mul3A_401 : vector<2048x1xf32>
    %add3A_403 = arith.constant 1.000000e+00 : f32
    %add3A_404 = vector.broadcast %add3A_403 : f32 to vector<2048x1xf32>
    %add3A_405 = arith.addf %floor3A, %add3A_404 : vector<2048x1xf32>
    %add3A_406 = arith.constant 1.000000e+00 : f32
    %add3A_407 = vector.broadcast %add3A_406 : f32 to vector<2048x1xf32>
    %add3A_408 = arith.addf %floor3A_402, %add3A_407 : vector<2048x1xf32>
    %sub3A_409 = arith.subf %mul3A_392, %floor3A : vector<2048x1xf32>
    %sub3A_410 = arith.constant 1.000000e+00 : f32
    %sub3A_411 = vector.broadcast %sub3A_410 : f32 to vector<2048x1xf32>
    %sub3A_412 = arith.subf %sub3A_411, %sub3A_409 : vector<2048x1xf32>
    %sub3A_413 = arith.subf %mul3A_401, %floor3A_402 : vector<2048x1xf32>
    %sub3A_414 = arith.constant 1.000000e+00 : f32
    %sub3A_415 = vector.broadcast %sub3A_414 : f32 to vector<2048x1xf32>
    %sub3A_416 = arith.subf %sub3A_415, %sub3A_413 : vector<2048x1xf32>
    %jit3A_417 = arith.constant 0.000000e+00 : f32
    %jit3A_418 = arith.constant 1.590000e+02 : f32
    %max3A_419 = vector.broadcast %jit3A_417 : f32 to vector<2048x1xf32>
    %max3A_420 = arith.maximumf %max3A_419, %floor3A : vector<2048x1xf32>
    %min3A_421 = vector.broadcast %jit3A_418 : f32 to vector<2048x1xf32>
    %min3A_422 = arith.minimumf %min3A_421, %max3A_420 : vector<2048x1xf32>
    %jit3A_423 = arith.constant 0.000000e+00 : f32
    %jit3A_424 = arith.constant 4.700000e+01 : f32
    %max3A_425 = vector.broadcast %jit3A_423 : f32 to vector<2048x1xf32>
    %max3A_426 = arith.maximumf %max3A_425, %floor3A_402 : vector<2048x1xf32>
    %min3A_427 = vector.broadcast %jit3A_424 : f32 to vector<2048x1xf32>
    %min3A_428 = arith.minimumf %min3A_427, %max3A_426 : vector<2048x1xf32>
    %mul3A_429 = arith.constant 7.680000e+03 : f32
    %mul3A_430 = vector.broadcast %mul3A_429 : f32 to vector<2048x1xf32>
    %mul3A_431 = arith.mulf %get3A_10, %mul3A_430 : vector<2048x1xf32>
    %mul3A_432 = arith.constant 1.600000e+02 : f32
    %mul3A_433 = vector.broadcast %mul3A_432 : f32 to vector<2048x1xf32>
    %mul3A_434 = arith.mulf %min3A_428, %mul3A_433 : vector<2048x1xf32>
    %add3A_435 = arith.addf %mul3A_431, %mul3A_434 : vector<2048x1xf32>
    %add3A_436 = arith.addf %add3A_435, %min3A_422 : vector<2048x1xf32>
    %convert_element_type3A_437 = arith.fptosi %add3A_436 : vector<2048x1xf32> to vector<2048x1xi32>
    %broadcast_in_dim3A_438 = arith.constant 0.000000e+00 : f32
    %broadcast_in_dim3A_439 = vector.broadcast %broadcast_in_dim3A_438 : f32 to vector<2048x1xf32>
    %broadcast_in_dim3A_440 = arith.constant 1.000000e+00 : f32
    %broadcast_in_dim3A_441 = vector.broadcast %broadcast_in_dim3A_440 : f32 to vector<1x16xf32>
    %add3A_442 = arith.constant 0.000000e+00 : f32
    %add3A_443 = vector.broadcast %add3A_442 : f32 to vector<2048x1xf32>
    %add3A_444 = arith.addf %min3A_422, %add3A_443 : vector<2048x1xf32>
    %ge3A = arith.constant 0.000000e+00 : f32
    %ge3A_445 = vector.broadcast %ge3A : f32 to vector<2048x1xf32>
    %ge3A_446 = arith.cmpf oge, %floor3A, %ge3A_445 : vector<2048x1xf32>
    %le3A_447 = arith.constant 1.590000e+02 : f32
    %le3A_448 = vector.broadcast %le3A_447 : f32 to vector<2048x1xf32>
    %le3A_449 = arith.cmpf ole, %floor3A, %le3A_448 : vector<2048x1xf32>
    %and3A_450 = arith.andi %ge3A_446, %le3A_449 : vector<2048x1xi1>
    %ge3A_451 = arith.constant 0.000000e+00 : f32
    %ge3A_452 = vector.broadcast %ge3A_451 : f32 to vector<2048x1xf32>
    %ge3A_453 = arith.cmpf oge, %add3A_405, %ge3A_452 : vector<2048x1xf32>
    %le3A_454 = arith.constant 1.590000e+02 : f32
    %le3A_455 = vector.broadcast %le3A_454 : f32 to vector<2048x1xf32>
    %le3A_456 = arith.cmpf ole, %add3A_405, %le3A_455 : vector<2048x1xf32>
    %and3A_457 = arith.andi %ge3A_453, %le3A_456 : vector<2048x1xi1>
    %eq3A_458 = arith.cmpf oeq, %add3A_444, %floor3A : vector<2048x1xf32>
    %and3A_459 = arith.andi %eq3A_458, %and3A_450 : vector<2048x1xi1>
    %select_n3A = arith.select %and3A_459, %sub3A_412, %broadcast_in_dim3A_439 : vector<2048x1xi1>, vector<2048x1xf32>
    %eq3A_460 = arith.cmpf oeq, %add3A_444, %add3A_405 : vector<2048x1xf32>
    %and3A_461 = arith.andi %eq3A_460, %and3A_457 : vector<2048x1xi1>
    %select_n3A_462 = arith.select %and3A_461, %sub3A_409, %broadcast_in_dim3A_439 : vector<2048x1xi1>, vector<2048x1xf32>
    %add3A_463 = arith.addf %select_n3A, %select_n3A_462 : vector<2048x1xf32>
    %add3A_464 = arith.constant 0.000000e+00 : f32
    %add3A_465 = vector.broadcast %add3A_464 : f32 to vector<2048x1xf32>
    %add3A_466 = arith.addf %min3A_428, %add3A_465 : vector<2048x1xf32>
    %ge3A_467 = arith.constant 0.000000e+00 : f32
    %ge3A_468 = vector.broadcast %ge3A_467 : f32 to vector<2048x1xf32>
    %ge3A_469 = arith.cmpf oge, %floor3A_402, %ge3A_468 : vector<2048x1xf32>
    %le3A_470 = arith.constant 4.700000e+01 : f32
    %le3A_471 = vector.broadcast %le3A_470 : f32 to vector<2048x1xf32>
    %le3A_472 = arith.cmpf ole, %floor3A_402, %le3A_471 : vector<2048x1xf32>
    %and3A_473 = arith.andi %ge3A_469, %le3A_472 : vector<2048x1xi1>
    %ge3A_474 = arith.constant 0.000000e+00 : f32
    %ge3A_475 = vector.broadcast %ge3A_474 : f32 to vector<2048x1xf32>
    %ge3A_476 = arith.cmpf oge, %add3A_408, %ge3A_475 : vector<2048x1xf32>
    %le3A_477 = arith.constant 4.700000e+01 : f32
    %le3A_478 = vector.broadcast %le3A_477 : f32 to vector<2048x1xf32>
    %le3A_479 = arith.cmpf ole, %add3A_408, %le3A_478 : vector<2048x1xf32>
    %and3A_480 = arith.andi %ge3A_476, %le3A_479 : vector<2048x1xi1>
    %eq3A_481 = arith.cmpf oeq, %add3A_466, %floor3A_402 : vector<2048x1xf32>
    %and3A_482 = arith.andi %eq3A_481, %and3A_473 : vector<2048x1xi1>
    %select_n3A_483 = arith.select %and3A_482, %sub3A_416, %broadcast_in_dim3A_439 : vector<2048x1xi1>, vector<2048x1xf32>
    %eq3A_484 = arith.cmpf oeq, %add3A_466, %add3A_408 : vector<2048x1xf32>
    %and3A_485 = arith.andi %eq3A_484, %and3A_480 : vector<2048x1xi1>
    %select_n3A_486 = arith.select %and3A_485, %sub3A_413, %broadcast_in_dim3A_439 : vector<2048x1xi1>, vector<2048x1xf32>
    %add3A_487 = arith.addf %select_n3A_483, %select_n3A_486 : vector<2048x1xf32>
    %mul3A_488 = arith.mulf %add3A_463, %add3A_487 : vector<2048x1xf32>
    %mul3A_489 = vector.broadcast %mul3A_488 : vector<2048x1xf32> to vector<2048x16xf32>
    %mul3A_490 = vector.broadcast %broadcast_in_dim3A_441 : vector<1x16xf32> to vector<2048x16xf32>
    %mul3A_491 = arith.mulf %mul3A_489, %mul3A_490 : vector<2048x16xf32>
    %add3A_492 = arith.constant 1.000000e+00 : f32
    %add3A_493 = vector.broadcast %add3A_492 : f32 to vector<2048x1xf32>
    %add3A_494 = arith.addf %min3A_428, %add3A_493 : vector<2048x1xf32>
    %ge3A_495 = arith.constant 0.000000e+00 : f32
    %ge3A_496 = vector.broadcast %ge3A_495 : f32 to vector<2048x1xf32>
    %ge3A_497 = arith.cmpf oge, %floor3A_402, %ge3A_496 : vector<2048x1xf32>
    %le3A_498 = arith.constant 4.700000e+01 : f32
    %le3A_499 = vector.broadcast %le3A_498 : f32 to vector<2048x1xf32>
    %le3A_500 = arith.cmpf ole, %floor3A_402, %le3A_499 : vector<2048x1xf32>
    %and3A_501 = arith.andi %ge3A_497, %le3A_500 : vector<2048x1xi1>
    %ge3A_502 = arith.constant 0.000000e+00 : f32
    %ge3A_503 = vector.broadcast %ge3A_502 : f32 to vector<2048x1xf32>
    %ge3A_504 = arith.cmpf oge, %add3A_408, %ge3A_503 : vector<2048x1xf32>
    %le3A_505 = arith.constant 4.700000e+01 : f32
    %le3A_506 = vector.broadcast %le3A_505 : f32 to vector<2048x1xf32>
    %le3A_507 = arith.cmpf ole, %add3A_408, %le3A_506 : vector<2048x1xf32>
    %and3A_508 = arith.andi %ge3A_504, %le3A_507 : vector<2048x1xi1>
    %eq3A_509 = arith.cmpf oeq, %add3A_494, %floor3A_402 : vector<2048x1xf32>
    %and3A_510 = arith.andi %eq3A_509, %and3A_501 : vector<2048x1xi1>
    %select_n3A_511 = arith.select %and3A_510, %sub3A_416, %broadcast_in_dim3A_439 : vector<2048x1xi1>, vector<2048x1xf32>
    %eq3A_512 = arith.cmpf oeq, %add3A_494, %add3A_408 : vector<2048x1xf32>
    %and3A_513 = arith.andi %eq3A_512, %and3A_508 : vector<2048x1xi1>
    %select_n3A_514 = arith.select %and3A_513, %sub3A_413, %broadcast_in_dim3A_439 : vector<2048x1xi1>, vector<2048x1xf32>
    %add3A_515 = arith.addf %select_n3A_511, %select_n3A_514 : vector<2048x1xf32>
    %mul3A_516 = arith.mulf %add3A_463, %add3A_515 : vector<2048x1xf32>
    %mul3A_517 = vector.broadcast %mul3A_516 : vector<2048x1xf32> to vector<2048x16xf32>
    %mul3A_518 = vector.broadcast %broadcast_in_dim3A_441 : vector<1x16xf32> to vector<2048x16xf32>
    %mul3A_519 = arith.mulf %mul3A_517, %mul3A_518 : vector<2048x16xf32>
    %add3A_520 = arith.constant 1.000000e+00 : f32
    %add3A_521 = vector.broadcast %add3A_520 : f32 to vector<2048x1xf32>
    %add3A_522 = arith.addf %min3A_422, %add3A_521 : vector<2048x1xf32>
    %ge3A_523 = arith.constant 0.000000e+00 : f32
    %ge3A_524 = vector.broadcast %ge3A_523 : f32 to vector<2048x1xf32>
    %ge3A_525 = arith.cmpf oge, %floor3A, %ge3A_524 : vector<2048x1xf32>
    %le3A_526 = arith.constant 1.590000e+02 : f32
    %le3A_527 = vector.broadcast %le3A_526 : f32 to vector<2048x1xf32>
    %le3A_528 = arith.cmpf ole, %floor3A, %le3A_527 : vector<2048x1xf32>
    %and3A_529 = arith.andi %ge3A_525, %le3A_528 : vector<2048x1xi1>
    %ge3A_530 = arith.constant 0.000000e+00 : f32
    %ge3A_531 = vector.broadcast %ge3A_530 : f32 to vector<2048x1xf32>
    %ge3A_532 = arith.cmpf oge, %add3A_405, %ge3A_531 : vector<2048x1xf32>
    %le3A_533 = arith.constant 1.590000e+02 : f32
    %le3A_534 = vector.broadcast %le3A_533 : f32 to vector<2048x1xf32>
    %le3A_535 = arith.cmpf ole, %add3A_405, %le3A_534 : vector<2048x1xf32>
    %and3A_536 = arith.andi %ge3A_532, %le3A_535 : vector<2048x1xi1>
    %eq3A_537 = arith.cmpf oeq, %add3A_522, %floor3A : vector<2048x1xf32>
    %and3A_538 = arith.andi %eq3A_537, %and3A_529 : vector<2048x1xi1>
    %select_n3A_539 = arith.select %and3A_538, %sub3A_412, %broadcast_in_dim3A_439 : vector<2048x1xi1>, vector<2048x1xf32>
    %eq3A_540 = arith.cmpf oeq, %add3A_522, %add3A_405 : vector<2048x1xf32>
    %and3A_541 = arith.andi %eq3A_540, %and3A_536 : vector<2048x1xi1>
    %select_n3A_542 = arith.select %and3A_541, %sub3A_409, %broadcast_in_dim3A_439 : vector<2048x1xi1>, vector<2048x1xf32>
    %add3A_543 = arith.addf %select_n3A_539, %select_n3A_542 : vector<2048x1xf32>
    %add3A_544 = arith.constant 0.000000e+00 : f32
    %add3A_545 = vector.broadcast %add3A_544 : f32 to vector<2048x1xf32>
    %add3A_546 = arith.addf %min3A_428, %add3A_545 : vector<2048x1xf32>
    %ge3A_547 = arith.constant 0.000000e+00 : f32
    %ge3A_548 = vector.broadcast %ge3A_547 : f32 to vector<2048x1xf32>
    %ge3A_549 = arith.cmpf oge, %floor3A_402, %ge3A_548 : vector<2048x1xf32>
    %le3A_550 = arith.constant 4.700000e+01 : f32
    %le3A_551 = vector.broadcast %le3A_550 : f32 to vector<2048x1xf32>
    %le3A_552 = arith.cmpf ole, %floor3A_402, %le3A_551 : vector<2048x1xf32>
    %and3A_553 = arith.andi %ge3A_549, %le3A_552 : vector<2048x1xi1>
    %ge3A_554 = arith.constant 0.000000e+00 : f32
    %ge3A_555 = vector.broadcast %ge3A_554 : f32 to vector<2048x1xf32>
    %ge3A_556 = arith.cmpf oge, %add3A_408, %ge3A_555 : vector<2048x1xf32>
    %le3A_557 = arith.constant 4.700000e+01 : f32
    %le3A_558 = vector.broadcast %le3A_557 : f32 to vector<2048x1xf32>
    %le3A_559 = arith.cmpf ole, %add3A_408, %le3A_558 : vector<2048x1xf32>
    %and3A_560 = arith.andi %ge3A_556, %le3A_559 : vector<2048x1xi1>
    %eq3A_561 = arith.cmpf oeq, %add3A_546, %floor3A_402 : vector<2048x1xf32>
    %and3A_562 = arith.andi %eq3A_561, %and3A_553 : vector<2048x1xi1>
    %select_n3A_563 = arith.select %and3A_562, %sub3A_416, %broadcast_in_dim3A_439 : vector<2048x1xi1>, vector<2048x1xf32>
    %eq3A_564 = arith.cmpf oeq, %add3A_546, %add3A_408 : vector<2048x1xf32>
    %and3A_565 = arith.andi %eq3A_564, %and3A_560 : vector<2048x1xi1>
    %select_n3A_566 = arith.select %and3A_565, %sub3A_413, %broadcast_in_dim3A_439 : vector<2048x1xi1>, vector<2048x1xf32>
    %add3A_567 = arith.addf %select_n3A_563, %select_n3A_566 : vector<2048x1xf32>
    %mul3A_568 = arith.mulf %add3A_543, %add3A_567 : vector<2048x1xf32>
    %mul3A_569 = vector.broadcast %mul3A_568 : vector<2048x1xf32> to vector<2048x16xf32>
    %mul3A_570 = vector.broadcast %broadcast_in_dim3A_441 : vector<1x16xf32> to vector<2048x16xf32>
    %mul3A_571 = arith.mulf %mul3A_569, %mul3A_570 : vector<2048x16xf32>
    %add3A_572 = arith.constant 1.000000e+00 : f32
    %add3A_573 = vector.broadcast %add3A_572 : f32 to vector<2048x1xf32>
    %add3A_574 = arith.addf %min3A_428, %add3A_573 : vector<2048x1xf32>
    %ge3A_575 = arith.constant 0.000000e+00 : f32
    %ge3A_576 = vector.broadcast %ge3A_575 : f32 to vector<2048x1xf32>
    %ge3A_577 = arith.cmpf oge, %floor3A_402, %ge3A_576 : vector<2048x1xf32>
    %le3A_578 = arith.constant 4.700000e+01 : f32
    %le3A_579 = vector.broadcast %le3A_578 : f32 to vector<2048x1xf32>
    %le3A_580 = arith.cmpf ole, %floor3A_402, %le3A_579 : vector<2048x1xf32>
    %and3A_581 = arith.andi %ge3A_577, %le3A_580 : vector<2048x1xi1>
    %ge3A_582 = arith.constant 0.000000e+00 : f32
    %ge3A_583 = vector.broadcast %ge3A_582 : f32 to vector<2048x1xf32>
    %ge3A_584 = arith.cmpf oge, %add3A_408, %ge3A_583 : vector<2048x1xf32>
    %le3A_585 = arith.constant 4.700000e+01 : f32
    %le3A_586 = vector.broadcast %le3A_585 : f32 to vector<2048x1xf32>
    %le3A_587 = arith.cmpf ole, %add3A_408, %le3A_586 : vector<2048x1xf32>
    %and3A_588 = arith.andi %ge3A_584, %le3A_587 : vector<2048x1xi1>
    %eq3A_589 = arith.cmpf oeq, %add3A_574, %floor3A_402 : vector<2048x1xf32>
    %and3A_590 = arith.andi %eq3A_589, %and3A_581 : vector<2048x1xi1>
    %select_n3A_591 = arith.select %and3A_590, %sub3A_416, %broadcast_in_dim3A_439 : vector<2048x1xi1>, vector<2048x1xf32>
    %eq3A_592 = arith.cmpf oeq, %add3A_574, %add3A_408 : vector<2048x1xf32>
    %and3A_593 = arith.andi %eq3A_592, %and3A_588 : vector<2048x1xi1>
    %select_n3A_594 = arith.select %and3A_593, %sub3A_413, %broadcast_in_dim3A_439 : vector<2048x1xi1>, vector<2048x1xf32>
    %add3A_595 = arith.addf %select_n3A_591, %select_n3A_594 : vector<2048x1xf32>
    %mul3A_596 = arith.mulf %add3A_543, %add3A_595 : vector<2048x1xf32>
    %mul3A_597 = vector.broadcast %mul3A_596 : vector<2048x1xf32> to vector<2048x16xf32>
    %mul3A_598 = vector.broadcast %broadcast_in_dim3A_441 : vector<1x16xf32> to vector<2048x16xf32>
    %mul3A_599 = arith.mulf %mul3A_597, %mul3A_598 : vector<2048x16xf32>
    %concatenate3A_600 = tpu.concatenate %convert_element_type3A_437, %convert_element_type3A_437, %convert_element_type3A_437, %convert_element_type3A_437 in 1 : vector<2048x1xi32>, vector<2048x1xi32>, vector<2048x1xi32>, vector<2048x1xi32> -> vector<2048x4xi32>
    %swap3A = arith.constant 0 : index
    %swap3A_601 = arith.constant 0 : index
    %swap3A_602 = vector.load %arg14[%swap3A, %swap3A_601] : memref<2048x4xi32, #tpu.memory_space<vmem>>, vector<2048x4xi32>
    tpu.vector_store %arg14[%swap3A, %swap3A_601], %concatenate3A_600 {strides = array<i32>} : memref<2048x4xi32, #tpu.memory_space<vmem>>, vector<2048x4xi32>,
    %concatenate3A_603 = tpu.concatenate %mul3A_491, %mul3A_519, %mul3A_571, %mul3A_599 in 1 : vector<2048x16xf32>, vector<2048x16xf32>, vector<2048x16xf32>, vector<2048x16xf32> -> vector<2048x64xf32>
    %swap3A_604 = arith.constant 0 : index
    %swap3A_605 = arith.constant 0 : index
    %swap3A_606 = vector.load %arg15[%swap3A_604, %swap3A_605] : memref<2048x64xf32, #tpu.memory_space<vmem>>, vector<2048x64xf32>
    tpu.vector_store %arg15[%swap3A_604, %swap3A_605], %concatenate3A_603 {strides = array<i32>} : memref<2048x64xf32, #tpu.memory_space<vmem>>, vector<2048x64xf32>,
    %get3A_607 = arith.constant 0 : index
    %get3A_608 = arith.constant 0 : index
    %get3A_609 = vector.load %arg1[%get3A_607, %get3A_608] : memref<2048x128xf32, #tpu.memory_space<vmem>>, vector<2048x128xf32>
    %get3A_610 = arith.constant 0 : index
    %get3A_611 = arith.constant 0 : index
    %get3A_612 = vector.load %arg5[%get3A_610, %get3A_611] : memref<128x64xf32, #tpu.memory_space<vmem>>, vector<128x64xf32>
    %dot_general3A = arith.constant dense<0.000000e+00> : vector<2048x64xf32>
    %dot_general3A_613 = tpu.matmul %get3A_609, %get3A_612, %dot_general3A {dimension_numbers = #tpu.dot_dimension_numbers<[1], [0], [0], [1], [0, 0, 1, 1], [], []>, transpose_lhs_hint = false} : vector<2048x128xf32>, vector<128x64xf32>, vector<2048x64xf32> -> vector<2048x64xf32>
    %get3A_614 = arith.constant 0 : index
    %get3A_615 = arith.constant 0 : index
    %get3A_616 = vector.load %arg6[%get3A_614, %get3A_615] : memref<1x64xf32, #tpu.memory_space<vmem>>, vector<1x64xf32>
    %add3A_617 = vector.broadcast %get3A_616 : vector<1x64xf32> to vector<2048x64xf32>
    %add3A_618 = arith.addf %dot_general3A_613, %add3A_617 : vector<2048x64xf32>
    %max3A_619 = arith.constant 0.000000e+00 : f32
    %max3A_620 = vector.broadcast %max3A_619 : f32 to vector<2048x64xf32>
    %max3A_621 = arith.maximumf %add3A_618, %max3A_620 : vector<2048x64xf32>
    %get3A_622 = arith.constant 0 : index
    %get3A_623 = arith.constant 0 : index
    %get3A_624 = vector.load %arg7[%get3A_622, %get3A_623] : memref<1x64xf32, #tpu.memory_space<vmem>>, vector<1x64xf32>
    %mul3A_625 = vector.broadcast %get3A_624 : vector<1x64xf32> to vector<2048x64xf32>
    %mul3A_626 = arith.mulf %max3A_621, %mul3A_625 : vector<2048x64xf32>
    %reduce_sum3A = arith.constant dense<0.000000e+00> : vector<2048xf32>
    %reduce_sum3A_627 = vector.multi_reduction <add>, %mul3A_626, %reduce_sum3A [1] : vector<2048x64xf32> to vector<2048xf32>
    %broadcast_in_dim3A_628 = vector.shape_cast %reduce_sum3A_627 : vector<2048xf32> to vector<2048x1xf32>
    %get3A_629 = arith.constant 0 : index
    %get3A_630 = arith.constant 0 : index
    %get3A_631 = vector.load %arg8[%get3A_629, %get3A_630] : memref<1x1xf32, #tpu.memory_space<vmem>>, vector<1x1xf32>
    %add3A_632 = vector.broadcast %get3A_631 : vector<1x1xf32> to vector<2048x1xf32>
    %add3A_633 = arith.addf %broadcast_in_dim3A_628, %add3A_632 : vector<2048x1xf32>
    %logistic3A = arith.negf %add3A_633 : vector<2048x1xf32>
    %logistic3A_634 = math.exp %logistic3A : vector<2048x1xf32>
    %logistic3A_635 = arith.constant 1.000000e+00 : f32
    %logistic3A_636 = vector.broadcast %logistic3A_635 : f32 to vector<2048x1xf32>
    %logistic3A_637 = arith.addf %logistic3A_636, %logistic3A_634 : vector<2048x1xf32>
    %logistic3A_638 = arith.divf %logistic3A_636, %logistic3A_637 : vector<2048x1xf32>
    %get3A_639 = arith.constant 0 : index
    %get3A_640 = arith.constant 0 : index
    %get3A_641 = vector.load %arg9[%get3A_639, %get3A_640] : memref<128x64xf32, #tpu.memory_space<vmem>>, vector<128x64xf32>
    %dot_general3A_642 = arith.constant dense<0.000000e+00> : vector<2048x64xf32>
    %dot_general3A_643 = tpu.matmul %get3A_609, %get3A_641, %dot_general3A_642 {dimension_numbers = #tpu.dot_dimension_numbers<[1], [0], [0], [1], [0, 0, 1, 1], [], []>, transpose_lhs_hint = false} : vector<2048x128xf32>, vector<128x64xf32>, vector<2048x64xf32> -> vector<2048x64xf32>
    %get3A_644 = arith.constant 0 : index
    %get3A_645 = arith.constant 0 : index
    %get3A_646 = vector.load %arg10[%get3A_644, %get3A_645] : memref<3x64xf32, #tpu.memory_space<vmem>>, vector<1x64xf32>
    %mul3A_647 = vector.broadcast %min3A_33 : vector<2048x1xf32> to vector<2048x64xf32>
    %mul3A_648 = vector.broadcast %get3A_646 : vector<1x64xf32> to vector<2048x64xf32>
    %mul3A_649 = arith.mulf %mul3A_647, %mul3A_648 : vector<2048x64xf32>
    %add3A_650 = arith.addf %dot_general3A_643, %mul3A_649 : vector<2048x64xf32>
    %get3A_651 = arith.constant 1 : index
    %get3A_652 = arith.constant 0 : index
    %get3A_653 = vector.load %arg10[%get3A_651, %get3A_652] : memref<3x64xf32, #tpu.memory_space<vmem>>, vector<1x64xf32>
    %mul3A_654 = vector.broadcast %logistic3A_638 : vector<2048x1xf32> to vector<2048x64xf32>
    %mul3A_655 = vector.broadcast %get3A_653 : vector<1x64xf32> to vector<2048x64xf32>
    %mul3A_656 = arith.mulf %mul3A_654, %mul3A_655 : vector<2048x64xf32>
    %add3A_657 = arith.addf %add3A_650, %mul3A_656 : vector<2048x64xf32>
    %get3A_658 = arith.constant 2 : index
    %get3A_659 = arith.constant 0 : index
    %get3A_660 = vector.load %arg10[%get3A_658, %get3A_659] : memref<3x64xf32, #tpu.memory_space<vmem>>, vector<1x64xf32>
    %mul3A_661 = vector.broadcast %convert_element_type3A_383 : vector<2048x1xf32> to vector<2048x64xf32>
    %mul3A_662 = vector.broadcast %get3A_660 : vector<1x64xf32> to vector<2048x64xf32>
    %mul3A_663 = arith.mulf %mul3A_661, %mul3A_662 : vector<2048x64xf32>
    %add3A_664 = arith.addf %add3A_657, %mul3A_663 : vector<2048x64xf32>
    %get3A_665 = arith.constant 0 : index
    %get3A_666 = arith.constant 0 : index
    %get3A_667 = vector.load %arg11[%get3A_665, %get3A_666] : memref<1x64xf32, #tpu.memory_space<vmem>>, vector<1x64xf32>
    %add3A_668 = vector.broadcast %get3A_667 : vector<1x64xf32> to vector<2048x64xf32>
    %add3A_669 = arith.addf %add3A_664, %add3A_668 : vector<2048x64xf32>
    %max3A_670 = arith.constant 0.000000e+00 : f32
    %max3A_671 = vector.broadcast %max3A_670 : f32 to vector<2048x64xf32>
    %max3A_672 = arith.maximumf %add3A_669, %max3A_671 : vector<2048x64xf32>
    %get3A_673 = arith.constant 0 : index
    %get3A_674 = arith.constant 0 : index
    %get3A_675 = vector.load %arg12[%get3A_673, %get3A_674] : memref<3x64xf32, #tpu.memory_space<vmem>>, vector<1x64xf32>
    %mul3A_676 = vector.broadcast %get3A_675 : vector<1x64xf32> to vector<2048x64xf32>
    %mul3A_677 = arith.mulf %max3A_672, %mul3A_676 : vector<2048x64xf32>
    %reduce_sum3A_678 = arith.constant dense<0.000000e+00> : vector<2048xf32>
    %reduce_sum3A_679 = vector.multi_reduction <add>, %mul3A_677, %reduce_sum3A_678 [1] : vector<2048x64xf32> to vector<2048xf32>
    %broadcast_in_dim3A_680 = vector.shape_cast %reduce_sum3A_679 : vector<2048xf32> to vector<2048x1xf32>
    %get3A_681 = arith.constant 0 : index
    %get3A_682 = arith.constant 0 : index
    %get3A_683 = vector.load %arg13[%get3A_681, %get3A_682] : memref<1x3xf32, #tpu.memory_space<vmem>>, vector<1x1xf32>
    %add3A_684 = vector.broadcast %get3A_683 : vector<1x1xf32> to vector<2048x1xf32>
    %add3A_685 = arith.addf %broadcast_in_dim3A_680, %add3A_684 : vector<2048x1xf32>
    %get3A_686 = arith.constant 1 : index
    %get3A_687 = arith.constant 0 : index
    %get3A_688 = vector.load %arg12[%get3A_686, %get3A_687] : memref<3x64xf32, #tpu.memory_space<vmem>>, vector<1x64xf32>
    %mul3A_689 = vector.broadcast %get3A_688 : vector<1x64xf32> to vector<2048x64xf32>
    %mul3A_690 = arith.mulf %max3A_672, %mul3A_689 : vector<2048x64xf32>
    %reduce_sum3A_691 = arith.constant dense<0.000000e+00> : vector<2048xf32>
    %reduce_sum3A_692 = vector.multi_reduction <add>, %mul3A_690, %reduce_sum3A_691 [1] : vector<2048x64xf32> to vector<2048xf32>
    %broadcast_in_dim3A_693 = vector.shape_cast %reduce_sum3A_692 : vector<2048xf32> to vector<2048x1xf32>
    %get3A_694 = arith.constant 0 : index
    %get3A_695 = arith.constant 1 : index
    %get3A_696 = vector.load %arg13[%get3A_694, %get3A_695] : memref<1x3xf32, #tpu.memory_space<vmem>>, vector<1x1xf32>
    %add3A_697 = vector.broadcast %get3A_696 : vector<1x1xf32> to vector<2048x1xf32>
    %add3A_698 = arith.addf %broadcast_in_dim3A_693, %add3A_697 : vector<2048x1xf32>
    %get3A_699 = arith.constant 2 : index
    %get3A_700 = arith.constant 0 : index
    %get3A_701 = vector.load %arg12[%get3A_699, %get3A_700] : memref<3x64xf32, #tpu.memory_space<vmem>>, vector<1x64xf32>
    %mul3A_702 = vector.broadcast %get3A_701 : vector<1x64xf32> to vector<2048x64xf32>
    %mul3A_703 = arith.mulf %max3A_672, %mul3A_702 : vector<2048x64xf32>
    %reduce_sum3A_704 = arith.constant dense<0.000000e+00> : vector<2048xf32>
    %reduce_sum3A_705 = vector.multi_reduction <add>, %mul3A_703, %reduce_sum3A_704 [1] : vector<2048x64xf32> to vector<2048xf32>
    %broadcast_in_dim3A_706 = vector.shape_cast %reduce_sum3A_705 : vector<2048xf32> to vector<2048x1xf32>
    %get3A_707 = arith.constant 0 : index
    %get3A_708 = arith.constant 2 : index
    %get3A_709 = vector.load %arg13[%get3A_707, %get3A_708] : memref<1x3xf32, #tpu.memory_space<vmem>>, vector<1x1xf32>
    %add3A_710 = vector.broadcast %get3A_709 : vector<1x1xf32> to vector<2048x1xf32>
    %add3A_711 = arith.addf %broadcast_in_dim3A_706, %add3A_710 : vector<2048x1xf32>
    %max3A_712 = arith.maximumf %add3A_685, %add3A_698 : vector<2048x1xf32>
    %max3A_713 = arith.maximumf %max3A_712, %add3A_711 : vector<2048x1xf32>
    %sub3A_714 = arith.subf %add3A_685, %max3A_713 : vector<2048x1xf32>
    %exp3A = math.exp %sub3A_714 : vector<2048x1xf32>
    %sub3A_715 = arith.subf %add3A_698, %max3A_713 : vector<2048x1xf32>
    %exp3A_716 = math.exp %sub3A_715 : vector<2048x1xf32>
    %sub3A_717 = arith.subf %add3A_711, %max3A_713 : vector<2048x1xf32>
    %exp3A_718 = math.exp %sub3A_717 : vector<2048x1xf32>
    %add3A_719 = arith.addf %exp3A, %exp3A_716 : vector<2048x1xf32>
    %add3A_720 = arith.addf %add3A_719, %exp3A_718 : vector<2048x1xf32>
    %broadcast_in_dim3A_721 = arith.constant 0.000000e+00 : f32
    %broadcast_in_dim3A_722 = vector.broadcast %broadcast_in_dim3A_721 : f32 to vector<2048x1xf32>
    %div3A_723 = arith.divf %exp3A, %add3A_720 : vector<2048x1xf32>
    %div3A_724 = arith.divf %exp3A_716, %add3A_720 : vector<2048x1xf32>
    %div3A_725 = arith.divf %exp3A_718, %add3A_720 : vector<2048x1xf32>
    %concatenate3A_726 = tpu.concatenate %div3A_723, %div3A_724, %div3A_725, %logistic3A_638, %min3A_33, %convert_element_type3A_383, %broadcast_in_dim3A_722, %broadcast_in_dim3A_722 in 1 : vector<2048x1xf32>, vector<2048x1xf32>, vector<2048x1xf32>, vector<2048x1xf32>, vector<2048x1xf32>, vector<2048x1xf32>, vector<2048x1xf32>, vector<2048x1xf32> -> vector<2048x8xf32>
    %swap3A_727 = arith.constant 0 : index
    %swap3A_728 = arith.constant 0 : index
    %swap3A_729 = vector.load %arg16[%swap3A_727, %swap3A_728] : memref<2048x8xf32, #tpu.memory_space<vmem>>, vector<2048x8xf32>
    tpu.vector_store %arg16[%swap3A_727, %swap3A_728], %concatenate3A_726 {strides = array<i32>} : memref<2048x8xf32, #tpu.memory_space<vmem>>, vector<2048x8xf32>,
    return
  }
  func.func @transform_0(%arg0: i32) -> (i32, i32) {
    %c0_i32 = arith.constant 0 : i32
    %c0_i32_0 = arith.constant 0 : i32
    return %arg0, %c0_i32 : i32, i32
  }
  func.func @transform_1(%arg0: i32) -> (i32, i32) {
    %c0_i32 = arith.constant 0 : i32
    %c0_i32_0 = arith.constant 0 : i32
    return %arg0, %c0_i32 : i32, i32
  }
  func.func @transform_2(%arg0: i32) -> (i32, i32) {
    %c0_i32 = arith.constant 0 : i32
    %c0_i32_0 = arith.constant 0 : i32
    %c0_i32_1 = arith.constant 0 : i32
    return %c0_i32, %c0_i32_0 : i32, i32
  }
  func.func @transform_3(%arg0: i32) -> (i32, i32) {
    %c0_i32 = arith.constant 0 : i32
    %c0_i32_0 = arith.constant 0 : i32
    %c0_i32_1 = arith.constant 0 : i32
    return %c0_i32, %c0_i32_0 : i32, i32
  }
  func.func @transform_4(%arg0: i32) -> (i32, i32) {
    %c0_i32 = arith.constant 0 : i32
    %c0_i32_0 = arith.constant 0 : i32
    %c0_i32_1 = arith.constant 0 : i32
    return %c0_i32, %c0_i32_0 : i32, i32
  }
  func.func @transform_5(%arg0: i32) -> (i32, i32) {
    %c0_i32 = arith.constant 0 : i32
    %c0_i32_0 = arith.constant 0 : i32
    %c0_i32_1 = arith.constant 0 : i32
    return %c0_i32, %c0_i32_0 : i32, i32
  }
  func.func @transform_6(%arg0: i32) -> (i32, i32) {
    %c0_i32 = arith.constant 0 : i32
    %c0_i32_0 = arith.constant 0 : i32
    %c0_i32_1 = arith.constant 0 : i32
    return %c0_i32, %c0_i32_0 : i32, i32
  }
  func.func @transform_7(%arg0: i32) -> (i32, i32) {
    %c0_i32 = arith.constant 0 : i32
    %c0_i32_0 = arith.constant 0 : i32
    %c0_i32_1 = arith.constant 0 : i32
    return %c0_i32, %c0_i32_0 : i32, i32
  }
  func.func @transform_8(%arg0: i32) -> (i32, i32) {
    %c0_i32 = arith.constant 0 : i32
    %c0_i32_0 = arith.constant 0 : i32
    %c0_i32_1 = arith.constant 0 : i32
    return %c0_i32, %c0_i32_0 : i32, i32
  }
  func.func @transform_9(%arg0: i32) -> (i32, i32) {
    %c0_i32 = arith.constant 0 : i32
    %c0_i32_0 = arith.constant 0 : i32
    %c0_i32_1 = arith.constant 0 : i32
    return %c0_i32, %c0_i32_0 : i32, i32
  }
  func.func @transform_10(%arg0: i32) -> (i32, i32) {
    %c0_i32 = arith.constant 0 : i32
    %c0_i32_0 = arith.constant 0 : i32
    %c0_i32_1 = arith.constant 0 : i32
    return %c0_i32, %c0_i32_0 : i32, i32
  }
  func.func @transform_11(%arg0: i32) -> (i32, i32) {
    %c0_i32 = arith.constant 0 : i32
    %c0_i32_0 = arith.constant 0 : i32
    %c0_i32_1 = arith.constant 0 : i32
    return %c0_i32, %c0_i32_0 : i32, i32
  }
  func.func @transform_12(%arg0: i32) -> (i32, i32) {
    %c0_i32 = arith.constant 0 : i32
    %c0_i32_0 = arith.constant 0 : i32
    %c0_i32_1 = arith.constant 0 : i32
    return %c0_i32, %c0_i32_0 : i32, i32
  }
  func.func @transform_13(%arg0: i32) -> (i32, i32) {
    %c0_i32 = arith.constant 0 : i32
    %c0_i32_0 = arith.constant 0 : i32
    return %arg0, %c0_i32 : i32, i32
  }
  func.func @transform_14(%arg0: i32) -> (i32, i32) {
    %c0_i32 = arith.constant 0 : i32
    %c0_i32_0 = arith.constant 0 : i32
    return %arg0, %c0_i32 : i32, i32
  }
  func.func @transform_15(%arg0: i32) -> (i32, i32) {
    %c0_i32 = arith.constant 0 : i32
    %c0_i32_0 = arith.constant 0 : i32
    return %arg0, %c0_i32 : i32, i32
  }
}

module attributes {stable_mosaic.version = 14 : i64} {
  func.func @_stage3_body(%arg0: i32, %arg1: memref<2048x128xf32, #tpu.memory_space<vmem>>, %arg2: memref<2048x128xf32, #tpu.memory_space<vmem>>, %arg3: memref<2048x8xf32, #tpu.memory_space<vmem>>, %arg4: memref<128x128xf32, #tpu.memory_space<vmem>>, %arg5: memref<128x128xf32, #tpu.memory_space<vmem>>, %arg6: memref<1x128xf32, #tpu.memory_space<vmem>>, %arg7: memref<128x128xf32, #tpu.memory_space<vmem>>, %arg8: memref<1x128xf32, #tpu.memory_space<vmem>>, %arg9: memref<1x128xf32, #tpu.memory_space<vmem>>, %arg10: memref<1x128xf32, #tpu.memory_space<vmem>>, %arg11: memref<2048x128xf32, #tpu.memory_space<vmem>>, %arg12: memref<2048x16xf32, #tpu.memory_space<vmem>>) attributes {dimension_semantics = [#tpu.dimension_semantics<arbitrary>], iteration_bounds = array<i64: 20>, scalar_prefetch = 0 : i64, scratch_operands = 0 : i64, tpu.core_type = #tpu.core_type<tc>, window_params = [{transform_indices = @transform_0, window_bounds = array<i64: 2048, 128>}, {transform_indices = @transform_1, window_bounds = array<i64: 2048, 128>}, {transform_indices = @transform_2, window_bounds = array<i64: 2048, 8>}, {pipeline_mode = #tpu.pipeline_mode<synchronous>, transform_indices = @transform_3, window_bounds = array<i64: 128, 128>}, {pipeline_mode = #tpu.pipeline_mode<synchronous>, transform_indices = @transform_4, window_bounds = array<i64: 128, 128>}, {pipeline_mode = #tpu.pipeline_mode<synchronous>, transform_indices = @transform_5, window_bounds = array<i64: 1, 128>}, {pipeline_mode = #tpu.pipeline_mode<synchronous>, transform_indices = @transform_6, window_bounds = array<i64: 128, 128>}, {pipeline_mode = #tpu.pipeline_mode<synchronous>, transform_indices = @transform_7, window_bounds = array<i64: 1, 128>}, {pipeline_mode = #tpu.pipeline_mode<synchronous>, transform_indices = @transform_8, window_bounds = array<i64: 1, 128>}, {pipeline_mode = #tpu.pipeline_mode<synchronous>, transform_indices = @transform_9, window_bounds = array<i64: 1, 128>}, {transform_indices = @transform_10, window_bounds = array<i64: 2048, 128>}, {transform_indices = @transform_11, window_bounds = array<i64: 2048, 16>}]} {
    %get3A = arith.constant 0 : index
    %get3A_0 = arith.constant 0 : index
    %get3A_1 = vector.load %arg1[%get3A, %get3A_0] : memref<2048x128xf32, #tpu.memory_space<vmem>>, vector<2048x128xf32>
    %get3A_2 = arith.constant 0 : index
    %get3A_3 = arith.constant 0 : index
    %get3A_4 = vector.load %arg2[%get3A_2, %get3A_3] : memref<2048x128xf32, #tpu.memory_space<vmem>>, vector<2048x128xf32>
    %get3A_5 = arith.constant 0 : index
    %get3A_6 = arith.constant 5 : index
    %get3A_7 = vector.load %arg3[%get3A_5, %get3A_6] : memref<2048x8xf32, #tpu.memory_space<vmem>>, vector<2048x1xf32>
    %get3A_8 = arith.constant 0 : index
    %get3A_9 = arith.constant 1 : index
    %get3A_10 = vector.load %arg3[%get3A_8, %get3A_9] : memref<2048x8xf32, #tpu.memory_space<vmem>>, vector<2048x1xf32>
    %get3A_11 = arith.constant 0 : index
    %get3A_12 = arith.constant 0 : index
    %get3A_13 = vector.load %arg4[%get3A_11, %get3A_12] : memref<128x128xf32, #tpu.memory_space<vmem>>, vector<128x128xf32>
    %dot_general3A = arith.constant dense<0.000000e+00> : vector<2048x128xf32>
    %dot_general3A_14 = tpu.matmul %get3A_1, %get3A_13, %dot_general3A {dimension_numbers = #tpu.dot_dimension_numbers<[1], [0], [0], [1], [0, 0, 1, 1], [], []>, transpose_lhs_hint = false} : vector<2048x128xf32>, vector<128x128xf32>, vector<2048x128xf32> -> vector<2048x128xf32>
    %get3A_15 = arith.constant 0 : index
    %get3A_16 = arith.constant 0 : index
    %get3A_17 = vector.load %arg5[%get3A_15, %get3A_16] : memref<128x128xf32, #tpu.memory_space<vmem>>, vector<128x128xf32>
    %dot_general3A_18 = arith.constant dense<0.000000e+00> : vector<2048x128xf32>
    %dot_general3A_19 = tpu.matmul %get3A_4, %get3A_17, %dot_general3A_18 {dimension_numbers = #tpu.dot_dimension_numbers<[1], [0], [0], [1], [0, 0, 1, 1], [], []>, transpose_lhs_hint = false} : vector<2048x128xf32>, vector<128x128xf32>, vector<2048x128xf32> -> vector<2048x128xf32>
    %add3A = arith.addf %dot_general3A_14, %dot_general3A_19 : vector<2048x128xf32>
    %get3A_20 = arith.constant 0 : index
    %get3A_21 = arith.constant 0 : index
    %get3A_22 = vector.load %arg6[%get3A_20, %get3A_21] : memref<1x128xf32, #tpu.memory_space<vmem>>, vector<1x128xf32>
    %add3A_23 = vector.broadcast %get3A_22 : vector<1x128xf32> to vector<2048x128xf32>
    %add3A_24 = arith.addf %add3A, %add3A_23 : vector<2048x128xf32>
    %max3A = arith.constant 0.000000e+00 : f32
    %max3A_25 = vector.broadcast %max3A : f32 to vector<2048x128xf32>
    %max3A_26 = arith.maximumf %add3A_24, %max3A_25 : vector<2048x128xf32>
    %get3A_27 = arith.constant 0 : index
    %get3A_28 = arith.constant 0 : index
    %get3A_29 = vector.load %arg7[%get3A_27, %get3A_28] : memref<128x128xf32, #tpu.memory_space<vmem>>, vector<128x128xf32>
    %dot_general3A_30 = arith.constant dense<0.000000e+00> : vector<2048x128xf32>
    %dot_general3A_31 = tpu.matmul %max3A_26, %get3A_29, %dot_general3A_30 {dimension_numbers = #tpu.dot_dimension_numbers<[1], [0], [0], [1], [0, 0, 1, 1], [], []>, transpose_lhs_hint = false} : vector<2048x128xf32>, vector<128x128xf32>, vector<2048x128xf32> -> vector<2048x128xf32>
    %get3A_32 = arith.constant 0 : index
    %get3A_33 = arith.constant 0 : index
    %get3A_34 = vector.load %arg8[%get3A_32, %get3A_33] : memref<1x128xf32, #tpu.memory_space<vmem>>, vector<1x128xf32>
    %add3A_35 = vector.broadcast %get3A_34 : vector<1x128xf32> to vector<2048x128xf32>
    %add3A_36 = arith.addf %dot_general3A_31, %add3A_35 : vector<2048x128xf32>
    %mul3A = vector.broadcast %get3A_7 : vector<2048x1xf32> to vector<2048x128xf32>
    %mul3A_37 = arith.mulf %add3A_36, %mul3A : vector<2048x128xf32>
    %mul3A_38 = vector.broadcast %get3A_10 : vector<2048x1xf32> to vector<2048x128xf32>
    %mul3A_39 = arith.mulf %mul3A_38, %mul3A_37 : vector<2048x128xf32>
    %mul3A_40 = arith.mulf %mul3A_39, %mul3A_39 : vector<2048x128xf32>
    %reduce_sum3A = arith.constant dense<0.000000e+00> : vector<2048xf32>
    %reduce_sum3A_41 = vector.multi_reduction <add>, %mul3A_40, %reduce_sum3A [1] : vector<2048x128xf32> to vector<2048xf32>
    %broadcast_in_dim3A = vector.shape_cast %reduce_sum3A_41 : vector<2048xf32> to vector<2048x1xf32>
    %sqrt3A = math.sqrt %broadcast_in_dim3A : vector<2048x1xf32>
    %mul3A_42 = arith.mulf %get3A_1, %get3A_1 : vector<2048x128xf32>
    %reduce_sum3A_43 = arith.constant dense<0.000000e+00> : vector<2048xf32>
    %reduce_sum3A_44 = vector.multi_reduction <add>, %mul3A_42, %reduce_sum3A_43 [1] : vector<2048x128xf32> to vector<2048xf32>
    %broadcast_in_dim3A_45 = vector.shape_cast %reduce_sum3A_44 : vector<2048xf32> to vector<2048x1xf32>
    %sqrt3A_46 = math.sqrt %broadcast_in_dim3A_45 : vector<2048x1xf32>
    %add3A_47 = arith.constant 9.99999997E-7 : f32
    %add3A_48 = vector.broadcast %add3A_47 : f32 to vector<2048x1xf32>
    %add3A_49 = arith.addf %sqrt3A_46, %add3A_48 : vector<2048x1xf32>
    %div3A = arith.divf %sqrt3A, %add3A_49 : vector<2048x1xf32>
    %neg3A = arith.constant 0.000000e+00 : f32
    %neg3A_50 = vector.broadcast %neg3A : f32 to vector<2048x1xf32>
    %neg3A_51 = arith.subf %neg3A_50, %div3A : vector<2048x1xf32>
    %exp3A = math.exp %neg3A_51 : vector<2048x1xf32>
    %sub3A = arith.constant 1.000000e+00 : f32
    %sub3A_52 = vector.broadcast %sub3A : f32 to vector<2048x1xf32>
    %sub3A_53 = arith.subf %sub3A_52, %exp3A : vector<2048x1xf32>
    %jit3A = arith.constant 0.000000e+00 : f32
    %jit3A_54 = arith.constant 1.000000e+00 : f32
    %max3A_55 = vector.broadcast %jit3A : f32 to vector<2048x1xf32>
    %max3A_56 = arith.maximumf %max3A_55, %sub3A_53 : vector<2048x1xf32>
    %min3A = vector.broadcast %jit3A_54 : f32 to vector<2048x1xf32>
    %min3A_57 = arith.minimumf %min3A, %max3A_56 : vector<2048x1xf32>
    %add3A_58 = arith.addf %get3A_1, %mul3A_39 : vector<2048x128xf32>
    %reduce_sum3A_59 = arith.constant dense<0.000000e+00> : vector<2048xf32>
    %reduce_sum3A_60 = vector.multi_reduction <add>, %add3A_58, %reduce_sum3A_59 [1] : vector<2048x128xf32> to vector<2048xf32>
    %broadcast_in_dim3A_61 = vector.shape_cast %reduce_sum3A_60 : vector<2048xf32> to vector<2048x1xf32>
    %div3A_62 = arith.constant 1.280000e+02 : f32
    %div3A_63 = vector.broadcast %div3A_62 : f32 to vector<2048x1xf32>
    %div3A_64 = arith.divf %broadcast_in_dim3A_61, %div3A_63 : vector<2048x1xf32>
    %sub3A_65 = vector.broadcast %div3A_64 : vector<2048x1xf32> to vector<2048x128xf32>
    %sub3A_66 = arith.subf %add3A_58, %sub3A_65 : vector<2048x128xf32>
    %integer_pow3A = arith.mulf %sub3A_66, %sub3A_66 : vector<2048x128xf32>
    %reduce_sum3A_67 = arith.constant dense<0.000000e+00> : vector<2048xf32>
    %reduce_sum3A_68 = vector.multi_reduction <add>, %integer_pow3A, %reduce_sum3A_67 [1] : vector<2048x128xf32> to vector<2048xf32>
    %broadcast_in_dim3A_69 = vector.shape_cast %reduce_sum3A_68 : vector<2048xf32> to vector<2048x1xf32>
    %div3A_70 = arith.constant 1.280000e+02 : f32
    %div3A_71 = vector.broadcast %div3A_70 : f32 to vector<2048x1xf32>
    %div3A_72 = arith.divf %broadcast_in_dim3A_69, %div3A_71 : vector<2048x1xf32>
    %sub3A_73 = vector.broadcast %div3A_64 : vector<2048x1xf32> to vector<2048x128xf32>
    %sub3A_74 = arith.subf %add3A_58, %sub3A_73 : vector<2048x128xf32>
    %add3A_75 = arith.constant 9.99999974E-6 : f32
    %add3A_76 = vector.broadcast %add3A_75 : f32 to vector<2048x1xf32>
    %add3A_77 = arith.addf %div3A_72, %add3A_76 : vector<2048x1xf32>
    %sqrt3A_78 = math.sqrt %add3A_77 : vector<2048x1xf32>
    %div3A_79 = vector.broadcast %sqrt3A_78 : vector<2048x1xf32> to vector<2048x128xf32>
    %div3A_80 = arith.divf %sub3A_74, %div3A_79 : vector<2048x128xf32>
    %get3A_81 = arith.constant 0 : index
    %get3A_82 = arith.constant 0 : index
    %get3A_83 = vector.load %arg9[%get3A_81, %get3A_82] : memref<1x128xf32, #tpu.memory_space<vmem>>, vector<1x128xf32>
    %mul3A_84 = vector.broadcast %get3A_83 : vector<1x128xf32> to vector<2048x128xf32>
    %mul3A_85 = arith.mulf %div3A_80, %mul3A_84 : vector<2048x128xf32>
    %get3A_86 = arith.constant 0 : index
    %get3A_87 = arith.constant 0 : index
    %get3A_88 = vector.load %arg10[%get3A_86, %get3A_87] : memref<1x128xf32, #tpu.memory_space<vmem>>, vector<1x128xf32>
    %add3A_89 = vector.broadcast %get3A_88 : vector<1x128xf32> to vector<2048x128xf32>
    %add3A_90 = arith.addf %mul3A_85, %add3A_89 : vector<2048x128xf32>
    %swap3A = arith.constant 0 : index
    %swap3A_91 = arith.constant 0 : index
    %swap3A_92 = vector.load %arg11[%swap3A, %swap3A_91] : memref<2048x128xf32, #tpu.memory_space<vmem>>, vector<2048x128xf32>
    tpu.vector_store %arg11[%swap3A, %swap3A_91], %add3A_90 {strides = array<i32>} : memref<2048x128xf32, #tpu.memory_space<vmem>>, vector<2048x128xf32>,
    %broadcast_in_dim3A_93 = arith.constant 0.000000e+00 : f32
    %broadcast_in_dim3A_94 = vector.broadcast %broadcast_in_dim3A_93 : f32 to vector<2048x1xf32>
    %get3A_95 = arith.constant 0 : index
    %get3A_96 = arith.constant 0 : index
    %get3A_97 = vector.load %arg3[%get3A_95, %get3A_96] : memref<2048x8xf32, #tpu.memory_space<vmem>>, vector<2048x6xf32>
    %concatenate3A = tpu.concatenate %get3A_97, %broadcast_in_dim3A_94, %min3A_57, %broadcast_in_dim3A_94, %broadcast_in_dim3A_94, %broadcast_in_dim3A_94, %broadcast_in_dim3A_94, %broadcast_in_dim3A_94, %broadcast_in_dim3A_94, %broadcast_in_dim3A_94, %broadcast_in_dim3A_94 in 1 : vector<2048x6xf32>, vector<2048x1xf32>, vector<2048x1xf32>, vector<2048x1xf32>, vector<2048x1xf32>, vector<2048x1xf32>, vector<2048x1xf32>, vector<2048x1xf32>, vector<2048x1xf32>, vector<2048x1xf32>, vector<2048x1xf32> -> vector<2048x16xf32>
    %jit3A_98 = arith.constant 0.000000e+00 : f32
    %jit3A_99 = arith.constant 1.000000e+00 : f32
    %max3A_100 = vector.broadcast %jit3A_98 : f32 to vector<2048x16xf32>
    %max3A_101 = arith.maximumf %max3A_100, %concatenate3A : vector<2048x16xf32>
    %min3A_102 = vector.broadcast %jit3A_99 : f32 to vector<2048x16xf32>
    %min3A_103 = arith.minimumf %min3A_102, %max3A_101 : vector<2048x16xf32>
    %swap3A_104 = arith.constant 0 : index
    %swap3A_105 = arith.constant 0 : index
    %swap3A_106 = vector.load %arg12[%swap3A_104, %swap3A_105] : memref<2048x16xf32, #tpu.memory_space<vmem>>, vector<2048x16xf32>
    tpu.vector_store %arg12[%swap3A_104, %swap3A_105], %min3A_103 {strides = array<i32>} : memref<2048x16xf32, #tpu.memory_space<vmem>>, vector<2048x16xf32>,
    return
  }
  func.func @transform_0(%arg0: i32) -> (i32, i32) {
    %c0_i32 = arith.constant 0 : i32
    %c0_i32_0 = arith.constant 0 : i32
    return %arg0, %c0_i32 : i32, i32
  }
  func.func @transform_1(%arg0: i32) -> (i32, i32) {
    %c0_i32 = arith.constant 0 : i32
    %c0_i32_0 = arith.constant 0 : i32
    return %arg0, %c0_i32 : i32, i32
  }
  func.func @transform_2(%arg0: i32) -> (i32, i32) {
    %c0_i32 = arith.constant 0 : i32
    %c0_i32_0 = arith.constant 0 : i32
    return %arg0, %c0_i32 : i32, i32
  }
  func.func @transform_3(%arg0: i32) -> (i32, i32) {
    %c0_i32 = arith.constant 0 : i32
    %c0_i32_0 = arith.constant 0 : i32
    %c0_i32_1 = arith.constant 0 : i32
    return %c0_i32, %c0_i32_0 : i32, i32
  }
  func.func @transform_4(%arg0: i32) -> (i32, i32) {
    %c0_i32 = arith.constant 0 : i32
    %c0_i32_0 = arith.constant 0 : i32
    %c0_i32_1 = arith.constant 0 : i32
    return %c0_i32, %c0_i32_0 : i32, i32
  }
  func.func @transform_5(%arg0: i32) -> (i32, i32) {
    %c0_i32 = arith.constant 0 : i32
    %c0_i32_0 = arith.constant 0 : i32
    %c0_i32_1 = arith.constant 0 : i32
    return %c0_i32, %c0_i32_0 : i32, i32
  }
  func.func @transform_6(%arg0: i32) -> (i32, i32) {
    %c0_i32 = arith.constant 0 : i32
    %c0_i32_0 = arith.constant 0 : i32
    %c0_i32_1 = arith.constant 0 : i32
    return %c0_i32, %c0_i32_0 : i32, i32
  }
  func.func @transform_7(%arg0: i32) -> (i32, i32) {
    %c0_i32 = arith.constant 0 : i32
    %c0_i32_0 = arith.constant 0 : i32
    %c0_i32_1 = arith.constant 0 : i32
    return %c0_i32, %c0_i32_0 : i32, i32
  }
  func.func @transform_8(%arg0: i32) -> (i32, i32) {
    %c0_i32 = arith.constant 0 : i32
    %c0_i32_0 = arith.constant 0 : i32
    %c0_i32_1 = arith.constant 0 : i32
    return %c0_i32, %c0_i32_0 : i32, i32
  }
  func.func @transform_9(%arg0: i32) -> (i32, i32) {
    %c0_i32 = arith.constant 0 : i32
    %c0_i32_0 = arith.constant 0 : i32
    %c0_i32_1 = arith.constant 0 : i32
    return %c0_i32, %c0_i32_0 : i32, i32
  }
  func.func @transform_10(%arg0: i32) -> (i32, i32) {
    %c0_i32 = arith.constant 0 : i32
    %c0_i32_0 = arith.constant 0 : i32
    return %arg0, %c0_i32 : i32, i32
  }
  func.func @transform_11(%arg0: i32) -> (i32, i32) {
    %c0_i32 = arith.constant 0 : i32
    %c0_i32_0 = arith.constant 0 : i32
    return %arg0, %c0_i32 : i32, i32
  }
}

</mosaic_0001>

<sc_bundles>
// kernel: kernel.5.cloned.1.call-start
scs
__scs_entry_jumppad:
0x0: {  	(pc) =	sbr.rel $0x88, $3  }
0x1: {  	(tag) =	ssettag $0x0;
	lr =	simm.s32 $0x1  }
0x2: {  	[smem:$0x3F8D] =	sst lr;
	_ =	strace $0xD0000000  }
0x3: {  	_ = 	snop  }
0x4: {  	_ = 	snop  }
0x5: {  	_ = 	snop  }
0x6: {  	_ = 	snop  }
0x7: {  	_ = 	snop  }
__scs_overlays_trampoline_lowered:
0x8: {  	[smem:$0x3F9C] =	sst s0  }
0x9: {  	[smem:$0x3F9D] =	sst s1  }
0xa: {  	[smem:$0x3F9E] =	sst s2  }
0xb: {  	[smem:$0x3F9F] =	sst s3  }
0xc: {  	[smem:$0x3FA0] =	sst s4  }
0xd: {  	[smem:$0x3FA1] =	sst s5  }
0xe: {  	[smem:$0x3FA2] =	sst s6  }
0xf: {  	[smem:$0x3FA3] =	sst s7  }
0x10: {  	[smem:$0x3FA4] =	sst s8  }
0x11: {  	[smem:$0x3FA5] =	sst s9;
	s0 =	simm.s32 @!p0 $0x0  }
0x12: {  	s1 =	sld [smem:$0x3F8B];
	s0 =	simm.s32 @p0 $0x1  }
0x13: {  	[smem:$0x3FA6] =	sst s0;
	s0 =	simm.s32 @!p1 $0x0  }
0x14: {  	s2 =	sld [smem:$0x3F8A];
	s0 =	simm.s32 @p1 $0x1  }
0x15: {  	[smem:$0x3FA7] =	sst s0;
	s0 =	simm.s32 @!p2 $0x0  }
0x16: {  	s3 =	sld [smem:$0x3FDB];
	s0 =	simm.s32 @p2 $0x1  }
0x17: {  	s4 =	simm.s32 $0x1BF5;
	[smem:$0x3FA9] =	sst s0  }
0x18: {  	s0 =	sld [smem:$0x3F8C];
	_ =	swait.ge [sflag:s4], $0x0  }
0x19: {  	s7 =	sld [smem:$0x3F8D]  }
0x1a: {  	s8 =	sadd.s32 $0xFFFFE003, lr  }
0x1b: {  	s9 =	sadd.s32 $0xFFFFFEF7, lr;
	s5 =	simm.s32 $0xFFFFFFFF;
	p2 =	slt.u32 s8, $0xFFFFF086  }
0x1c: {  	p1 =	slt.u32 s9, $0xF7A;
	s5 =	simm.s32 @!p2 $0x0  }
0x1d: {  	s5 =	simm.s32 @p1 $0x1;
	p0 =	seq.s32 s7, s2  }
0x1e: {  	s7 =	smul.u32 @!p0 $0xF7A, s2;
	p2 =	seq.s32 @!p0 s5, $0x0  }
0x1f: {  	s9 =	smul.u32 $0xF7A, s1;
	s8 =	simm.s32 @!p0 $0x1BF5;
	p2 =	por !p2, p0  }
0x20: {  	[sflag:s8] =	ssyncset.s32 @!p0 $0xFFFFF086;
	s6 =	sadd.s32 @!p0 s3, s7;
	s7 =	simm.s32 @!p0 $0x108  }
0x21: {  	s3 =	sadd.s32 s3, s9;
	s6 =	sadd.s32 @!p0 $0x88, s6;
	s7 =	simm.s32 @p2 $0x1082  }
0x22: {  	[simem:s7], [sflag:s8] =	dma.local @!p0 [hbm:s6], $0xF7A  }
0x23: {  	s9 =	sor.u32 $0xD0000000, s2;
	s6 =	simm.s32 $0x108;
	_ =	swait.ge @!p0 [sflag:s8], $0x0  }
0x24: {  	s3 =	sadd.s32 $0x88, s3;
	s6 =	simm.s32 @!p1 $0x1082;
	[sflag:s4] =	ssyncset.s32 $0xFFFFF086  }
0x25: {  	[simem:s6], [sflag:s4] =	dma.local [hbm:s3], $0xF7A  }
0x26: {  	[smem:$0x3F8D] =	sst s1;
	(tag) =	ssettag s2;
	_ =	strace s9  }
0x27: {  	s1 =	sld [smem:$0x3F9D]  }
0x28: {  	s2 =	sld [smem:$0x3F9E]  }
0x29: {  	s4 =	sld [smem:$0x3FA0]  }
0x2a: {  	p0 =	seq.s32 s5, $0x0;
	s5 =	sld [smem:$0x3FA1]  }
0x2b: {  	s6 =	sld [smem:$0x3FA2]  }
0x2c: {  	s7 =	sld [smem:$0x3FA3]  }
0x2d: {  	s3 =	simm.s32 $0x108;
	s8 =	sld [smem:$0x3FA4]  }
0x2e: {  	s3 =	simm.s32 @!p0 $0x1082;
	s9 =	sld [smem:$0x3FA5]  }
0x2f: {  	lr =	sadd.s32 s0, s3;
	s0 =	sld [smem:$0x3F9C]  }
0x30: {  	s3 =	sld [smem:$0x3F9F]  }
0x31: {  	[smem:$0x3FA8] =	sst s10  }
0x32: {  	s10 =	sld [smem:$0x3FA6];
	_ =	sdelay $0x3  }
0x33: {  	p0 =	seq.s32 s10, $0x1;
	s10 =	sld [smem:$0x3FA8];
	_ =	sdelay $0x3  }
0x34: {  	[smem:$0x3FA8] =	sst s10  }
0x35: {  	s10 =	sld [smem:$0x3FA7];
	_ =	sdelay $0x3  }
0x36: {  	p1 =	seq.s32 s10, $0x1;
	s10 =	sld [smem:$0x3FA8];
	_ =	sdelay $0x3  }
0x37: {  	[smem:$0x3FA8] =	sst s10  }
0x38: {  	s10 =	sld [smem:$0x3FA9]  }
0x39: {  	_ = 	snop;
	(pc) =	sbr.ind lr, $3  }
0x3a: {  	_ = 	snop  }
0x3b: {  	_ = 	snop  }
0x3c: {  	p2 =	seq.s32 s10, $0x1;
	s10 =	sld [smem:$0x3FA8]  }
0x3d: {  	_ =	shalt  }
0x3e: {  	_ =	shalt  }
0x3f: {  	_ =	shalt  }
0x40: {  	_ =	shalt  }
0x41: {  	_ =	shalt  }
0x42: {  	_ =	shalt  }
0x43: {  	_ =	shalt  }
0x44: {  	_ =	shalt  }
0x45: {  	_ =	shalt  }
0x46: {  	_ =	shalt  }
0x47: {  	_ =	shalt  }
0x48: {  	_ =	shalt  }
0x49: {  	_ =	shalt  }
0x4a: {  	_ =	shalt  }
0x4b: {  	_ =	shalt  }
0x4c: {  	_ =	shalt  }
0x4d: {  	_ =	shalt  }
0x4e: {  	_ =	shalt  }
0x4f: {  	_ =	shalt  }
0x50: {  	_ =	shalt  }
0x51: {  	_ =	shalt  }
0x52: {  	_ =	shalt  }
0x53: {  	_ =	shalt  }
0x54: {  	_ =	shalt  }
0x55: {  	_ =	shalt  }
0x56: {  	_ =	shalt  }
0x57: {  	_ =	shalt  }
0x58: {  	_ =	shalt  }
0x59: {  	_ =	shalt  }
0x5a: {  	_ =	shalt  }
0x5b: {  	_ =	shalt  }
0x5c: {  	_ =	shalt  }
0x5d: {  	_ =	shalt  }
0x5e: {  	_ =	shalt  }
0x5f: {  	_ =	shalt  }
0x60: {  	_ =	shalt  }
0x61: {  	_ =	shalt  }
0x62: {  	_ =	shalt  }
0x63: {  	_ =	shalt  }
0x64: {  	_ =	shalt  }
0x65: {  	_ =	shalt  }
0x66: {  	_ =	shalt  }
0x67: {  	_ =	shalt  }
0x68: {  	_ =	shalt  }
0x69: {  	_ =	shalt  }
0x6a: {  	_ =	shalt  }
0x6b: {  	_ =	shalt  }
0x6c: {  	_ =	shalt  }
0x6d: {  	_ =	shalt  }
0x6e: {  	_ =	shalt  }
0x6f: {  	_ =	shalt  }
0x70: {  	_ =	shalt  }
0x71: {  	_ =	shalt  }
0x72: {  	_ =	shalt  }
0x73: {  	_ =	shalt  }
0x74: {  	_ =	shalt  }
0x75: {  	_ =	shalt  }
0x76: {  	_ =	shalt  }
0x77: {  	_ =	shalt  }
0x78: {  	_ =	shalt  }
0x79: {  	_ =	shalt  }
0x7a: {  	_ =	shalt  }
0x7b: {  	_ =	shalt  }
0x7c: {  	_ =	shalt  }
0x7d: {  	_ =	shalt  }
0x7e: {  	_ =	shalt  }
0x7f: {  	_ =	shalt  }
0x80: {  	_ =	shalt  }
0x81: {  	_ =	shalt  }
0x82: {  	_ =	shalt  }
0x83: {  	_ =	shalt  }
0x84: {  	_ =	shalt  }
0x85: {  	_ =	shalt  }
0x86: {  	_ =	shalt  }
0x87: {  	_ =	shalt  }
.Lfunc_end0:
.L_simem_size_0:
called_computation_lowered:
.L_overlay_start_0:
0x88: {  	s2 =	sld [smem:$0x3FD9]  }
0x89: {  	s3 =	sld [smem:$0x3FFE];
	_ =	sdelay $0x1  }
0x8a: {  	s1 =	srdreg.scid  }
0x8b: {  	s0 =	sand.u32 $0x1, s1  }
0x8c: {  	s14 =	sshll.u32 s0, $0xA;
	s2 =	sadd.s32 s3, s2  }
0x8d: {  	s2 =	sadd.s32 s2, s14  }
0x8e: {  	[smem:$0x3FB4] =	sst s2  }
0x8f: {  	_ = 	snop  }
0x90: {  	s2 =	sld [smem:$0x3FD0];
	_ =	sdelay $0x2  }
0x91: {  	s15 =	simm.s32 $0xA;
	s4 =	simm.s32 $0x10  }
0x92: {  	[smem:s4], [sflag:s15] =	dma.local [hbm:s2], $0x1  }
0x93: {  	_ =	swait.eq [sflag:s15], $0x1  }
0x94: {  	[sflag:s15] =	ssyncset.done $0x0  }
0x95: {  	[sflag:s15] =	ssyncadd.s32 $0xFFFFFFFF  }
0x96: {  	s16 =	sld [smem:$0x11];
	(tm) =	ssettm $0x1  }
0x97: {  	s17 =	sld [smem:$0x3FFB];
	_ =	sdelay $0x3  }
0x98: {  	_ =	strace s17  }
0x99: {  	s3 =	sld [smem:$0x3FFC];
	_ =	sdelay $0x3  }
0x9a: {  	_ =	strace s3  }
0x9b: {  	s3 =	sld [smem:$0x3FFD];
	_ =	sdelay $0x3  }
0x9c: {  	_ =	strace s3  }
0x9d: {  	_ =	strace $0x8FFFFFFF  }
0x9e: {  	s18 =	sld [smem:$0x3FDB];
	_ =	sdelay $0x1  }
0x9f: {  	s19 =	simm.s32 $_scs_section_size  }
0xa0: {  	s5 =	simm.s32 $_size__tile_overlayer_lowered;
	s6 =	simm.s32 $_tile_overlayer_lowered  }
0xa1: {  	s22 =	simm.s32 $0x1BFF;
	s21 =	sshll.u32 s6, $0x1;
	s3 =	sadd.s32 s19, s18  }
0xa2: {  	s7 =	simm.s32 $0x0;
	s20 =	sshll.u32 s5, $0x1;
	s5 =	sadd.s32 s21, s3  }
0xa3: {  	[timem:s7], [sflag:s22] =	dma.local [hbm:s5], s20  }
0xa4: {  	_ =	swait.ge [sflag:s22], s20  }
0xa5: {  	s4 =	ssub.s32 $0x0, s20;
	[sflag:s22] =	ssyncset.done $0x0  }
0xa6: {  	[sflag:s22] =	ssyncadd.s32 s4;
	_ =	sdelay $0x1  }
0xa7: {  	s23 =	simm.s32 $0x1B8B  }
0xa8: {  	_ =	swait.ge [sflag:s23], $0x1  }
0xa9: {  	[sflag:s23] =	ssyncset.done $0x0  }
0xaa: {  	s25 =	simm.s32 $0x1B8E;
	s24 =	sld [smem:$0x3FFE];
	[sflag:s23] =	ssyncadd.s32 $0xFFFFFFFF  }
0xab: {  	s26 =	simm.s32 $execute0_lowered;
	[smem:$0x3FD2] =	sst s25  }
0xac: {  	s5 =	sshll.u32 s26, $0x1;
	_ =	strace $0x80000046;
	[dreg:$0x1] =	wrdreg $0xFFFFFFFF  }
0xad: {  	s28 =	simm.s32 $_size_execute0_lowered;
	s3 =	sadd.s32 s3, s5;
	[dreg:$0x0] =	wrdreg $0x0  }
0xae: {  	s5 =	sshll.u32 s28, $0x1;
	[dreg:$0x2] =	wrdreg s3  }
0xaf: {  	[dreg:$0x3] =	wrdreg s5  }
0xb0: {  	[dreg:$0x4] =	wrdreg $0xC0  }
0xb1: {  	_ =	task [dreg:s7], $0x5FFFF  }
0xb2: {  	[dreg:$0x1] =	wrdreg $0xFFFFFFFF  }
0xb3: {  	[dreg:$0x0] =	wrdreg $0x60  }
0xb4: {  	[dreg:$0x2] =	wrdreg s24  }
0xb5: {  	[dreg:$0x3] =	wrdreg s16  }
0xb6: {  	[dreg:$0x4] =	wrdreg $0x9  }
0xb7: {  	_ =	task.clear_ibuf [dreg:s7], $0x5FFFF;
	_ =	strace $0x90000046  }
0xb8: {  	s29 =	simm.s32 $0x9;
	_ =	strace $0x80000048  }
0xb9: {  	_ =	swait.ge [sflag:s29], $0x1  }
0xba: {  	[sflag:s29] =	ssyncadd.s32 $0xFFFFFFFF  }
0xbb: {  	_ =	strace $0x90000048  }
0xbc: {  	_ =	sfence  }
0xbd: {  	s30 =	sld [smem:$0x0];
	_ =	sdelay $0x2  }
0xbe: {  	s31 =	sshll.u32 s1, $0xD;
	s1 =	sshrl.u32 s1, $0x2  }
0xbf: {  	s3 =	sand.u32 $0x4000, s31;
	s1 =	sadd.s32 s1, s30  }
0xc0: {  	s0 =	sor.u32 s3, s0;
	s1 =	sshll.u32 s1, $0x11  }
0xc1: {  	s0 =	sor.u32 s1, s0  }
0xc2: {  	s0 =	sadd.s32 $0x8F2B, s0  }
0xc3: {  	[sflag:s0] =	ssyncadd.remote.s32 $0x1  }
0xc4: {  	_ =	sfence.sel $0xFFFF  }
0xc5: {  	[dreg:$0x0] =	wrdreg $0xFFFFFFFF;
	(pc) =	sbr.abs _section_cstart, $3  }
0xc6: {  	[dreg:$0x1] =	wrdreg $0xFFFFFFFF  }
0xc7: {  	_ =	task.clear_ibuf [dreg:s7], $0x2FFFF;
	_ =	strace $0x9FFFFFFF  }
0xc8: {  	(tm) =	ssettm $0x7FFFFFFF  }
0xc9: {  	_ =	shalt  }
tec
execute0_lowered:
.L_overlay_start_1:
0x0: {  	(tag) =	ssettag $0x1  }
0x1: {  	s0 =	rddreg [dreg:$0x0]  }
0x2: {  	s1 =	rddreg [dreg:$0x1];
	s6 =	simm.s32 $0x0  }
0x3: {  	s2 =	srdreg.scid;
	[smem:$0x7FF] =	sst s6;
	s24 =	sadd.s32 $0x372C00, s0  }
0x4: {  	s3 =	stileid.u32;
	s7 =	sadd.s32 $0x232C00, s0;
	s8 =	sadd.s32 $0x192C00, s0  }
0x5: {  	s2 =	sand.u32 $0x1, s2;
	_ =	strace $0x80000047;
	[smem:$0x7F4] =	sst s24  }
0x6: {  	s3 =	sshll.u32 s3, $0x1;
	s0 =	sadd.s32 $0x372D00, s0;
	[smem:$0x7F7] =	sst s7  }
0x7: {  	s4 =	ssub.s32 $0x2, s2;
	s2 =	sor.u32 s2, s3;
	[smem:$0x7F8] =	sst s0  }
0x8: {  	[smem:$0x7FC] =	sst s8;
	s25 =	sshrl.u32 s4, $0x1;
	s5 =	smul.u32 $0x28000, s2  }
0x9: {  	s26 =	sshll.u32 s2, $0x8;
	s2 =	smul.u32 $0x5000, s2;
	s3 =	ssub.s32 s4, s25  }
0xa: {  	s1 =	sadd.s32 s1, s26;
	[smem:$0x7F5] =	sst s5;
	s5 =	sshrl.u32 s5, $0x3  }
.Ltmp0:
0xb: {  	[smem:$0x7F6] =	sst s1;
	s30 =	smax.u32 s3, $0x1;
	(pc) =	sbr.rel .LBB2_1-.Ltmp0, $4  }
0xc: {  	s31 =	sadd.s32 s2, s8;
	s28 =	sadd.s32 s7, s5;
	[smem:$0x7FB] =	sst s30  }
0xd: {  	v2 =	vlaneseq.u32;
	s0 =	sadd.s32 $0x400, s31;
	[smem:$0x7F9] =	sst s28  }
0xe: {  	vm0 =	vmmov $0xffff;
	v1 =	vshrl.u32 v2, $0x3;
	s29 =	sadd.s32 $0x400, s28;
	[smem:$0x7FD] =	sst s0  }
0xf: {  	v0 =	vand.u32 $0x7, v2;
	v2 =	vor.u32 $0x8, v2;
	v1 =	vmul.u32 $0x8, v1;
	s2 =	simm.s32 $0x0;
	[smem:$0x7FA] =	sst s29  }
.LBB2_10:
0x10: {  	s0 =	simm.s32 $0x5  }
0x11: {  	_ =	swait.ge [sflag:s0], $0x2000  }
0x12: {  	[sflag:s0] =	ssyncset.done $0x0  }
0x13: {  	s1 =	simm.s32 $0x6;
	[sflag:s0] =	ssyncadd.s32 $0xFFFFE000  }
0x14: {  	_ =	swait.ge [sflag:s1], $0x2000  }
0x15: {  	s2 =	sld [smem:$0x7F3]  }
0x16: {  	s31 =	sld [smem:$0x7FB];
	_ =	sdelay $0x1  }
0x17: {  	s2 =	sadd.s32 $0x1, s2  }
0x18: {  	p0 =	sne.s32 s2, s31  }
.Ltmp1:
0x19: {  	_ = 	snop;
	(pc) =	sbr.rel @!p0 .LBB2_11-.Ltmp1, $3  }
0x1a: {  	_ =	sdelay $0x1  }
0x1b: {  	[sflag:s1] =	ssyncset.done $0x0  }
0x1c: {  	[sflag:s1] =	ssyncadd.s32 $0xFFFFE000  }
.LBB2_1:
0x1d: {  	s0 =	sld [smem:$0x7F6];
	_ =	sdelay $0x1  }
0x1e: {  	[smem:$0x7F3] =	sst s2;
	s23 =	simm.s32 $0x7  }
0x1f: {  	[tilespmem:s6], [sflag:$0x7] =	stream.linear.gather [hbm4b:s0+s6], $0x500, $0x38;
	[tilespmem:$0x18800] =	vst v63  }
0x20: {  	_ =	swait.ge [sflag:s23], $0x500  }
0x21: {  	s24 =	sld [smem:$0x7F9]  }
0x22: {  	[sflag:s23] =	ssyncset.done $0x0  }
0x23: {  	s1 =	simm.s32 $0x800;
	[sflag:s23] =	ssyncadd.s32 $0xFFFFFB00  }
0x24: {  	[tilespmem:s1], [sflag:$0x3] =	stream.linear.gather [hbm4b:s24+s6], $0x2000, $0x38;
	[tilespmem:$0x18800] =	vst v63  }
0x25: {  	v3 =	vld [tilespmem:$0x0];
	_ =	sdelay $0x4  }
0x26: {  	v4 =	vshll.u32 v3, $0x2  }
0x27: {  	v3 =	vand.u32 $0x7, v3;
	v4 =	vand.u32 $0xFFFFFFE0, v4  }
0x28: {  	v3 =	vor.u32 v3, v4  }
0x29: {  	v4 =	vperm.xlane v3, v0;
	_ =	sdelay $0x1  }
0x2a: {  	v4 =	vadd.s32 v1, v4;
	_ =	sdelay $0x1  }
0x2b: {  	s0 =	sld [smem:$0x7F4];
	v3 =	vperm.xlane v3, v2;
	_ =	sdelay $0x1  }
0x2c: {  	s25 =	simm.s32 $0x4800;
	s1 =	sld [smem:$0x7F8];
	v3 =	vadd.s32 v1, v3  }
0x2d: {  	[tilespmem:s25], [sflag:$0x1] =	stream.indirect_vreg.gather [hbm4b:s0+s6], $0x80, v4, vm0, $0xb8;
	[tilespmem:$0x18800] =	vst v63  }
0x2e: {  	s26 =	simm.s32 $0x5000  }
0x2f: {  	[tilespmem:s26], [sflag:$0x1] =	stream.indirect_vreg.gather [hbm4b:s1+s6], $0x80, v4, vm0, $0xb8;
	[tilespmem:$0x18800] =	vst v63  }
0x30: {  	s28 =	simm.s32 $0x5800  }
0x31: {  	[tilespmem:s28], [sflag:$0x1] =	stream.indirect_vreg.gather [hbm4b:s0+s6], $0x80, v3, vm0, $0xb8;
	[tilespmem:$0x18800] =	vst v63  }
0x32: {  	s29 =	simm.s32 $0x6000  }
0x33: {  	[tilespmem:s29], [sflag:$0x1] =	stream.indirect_vreg.gather [hbm4b:s1+s6], $0x80, v3, vm0, $0xb8;
	[tilespmem:$0x18800] =	vst v63  }
0x34: {  	v3 =	vld [tilespmem:$0x10];
	_ =	sdelay $0x4  }
0x35: {  	v57 =	vshll.u32 v3, $0x2  }
0x36: {  	v3 =	vand.u32 $0x7, v3;
	v4 =	vand.u32 $0xFFFFFFE0, v57  }
0x37: {  	v3 =	vor.u32 v3, v4  }
0x38: {  	v4 =	vperm.xlane v3, v0;
	_ =	sdelay $0x1  }
0x39: {  	v4 =	vadd.s32 v1, v4;
	_ =	sdelay $0x1  }
0x3a: {  	v3 =	vperm.xlane v3, v2;
	_ =	sdelay $0x1  }
0x3b: {  	s30 =	simm.s32 $0x6800;
	v3 =	vadd.s32 v1, v3  }
0x3c: {  	[tilespmem:s30], [sflag:$0x1] =	stream.indirect_vreg.gather [hbm4b:s0+s6], $0x80, v4, vm0, $0xb8;
	[tilespmem:$0x18800] =	vst v63  }
0x3d: {  	s31 =	simm.s32 $0x7000  }
0x3e: {  	[tilespmem:s31], [sflag:$0x1] =	stream.indirect_vreg.gather [hbm4b:s1+s6], $0x80, v4, vm0, $0xb8;
	[tilespmem:$0x18800] =	vst v63  }
0x3f: {  	s3 =	simm.s32 $0x7800  }
0x40: {  	[tilespmem:s3], [sflag:$0x1] =	stream.indirect_vreg.gather [hbm4b:s0+s6], $0x80, v3, vm0, $0xb8;
	[tilespmem:$0x18800] =	vst v63  }
0x41: {  	s4 =	simm.s32 $0x8000  }
0x42: {  	[tilespmem:s4], [sflag:$0x1] =	stream.indirect_vreg.gather [hbm4b:s1+s6], $0x80, v3, vm0, $0xb8;
	[tilespmem:$0x18800] =	vst v63  }
0x43: {  	v3 =	vld [tilespmem:$0x20];
	_ =	sdelay $0x4  }
0x44: {  	v58 =	vshll.u32 v3, $0x2  }
0x45: {  	v3 =	vand.u32 $0x7, v3;
	v4 =	vand.u32 $0xFFFFFFE0, v58  }
0x46: {  	v3 =	vor.u32 v3, v4  }
0x47: {  	v4 =	vperm.xlane v3, v0;
	_ =	sdelay $0x1  }
0x48: {  	v4 =	vadd.s32 v1, v4;
	_ =	sdelay $0x1  }
0x49: {  	v3 =	vperm.xlane v3, v2;
	_ =	sdelay $0x1  }
0x4a: {  	s5 =	simm.s32 $0x8800;
	v3 =	vadd.s32 v1, v3  }
0x4b: {  	[tilespmem:s5], [sflag:$0x1] =	stream.indirect_vreg.gather [hbm4b:s0+s6], $0x80, v4, vm0, $0xb8;
	[tilespmem:$0x18800] =	vst v63  }
0x4c: {  	s7 =	simm.s32 $0x9000  }
0x4d: {  	[tilespmem:s7], [sflag:$0x1] =	stream.indirect_vreg.gather [hbm4b:s1+s6], $0x80, v4, vm0, $0xb8;
	[tilespmem:$0x18800] =	vst v63  }
0x4e: {  	s8 =	simm.s32 $0x9800  }
0x4f: {  	[tilespmem:s8], [sflag:$0x1] =	stream.indirect_vreg.gather [hbm4b:s0+s6], $0x80, v3, vm0, $0xb8;
	[tilespmem:$0x18800] =	vst v63  }
0x50: {  	s9 =	simm.s32 $0xA000  }
0x51: {  	[tilespmem:s9], [sflag:$0x1] =	stream.indirect_vreg.gather [hbm4b:s1+s6], $0x80, v3, vm0, $0xb8;
	[tilespmem:$0x18800] =	vst v63  }
0x52: {  	v3 =	vld [tilespmem:$0x30];
	_ =	sdelay $0x4  }
0x53: {  	v59 =	vshll.u32 v3, $0x2  }
0x54: {  	v3 =	vand.u32 $0x7, v3;
	v4 =	vand.u32 $0xFFFFFFE0, v59  }
0x55: {  	v3 =	vor.u32 v3, v4  }
0x56: {  	v4 =	vperm.xlane v3, v0;
	_ =	sdelay $0x1  }
0x57: {  	v4 =	vadd.s32 v1, v4;
	_ =	sdelay $0x1  }
0x58: {  	v3 =	vperm.xlane v3, v2;
	_ =	sdelay $0x1  }
0x59: {  	s10 =	simm.s32 $0xA800;
	v3 =	vadd.s32 v1, v3  }
0x5a: {  	[tilespmem:s10], [sflag:$0x1] =	stream.indirect_vreg.gather [hbm4b:s0+s6], $0x80, v4, vm0, $0xb8;
	[tilespmem:$0x18800] =	vst v63  }
0x5b: {  	s11 =	simm.s32 $0xB000  }
0x5c: {  	[tilespmem:s11], [sflag:$0x1] =	stream.indirect_vreg.gather [hbm4b:s1+s6], $0x80, v4, vm0, $0xb8;
	[tilespmem:$0x18800] =	vst v63  }
0x5d: {  	s12 =	simm.s32 $0xB800  }
0x5e: {  	[tilespmem:s12], [sflag:$0x1] =	stream.indirect_vreg.gather [hbm4b:s0+s6], $0x80, v3, vm0, $0xb8;
	[tilespmem:$0x18800] =	vst v63  }
0x5f: {  	s13 =	simm.s32 $0xC000;
	s14 =	sld [smem:$0x7FA]  }
0x60: {  	[tilespmem:s13], [sflag:$0x1] =	stream.indirect_vreg.gather [hbm4b:s1+s6], $0x80, v3, vm0, $0xb8;
	[tilespmem:$0x18800] =	vst v63  }
0x61: {  	s3 =	simm.s32 $0x2800  }
0x62: {  	[tilespmem:s3], [sflag:$0x4] =	stream.linear.gather [hbm4b:s14+s6], $0x2000, $0x38;
	[tilespmem:$0x18800] =	vst v63  }
0x63: {  	v3 =	vld [tilespmem:$0x40];
	_ =	sdelay $0x4  }
0x64: {  	v60 =	vshll.u32 v3, $0x2  }
0x65: {  	v3 =	vand.u32 $0x7, v3;
	v4 =	vand.u32 $0xFFFFFFE0, v60  }
0x66: {  	v3 =	vor.u32 v3, v4  }
0x67: {  	v4 =	vperm.xlane v3, v0;
	_ =	sdelay $0x1  }
0x68: {  	v4 =	vadd.s32 v1, v4;
	_ =	sdelay $0x1  }
0x69: {  	v3 =	vperm.xlane v3, v2;
	_ =	sdelay $0x1  }
0x6a: {  	s15 =	simm.s32 $0xC800;
	v3 =	vadd.s32 v1, v3  }
0x6b: {  	[tilespmem:s15], [sflag:$0x2] =	stream.indirect_vreg.gather [hbm4b:s0+s6], $0x80, v4, vm0, $0xb8;
	[tilespmem:$0x18800] =	vst v63  }
0x6c: {  	s16 =	simm.s32 $0xD000  }
0x6d: {  	[tilespmem:s16], [sflag:$0x2] =	stream.indirect_vreg.gather [hbm4b:s1+s6], $0x80, v4, vm0, $0xb8;
	[tilespmem:$0x18800] =	vst v63  }
0x6e: {  	s17 =	simm.s32 $0xD800  }
0x6f: {  	[tilespmem:s17], [sflag:$0x2] =	stream.indirect_vreg.gather [hbm4b:s0+s6], $0x80, v3, vm0, $0xb8;
	[tilespmem:$0x18800] =	vst v63  }
0x70: {  	s18 =	simm.s32 $0xE000  }
0x71: {  	[tilespmem:s18], [sflag:$0x2] =	stream.indirect_vreg.gather [hbm4b:s1+s6], $0x80, v3, vm0, $0xb8;
	[tilespmem:$0x18800] =	vst v63  }
0x72: {  	v3 =	vld [tilespmem:$0x50];
	_ =	sdelay $0x4  }
0x73: {  	v61 =	vshll.u32 v3, $0x2  }
0x74: {  	v3 =	vand.u32 $0x7, v3;
	v4 =	vand.u32 $0xFFFFFFE0, v61  }
0x75: {  	v3 =	vor.u32 v3, v4  }
0x76: {  	v4 =	vperm.xlane v3, v0;
	_ =	sdelay $0x1  }
0x77: {  	v4 =	vadd.s32 v1, v4;
	_ =	sdelay $0x1  }
0x78: {  	v3 =	vperm.xlane v3, v2;
	_ =	sdelay $0x1  }
0x79: {  	s19 =	simm.s32 $0xE800;
	v3 =	vadd.s32 v1, v3  }
0x7a: {  	[tilespmem:s19], [sflag:$0x2] =	stream.indirect_vreg.gather [hbm4b:s0+s6], $0x80, v4, vm0, $0xb8;
	[tilespmem:$0x18800] =	vst v63  }
0x7b: {  	s20 =	simm.s32 $0xF000  }
0x7c: {  	[tilespmem:s20], [sflag:$0x2] =	stream.indirect_vreg.gather [hbm4b:s1+s6], $0x80, v4, vm0, $0xb8;
	[tilespmem:$0x18800] =	vst v63  }
0x7d: {  	s21 =	simm.s32 $0xF800  }
0x7e: {  	[tilespmem:s21], [sflag:$0x2] =	stream.indirect_vreg.gather [hbm4b:s0+s6], $0x80, v3, vm0, $0xb8;
	[tilespmem:$0x18800] =	vst v63  }
0x7f: {  	s22 =	simm.s32 $0x10000  }
0x80: {  	[tilespmem:s22], [sflag:$0x2] =	stream.indirect_vreg.gather [hbm4b:s1+s6], $0x80, v3, vm0, $0xb8;
	[tilespmem:$0x18800] =	vst v63  }
0x81: {  	v3 =	vld [tilespmem:$0x60];
	_ =	sdelay $0x4  }
0x82: {  	v62 =	vshll.u32 v3, $0x2  }
0x83: {  	v3 =	vand.u32 $0x7, v3;
	v4 =	vand.u32 $0xFFFFFFE0, v62  }
0x84: {  	v3 =	vor.u32 v3, v4  }
0x85: {  	v4 =	vperm.xlane v3, v0;
	_ =	sdelay $0x1  }
0x86: {  	v4 =	vadd.s32 v1, v4;
	_ =	sdelay $0x1  }
0x87: {  	v3 =	vperm.xlane v3, v2;
	_ =	sdelay $0x1  }
0x88: {  	s23 =	simm.s32 $0x10800;
	v3 =	vadd.s32 v1, v3  }
0x89: {  	[tilespmem:s23], [sflag:$0x2] =	stream.indirect_vreg.gather [hbm4b:s0+s6], $0x80, v4, vm0, $0xb8;
	[tilespmem:$0x18800] =	vst v63  }
0x8a: {  	s24 =	simm.s32 $0x11000  }
0x8b: {  	[tilespmem:s24], [sflag:$0x2] =	stream.indirect_vreg.gather [hbm4b:s1+s6], $0x80, v4, vm0, $0xb8;
	[tilespmem:$0x18800] =	vst v63  }
0x8c: {  	s25 =	simm.s32 $0x11800  }
0x8d: {  	[tilespmem:s25], [sflag:$0x2] =	stream.indirect_vreg.gather [hbm4b:s0+s6], $0x80, v3, vm0, $0xb8;
	[tilespmem:$0x18800] =	vst v63  }
0x8e: {  	s26 =	simm.s32 $0x12000  }
0x8f: {  	[tilespmem:s26], [sflag:$0x2] =	stream.indirect_vreg.gather [hbm4b:s1+s6], $0x80, v3, vm0, $0xb8;
	[tilespmem:$0x18800] =	vst v63  }
0x90: {  	v3 =	vld [tilespmem:$0x70];
	_ =	sdelay $0x4  }
0x91: {  	v63 =	vshll.u32 v3, $0x2  }
0x92: {  	v3 =	vand.u32 $0x7, v3;
	v4 =	vand.u32 $0xFFFFFFE0, v63  }
0x93: {  	v3 =	vor.u32 v3, v4  }
0x94: {  	v4 =	vperm.xlane v3, v0;
	_ =	sdelay $0x1  }
0x95: {  	v4 =	vadd.s32 v1, v4;
	_ =	sdelay $0x1  }
0x96: {  	v3 =	vperm.xlane v3, v2;
	_ =	sdelay $0x1  }
0x97: {  	s28 =	simm.s32 $0x12800;
	v3 =	vadd.s32 v1, v3  }
0x98: {  	[tilespmem:s28], [sflag:$0x2] =	stream.indirect_vreg.gather [hbm4b:s0+s6], $0x80, v4, vm0, $0xb8;
	[tilespmem:$0x18800] =	vst v63  }
0x99: {  	s29 =	simm.s32 $0x13000  }
0x9a: {  	[tilespmem:s29], [sflag:$0x2] =	stream.indirect_vreg.gather [hbm4b:s1+s6], $0x80, v4, vm0, $0xb8;
	[tilespmem:$0x18800] =	vst v63  }
0x9b: {  	s30 =	simm.s32 $0x13800  }
0x9c: {  	[tilespmem:s30], [sflag:$0x2] =	stream.indirect_vreg.gather [hbm4b:s0+s6], $0x80, v3, vm0, $0xb8;
	[tilespmem:$0x18800] =	vst v63  }
0x9d: {  	s31 =	simm.s32 $0x14000;
	s14 =	simm.s32 $0x0  }
0x9e: {  	[tilespmem:s31], [sflag:$0x2] =	stream.indirect_vreg.gather [hbm4b:s1+s6], $0x80, v3, vm0, $0xb8;
	[tilespmem:$0x18800] =	vst v63  }
.LBB2_2:
0x9f: {  	s0 =	simm.s32 $0x3  }
0xa0: {  	_ =	swait.ge [sflag:s0], $0x2000  }
0xa1: {  	[sflag:s0] =	ssyncset.done $0x0  }
0xa2: {  	s10 =	simm.s32 $0x1;
	[sflag:s0] =	ssyncadd.s32 $0xFFFFE000  }
0xa3: {  	_ =	swait.ge [sflag:s10], $0x8000  }
0xa4: {  	p0 =	seq.s32 s14, $0x0;
	[sflag:s10] =	ssyncset.done $0x0  }
0xa5: {  	s0 =	simm.s32 @!p0 $0x5;
	[sflag:s10] =	ssyncadd.s32 $0xFFFF8000  }
0xa6: {  	_ =	swait.ge @!p0 [sflag:s0], $0x2000  }
0xa7: {  	s3 =	simm.s32 $0x0;
	s11 =	simm.s32 $0x180;
	[sflag:s0] =	ssyncset.done @!p0 $0x0  }
0xa8: {  	s25 =	simm.s32 $0x0;
	s1 =	sand.u32 $0x7000, s3;
	[sflag:s0] =	ssyncadd.s32 @!p0 $0xFFFFE000  }
0xa9: {  	s2 =	sand.u32 $0x7, s3;
	s4 =	sadd.s32 $0x4800, s1;
	s0 =	sand.u32 $0x380, s11;
	v25 =	vld [tilespmem:s25+$0x980]  }
0xaa: {  	s12 =	sshll.u32 s2, $0x7;
	v28 =	vld [tilespmem:s25+$0x990];
	s2 =	sor.u32 s0, s4  }
0xab: {  	s5 =	sadd.s32 $0x0, s12;
	v3 =	vld [tilespmem:s2+$0x0]  }
0xac: {  	s1 =	sadd.s32 $0x180, s5;
	v4 =	vld [tilespmem:s2+$0x400]  }
0xad: {  	s13 =	sor.u32 $0x800, s1;
	v26 =	vld [tilespmem:s25+$0x9A0]  }
0xae: {  	v5 =	vld [tilespmem:s13+$0x4800]  }
0xaf: {  	s15 =	sor.u32 $0xC00, s1;
	v27 =	vld [tilespmem:s25+$0x9B0]  }
0xb0: {  	v6 =	vld [tilespmem:s15+$0x4800]  }
0xb1: {  	v3 =	vmul.f32 v3, v25;
	v4 =	vmul.f32 v4, v28;
	_ =	sdelay $0x1  }
0xb2: {  	v3 =	vadd.f32 v4, v3;
	v4 =	vmul.f32 v5, v26;
	_ =	sdelay $0x1  }
0xb3: {  	v30 =	vld [tilespmem:s25+$0x800];
	v3 =	vadd.f32 v4, v3;
	v4 =	vmul.f32 v6, v27  }
0xb4: {  	v29 =	vld [tilespmem:s25+$0x810]  }
0xb5: {  	v22 =	vld [tilespmem:s25+$0x880];
	v3 =	vadd.f32 v4, v3  }
0xb6: {  	v20 =	vld [tilespmem:s25+$0x890]  }
0xb7: {  	v18 =	vld [tilespmem:s25+$0x900];
	[tilespmem:s25+$0x14980] =	vst v3  }
0xb8: {  	v3 =	vld [tilespmem:s2+$0x10]  }
0xb9: {  	v8 =	vld [tilespmem:s2+$0x410]  }
0xba: {  	s19 =	sor.u32 $0x810, s1;
	v21 =	vld [tilespmem:s25+$0x910]  }
0xbb: {  	v10 =	vld [tilespmem:s19+$0x4800]  }
0xbc: {  	s3 =	sand.u32 $0x3, s3;
	s20 =	sor.u32 $0xC10, s1;
	v19 =	vld [tilespmem:s25+$0x820]  }
0xbd: {  	s16 =	simm.s32 $0x0;
	s7 =	simm.s32 $0x80;
	s3 =	sshll.u32 s3, $0x8;
	v12 =	vld [tilespmem:s20+$0x4800]  }
0xbe: {  	s18 =	simm.s32 $0x100;
	p1 =	por $0x0, $0x0;
	s3 =	sadd.s32 $0x0, s3;
	v17 =	vld [tilespmem:s25+$0x830];
	v3 =	vmul.f32 v3, v25;
	v8 =	vmul.f32 v8, v28  }
0xbf: {  	s17 =	sand.u32 $0x280, s7;
	s11 =	sadd.s32 $0x100, s3;
	s0 =	sand.u32 $0x200, s16;
	v23 =	vld [tilespmem:s25+$0x8A0]  }
0xc0: {  	s7 =	sand.u32 $0x300, s18;
	s31 =	sor.u32 $0x800, s11;
	v24 =	vld [tilespmem:s25+$0x920];
	s6 =	sor.u32 s0, s4;
	v3 =	vadd.f32 v8, v3;
	v8 =	vmul.f32 v10, v26  }
0xc1: {  	s0 =	sor.u32 s17, s4;
	s17 =	sor.u32 s7, s4;
	s4 =	simm.s32 $0x1;
	v16 =	vld [tilespmem:s31+$0x4800]  }
0xc2: {  	v7 =	vld [tilespmem:s0+$0x400];
	s4 =	simm.s32 @!p1 $0x0;
	v3 =	vadd.f32 v8, v3;
	v8 =	vmul.f32 v12, v27  }
0xc3: {  	s4 =	sshll.u32 s4, $0x9;
	v5 =	vld [tilespmem:s6+$0x0]  }
0xc4: {  	v6 =	vld [tilespmem:s6+$0x400];
	s19 =	sadd.s32 $0x0, s4;
	v3 =	vadd.f32 v8, v3  }
0xc5: {  	v4 =	vld [tilespmem:s0+$0x0];
	s22 =	sor.u32 $0x800, s19  }
0xc6: {  	v8 =	vld [tilespmem:s22+$0x4800];
	[tilespmem:s25+$0x14990] =	vst v3  }
0xc7: {  	v3 =	vld [tilespmem:s2+$0x20]  }
0xc8: {  	s23 =	sor.u32 $0xC00, s19;
	v12 =	vld [tilespmem:s2+$0x420]  }
0xc9: {  	s24 =	sor.u32 $0x820, s1;
	v13 =	vld [tilespmem:s23+$0x4800]  }
0xca: {  	s18 =	sadd.s32 $0x80, s5;
	s26 =	sor.u32 $0xC20, s1;
	v5 =	vmul.f32 v5, v30;
	v6 =	vmul.f32 v6, v29;
	v14 =	vld [tilespmem:s24+$0x4800]  }
0xcb: {  	s21 =	sor.u32 $0x800, s18;
	v15 =	vld [tilespmem:s26+$0x4800]  }
0xcc: {  	v5 =	vadd.f32 v6, v5;
	v10 =	vld [tilespmem:s21+$0x4800];
	v6 =	vmul.f32 v8, v19  }
0xcd: {  	v9 =	vld [tilespmem:s17+$0x0];
	v3 =	vmul.f32 v3, v25;
	v12 =	vmul.f32 v12, v28  }
0xce: {  	v11 =	vld [tilespmem:s17+$0x400];
	v7 =	vmul.f32 v7, v20;
	s4 =	sor.u32 $0xC00, s18;
	v5 =	vadd.f32 v6, v5;
	v6 =	vmul.f32 v13, v17  }
0xcf: {  	v4 =	vmul.f32 v4, v22;
	v8 =	vld [tilespmem:s4+$0x4800];
	v14 =	vmul.f32 v14, v26;
	v12 =	vadd.f32 v12, v3  }
0xd0: {  	v13 =	vmul.f32 v15, v27;
	v5 =	vadd.f32 v6, v5;
	v3 =	vld [tilespmem:s25+$0x8B0]  }
0xd1: {  	s5 =	sor.u32 $0xC00, s11;
	v6 =	vadd.f32 v7, v4;
	v7 =	vmul.f32 v10, v23;
	v4 =	vld [tilespmem:s25+$0x930];
	v12 =	vadd.f32 v14, v12  }
0xd2: {  	v9 =	vmul.f32 v9, v18;
	[tilespmem:s25+$0x14800] =	vst v5;
	v14 =	vld [tilespmem:s5+$0x4800]  }
0xd3: {  	v11 =	vmul.f32 v11, v21;
	s9 =	sor.u32 $0x810, s19;
	v5 =	vadd.f32 v7, v6;
	v7 =	vld [tilespmem:s6+$0x10];
	v10 =	vadd.f32 v13, v12  }
0xd4: {  	v15 =	vld [tilespmem:s9+$0x4800]  }
0xd5: {  	v6 =	vmul.f32 v8, v3;
	v8 =	vadd.f32 v11, v9;
	v11 =	vld [tilespmem:s6+$0x410];
	[tilespmem:s25+$0x149A0] =	vst v10  }
0xd6: {  	v9 =	vmul.f32 v16, v24;
	v10 =	vld [tilespmem:s2+$0x30]  }
0xd7: {  	s12 =	sor.u32 $0xC10, s19;
	v5 =	vadd.f32 v6, v5;
	v6 =	vld [tilespmem:s2+$0x430]  }
0xd8: {  	s7 =	sor.u32 $0x830, s1;
	v16 =	vld [tilespmem:s12+$0x4800];
	v8 =	vadd.f32 v9, v8;
	v9 =	vmul.f32 v14, v4  }
0xd9: {  	s8 =	sor.u32 $0xC30, s1;
	[tilespmem:s25+$0x14880] =	vst v5;
	v5 =	vld [tilespmem:s7+$0x4800]  }
0xda: {  	v12 =	vld [tilespmem:s8+$0x4800];
	v8 =	vadd.f32 v9, v8  }
0xdb: {  	v9 =	vld [tilespmem:s0+$0x10]  }
0xdc: {  	[tilespmem:s25+$0x14900] =	vst v8;
	v8 =	vld [tilespmem:s0+$0x410];
	v10 =	vmul.f32 v10, v25;
	v6 =	vmul.f32 v6, v28  }
0xdd: {  	v13 =	vld [tilespmem:s17+$0x10]  }
0xde: {  	s10 =	sor.u32 $0x810, s18;
	v14 =	vld [tilespmem:s17+$0x410];
	v6 =	vadd.f32 v6, v10;
	v5 =	vmul.f32 v5, v26  }
0xdf: {  	s13 =	sor.u32 $0x810, s11;
	v7 =	vmul.f32 v7, v30;
	v10 =	vld [tilespmem:s10+$0x4800]  }
0xe0: {  	s15 =	sor.u32 $0xC10, s18;
	v11 =	vmul.f32 v11, v29;
	v5 =	vadd.f32 v5, v6;
	v6 =	vmul.f32 v12, v27;
	v12 =	vld [tilespmem:s13+$0x4800]  }
0xe1: {  	v31 =	vld [tilespmem:s15+$0x4800];
	v9 =	vmul.f32 v9, v22;
	v8 =	vmul.f32 v8, v20  }
0xe2: {  	s16 =	sor.u32 $0xC10, s11;
	v7 =	vadd.f32 v11, v7;
	v5 =	vadd.f32 v6, v5;
	v6 =	vmul.f32 v15, v19  }
0xe3: {  	v11 =	vmul.f32 v13, v18;
	v13 =	vld [tilespmem:s16+$0x4800];
	v8 =	vadd.f32 v8, v9;
	v9 =	vmul.f32 v14, v21  }
0xe4: {  	[tilespmem:s25+$0x149B0] =	vst v5;
	v5 =	vmul.f32 v10, v23;
	v6 =	vadd.f32 v6, v7;
	v7 =	vmul.f32 v16, v17  }
0xe5: {  	v9 =	vadd.f32 v9, v11;
	v10 =	vld [tilespmem:s2+$0x40];
	v11 =	vmul.f32 v12, v24  }
0xe6: {  	s20 =	sor.u32 $0x840, s1;
	v12 =	vld [tilespmem:s2+$0x440];
	v5 =	vadd.f32 v5, v8;
	v8 =	vmul.f32 v31, v3;
	v6 =	vadd.f32 v7, v6  }
0xe7: {  	s21 =	sor.u32 $0xC40, s1;
	v7 =	vld [tilespmem:s20+$0x4800]  }
0xe8: {  	v9 =	vadd.f32 v11, v9;
	v11 =	vmul.f32 v13, v4;
	v5 =	vadd.f32 v8, v5;
	v8 =	vld [tilespmem:s21+$0x4800];
	[tilespmem:s25+$0x14810] =	vst v6  }
0xe9: {  	v6 =	vld [tilespmem:s6+$0x20]  }
0xea: {  	v9 =	vadd.f32 v11, v9;
	[tilespmem:s25+$0x14890] =	vst v5;
	v5 =	vld [tilespmem:s6+$0x420]  }
0xeb: {  	v11 =	vld [tilespmem:s0+$0x20]  }
0xec: {  	v10 =	vmul.f32 v10, v25;
	v12 =	vmul.f32 v12, v28;
	[tilespmem:s25+$0x14910] =	vst v9;
	v9 =	vld [tilespmem:s0+$0x420]  }
0xed: {  	s22 =	sor.u32 $0x820, s19;
	v13 =	vld [tilespmem:s17+$0x20]  }
0xee: {  	v7 =	vmul.f32 v7, v26;
	v10 =	vadd.f32 v12, v10;
	v12 =	vld [tilespmem:s22+$0x4800]  }
0xef: {  	s24 =	sor.u32 $0xC20, s19;
	v14 =	vld [tilespmem:s17+$0x420]  }
0xf0: {  	s23 =	sor.u32 $0x820, s18;
	v8 =	vmul.f32 v8, v27;
	v7 =	vadd.f32 v7, v10;
	v10 =	vld [tilespmem:s24+$0x4800]  }
0xf1: {  	v15 =	vld [tilespmem:s23+$0x4800];
	v6 =	vmul.f32 v6, v30;
	v5 =	vmul.f32 v5, v29  }
0xf2: {  	s31 =	sor.u32 $0xC20, s18;
	v7 =	vadd.f32 v8, v7;
	v8 =	vmul.f32 v11, v22;
	v9 =	vmul.f32 v9, v20  }
0xf3: {  	s26 =	sor.u32 $0x820, s11;
	v11 =	vld [tilespmem:s31+$0x4800];
	v5 =	vadd.f32 v5, v6;
	v12 =	vmul.f32 v12, v19  }
0xf4: {  	s5 =	sor.u32 $0xC20, s11;
	v16 =	vld [tilespmem:s26+$0x4800];
	v6 =	vmul.f32 v13, v18;
	v8 =	vadd.f32 v9, v8  }
0xf5: {  	v9 =	vmul.f32 v14, v21;
	v14 =	vld [tilespmem:s5+$0x4800];
	[tilespmem:s25+$0x149C0] =	vst v7;
	v5 =	vadd.f32 v12, v5;
	v7 =	vmul.f32 v10, v17  }
0xf6: {  	v13 =	vmul.f32 v15, v23;
	v10 =	vld [tilespmem:s2+$0x50]  }
0xf7: {  	s8 =	sor.u32 $0xC50, s1;
	v6 =	vadd.f32 v9, v6;
	v9 =	vld [tilespmem:s2+$0x450];
	v5 =	vadd.f32 v7, v5  }
0xf8: {  	s7 =	sor.u32 $0x850, s1;
	v8 =	vadd.f32 v13, v8;
	v13 =	vld [tilespmem:s8+$0x4800];
	v7 =	vmul.f32 v11, v3  }
0xf9: {  	v12 =	vmul.f32 v16, v24;
	v11 =	vld [tilespmem:s7+$0x4800];
	[tilespmem:s25+$0x14820] =	vst v5  }
0xfa: {  	s9 =	sor.u32 $0x830, s19;
	v5 =	vadd.f32 v7, v8;
	v7 =	vld [tilespmem:s6+$0x30]  }
0xfb: {  	s12 =	sor.u32 $0xC30, s19;
	v6 =	vadd.f32 v12, v6;
	v12 =	vmul.f32 v14, v4;
	v15 =	vld [tilespmem:s9+$0x4800]  }
0xfc: {  	v16 =	vld [tilespmem:s12+$0x4800]  }
0xfd: {  	v6 =	vadd.f32 v12, v6;
	[tilespmem:s25+$0x148A0] =	vst v5;
	v5 =	vld [tilespmem:s6+$0x430]  }
0xfe: {  	v10 =	vmul.f32 v10, v25;
	v9 =	vmul.f32 v9, v28;
	v8 =	vld [tilespmem:s0+$0x30]  }
0xff: {  	s10 =	sor.u32 $0x830, s18;
	[tilespmem:s25+$0x14920] =	vst v6;
	v6 =	vld [tilespmem:s0+$0x430]  }
0x100: {  	v9 =	vadd.f32 v9, v10;
	v10 =	vmul.f32 v11, v26;
	v11 =	vld [tilespmem:s10+$0x4800]  }
0x101: {  	v13 =	vmul.f32 v13, v27;
	v12 =	vld [tilespmem:s17+$0x30]  }
0x102: {  	s13 =	sor.u32 $0x830, s11;
	v14 =	vld [tilespmem:s17+$0x430];
	v9 =	vadd.f32 v10, v9;
	v7 =	vmul.f32 v7, v30;
	v5 =	vmul.f32 v5, v29  }
0x103: {  	s15 =	sor.u32 $0xC30, s18;
	v10 =	vld [tilespmem:s13+$0x4800]  }
0x104: {  	v61 =	vld [tilespmem:s15+$0x4800];
	v9 =	vadd.f32 v13, v9;
	v5 =	vadd.f32 v5, v7;
	v7 =	vmul.f32 v15, v19  }
0x105: {  	s16 =	sor.u32 $0xC30, s11;
	v8 =	vmul.f32 v8, v22;
	v6 =	vmul.f32 v6, v20  }
0x106: {  	v13 =	vld [tilespmem:s16+$0x4800];
	v12 =	vmul.f32 v12, v18;
	[tilespmem:s25+$0x149D0] =	vst v9;
	v5 =	vadd.f32 v7, v5;
	v7 =	vmul.f32 v16, v17  }
0x107: {  	s21 =	sor.u32 $0xC60, s1;
	v9 =	vmul.f32 v11, v23;
	v6 =	vadd.f32 v6, v8;
	v8 =	vmul.f32 v14, v21;
	v11 =	vld [tilespmem:s2+$0x60]  }
0x108: {  	v10 =	vmul.f32 v10, v24;
	v14 =	vld [tilespmem:s21+$0x4800];
	v5 =	vadd.f32 v7, v5  }
0x109: {  	s20 =	sor.u32 $0x860, s1;
	v8 =	vadd.f32 v8, v12;
	v12 =	vld [tilespmem:s2+$0x460];
	v6 =	vadd.f32 v9, v6;
	v9 =	vmul.f32 v61, v3  }
0x10a: {  	v7 =	vld [tilespmem:s20+$0x4800];
	[tilespmem:s25+$0x14830] =	vst v5  }
0x10b: {  	s22 =	sor.u32 $0x840, s19;
	v8 =	vadd.f32 v10, v8;
	v10 =	vmul.f32 v13, v4;
	v6 =	vadd.f32 v9, v6;
	v5 =	vld [tilespmem:s6+$0x40]  }
0x10c: {  	s24 =	sor.u32 $0xC40, s19;
	v15 =	vld [tilespmem:s22+$0x4800]  }
0x10d: {  	v16 =	vld [tilespmem:s24+$0x4800];
	v8 =	vadd.f32 v10, v8;
	[tilespmem:s25+$0x148B0] =	vst v6  }
0x10e: {  	v11 =	vmul.f32 v11, v25;
	v9 =	vld [tilespmem:s0+$0x40];
	v12 =	vmul.f32 v12, v28  }
0x10f: {  	[tilespmem:s25+$0x14930] =	vst v8;
	v8 =	vld [tilespmem:s0+$0x440]  }
0x110: {  	v6 =	vld [tilespmem:s6+$0x440];
	v7 =	vmul.f32 v7, v26;
	v11 =	vadd.f32 v12, v11  }
0x111: {  	s31 =	sor.u32 $0xC40, s18;
	v13 =	vld [tilespmem:s17+$0x440]  }
0x112: {  	v14 =	vmul.f32 v14, v27;
	v62 =	vld [tilespmem:s31+$0x4800];
	v7 =	vadd.f32 v7, v11  }
0x113: {  	s23 =	sor.u32 $0x840, s18;
	v10 =	vld [tilespmem:s17+$0x40]  }
0x114: {  	s26 =	sor.u32 $0x840, s11;
	v12 =	vld [tilespmem:s23+$0x4800];
	v9 =	vmul.f32 v9, v22;
	v8 =	vmul.f32 v8, v20;
	v7 =	vadd.f32 v14, v7  }
0x115: {  	s5 =	sor.u32 $0xC40, s11;
	v11 =	vld [tilespmem:s26+$0x4800]  }
0x116: {  	v8 =	vadd.f32 v8, v9;
	v9 =	vmul.f32 v13, v21;
	v13 =	vld [tilespmem:s5+$0x4800];
	[tilespmem:s25+$0x149E0] =	vst v7  }
0x117: {  	v34 =	vld [tilespmem:s2+$0x70]  }
0x118: {  	s7 =	sor.u32 $0x870, s1;
	v5 =	vmul.f32 v5, v30;
	v6 =	vmul.f32 v6, v29;
	v35 =	vld [tilespmem:s2+$0x470]  }
0x119: {  	s1 =	sor.u32 $0xC70, s1;
	v33 =	vld [tilespmem:s7+$0x4800]  }
0x11a: {  	v5 =	vadd.f32 v6, v5;
	v6 =	vmul.f32 v15, v19;
	v32 =	vld [tilespmem:s1+$0x4800];
	s7 =	simm.s32 $0x200  }
0x11b: {  	s13 =	simm.s32 $0x800;
	v37 =	vld [tilespmem:s7+$0x980]  }
0x11c: {  	s12 =	sand.u32 $0x7000, s13;
	s21 =	simm.s32 $0x380;
	s31 =	simm.s32 $0x280;
	v5 =	vadd.f32 v6, v5;
	v6 =	vmul.f32 v16, v17;
	v38 =	vld [tilespmem:s7+$0x990]  }
0x11d: {  	s20 =	sand.u32 $0x380, s21;
	s5 =	sand.u32 $0x280, s31;
	s1 =	sadd.s32 $0x4800, s12;
	v36 =	vld [tilespmem:s7+$0x9A0]  }
0x11e: {  	s15 =	simm.s32 $0x4;
	v5 =	vadd.f32 v6, v5;
	s4 =	sor.u32 s20, s1;
	v31 =	vld [tilespmem:s7+$0x9B0];
	s20 =	sor.u32 s5, s1  }
0x11f: {  	s16 =	sand.u32 $0x7, s15;
	v7 =	vmul.f32 v12, v23;
	v49 =	vld [tilespmem:s20+$0x0]  }
0x120: {  	v10 =	vmul.f32 v10, v18;
	s2 =	sshll.u32 s16, $0x7;
	v50 =	vld [tilespmem:s20+$0x400];
	[tilespmem:s25+$0x14840] =	vst v5  }
0x121: {  	v7 =	vadd.f32 v7, v8;
	v8 =	vmul.f32 v62, v3;
	s2 =	sadd.s32 $0x800, s2;
	v14 =	vld [tilespmem:s6+$0x50]  }
0x122: {  	s8 =	sor.u32 $0x850, s19;
	v9 =	vadd.f32 v9, v10;
	v10 =	vmul.f32 v11, v24;
	s3 =	sadd.s32 $0x180, s2;
	v15 =	vld [tilespmem:s6+$0x450]  }
0x123: {  	v7 =	vadd.f32 v8, v7;
	s23 =	sor.u32 $0xC00, s3;
	v43 =	vld [tilespmem:s8+$0x4800]  }
0x124: {  	v6 =	vadd.f32 v10, v9;
	s22 =	sor.u32 $0x800, s3;
	v9 =	vmul.f32 v13, v4;
	v8 =	vld [tilespmem:s23+$0x4800]  }
0x125: {  	s8 =	sor.u32 $0xC50, s19;
	[tilespmem:s25+$0x148C0] =	vst v7;
	v7 =	vld [tilespmem:s22+$0x4800]  }
0x126: {  	v45 =	vld [tilespmem:s8+$0x4800];
	v5 =	vadd.f32 v9, v6  }
0x127: {  	v6 =	vld [tilespmem:s4+$0x400]  }
0x128: {  	[tilespmem:s25+$0x14940] =	vst v5;
	v5 =	vld [tilespmem:s4+$0x0]  }
0x129: {  	v16 =	vld [tilespmem:s0+$0x50]  }
0x12a: {  	s9 =	sor.u32 $0x850, s18;
	v42 =	vld [tilespmem:s0+$0x450]  }
0x12b: {  	s24 =	sor.u32 $0xC50, s18;
	v44 =	vld [tilespmem:s9+$0x4800]  }
0x12c: {  	s9 =	simm.s32 $0x200;
	v46 =	vld [tilespmem:s24+$0x4800]  }
0x12d: {  	s26 =	sand.u32 $0x200, s9;
	s9 =	simm.s32 $0x300;
	v39 =	vld [tilespmem:s17+$0x50];
	v6 =	vmul.f32 v6, v38;
	v5 =	vmul.f32 v5, v37  }
0x12e: {  	p1 =	por !p1, !p1;
	s10 =	sor.u32 $0x850, s11;
	s12 =	sand.u32 $0x300, s9;
	v40 =	vld [tilespmem:s17+$0x450]  }
0x12f: {  	v41 =	vld [tilespmem:s10+$0x4800];
	s10 =	sor.u32 s26, s1;
	s8 =	sor.u32 s12, s1;
	s1 =	simm.s32 $0x1;
	v5 =	vadd.f32 v6, v5;
	v6 =	vmul.f32 v7, v36  }
0x130: {  	v47 =	vld [tilespmem:s10+$0x0];
	s1 =	simm.s32 @!p1 $0x0  }
0x131: {  	v48 =	vld [tilespmem:s10+$0x400];
	s24 =	sshll.u32 s1, $0x9;
	v5 =	vadd.f32 v6, v5;
	v6 =	vmul.f32 v8, v31  }
0x132: {  	v51 =	vld [tilespmem:s8+$0x0];
	s9 =	sadd.s32 $0x800, s24  }
0x133: {  	v52 =	vld [tilespmem:s8+$0x400];
	s31 =	sor.u32 $0x800, s9;
	v6 =	vadd.f32 v6, v5  }
0x134: {  	v55 =	vld [tilespmem:s31+$0x4800]  }
0x135: {  	v14 =	vmul.f32 v14, v30;
	v15 =	vmul.f32 v15, v29;
	v7 =	vld [tilespmem:s7+$0x880];
	[tilespmem:s7+$0x14980] =	vst v6  }
0x136: {  	v16 =	vmul.f32 v16, v22;
	v42 =	vmul.f32 v42, v20;
	v9 =	vld [tilespmem:s4+$0x10]  }
0x137: {  	v14 =	vadd.f32 v15, v14;
	v15 =	vmul.f32 v43, v19;
	s31 =	sor.u32 $0xC00, s9;
	v10 =	vld [tilespmem:s4+$0x410]  }
0x138: {  	s16 =	sor.u32 $0x810, s3;
	v43 =	vmul.f32 v44, v23;
	v61 =	vmul.f32 v46, v3;
	v16 =	vadd.f32 v42, v16;
	v46 =	vld [tilespmem:s31+$0x4800]  }
0x139: {  	v63 =	vmul.f32 v45, v17;
	v14 =	vadd.f32 v15, v14;
	v11 =	vld [tilespmem:s16+$0x4800]  }
0x13a: {  	s22 =	sor.u32 $0xC10, s3;
	v43 =	vadd.f32 v43, v16;
	v16 =	vld [tilespmem:s7+$0x830]  }
0x13b: {  	v42 =	vadd.f32 v63, v14;
	v12 =	vld [tilespmem:s22+$0x4800]  }
0x13c: {  	v14 =	vld [tilespmem:s7+$0x8B0];
	v13 =	vmul.f32 v9, v37;
	v53 =	vmul.f32 v10, v38  }
0x13d: {  	v8 =	vld [tilespmem:s7+$0x890];
	[tilespmem:s25+$0x14850] =	vst v42;
	s16 =	simm.s32 $0x2  }
0x13e: {  	v42 =	vld [tilespmem:s6+$0x60];
	s23 =	sand.u32 $0x3, s16;
	v11 =	vmul.f32 v11, v36;
	v13 =	vadd.f32 v53, v13  }
0x13f: {  	v43 =	vadd.f32 v61, v43;
	v5 =	vld [tilespmem:s7+$0x800];
	s5 =	sshll.u32 s23, $0x8  }
0x140: {  	v6 =	vld [tilespmem:s7+$0x810];
	s5 =	sadd.s32 $0x800, s5;
	v11 =	vadd.f32 v11, v13;
	v13 =	vmul.f32 v12, v31  }
0x141: {  	v44 =	vld [tilespmem:s6+$0x460];
	[tilespmem:s25+$0x148D0] =	vst v43;
	s1 =	sadd.s32 $0x100, s5  }
0x142: {  	s2 =	sadd.s32 $0x80, s2;
	v43 =	vld [tilespmem:s0+$0x460];
	s12 =	sor.u32 $0x800, s1;
	v56 =	vadd.f32 v13, v11  }
0x143: {  	s26 =	sor.u32 $0x800, s2;
	v54 =	vld [tilespmem:s12+$0x4800]  }
0x144: {  	v53 =	vld [tilespmem:s26+$0x4800];
	[tilespmem:s7+$0x14990] =	vst v56  }
0x145: {  	v47 =	vmul.f32 v47, v5;
	v48 =	vmul.f32 v48, v6;
	v56 =	vld [tilespmem:s4+$0x20]  }
0x146: {  	s12 =	sor.u32 $0xC50, s11;
	v57 =	vld [tilespmem:s4+$0x420]  }
0x147: {  	s23 =	sor.u32 $0x820, s3;
	v61 =	vadd.f32 v48, v47;
	v48 =	vld [tilespmem:s12+$0x4800]  }
0x148: {  	v39 =	vmul.f32 v39, v18;
	v40 =	vmul.f32 v40, v21;
	v59 =	vld [tilespmem:s23+$0x4800]  }
0x149: {  	s26 =	sor.u32 $0xC20, s3;
	v12 =	vld [tilespmem:s7+$0x820]  }
0x14a: {  	v41 =	vmul.f32 v41, v24;
	v39 =	vadd.f32 v40, v39;
	s22 =	sor.u32 $0xC00, s2;
	v45 =	vld [tilespmem:s26+$0x4800]  }
0x14b: {  	v58 =	vld [tilespmem:s22+$0x4800];
	v15 =	vmul.f32 v56, v37;
	v62 =	vmul.f32 v57, v38  }
0x14c: {  	v39 =	vadd.f32 v41, v39;
	v9 =	vld [tilespmem:s7+$0x900];
	v40 =	vmul.f32 v48, v4  }
0x14d: {  	v10 =	vld [tilespmem:s7+$0x910];
	s24 =	sor.u32 $0xC00, s1;
	v63 =	vmul.f32 v59, v36;
	v56 =	vadd.f32 v62, v15  }
0x14e: {  	v60 =	vld [tilespmem:s24+$0x4800];
	v39 =	vadd.f32 v40, v39  }
0x14f: {  	v13 =	vld [tilespmem:s7+$0x8A0];
	v45 =	vmul.f32 v45, v31;
	v62 =	vmul.f32 v55, v12;
	v63 =	vadd.f32 v63, v56  }
0x150: {  	v11 =	vld [tilespmem:s7+$0x920];
	[tilespmem:s25+$0x14950] =	vst v39  }
0x151: {  	v46 =	vmul.f32 v46, v16;
	v39 =	vld [tilespmem:s17+$0x60];
	v57 =	vadd.f32 v62, v61;
	v59 =	vadd.f32 v45, v63  }
0x152: {  	v49 =	vmul.f32 v49, v7;
	v50 =	vmul.f32 v50, v8;
	v15 =	vld [tilespmem:s7+$0x930]  }
0x153: {  	v51 =	vmul.f32 v51, v9;
	v40 =	vld [tilespmem:s17+$0x460];
	v46 =	vadd.f32 v46, v57;
	[tilespmem:s7+$0x149A0] =	vst v59  }
0x154: {  	v49 =	vadd.f32 v50, v49;
	v52 =	vmul.f32 v52, v10;
	v61 =	vmul.f32 v53, v13;
	v63 =	vld [tilespmem:s4+$0x30]  }
0x155: {  	v57 =	vmul.f32 v58, v14;
	[tilespmem:s7+$0x14800] =	vst v46;
	v58 =	vld [tilespmem:s4+$0x430]  }
0x156: {  	s22 =	sor.u32 $0x830, s3;
	v62 =	vadd.f32 v52, v51;
	v56 =	vmul.f32 v54, v11;
	v49 =	vadd.f32 v61, v49;
	v53 =	vld [tilespmem:s10+$0x10]  }
0x157: {  	v59 =	vmul.f32 v60, v15;
	v60 =	vld [tilespmem:s22+$0x4800]  }
0x158: {  	s23 =	sor.u32 $0xC30, s3;
	v47 =	vadd.f32 v56, v62;
	v49 =	vadd.f32 v57, v49;
	v54 =	vld [tilespmem:s10+$0x410]  }
0x159: {  	s24 =	sor.u32 $0x810, s9;
	v61 =	vld [tilespmem:s23+$0x4800]  }
0x15a: {  	v56 =	vld [tilespmem:s24+$0x4800];
	v47 =	vadd.f32 v59, v47;
	[tilespmem:s7+$0x14880] =	vst v49;
	v51 =	vmul.f32 v63, v37;
	v46 =	vmul.f32 v58, v38  }
0x15b: {  	v52 =	vld [tilespmem:s20+$0x10]  }
0x15c: {  	v62 =	vld [tilespmem:s20+$0x410];
	[tilespmem:s7+$0x14900] =	vst v47;
	v50 =	vmul.f32 v60, v36;
	v46 =	vadd.f32 v46, v51  }
0x15d: {  	v55 =	vld [tilespmem:s8+$0x10]  }
0x15e: {  	s31 =	sor.u32 $0x810, s1;
	v63 =	vld [tilespmem:s8+$0x410];
	v49 =	vmul.f32 v61, v31;
	v46 =	vadd.f32 v50, v46  }
0x15f: {  	s26 =	sor.u32 $0x810, s2;
	v57 =	vld [tilespmem:s31+$0x4800]  }
0x160: {  	s22 =	sor.u32 $0xC10, s9;
	v50 =	vld [tilespmem:s26+$0x4800];
	v46 =	vadd.f32 v49, v46  }
0x161: {  	s23 =	sor.u32 $0xC10, s2;
	v60 =	vmul.f32 v53, v5;
	v61 =	vmul.f32 v54, v6;
	v49 =	vld [tilespmem:s22+$0x4800]  }
0x162: {  	v53 =	vld [tilespmem:s23+$0x4800];
	v52 =	vmul.f32 v52, v7;
	v62 =	vmul.f32 v62, v8;
	[tilespmem:s7+$0x149B0] =	vst v46  }
0x163: {  	v47 =	vmul.f32 v55, v9;
	v63 =	vmul.f32 v63, v10;
	v54 =	vld [tilespmem:s4+$0x40]  }
0x164: {  	s24 =	sor.u32 $0xC10, s1;
	v46 =	vadd.f32 v61, v60;
	v60 =	vmul.f32 v56, v12;
	v55 =	vld [tilespmem:s4+$0x440]  }
0x165: {  	s26 =	sor.u32 $0x840, s3;
	v47 =	vadd.f32 v63, v47;
	v56 =	vld [tilespmem:s24+$0x4800];
	v61 =	vadd.f32 v62, v52  }
0x166: {  	v62 =	vmul.f32 v50, v13;
	v50 =	vld [tilespmem:s26+$0x4800];
	v46 =	vadd.f32 v60, v46;
	v63 =	vmul.f32 v49, v16  }
0x167: {  	v45 =	vld [tilespmem:s0+$0x60];
	s22 =	sor.u32 $0xC40, s3  }
0x168: {  	s31 =	sor.u32 $0x860, s19;
	v57 =	vmul.f32 v57, v11;
	v59 =	vld [tilespmem:s22+$0x4800];
	v46 =	vadd.f32 v63, v46  }
0x169: {  	s23 =	sor.u32 $0x860, s18;
	v52 =	vld [tilespmem:s31+$0x4800];
	v41 =	vadd.f32 v62, v61;
	v60 =	vmul.f32 v54, v37;
	v61 =	vmul.f32 v55, v38  }
0x16a: {  	v58 =	vmul.f32 v53, v14;
	v47 =	vadd.f32 v57, v47;
	[tilespmem:s7+$0x14810] =	vst v46;
	v46 =	vld [tilespmem:s23+$0x4800]  }
0x16b: {  	v62 =	vmul.f32 v56, v15;
	v50 =	vmul.f32 v50, v36;
	v48 =	vadd.f32 v61, v60;
	v51 =	vld [tilespmem:s10+$0x20]  }
0x16c: {  	s24 =	sor.u32 $0x820, s9;
	v41 =	vadd.f32 v58, v41;
	v63 =	vld [tilespmem:s10+$0x420]  }
0x16d: {  	s31 =	sor.u32 $0xC20, s9;
	v47 =	vadd.f32 v62, v47;
	v60 =	vmul.f32 v59, v31;
	v61 =	vld [tilespmem:s24+$0x4800];
	v48 =	vadd.f32 v50, v48  }
0x16e: {  	[tilespmem:s7+$0x14890] =	vst v41;
	v62 =	vld [tilespmem:s31+$0x4800]  }
0x16f: {  	[tilespmem:s7+$0x14910] =	vst v47;
	v47 =	vld [tilespmem:s20+$0x420];
	v48 =	vadd.f32 v60, v48  }
0x170: {  	v50 =	vld [tilespmem:s20+$0x20]  }
0x171: {  	v49 =	vld [tilespmem:s8+$0x20];
	[tilespmem:s7+$0x149C0] =	vst v48  }
0x172: {  	v48 =	vld [tilespmem:s4+$0x50]  }
0x173: {  	v54 =	vld [tilespmem:s4+$0x450]  }
0x174: {  	s26 =	sor.u32 $0x850, s3;
	v53 =	vld [tilespmem:s8+$0x420];
	v51 =	vmul.f32 v51, v5;
	v41 =	vmul.f32 v63, v6  }
0x175: {  	s22 =	sor.u32 $0x820, s2;
	v56 =	vld [tilespmem:s26+$0x4800]  }
0x176: {  	s12 =	sor.u32 $0xC50, s3;
	v60 =	vld [tilespmem:s22+$0x4800];
	v55 =	vmul.f32 v61, v12;
	v41 =	vadd.f32 v41, v51  }
0x177: {  	s24 =	sor.u32 $0xC20, s2;
	v57 =	vmul.f32 v62, v16;
	v63 =	vld [tilespmem:s12+$0x4800]  }
0x178: {  	s23 =	sor.u32 $0x820, s1;
	v61 =	vld [tilespmem:s24+$0x4800];
	v41 =	vadd.f32 v55, v41;
	v48 =	vmul.f32 v48, v37;
	v54 =	vmul.f32 v54, v38  }
0x179: {  	v47 =	vmul.f32 v47, v8;
	v51 =	vld [tilespmem:s23+$0x4800];
	s23 =	sor.u32 $0xC60, s18  }
0x17a: {  	s26 =	sor.u32 $0xC20, s1;
	v59 =	vld [tilespmem:s23+$0x4800];
	v41 =	vadd.f32 v57, v41;
	v56 =	vmul.f32 v56, v36;
	v48 =	vadd.f32 v54, v48  }
0x17b: {  	s22 =	sor.u32 $0xC60, s19;
	v50 =	vmul.f32 v50, v7;
	v49 =	vmul.f32 v49, v9;
	v55 =	vld [tilespmem:s26+$0x4800]  }
0x17c: {  	v53 =	vmul.f32 v53, v10;
	v57 =	vld [tilespmem:s22+$0x4800];
	v58 =	vmul.f32 v63, v31;
	[tilespmem:s7+$0x14820] =	vst v41;
	v48 =	vadd.f32 v56, v48  }
0x17d: {  	v47 =	vadd.f32 v47, v50;
	v50 =	vld [tilespmem:s10+$0x30]  }
0x17e: {  	s31 =	sor.u32 $0x860, s11;
	v62 =	vmul.f32 v60, v13;
	v60 =	vadd.f32 v53, v49;
	v53 =	vld [tilespmem:s10+$0x430];
	v48 =	vadd.f32 v58, v48  }
0x17f: {  	s24 =	sor.u32 $0xC60, s11;
	v56 =	vld [tilespmem:s31+$0x4800]  }
0x180: {  	v63 =	vadd.f32 v62, v47;
	v54 =	vmul.f32 v61, v14;
	v61 =	vmul.f32 v51, v11;
	v58 =	vld [tilespmem:s24+$0x4800];
	[tilespmem:s7+$0x149D0] =	vst v48  }
0x181: {  	v51 =	vld [tilespmem:s4+$0x60]  }
0x182: {  	s26 =	sor.u32 $0x860, s3;
	v41 =	vadd.f32 v54, v63;
	v63 =	vmul.f32 v55, v15;
	v48 =	vadd.f32 v61, v60;
	v62 =	vld [tilespmem:s4+$0x460]  }
0x183: {  	s31 =	sor.u32 $0xC60, s3;
	v60 =	vld [tilespmem:s26+$0x4800]  }
0x184: {  	[tilespmem:s7+$0x148A0] =	vst v41;
	v61 =	vld [tilespmem:s31+$0x4800];
	v48 =	vadd.f32 v63, v48  }
0x185: {  	v42 =	vmul.f32 v42, v30;
	v44 =	vmul.f32 v44, v29;
	v49 =	vld [tilespmem:s20+$0x30]  }
0x186: {  	v43 =	vmul.f32 v43, v20;
	v45 =	vmul.f32 v45, v22;
	[tilespmem:s7+$0x14920] =	vst v48;
	v48 =	vld [tilespmem:s20+$0x430]  }
0x187: {  	v42 =	vadd.f32 v44, v42;
	s23 =	sor.u32 $0x830, s1;
	v63 =	vmul.f32 v46, v23;
	v55 =	vld [tilespmem:s8+$0x30];
	v51 =	vmul.f32 v51, v37  }
0x188: {  	v43 =	vadd.f32 v43, v45;
	s12 =	sor.u32 $0x830, s9;
	v45 =	vld [tilespmem:s23+$0x4800];
	v47 =	vmul.f32 v62, v38;
	v62 =	vmul.f32 v52, v19  }
0x189: {  	v41 =	vmul.f32 v60, v36;
	v52 =	vld [tilespmem:s12+$0x4800];
	v54 =	vmul.f32 v61, v31  }
0x18a: {  	s31 =	sor.u32 $0xC30, s1;
	v60 =	vmul.f32 v57, v17;
	v47 =	vadd.f32 v47, v51;
	v51 =	vld [tilespmem:s8+$0x430];
	v42 =	vadd.f32 v62, v42  }
0x18b: {  	s26 =	sor.u32 $0xC30, s2;
	v57 =	vmul.f32 v59, v3;
	v61 =	vmul.f32 v50, v5;
	v59 =	vld [tilespmem:s31+$0x4800]  }
0x18c: {  	s22 =	sor.u32 $0x830, s2;
	v62 =	vmul.f32 v53, v6;
	v53 =	vld [tilespmem:s26+$0x4800];
	v41 =	vadd.f32 v41, v47;
	v42 =	vadd.f32 v60, v42  }
0x18d: {  	s24 =	sor.u32 $0xC30, s9;
	v43 =	vadd.f32 v63, v43;
	v63 =	vmul.f32 v49, v7;
	v48 =	vmul.f32 v48, v8;
	v47 =	vld [tilespmem:s22+$0x4800]  }
0x18e: {  	v39 =	vmul.f32 v39, v18;
	v44 =	vadd.f32 v62, v61;
	v41 =	vadd.f32 v54, v41;
	v54 =	vld [tilespmem:s24+$0x4800];
	[tilespmem:s25+$0x14860] =	vst v42  }
0x18f: {  	v61 =	vmul.f32 v52, v12;
	v62 =	vadd.f32 v48, v63;
	v63 =	vmul.f32 v51, v10;
	v51 =	vld [tilespmem:s6+$0x70]  }
0x190: {  	v40 =	vmul.f32 v40, v21;
	v60 =	vmul.f32 v55, v9;
	v50 =	vld [tilespmem:s6+$0x470];
	[tilespmem:s7+$0x149E0] =	vst v41  }
0x191: {  	v43 =	vadd.f32 v57, v43;
	v44 =	vadd.f32 v61, v44;
	v61 =	vmul.f32 v56, v24;
	v52 =	vld [tilespmem:s4+$0x70]  }
0x192: {  	s5 =	sor.u32 $0x870, s3;
	s3 =	sor.u32 $0xC70, s3;
	v47 =	vmul.f32 v47, v13;
	v48 =	vld [tilespmem:s4+$0x470];
	v46 =	vadd.f32 v63, v60;
	v60 =	vadd.f32 v40, v39  }
0x193: {  	[tilespmem:s25+$0x148E0] =	vst v43;
	v55 =	vmul.f32 v53, v14;
	v43 =	vld [tilespmem:s3+$0x4800];
	v54 =	vmul.f32 v54, v16  }
0x194: {  	v53 =	vmul.f32 v58, v4;
	s3 =	sor.u32 $0x870, s19;
	v42 =	vadd.f32 v47, v62;
	v47 =	vld [tilespmem:s5+$0x4800];
	v63 =	vadd.f32 v61, v60  }
0x195: {  	v45 =	vmul.f32 v45, v11;
	v30 =	vmul.f32 v51, v30;
	v51 =	vld [tilespmem:s3+$0x4800];
	v44 =	vadd.f32 v54, v44  }
0x196: {  	v27 =	vmul.f32 v32, v27;
	s4 =	sor.u32 $0x870, s18;
	v32 =	vadd.f32 v53, v63;
	v63 =	vld [tilespmem:s0+$0x470]  }
0x197: {  	v41 =	vmul.f32 v59, v15;
	v45 =	vadd.f32 v45, v46;
	v42 =	vadd.f32 v55, v42;
	v53 =	vld [tilespmem:s4+$0x4800];
	[tilespmem:s7+$0x14830] =	vst v44  }
0x198: {  	v57 =	vld [tilespmem:s10+$0x40]  }
0x199: {  	v41 =	vadd.f32 v41, v45;
	[tilespmem:s7+$0x148B0] =	vst v42;
	v59 =	vld [tilespmem:s10+$0x440]  }
0x19a: {  	v45 =	vld [tilespmem:s20+$0x40]  }
0x19b: {  	v25 =	vmul.f32 v34, v25;
	v28 =	vmul.f32 v35, v28;
	[tilespmem:s7+$0x14930] =	vst v41;
	v41 =	vld [tilespmem:s20+$0x440]  }
0x19c: {  	s12 =	sor.u32 $0x840, s9;
	v49 =	vld [tilespmem:s8+$0x40]  }
0x19d: {  	v26 =	vmul.f32 v33, v26;
	v25 =	vadd.f32 v28, v25;
	s22 =	sor.u32 $0x840, s2;
	v62 =	vld [tilespmem:s12+$0x4800]  }
0x19e: {  	s24 =	sor.u32 $0xC40, s9;
	v28 =	vld [tilespmem:s22+$0x4800]  }
0x19f: {  	v25 =	vadd.f32 v26, v25;
	v29 =	vmul.f32 v50, v29;
	v26 =	vmul.f32 v52, v37;
	v56 =	vld [tilespmem:s24+$0x4800]  }
0x1a0: {  	s26 =	sor.u32 $0xC40, s2;
	v34 =	vld [tilespmem:s8+$0x440];
	v57 =	vmul.f32 v57, v5;
	v58 =	vmul.f32 v59, v6  }
0x1a1: {  	v27 =	vadd.f32 v27, v25;
	s23 =	sor.u32 $0x840, s1;
	v55 =	vmul.f32 v48, v38;
	v59 =	vld [tilespmem:s26+$0x4800];
	v25 =	vmul.f32 v45, v7  }
0x1a2: {  	v54 =	vld [tilespmem:s23+$0x4800];
	v41 =	vmul.f32 v41, v8;
	v62 =	vmul.f32 v62, v12;
	v61 =	vadd.f32 v58, v57  }
0x1a3: {  	s31 =	sor.u32 $0xC40, s1;
	v44 =	vld [tilespmem:s0+$0x70];
	v36 =	vmul.f32 v47, v36;
	v28 =	vmul.f32 v28, v13  }
0x1a4: {  	[tilespmem:s25+$0x14960] =	vst v32;
	v60 =	vld [tilespmem:s31+$0x4800];
	v47 =	vmul.f32 v56, v16;
	v25 =	vadd.f32 v41, v25;
	v32 =	vadd.f32 v62, v61  }
0x1a5: {  	v46 =	vld [tilespmem:s17+$0x70];
	v50 =	vmul.f32 v49, v9;
	v34 =	vmul.f32 v34, v10  }
0x1a6: {  	s6 =	sor.u32 $0xC70, s19;
	v48 =	vld [tilespmem:s17+$0x470];
	v25 =	vadd.f32 v28, v25;
	v52 =	vmul.f32 v59, v14;
	v32 =	vadd.f32 v47, v32  }
0x1a7: {  	s5 =	sor.u32 $0x870, s11;
	v26 =	vadd.f32 v55, v26;
	v55 =	vld [tilespmem:s6+$0x4800];
	v35 =	vmul.f32 v54, v11;
	v34 =	vadd.f32 v34, v50  }
0x1a8: {  	s24 =	sor.u32 $0xC50, s1;
	v54 =	vld [tilespmem:s5+$0x4800];
	v25 =	vadd.f32 v52, v25;
	[tilespmem:s7+$0x14840] =	vst v32  }
0x1a9: {  	s29 =	simm.s32 $0x4;
	v57 =	vmul.f32 v60, v15;
	v56 =	vadd.f32 v35, v34;
	v58 =	vld [tilespmem:s10+$0x50];
	[dreg:$0x3] =	wrdreg s24  }
0x1aa: {  	s28 =	sor.u32 $0x860, s2;
	p1 =	por !p1, !p1;
	v31 =	vmul.f32 v43, v31;
	v19 =	vmul.f32 v51, v19;
	v26 =	vadd.f32 v36, v26;
	s26 =	sor.u32 $0x860, s9;
	[tilespmem:s7+$0x148C0] =	vst v25  }
0x1ab: {  	s30 =	sor.u32 $0xC60, s1;
	s19 =	sor.u32 $0x850, s2;
	v20 =	vmul.f32 v63, v20;
	v22 =	vmul.f32 v44, v22;
	v60 =	vadd.f32 v57, v56;
	v59 =	vld [tilespmem:s10+$0x450];
	[dreg:$0x4] =	wrdreg s26  }
0x1ac: {  	s3 =	sor.u32 $0xC70, s2;
	s4 =	sor.u32 $0xC70, s18;
	v29 =	vadd.f32 v29, v30;
	s12 =	sor.u32 $0x850, s9;
	v18 =	vmul.f32 v46, v18;
	v25 =	vmul.f32 v48, v21;
	v21 =	vld [tilespmem:s20+$0x50]  }
0x1ad: {  	s18 =	sor.u32 $0xC50, s2;
	s17 =	sor.u32 $0x850, s1;
	s22 =	sor.u32 $0x860, s1;
	v23 =	vmul.f32 v53, v23;
	v26 =	vadd.f32 v31, v26;
	v61 =	vadd.f32 v20, v22;
	v20 =	vld [tilespmem:s12+$0x4800];
	[tilespmem:s7+$0x14940] =	vst v60  }
0x1ae: {  	s23 =	sor.u32 $0xC60, s2;
	s6 =	sor.u32 $0x870, s2;
	s2 =	sor.u32 $0xC70, s9;
	v19 =	vadd.f32 v19, v29;
	v28 =	vmul.f32 v55, v17;
	v62 =	vadd.f32 v25, v18;
	v25 =	vld [tilespmem:s20+$0x450];
	[tilespmem:s25+$0x149F0] =	vst v27  }
0x1af: {  	s31 =	sshll.u32 s14, $0x1;
	s5 =	sor.u32 $0xC70, s11;
	s11 =	sor.u32 $0xC70, s1;
	v63 =	vmul.f32 v54, v24;
	[tilespmem:s7+$0x149F0] =	vst v26;
	v22 =	vld [tilespmem:s8+$0x50]  }
0x1b0: {  	v19 =	vadd.f32 v28, v19;
	s24 =	sor.u32 $0xC50, s9;
	s26 =	sor.u32 $0xC60, s9;
	v18 =	vadd.f32 v23, v61;
	v23 =	vld [tilespmem:s8+$0x450];
	[smem:$0x7F1] =	sst s14  }
0x1b1: {  	s12 =	sor.u32 $0x870, s9;
	s9 =	sor.u32 $0x870, s1;
	[smem:$0x7F2] =	sst s31;
	v24 =	vmul.f32 v58, v5;
	v17 =	vadd.f32 v63, v62;
	v26 =	vmul.f32 v59, v6  }
.LBB2_3:
0x1b2: {  	[smem:$0x7D9] =	sst s22  }
0x1b3: {  	[smem:$0x7DB] =	sst s26  }
0x1b4: {  	[smem:$0x7E6] =	sst s25  }
0x1b5: {  	[smem:$0x7E4] =	sst s11;
	v27 =	vld [tilespmem:s19+$0x4800]  }
0x1b6: {  	[dreg:$0x8] =	wrdreg s9;
	s16 =	sadd.s32 $0x2, s16;
	s13 =	sadd.s32 $0x800, s13;
	v24 =	vadd.f32 v26, v24;
	[tilespmem:s25+$0x14870] =	vst v19;
	v26 =	vld [tilespmem:s17+$0x4800]  }
0x1b7: {  	s21 =	sadd.s32 $0x200, s21;
	s11 =	sand.u32 $0x7000, s13;
	v28 =	vld [tilespmem:s24+$0x4800];
	s19 =	sshra.s32 s13, $0x2  }
0x1b8: {  	s1 =	sand.u32 $0x3, s16;
	s22 =	sand.u32 $0x380, s21;
	s14 =	sadd.s32 $0x4800, s11;
	v19 =	vld [tilespmem:s19+$0x980];
	v21 =	vmul.f32 v21, v7  }
0x1b9: {  	s25 =	sadd.s32 $0xFFFFFF80, s21;
	s9 =	sshll.u32 s1, $0x8;
	s1 =	sor.u32 s22, s14;
	v25 =	vmul.f32 v25, v8;
	v29 =	vmul.f32 v20, v12;
	v20 =	vld [tilespmem:s19+$0x990]  }
0x1ba: {  	s15 =	sadd.s32 $0x4, s15;
	s26 =	sadd.s32 s13, s9;
	s9 =	sand.u32 $0x300, s25;
	v57 =	vld [tilespmem:s1+$0x400]  }
0x1bb: {  	[dreg:$0xc] =	wrdreg s12;
	s12 =	sand.u32 $0x7, s15;
	s9 =	sor.u32 s9, s14;
	v21 =	vadd.f32 v25, v21;
	v25 =	vld [tilespmem:s18+$0x4800]  }
0x1bc: {  	[smem:$0x7E2] =	sst s3;
	s3 =	sshll.u32 s12, $0x7;
	v22 =	vmul.f32 v22, v9;
	v23 =	vmul.f32 v23, v10;
	v33 =	vld [tilespmem:s9+$0x0]  }
0x1bd: {  	[smem:$0x7DD] =	sst s23;
	s3 =	sadd.s32 s3, s13;
	v34 =	vld [tilespmem:s9+$0x400];
	v27 =	vmul.f32 v27, v13  }
0x1be: {  	[smem:$0x7E3] =	sst s5;
	s17 =	sadd.s32 $0x180, s3;
	v22 =	vadd.f32 v23, v22;
	v23 =	vld [tilespmem:s1+$0x0];
	v26 =	vmul.f32 v26, v11  }
0x1bf: {  	s23 =	sadd.s32 $0xFFFFFE80, s21;
	s24 =	sadd.s32 $0xFFFFFF00, s21;
	s31 =	sor.u32 $0x800, s17;
	v24 =	vadd.f32 v29, v24;
	v28 =	vmul.f32 v28, v16;
	v27 =	vadd.f32 v27, v21;
	v21 =	vld [tilespmem:s19+$0x9A0]  }
0x1c0: {  	[dreg:$0xa] =	wrdreg s6;
	s5 =	sand.u32 $0x200, s23;
	s6 =	sand.u32 $0x280, s24;
	v35 =	vadd.f32 v26, v22;
	v26 =	vld [tilespmem:s31+$0x4800];
	v25 =	vmul.f32 v25, v14  }
0x1c1: {  	s24 =	sadd.s32 $0x100, s26;
	s18 =	sor.u32 s5, s14;
	s5 =	sor.u32 $0xC00, s17;
	v24 =	vadd.f32 v28, v24;
	v22 =	vld [tilespmem:s19+$0x9B0]  }
0x1c2: {  	s0 =	simm.s32 $0x1;
	s23 =	sor.u32 $0xC00, s24;
	v25 =	vadd.f32 v25, v27;
	v27 =	vld [tilespmem:s5+$0x4800]  }
0x1c3: {  	s0 =	simm.s32 @!p1 $0x0;
	v42 =	vld [tilespmem:s23+$0x4800];
	v58 =	vmul.f32 v57, v20;
	[tilespmem:s7+$0x14850] =	vst v24;
	v23 =	vmul.f32 v23, v19  }
0x1c4: {  	s0 =	sshll.u32 s0, $0x9;
	v24 =	vld [tilespmem:s18+$0x0]  }
0x1c5: {  	[smem:$0x7DF] =	sst s30;
	s30 =	sadd.s32 s0, s13;
	v32 =	vld [tilespmem:s19+$0x800];
	v23 =	vadd.f32 v58, v23;
	v26 =	vmul.f32 v26, v21  }
0x1c6: {  	s12 =	sadd.s32 $0x80, s3;
	s11 =	sor.u32 $0x800, s30;
	v31 =	vld [tilespmem:s19+$0x810]  }
0x1c7: {  	[dreg:$0x6] =	wrdreg s2;
	s2 =	sor.u32 s6, s14;
	s6 =	sor.u32 $0x810, s12;
	v60 =	vld [tilespmem:s11+$0x4800];
	v23 =	vadd.f32 v26, v23;
	v26 =	vmul.f32 v27, v22  }
0x1c8: {  	[smem:$0x7CE] =	sst s6;
	s6 =	sor.u32 $0xC10, s24;
	[tilespmem:s7+$0x148D0] =	vst v25;
	v25 =	vld [tilespmem:s18+$0x400]  }
0x1c9: {  	[smem:$0x7D2] =	sst s6;
	s6 =	sor.u32 $0xC20, s30;
	v30 =	vld [tilespmem:s2+$0x0];
	v23 =	vadd.f32 v26, v23  }
0x1ca: {  	[smem:$0x7D6] =	sst s6;
	s6 =	sor.u32 $0x830, s12;
	v59 =	vld [tilespmem:s2+$0x400]  }
0x1cb: {  	[smem:$0x7E9] =	sst s6;
	s6 =	sor.u32 $0xC30, s24;
	v29 =	vld [tilespmem:s19+$0x880];
	[tilespmem:s19+$0x14980] =	vst v23  }
0x1cc: {  	[smem:$0x7ED] =	sst s6;
	s6 =	sor.u32 $0xC40, s30;
	v26 =	vld [tilespmem:s1+$0x10]  }
0x1cd: {  	[dreg:$0x1a] =	wrdreg s6;
	s6 =	sor.u32 $0x850, s12;
	v27 =	vld [tilespmem:s1+$0x410]  }
0x1ce: {  	[smem:$0x7E7] =	sst s6;
	s6 =	sor.u32 $0x810, s17;
	v36 =	vmul.f32 v24, v32;
	v24 =	vld [tilespmem:s19+$0x900]  }
0x1cf: {  	v37 =	vld [tilespmem:s6+$0x4800]  }
0x1d0: {  	[smem:$0x7E1] =	sst s4;
	s4 =	smov.u32 s28;
	s28 =	sor.u32 $0xC10, s17;
	v25 =	vmul.f32 v25, v31;
	v23 =	vld [tilespmem:s19+$0x890]  }
0x1d1: {  	v38 =	vld [tilespmem:s28+$0x4800]  }
0x1d2: {  	s22 =	sor.u32 $0xC00, s30;
	v36 =	vadd.f32 v25, v36;
	v25 =	vld [tilespmem:s19+$0x910];
	v26 =	vmul.f32 v26, v19;
	v27 =	vmul.f32 v27, v20  }
0x1d3: {  	v43 =	vld [tilespmem:s22+$0x4800];
	s5 =	sor.u32 $0x800, s24  }
0x1d4: {  	s26 =	sor.u32 $0x800, s12;
	v40 =	vld [tilespmem:s5+$0x4800];
	v26 =	vadd.f32 v27, v26;
	v27 =	vmul.f32 v37, v21  }
0x1d5: {  	s3 =	sor.u32 $0xC00, s12;
	v39 =	vld [tilespmem:s26+$0x4800];
	v30 =	vmul.f32 v30, v29  }
0x1d6: {  	v61 =	vld [tilespmem:s3+$0x4800];
	v28 =	vmul.f32 v59, v23;
	v38 =	vmul.f32 v38, v22;
	v41 =	vadd.f32 v27, v26  }
0x1d7: {  	v33 =	vmul.f32 v33, v24;
	v34 =	vmul.f32 v34, v25;
	v27 =	vld [tilespmem:s19+$0x8A0]  }
0x1d8: {  	v30 =	vadd.f32 v28, v30;
	v28 =	vld [tilespmem:s19+$0x820];
	v38 =	vadd.f32 v38, v41  }
0x1d9: {  	v33 =	vadd.f32 v34, v33;
	v34 =	vld [tilespmem:s19+$0x8B0]  }
0x1da: {  	v26 =	vld [tilespmem:s19+$0x920];
	[tilespmem:s19+$0x14990] =	vst v38  }
0x1db: {  	v63 =	vld [tilespmem:s1+$0x20]  }
0x1dc: {  	s5 =	sor.u32 $0x820, s17;
	v48 =	vmul.f32 v39, v27;
	v49 =	vld [tilespmem:s1+$0x420]  }
0x1dd: {  	v51 =	vld [tilespmem:s5+$0x4800]  }
0x1de: {  	s25 =	sor.u32 $0xC10, s30;
	v38 =	vadd.f32 v48, v30;
	v30 =	vld [tilespmem:s19+$0x830]  }
0x1df: {  	[smem:$0x7D0] =	sst s25;
	s25 =	sor.u32 $0x820, s12;
	s11 =	sor.u32 $0xC20, s17;
	v46 =	vld [tilespmem:s10+$0x60];
	v62 =	vmul.f32 v60, v28  }
0x1e0: {  	[smem:$0x7D4] =	sst s25;
	s25 =	sor.u32 $0xC20, s24;
	v41 =	vmul.f32 v61, v34;
	v50 =	vmul.f32 v40, v26;
	v45 =	vld [tilespmem:s11+$0x4800]  }
0x1e1: {  	[smem:$0x7D8] =	sst s25;
	s25 =	sor.u32 $0xC30, s30;
	v56 =	vld [tilespmem:s20+$0x60];
	v36 =	vadd.f32 v62, v36;
	v37 =	vmul.f32 v63, v19;
	v39 =	vmul.f32 v49, v20  }
0x1e2: {  	[smem:$0x7EB] =	sst s25;
	v55 =	vld [tilespmem:s10+$0x460];
	v44 =	vadd.f32 v50, v33;
	v58 =	vadd.f32 v41, v38  }
0x1e3: {  	s25 =	sor.u32 $0x840, s12;
	s22 =	rddreg [dreg:$0x3];
	v33 =	vld [tilespmem:s19+$0x930];
	v52 =	vmul.f32 v51, v21;
	v37 =	vadd.f32 v39, v37;
	v43 =	vmul.f32 v43, v30  }
0x1e4: {  	[dreg:$0x1c] =	wrdreg s25;
	s25 =	sor.u32 $0xC40, s24;
	v53 =	vld [tilespmem:s22+$0x4800]  }
0x1e5: {  	[dreg:$0xf] =	wrdreg s25;
	s25 =	sor.u32 $0xC50, s12;
	v57 =	vld [tilespmem:s20+$0x460];
	v54 =	vmul.f32 v45, v22;
	[tilespmem:s19+$0x14880] =	vst v58;
	v37 =	vadd.f32 v52, v37;
	v36 =	vadd.f32 v43, v36  }
0x1e6: {  	[smem:$0x7EF] =	sst s25;
	s25 =	sor.u32 $0xC50, s24;
	v49 =	vmul.f32 v56, v7;
	v56 =	vld [tilespmem:s2+$0x410]  }
0x1e7: {  	s23 =	smov.u32 s25;
	s25 =	rddreg [dreg:$0x4];
	v37 =	vadd.f32 v54, v37;
	[tilespmem:s19+$0x14800] =	vst v36;
	v54 =	vld [tilespmem:s2+$0x10]  }
0x1e8: {  	v42 =	vmul.f32 v42, v33;
	v59 =	vld [tilespmem:s25+$0x4800]  }
0x1e9: {  	v40 =	vmul.f32 v53, v15;
	v60 =	vld [tilespmem:s18+$0x10];
	[tilespmem:s19+$0x149A0] =	vst v37  }
0x1ea: {  	v42 =	vadd.f32 v42, v44;
	v62 =	vld [tilespmem:s1+$0x30]  }
0x1eb: {  	s14 =	sor.u32 $0x810, s24;
	v35 =	vadd.f32 v40, v35;
	v48 =	vld [tilespmem:s1+$0x430]  }
0x1ec: {  	[smem:$0x7CF] =	sst s14;
	s5 =	sor.u32 $0x830, s17;
	[tilespmem:s19+$0x14900] =	vst v42;
	v50 =	vld [tilespmem:s18+$0x410]  }
0x1ed: {  	[dreg:$0x3] =	wrdreg s23;
	s6 =	sor.u32 $0x860, s30;
	[tilespmem:s7+$0x14950] =	vst v35;
	v51 =	vld [tilespmem:s5+$0x4800]  }
0x1ee: {  	s23 =	sld [smem:$0x7D0];
	s26 =	smov.u32 s6;
	s6 =	sor.u32 $0xC30, s17;
	v39 =	vmul.f32 v57, v8;
	v57 =	vld [tilespmem:s9+$0x10]  }
0x1ef: {  	s22 =	sld [smem:$0x7CF];
	v61 =	vmul.f32 v46, v5;
	v63 =	vmul.f32 v55, v6;
	v55 =	vld [tilespmem:s6+$0x4800]  }
0x1f0: {  	[dreg:$0x4] =	wrdreg s26;
	v58 =	vld [tilespmem:s9+$0x410];
	v36 =	vmul.f32 v62, v19;
	v40 =	vmul.f32 v48, v20  }
0x1f1: {  	s26 =	sld [smem:$0x7D2];
	v47 =	vld [tilespmem:s23+$0x4800];
	v37 =	vadd.f32 v63, v61;
	v41 =	vmul.f32 v54, v29  }
0x1f2: {  	s0 =	sor.u32 $0x810, s30;
	s31 =	sor.u32 $0xC10, s12;
	s11 =	sld [smem:$0x7CE];
	v63 =	vld [tilespmem:s22+$0x4800];
	v52 =	vmul.f32 v59, v12;
	v59 =	vmul.f32 v51, v21;
	v36 =	vadd.f32 v40, v36  }
0x1f3: {  	[smem:$0x7D1] =	sst s31;
	v39 =	vadd.f32 v39, v49;
	v53 =	vmul.f32 v60, v32;
	v43 =	vmul.f32 v50, v31;
	v60 =	vld [tilespmem:s0+$0x4800]  }
0x1f4: {  	s25 =	sld [smem:$0x7D1];
	v50 =	vld [tilespmem:s26+$0x4800];
	v45 =	vmul.f32 v57, v24;
	v62 =	vmul.f32 v55, v22;
	v36 =	vadd.f32 v59, v36  }
0x1f5: {  	v61 =	vld [tilespmem:s11+$0x4800];
	v49 =	vmul.f32 v58, v25;
	v35 =	vadd.f32 v52, v37;
	v37 =	vmul.f32 v56, v23  }
0x1f6: {  	s14 =	sor.u32 $0x820, s30;
	v58 =	vld [tilespmem:s8+$0x460];
	v36 =	vadd.f32 v62, v36  }
0x1f7: {  	[smem:$0x7D3] =	sst s14;
	s14 =	sor.u32 $0xC20, s12;
	v42 =	vmul.f32 v63, v26;
	v48 =	vld [tilespmem:s25+$0x4800];
	v37 =	vadd.f32 v37, v41;
	v41 =	vadd.f32 v49, v45  }
0x1f8: {  	[smem:$0x7D7] =	sst s14;
	s14 =	sor.u32 $0x830, s24;
	v38 =	vadd.f32 v43, v53;
	v55 =	vld [tilespmem:s8+$0x60];
	[tilespmem:s19+$0x149B0] =	vst v36  }
0x1f9: {  	s31 =	sor.u32 $0x820, s24;
	[smem:$0x7EA] =	sst s14;
	v43 =	vmul.f32 v60, v28;
	v57 =	vmul.f32 v50, v33;
	v41 =	vadd.f32 v42, v41;
	v52 =	vld [tilespmem:s1+$0x40]  }
0x1fa: {  	s14 =	sor.u32 $0x840, s30;
	[smem:$0x7D5] =	sst s31;
	v54 =	vmul.f32 v47, v30;
	v53 =	vld [tilespmem:s1+$0x440]  }
0x1fb: {  	s31 =	sor.u32 $0x830, s30;
	[dreg:$0x1e] =	wrdreg s14;
	s3 =	sor.u32 $0x840, s17;
	v51 =	vmul.f32 v61, v27;
	v38 =	vadd.f32 v43, v38;
	v60 =	vadd.f32 v57, v41;
	v62 =	vld [tilespmem:s4+$0x4800]  }
0x1fc: {  	s14 =	sor.u32 $0xC40, s12;
	[smem:$0x7E8] =	sst s31;
	s5 =	sor.u32 $0xC40, s17;
	v56 =	vld [tilespmem:s3+$0x4800]  }
0x1fd: {  	s31 =	sor.u32 $0xC30, s12;
	[dreg:$0x13] =	wrdreg s14;
	v40 =	vmul.f32 v48, v34;
	v38 =	vadd.f32 v54, v38;
	v36 =	vadd.f32 v51, v37;
	[tilespmem:s19+$0x14910] =	vst v60;
	v59 =	vld [tilespmem:s5+$0x4800]  }
0x1fe: {  	s14 =	sor.u32 $0x850, s24;
	[smem:$0x7EC] =	sst s31;
	v48 =	vmul.f32 v55, v9;
	v55 =	vld [tilespmem:s9+$0x20]  }
0x1ff: {  	s31 =	sor.u32 $0x840, s24;
	[smem:$0x7EE] =	sst s14;
	[tilespmem:s19+$0x14810] =	vst v38;
	v57 =	vld [tilespmem:s9+$0x420];
	v36 =	vadd.f32 v40, v36;
	v61 =	vmul.f32 v52, v19;
	v43 =	vmul.f32 v53, v20  }
0x200: {  	[dreg:$0x17] =	wrdreg s31;
	v63 =	vld [tilespmem:s18+$0x20]  }
0x201: {  	s6 =	sld [smem:$0x7D3];
	v49 =	vld [tilespmem:s18+$0x420];
	[tilespmem:s19+$0x14890] =	vst v36;
	v51 =	vmul.f32 v56, v21;
	v50 =	vadd.f32 v43, v61  }
0x202: {  	s11 =	sld [smem:$0x7D4];
	v52 =	vld [tilespmem:s2+$0x20]  }
0x203: {  	s25 =	sld [smem:$0x7D6];
	v54 =	vld [tilespmem:s2+$0x420];
	v40 =	vmul.f32 v59, v22;
	v38 =	vadd.f32 v51, v50  }
0x204: {  	s14 =	sor.u32 $0x860, s24;
	s22 =	sld [smem:$0x7D5];
	v53 =	vmul.f32 v58, v10;
	v58 =	vld [tilespmem:s6+$0x4800]  }
0x205: {  	s31 =	sor.u32 $0x850, s30;
	[smem:$0x7DA] =	sst s14;
	v59 =	vld [tilespmem:s11+$0x4800];
	v38 =	vadd.f32 v40, v38  }
0x206: {  	[dreg:$0xd] =	wrdreg s31;
	v36 =	vadd.f32 v53, v48;
	v48 =	vld [tilespmem:s25+$0x4800]  }
0x207: {  	s31 =	sor.u32 $0xC50, s30;
	s4 =	sld [smem:$0x7D9];
	v42 =	vmul.f32 v52, v29;
	v52 =	vld [tilespmem:s22+$0x4800];
	[tilespmem:s19+$0x149C0] =	vst v38  }
0x208: {  	[smem:$0x7E5] =	sst s31;
	v44 =	vmul.f32 v62, v13;
	v61 =	vld [tilespmem:s1+$0x50]  }
0x209: {  	s28 =	sor.u32 $0xC70, s30;
	s6 =	sld [smem:$0x7DB];
	v56 =	vmul.f32 v63, v32;
	v37 =	vmul.f32 v49, v31;
	v62 =	vld [tilespmem:s1+$0x450]  }
0x20a: {  	s31 =	sor.u32 $0x860, s12;
	[dreg:$0x11] =	wrdreg s28;
	s23 =	sor.u32 $0x850, s17;
	v39 =	vadd.f32 v44, v39;
	v60 =	vmul.f32 v54, v23;
	v44 =	vmul.f32 v59, v27;
	v59 =	vld [tilespmem:s4+$0x4800]  }
0x20b: {  	s28 =	smov.u32 s31;
	s31 =	sld [smem:$0x7D7];
	v37 =	vadd.f32 v37, v56;
	v40 =	vmul.f32 v58, v28;
	v53 =	vld [tilespmem:s23+$0x4800]  }
0x20c: {  	s26 =	sor.u32 $0xC50, s17;
	s3 =	sld [smem:$0x7D8];
	v41 =	vmul.f32 v55, v24;
	v38 =	vadd.f32 v60, v42;
	v60 =	vld [tilespmem:s6+$0x4800]  }
0x20d: {  	v63 =	vmul.f32 v57, v25;
	s4 =	sld [smem:$0x7E1];
	v48 =	vmul.f32 v48, v30;
	v37 =	vadd.f32 v40, v37;
	v54 =	vld [tilespmem:s26+$0x4800]  }
0x20e: {  	s14 =	sor.u32 $0xC60, s12;
	v55 =	vld [tilespmem:s31+$0x4800];
	s6 =	sld [smem:$0x7E3];
	v43 =	vmul.f32 v61, v19;
	v56 =	vmul.f32 v62, v20  }
0x20f: {  	[smem:$0x7DE] =	sst s14;
	v57 =	vld [tilespmem:s3+$0x4800];
	v37 =	vadd.f32 v48, v37  }
0x210: {  	v41 =	vadd.f32 v63, v41;
	v63 =	vld [tilespmem:s4+$0x4800];
	s23 =	sld [smem:$0x7DD];
	v58 =	vmul.f32 v53, v21;
	v43 =	vadd.f32 v56, v43  }
0x211: {  	s14 =	sor.u32 $0xC60, s30;
	s31 =	sld [smem:$0x7DF];
	v51 =	vld [tilespmem:s6+$0x4800];
	[tilespmem:s19+$0x14820] =	vst v37;
	v53 =	vmul.f32 v60, v16  }
0x212: {  	[smem:$0x7DC] =	sst s14;
	v45 =	vmul.f32 v52, v26;
	v52 =	vld [tilespmem:s18+$0x30];
	v40 =	vmul.f32 v54, v22;
	v43 =	vadd.f32 v58, v43  }
0x213: {  	s14 =	sor.u32 $0x870, s12;
	s6 =	sld [smem:$0x7E8];
	v61 =	vld [tilespmem:s23+$0x4800];
	v35 =	vadd.f32 v53, v35  }
0x214: {  	[dreg:$0x15] =	wrdreg s14;
	s14 =	sor.u32 $0xC60, s24;
	v42 =	vmul.f32 v55, v34;
	v38 =	vadd.f32 v44, v38;
	v62 =	vld [tilespmem:s31+$0x4800];
	v40 =	vadd.f32 v40, v43  }
0x215: {  	[smem:$0x7E0] =	sst s14;
	v46 =	vmul.f32 v57, v33;
	v57 =	vld [tilespmem:s18+$0x430];
	[tilespmem:s7+$0x14860] =	vst v35  }
0x216: {  	s3 =	sld [smem:$0x7E0];
	v49 =	vadd.f32 v42, v38;
	v48 =	vld [tilespmem:s6+$0x4800];
	[tilespmem:s19+$0x149D0] =	vst v40  }
0x217: {  	s25 =	sld [smem:$0x7DE];
	v50 =	vmul.f32 v59, v11;
	v41 =	vadd.f32 v45, v41;
	v54 =	vld [tilespmem:s1+$0x60]  }
0x218: {  	s12 =	sor.u32 $0xC70, s12;
	s14 =	sor.u32 $0x870, s30;
	[tilespmem:s19+$0x148A0] =	vst v49;
	v44 =	vmul.f32 v61, v14;
	s6 =	sld [smem:$0x7EB];
	v55 =	vld [tilespmem:s1+$0x460]  }
0x219: {  	s30 =	smov.u32 s3;
	s3 =	smov.u32 s12;
	s12 =	sor.u32 $0x860, s17;
	v36 =	vadd.f32 v50, v36;
	v41 =	vadd.f32 v46, v41;
	v56 =	vmul.f32 v62, v15;
	v62 =	vld [tilespmem:s2+$0x30]  }
0x21a: {  	v60 =	vmul.f32 v51, v4;
	v39 =	vadd.f32 v44, v39;
	v58 =	vld [tilespmem:s12+$0x4800]  }
0x21b: {  	s23 =	smov.u32 s25;
	s25 =	sor.u32 $0xC60, s17;
	s31 =	sld [smem:$0x7E6];
	[tilespmem:s19+$0x14920] =	vst v41;
	v43 =	vmul.f32 v63, v3;
	v59 =	vadd.f32 v56, v36;
	v53 =	vld [tilespmem:s6+$0x4800]  }
0x21c: {  	v17 =	vadd.f32 v60, v17;
	[tilespmem:s7+$0x148E0] =	vst v39;
	v63 =	vld [tilespmem:s25+$0x4800]  }
0x21d: {  	v18 =	vadd.f32 v43, v18;
	[tilespmem:s7+$0x14960] =	vst v59;
	s12 =	sld [smem:$0x7E9];
	v44 =	vld [tilespmem:s2+$0x430];
	v45 =	vmul.f32 v54, v19;
	v46 =	vmul.f32 v55, v20  }
0x21e: {  	v61 =	vmul.f32 v52, v32;
	v3 =	vmov v14;
	v14 =	vmov v34;
	v47 =	vld [tilespmem:s9+$0x30];
	[tilespmem:s31+$0x14970] =	vst v17  }
0x21f: {  	[tilespmem:s31+$0x148F0] =	vst v18;
	v18 =	vmul.f32 v57, v31;
	s31 =	sld [smem:$0x7EA];
	v17 =	vld [tilespmem:s9+$0x430];
	v34 =	vmul.f32 v58, v21;
	v36 =	vadd.f32 v46, v45  }
0x220: {  	v4 =	vmov v15;
	v15 =	vmov v33;
	v33 =	vmul.f32 v48, v28;
	v50 =	vld [tilespmem:s12+$0x4800]  }
0x221: {  	v18 =	vadd.f32 v18, v61;
	s12 =	sld [smem:$0x7EC];
	v61 =	vld [tilespmem:s10+$0x70];
	v51 =	vmul.f32 v63, v22;
	v34 =	vadd.f32 v34, v36  }
0x222: {  	v52 =	vld [tilespmem:s31+$0x4800];
	s31 =	sld [smem:$0x7ED]  }
0x223: {  	v60 =	vmul.f32 v53, v30;
	v18 =	vadd.f32 v33, v18;
	v63 =	vld [tilespmem:s10+$0x470];
	v34 =	vadd.f32 v51, v34  }
0x224: {  	s25 =	smov.u32 s7;
	s7 =	smov.u32 s19;
	v54 =	vld [tilespmem:s12+$0x4800]  }
0x225: {  	v49 =	vmul.f32 v62, v29;
	v35 =	vmul.f32 v44, v23;
	v55 =	vld [tilespmem:s31+$0x4800];
	v18 =	vadd.f32 v60, v18;
	[tilespmem:s7+$0x149E0] =	vst v34  }
0x226: {  	v38 =	vmul.f32 v47, v24;
	v17 =	vmul.f32 v17, v25;
	v57 =	vld [tilespmem:s1+$0x70]  }
0x227: {  	s10 =	smov.u32 s18;
	v35 =	vadd.f32 v35, v49;
	v56 =	vmul.f32 v50, v27;
	[tilespmem:s7+$0x14830] =	vst v18;
	v59 =	vld [tilespmem:s1+$0x470]  }
0x228: {  	s6 =	sor.u32 $0x870, s17;
	v17 =	vadd.f32 v17, v38;
	v58 =	vmul.f32 v52, v26;
	v45 =	vld [tilespmem:s10+$0x40]  }
0x229: {  	v36 =	vmul.f32 v54, v14;
	v34 =	vadd.f32 v56, v35;
	v62 =	vld [tilespmem:s6+$0x4800]  }
0x22a: {  	s12 =	sor.u32 $0xC70, s17;
	v47 =	vld [tilespmem:s10+$0x440];
	v17 =	vadd.f32 v58, v17;
	v37 =	vmul.f32 v55, v15  }
0x22b: {  	s31 =	rddreg [dreg:$0x1e];
	v44 =	vld [tilespmem:s12+$0x4800];
	v34 =	vadd.f32 v36, v34  }
0x22c: {  	v51 =	vld [tilespmem:s31+$0x4800];
	v17 =	vadd.f32 v37, v17;
	v18 =	vmul.f32 v57, v19;
	v19 =	vmul.f32 v59, v20  }
0x22d: {  	v20 =	vld [tilespmem:s20+$0x70];
	[tilespmem:s7+$0x148B0] =	vst v34  }
0x22e: {  	[tilespmem:s7+$0x14930] =	vst v17;
	v48 =	vld [tilespmem:s2+$0x440];
	v17 =	vadd.f32 v19, v18;
	v18 =	vmul.f32 v62, v21  }
0x22f: {  	v46 =	vmul.f32 v61, v5;
	s12 =	rddreg [dreg:$0x1a];
	v19 =	vld [tilespmem:s2+$0x40];
	v21 =	vmul.f32 v63, v6  }
0x230: {  	[smem:$0x7F0] =	sst s14;
	v53 =	vld [tilespmem:s12+$0x4800];
	v17 =	vadd.f32 v18, v17;
	v18 =	vmul.f32 v44, v22  }
0x231: {  	s5 =	sld [smem:$0x7DA];
	v5 =	vmov v32;
	v50 =	vld [tilespmem:s9+$0x440];
	v6 =	vmov v31;
	v49 =	vadd.f32 v21, v46  }
0x232: {  	s1 =	rddreg [dreg:$0x1c];
	v22 =	vld [tilespmem:s9+$0x40];
	v21 =	vmul.f32 v45, v5;
	v17 =	vadd.f32 v18, v17;
	v18 =	vmul.f32 v47, v6  }
0x233: {  	s6 =	rddreg [dreg:$0x17];
	v52 =	vld [tilespmem:s1+$0x4800];
	v20 =	vmul.f32 v20, v7;
	v7 =	vmov v29  }
0x234: {  	s11 =	sld [smem:$0x7DC];
	v19 =	vmul.f32 v19, v7;
	[tilespmem:s7+$0x149F0] =	vst v17;
	v17 =	vadd.f32 v18, v21;
	v18 =	vmul.f32 v48, v23;
	v21 =	vld [tilespmem:s6+$0x4800]  }
0x235: {  	s31 =	rddreg [dreg:$0x13];
	v56 =	vld [tilespmem:s8+$0x70]  }
0x236: {  	v32 =	vmul.f32 v51, v28;
	s1 =	rddreg [dreg:$0xf];
	v18 =	vadd.f32 v18, v19;
	v19 =	vld [tilespmem:s31+$0x4800]  }
0x237: {  	s22 =	smov.u32 s5;
	s5 =	sld [smem:$0x7E2];
	v54 =	vld [tilespmem:s1+$0x4800];
	v29 =	vmul.f32 v50, v25;
	v22 =	vmul.f32 v22, v24  }
0x238: {  	s26 =	smov.u32 s11;
	s11 =	sld [smem:$0x7E4];
	v55 =	vld [tilespmem:s20+$0x470];
	v31 =	vmul.f32 v53, v30;
	v17 =	vadd.f32 v32, v17  }
0x239: {  	v57 =	vld [tilespmem:s8+$0x470];
	s1 =	rddreg [dreg:$0x8];
	v34 =	vmul.f32 v52, v27;
	v22 =	vadd.f32 v29, v22;
	v21 =	vmul.f32 v21, v26  }
0x23a: {  	s20 =	smov.u32 s2;
	s2 =	rddreg [dreg:$0xc];
	v60 =	vld [tilespmem:s1+$0x4800];
	v17 =	vadd.f32 v31, v17  }
0x23b: {  	s14 =	sor.u32 $0x870, s24;
	s8 =	smov.u32 s9;
	s9 =	rddreg [dreg:$0xa];
	v18 =	vadd.f32 v34, v18;
	v19 =	vmul.f32 v19, v14;
	v21 =	vadd.f32 v21, v22;
	v22 =	vld [tilespmem:s2+$0x4800]  }
0x23c: {  	s24 =	sor.u32 $0xC70, s24;
	s4 =	smov.u32 s5;
	v59 =	vld [tilespmem:s9+$0x4800];
	v58 =	vmul.f32 v54, v15;
	[tilespmem:s7+$0x14840] =	vst v17;
	s2 =	rddreg [dreg:$0x6]  }
0x23d: {  	s5 =	smov.u32 s11;
	s11 =	smov.u32 s24;
	s24 =	sld [smem:$0x7E5];
	v18 =	vadd.f32 v19, v18;
	v19 =	vmul.f32 v55, v8;
	v8 =	vmov v23;
	v23 =	vld [tilespmem:s2+$0x4800]  }
0x23e: {  	s29 =	sadd.s32 $0x4, s29;
	s19 =	sld [smem:$0x7E7];
	v61 =	vmul.f32 v56, v9;
	v9 =	vmov v24;
	v24 =	vld [tilespmem:s10+$0x50];
	v17 =	vadd.f32 v58, v21  }
0x23f: {  	p2 =	slt.u32 s29, $0x3C;
	s18 =	sld [smem:$0x7EF];
	[tilespmem:s7+$0x148C0] =	vst v18;
	v18 =	vadd.f32 v19, v20;
	v19 =	vmul.f32 v57, v10;
	v20 =	vld [tilespmem:s10+$0x450]  }
.Ltmp2:
0x240: {  	s6 =	sld [smem:$0x7F0];
	[tilespmem:s7+$0x14940] =	vst v17;
	v17 =	vmul.f32 v22, v12;
	v21 =	vld [tilespmem:s20+$0x50];
	(pc) =	sbr.rel @p2 .LBB2_3-.Ltmp2, $4  }
0x241: {  	s9 =	smov.u32 s14;
	s14 =	rddreg [dreg:$0x11];
	v62 =	vmul.f32 v59, v13;
	v10 =	vmov v25;
	v25 =	vld [tilespmem:s20+$0x450];
	v19 =	vadd.f32 v19, v61  }
0x242: {  	s31 =	rddreg [dreg:$0x15];
	v13 =	vmovc v27;
	v22 =	vld [tilespmem:s8+$0x50];
	v27 =	vadd.f32 v17, v49;
	v17 =	vmul.f32 v60, v11;
	v63 =	vmul.f32 v23, v16  }
0x243: {  	s12 =	smov.u32 s6;
	s6 =	smov.u32 s31;
	s31 =	rddreg [dreg:$0xd];
	v12 =	vmovc v28;
	v18 =	vadd.f32 v62, v18;
	v24 =	vmul.f32 v24, v5;
	v11 =	vmov v26;
	v23 =	vld [tilespmem:s8+$0x450]  }
0x244: {  	p1 =	por !p1, !p1;
	s17 =	sld [smem:$0x7EE];
	s2 =	smov.u32 s14;
	v16 =	vmovc v30;
	v17 =	vadd.f32 v17, v19;
	v26 =	vmul.f32 v20, v6;
	v20 =	vld [tilespmem:s31+$0x4800];
	v19 =	vadd.f32 v63, v27  }
0x245: {  	_ = 	snop  }
0x246: {  	v28 =	vld [tilespmem:s24+$0x4800];
	_ =	sdelay $0x1  }
0x247: {  	v27 =	vld [tilespmem:s19+$0x4800]  }
0x248: {  	v24 =	vadd.f32 v26, v24;
	v20 =	vmul.f32 v20, v12  }
0x249: {  	v29 =	vld [tilespmem:s18+$0x4800];
	v21 =	vmul.f32 v21, v7  }
0x24a: {  	v25 =	vmul.f32 v25, v8;
	v51 =	vld [tilespmem:s17+$0x4800];
	v53 =	vmul.f32 v28, v16;
	v20 =	vadd.f32 v20, v24  }
0x24b: {  	s0 =	rddreg [dreg:$0x3]  }
0x24c: {  	v54 =	vld [tilespmem:s0+$0x4800];
	v21 =	vadd.f32 v25, v21;
	v52 =	vmul.f32 v27, v13;
	v20 =	vadd.f32 v53, v20  }
0x24d: {  	v22 =	vmul.f32 v22, v9;
	v23 =	vmul.f32 v23, v10  }
0x24e: {  	v55 =	vmul.f32 v29, v14;
	v21 =	vadd.f32 v52, v21;
	[tilespmem:s7+$0x14850] =	vst v20  }
0x24f: {  	v22 =	vadd.f32 v23, v22;
	v56 =	vmul.f32 v51, v11;
	v58 =	vld [tilespmem:s10+$0x60]  }
0x250: {  	v21 =	vadd.f32 v55, v21;
	v59 =	vld [tilespmem:s10+$0x460]  }
0x251: {  	v57 =	vmul.f32 v54, v15;
	v22 =	vadd.f32 v56, v22;
	s24 =	rddreg [dreg:$0x4];
	v63 =	vld [tilespmem:s26+$0x4800]  }
0x252: {  	[tilespmem:s7+$0x148D0] =	vst v21;
	v20 =	vld [tilespmem:s24+$0x4800]  }
0x253: {  	v22 =	vadd.f32 v57, v22;
	v21 =	vld [tilespmem:s28+$0x4800]  }
0x254: {  	v60 =	vld [tilespmem:s20+$0x60]  }
0x255: {  	v61 =	vld [tilespmem:s20+$0x460];
	[tilespmem:s7+$0x14950] =	vst v22  }
0x256: {  	v22 =	vld [tilespmem:s8+$0x60];
	v24 =	vmul.f32 v58, v5;
	v25 =	vmul.f32 v59, v6  }
0x257: {  	v62 =	vld [tilespmem:s8+$0x460]  }
0x258: {  	v30 =	vld [tilespmem:s23+$0x4800];
	v20 =	vmul.f32 v20, v12;
	v24 =	vadd.f32 v25, v24  }
0x259: {  	v33 =	vld [tilespmem:s22+$0x4800];
	v36 =	vmul.f32 v63, v16  }
0x25a: {  	v23 =	vmul.f32 v60, v7;
	v26 =	vmul.f32 v61, v8;
	v20 =	vadd.f32 v20, v24  }
0x25b: {  	v34 =	vld [tilespmem:s30+$0x4800];
	v21 =	vmul.f32 v21, v13;
	v22 =	vmul.f32 v22, v9  }
0x25c: {  	v23 =	vadd.f32 v26, v23;
	v35 =	vmul.f32 v62, v10;
	v20 =	vadd.f32 v36, v20  }
0x25d: {  	v39 =	vld [tilespmem:s4+$0x4800];
	v38 =	vmul.f32 v30, v14  }
0x25e: {  	v40 =	vld [tilespmem:s5+$0x4800];
	v37 =	vmul.f32 v33, v11;
	v22 =	vadd.f32 v35, v22;
	v21 =	vadd.f32 v21, v23;
	[tilespmem:s7+$0x14860] =	vst v20  }
0x25f: {  	v20 =	vld [tilespmem:s10+$0x70]  }
0x260: {  	v41 =	vmul.f32 v34, v15;
	v22 =	vadd.f32 v37, v22;
	v21 =	vadd.f32 v38, v21;
	v42 =	vld [tilespmem:s10+$0x470]  }
0x261: {  	v45 =	vld [tilespmem:s12+$0x4800]  }
0x262: {  	v22 =	vadd.f32 v41, v22;
	[tilespmem:s7+$0x148E0] =	vst v21;
	v48 =	vld [tilespmem:s2+$0x4800]  }
0x263: {  	v21 =	vld [tilespmem:s20+$0x70]  }
0x264: {  	v43 =	vld [tilespmem:s20+$0x470];
	[tilespmem:s7+$0x14960] =	vst v22  }
0x265: {  	v22 =	vld [tilespmem:s8+$0x70]  }
0x266: {  	v44 =	vld [tilespmem:s8+$0x470]  }
0x267: {  	v3 =	vmul.f32 v39, v3;
	v46 =	vld [tilespmem:s6+$0x4800]  }
0x268: {  	v4 =	vmul.f32 v40, v4;
	v47 =	vld [tilespmem:s9+$0x4800];
	v49 =	vmul.f32 v20, v5  }
0x269: {  	v3 =	vadd.f32 v3, v18;
	v51 =	vld [tilespmem:s3+$0x4800];
	v50 =	vmul.f32 v42, v6;
	v57 =	vmul.f32 v45, v12  }
0x26a: {  	v4 =	vadd.f32 v4, v17;
	v54 =	vld [tilespmem:s11+$0x4800];
	v52 =	vmul.f32 v21, v7;
	v53 =	vmul.f32 v43, v8  }
0x26b: {  	v5 =	vadd.f32 v50, v49;
	v55 =	vmul.f32 v22, v9;
	v56 =	vmul.f32 v44, v10  }
0x26c: {  	v60 =	vmul.f32 v48, v16;
	v58 =	vmul.f32 v46, v13;
	v7 =	vadd.f32 v53, v52  }
0x26d: {  	[tilespmem:s25+$0x14870] =	vst v19;
	v59 =	vmul.f32 v47, v11;
	v5 =	vadd.f32 v57, v5;
	v9 =	vadd.f32 v56, v55  }
0x26e: {  	[tilespmem:s25+$0x148F0] =	vst v3;
	v61 =	vmul.f32 v51, v14;
	v7 =	vadd.f32 v58, v7  }
0x26f: {  	[tilespmem:s25+$0x14970] =	vst v4;
	v62 =	vmul.f32 v54, v15;
	v5 =	vadd.f32 v60, v5;
	v3 =	vadd.f32 v59, v9  }
0x270: {  	s28 =	sld [smem:$0x7F1];
	v63 =	vadd.f32 v61, v7  }
0x271: {  	[tilespmem:s7+$0x14870] =	vst v5;
	v3 =	vadd.f32 v62, v3  }
0x272: {  	s1 =	sld [smem:$0x7F5];
	[tilespmem:s7+$0x148F0] =	vst v63  }
0x273: {  	p1 =	seq.s32 s28, $0x9;
	[tilespmem:s7+$0x14970] =	vst v3  }
.Ltmp3:
0x274: {  	s29 =	sshll.u32 s28, $0xE;
	s30 =	sld [smem:$0x7FC];
	(pc) =	sbr.rel @p1 .LBB2_6-.Ltmp3, $4  }
0x275: {  	s0 =	sadd.s32 s1, s29  }
0x276: {  	s0 =	sshrl.u32 s0, $0x3  }
0x277: {  	s31 =	simm.s32 $0x14800;
	s2 =	simm.s32 $0x0;
	s0 =	sadd.s32 s30, s0  }
0x278: {  	[hbm4b:s0+s2] =	stream.linear.scatter [tilespmem:s31], [sflag:$0x5], $0x2000, $0x38;
	[tilespmem:$0x18800] =	vst v63  }
0x279: {  	s0 =	sld [smem:$0x7F2];
	_ =	sdelay $0x1  }
0x27a: {  	s3 =	sld [smem:$0x7F5]  }
0x27b: {  	s0 =	sadd.s32 $0x2, s0  }
0x27c: {  	s12 =	sld [smem:$0x7F7];
	s1 =	sshll.u32 s0, $0xD  }
0x27d: {  	s1 =	sadd.s32 s3, s1  }
0x27e: {  	s0 =	sshll.u32 s0, $0x6;
	s1 =	sshrl.u32 s1, $0x3  }
0x27f: {  	s13 =	simm.s32 $0x800;
	s0 =	sand.u32 $0x3FFFFFC0, s0;
	s1 =	sadd.s32 s12, s1  }
0x280: {  	[tilespmem:s13], [sflag:$0x3] =	stream.linear.gather [hbm4b:s1+s2], $0x2000, $0x38;
	[tilespmem:$0x18800] =	vst v63  }
0x281: {  	v3 =	vld [tilespmem:s0+$0x0];
	_ =	sdelay $0x4  }
0x282: {  	v4 =	vshll.u32 v3, $0x2  }
0x283: {  	v3 =	vand.u32 $0x7, v3;
	v4 =	vand.u32 $0xFFFFFFE0, v4  }
0x284: {  	v3 =	vor.u32 v3, v4  }
0x285: {  	v4 =	vperm.xlane v3, v0;
	_ =	sdelay $0x1  }
0x286: {  	v4 =	vadd.s32 v1, v4;
	_ =	sdelay $0x1  }
0x287: {  	s14 =	sld [smem:$0x7F4];
	v3 =	vperm.xlane v3, v2;
	_ =	sdelay $0x1  }
0x288: {  	s15 =	simm.s32 $0x4800;
	s16 =	sld [smem:$0x7F8];
	v3 =	vadd.s32 v1, v3  }
0x289: {  	[tilespmem:s15], [sflag:$0x1] =	stream.indirect_vreg.gather [hbm4b:s14+s2], $0x80, v4, vm0, $0xb8;
	[tilespmem:$0x18800] =	vst v63  }
0x28a: {  	s4 =	simm.s32 $0x5000  }
0x28b: {  	[tilespmem:s4], [sflag:$0x1] =	stream.indirect_vreg.gather [hbm4b:s16+s2], $0x80, v4, vm0, $0xb8;
	[tilespmem:$0x18800] =	vst v63  }
0x28c: {  	s17 =	simm.s32 $0x5800  }
0x28d: {  	[tilespmem:s17], [sflag:$0x1] =	stream.indirect_vreg.gather [hbm4b:s14+s2], $0x80, v3, vm0, $0xb8;
	[tilespmem:$0x18800] =	vst v63  }
0x28e: {  	s18 =	simm.s32 $0x6000  }
0x28f: {  	[tilespmem:s18], [sflag:$0x1] =	stream.indirect_vreg.gather [hbm4b:s16+s2], $0x80, v3, vm0, $0xb8;
	[tilespmem:$0x18800] =	vst v63  }
0x290: {  	v3 =	vld [tilespmem:s0+$0x10];
	_ =	sdelay $0x4  }
0x291: {  	v61 =	vshll.u32 v3, $0x2  }
0x292: {  	v3 =	vand.u32 $0x7, v3;
	v4 =	vand.u32 $0xFFFFFFE0, v61  }
0x293: {  	v3 =	vor.u32 v3, v4  }
0x294: {  	v4 =	vperm.xlane v3, v0;
	_ =	sdelay $0x1  }
0x295: {  	v4 =	vadd.s32 v1, v4;
	_ =	sdelay $0x1  }
0x296: {  	v3 =	vperm.xlane v3, v2;
	_ =	sdelay $0x1  }
0x297: {  	s19 =	simm.s32 $0x6800;
	v3 =	vadd.s32 v1, v3  }
0x298: {  	[tilespmem:s19], [sflag:$0x1] =	stream.indirect_vreg.gather [hbm4b:s14+s2], $0x80, v4, vm0, $0xb8;
	[tilespmem:$0x18800] =	vst v63  }
0x299: {  	s20 =	simm.s32 $0x7000  }
0x29a: {  	[tilespmem:s20], [sflag:$0x1] =	stream.indirect_vreg.gather [hbm4b:s16+s2], $0x80, v4, vm0, $0xb8;
	[tilespmem:$0x18800] =	vst v63  }
0x29b: {  	s21 =	simm.s32 $0x7800  }
0x29c: {  	[tilespmem:s21], [sflag:$0x1] =	stream.indirect_vreg.gather [hbm4b:s14+s2], $0x80, v3, vm0, $0xb8;
	[tilespmem:$0x18800] =	vst v63  }
0x29d: {  	s22 =	simm.s32 $0x8000  }
0x29e: {  	[tilespmem:s22], [sflag:$0x1] =	stream.indirect_vreg.gather [hbm4b:s16+s2], $0x80, v3, vm0, $0xb8;
	[tilespmem:$0x18800] =	vst v63  }
0x29f: {  	v3 =	vld [tilespmem:s0+$0x20];
	_ =	sdelay $0x4  }
0x2a0: {  	v62 =	vshll.u32 v3, $0x2  }
0x2a1: {  	v3 =	vand.u32 $0x7, v3;
	v4 =	vand.u32 $0xFFFFFFE0, v62  }
0x2a2: {  	v3 =	vor.u32 v3, v4  }
0x2a3: {  	v4 =	vperm.xlane v3, v0;
	_ =	sdelay $0x1  }
0x2a4: {  	v4 =	vadd.s32 v1, v4;
	_ =	sdelay $0x1  }
0x2a5: {  	v3 =	vperm.xlane v3, v2;
	_ =	sdelay $0x1  }
0x2a6: {  	s23 =	simm.s32 $0x8800;
	v3 =	vadd.s32 v1, v3  }
0x2a7: {  	[tilespmem:s23], [sflag:$0x1] =	stream.indirect_vreg.gather [hbm4b:s14+s2], $0x80, v4, vm0, $0xb8;
	[tilespmem:$0x18800] =	vst v63  }
0x2a8: {  	s24 =	simm.s32 $0x9000  }
0x2a9: {  	[tilespmem:s24], [sflag:$0x1] =	stream.indirect_vreg.gather [hbm4b:s16+s2], $0x80, v4, vm0, $0xb8;
	[tilespmem:$0x18800] =	vst v63  }
0x2aa: {  	s25 =	simm.s32 $0x9800  }
0x2ab: {  	[tilespmem:s25], [sflag:$0x1] =	stream.indirect_vreg.gather [hbm4b:s14+s2], $0x80, v3, vm0, $0xb8;
	[tilespmem:$0x18800] =	vst v63  }
0x2ac: {  	s26 =	simm.s32 $0xA000  }
0x2ad: {  	[tilespmem:s26], [sflag:$0x1] =	stream.indirect_vreg.gather [hbm4b:s16+s2], $0x80, v3, vm0, $0xb8;
	[tilespmem:$0x18800] =	vst v63  }
0x2ae: {  	v3 =	vld [tilespmem:s0+$0x30];
	_ =	sdelay $0x4  }
0x2af: {  	v63 =	vshll.u32 v3, $0x2  }
0x2b0: {  	v3 =	vand.u32 $0x7, v3;
	v4 =	vand.u32 $0xFFFFFFE0, v63  }
0x2b1: {  	v3 =	vor.u32 v3, v4  }
0x2b2: {  	v4 =	vperm.xlane v3, v0;
	_ =	sdelay $0x1  }
0x2b3: {  	v4 =	vadd.s32 v1, v4;
	_ =	sdelay $0x1  }
0x2b4: {  	v3 =	vperm.xlane v3, v2;
	_ =	sdelay $0x1  }
0x2b5: {  	s28 =	simm.s32 $0xA800;
	v3 =	vadd.s32 v1, v3  }
0x2b6: {  	[tilespmem:s28], [sflag:$0x1] =	stream.indirect_vreg.gather [hbm4b:s14+s2], $0x80, v4, vm0, $0xb8;
	[tilespmem:$0x18800] =	vst v63  }
0x2b7: {  	s29 =	simm.s32 $0xB000  }
0x2b8: {  	[tilespmem:s29], [sflag:$0x1] =	stream.indirect_vreg.gather [hbm4b:s16+s2], $0x80, v4, vm0, $0xb8;
	[tilespmem:$0x18800] =	vst v63  }
0x2b9: {  	s30 =	simm.s32 $0xB800  }
0x2ba: {  	[tilespmem:s30], [sflag:$0x1] =	stream.indirect_vreg.gather [hbm4b:s14+s2], $0x80, v3, vm0, $0xb8;
	[tilespmem:$0x18800] =	vst v63  }
0x2bb: {  	s31 =	simm.s32 $0xC000  }
0x2bc: {  	[tilespmem:s31], [sflag:$0x1] =	stream.indirect_vreg.gather [hbm4b:s16+s2], $0x80, v3, vm0, $0xb8;
	[tilespmem:$0x18800] =	vst v63  }
.LBB2_6:
0x2bd: {  	s0 =	simm.s32 $0x4  }
0x2be: {  	_ =	swait.ge [sflag:s0], $0x2000  }
0x2bf: {  	[sflag:s0] =	ssyncset.done $0x0  }
0x2c0: {  	s16 =	simm.s32 $0x2;
	[sflag:s0] =	ssyncadd.s32 $0xFFFFE000  }
0x2c1: {  	_ =	swait.ge [sflag:s16], $0x8000  }
0x2c2: {  	[sflag:s16] =	ssyncset.done $0x0  }
0x2c3: {  	s0 =	simm.s32 @!p0 $0x6;
	[sflag:s16] =	ssyncadd.s32 $0xFFFF8000  }
0x2c4: {  	_ =	swait.ge @!p0 [sflag:s0], $0x2000  }
0x2c5: {  	s2 =	simm.s32 $0x0;
	s17 =	simm.s32 $0x180;
	[sflag:s0] =	ssyncset.done @!p0 $0x0  }
0x2c6: {  	s12 =	simm.s32 $0x0;
	s1 =	sand.u32 $0x7000, s2;
	[sflag:s0] =	ssyncadd.s32 @!p0 $0xFFFFE000  }
0x2c7: {  	s3 =	sand.u32 $0x7, s2;
	s4 =	sadd.s32 $0xC800, s1;
	s0 =	sand.u32 $0x380, s17;
	v24 =	vld [tilespmem:s12+$0x2980]  }
0x2c8: {  	s3 =	sshll.u32 s3, $0x7;
	v28 =	vld [tilespmem:s12+$0x2990];
	s1 =	sor.u32 s0, s4  }
0x2c9: {  	s3 =	sadd.s32 $0x0, s3;
	v3 =	vld [tilespmem:s1+$0x0]  }
0x2ca: {  	s0 =	sadd.s32 $0x180, s3;
	v4 =	vld [tilespmem:s1+$0x400]  }
0x2cb: {  	v25 =	vld [tilespmem:s12+$0x29A0];
	s5 =	sor.u32 $0x800, s0  }
0x2cc: {  	v5 =	vld [tilespmem:s5+$0xC800]  }
0x2cd: {  	v26 =	vld [tilespmem:s12+$0x29B0];
	s18 =	sor.u32 $0xC00, s0  }
0x2ce: {  	v6 =	vld [tilespmem:s18+$0xC800]  }
0x2cf: {  	v3 =	vmul.f32 v3, v24;
	v4 =	vmul.f32 v4, v28  }
0x2d0: {  	s7 =	simm.s32 $0x80  }
0x2d1: {  	s20 =	sand.u32 $0x280, s7;
	v3 =	vadd.f32 v4, v3;
	v4 =	vmul.f32 v5, v25  }
0x2d2: {  	s17 =	sor.u32 s20, s4  }
0x2d3: {  	v7 =	vld [tilespmem:s17+$0x400];
	v3 =	vadd.f32 v4, v3;
	v4 =	vmul.f32 v6, v26  }
0x2d4: {  	v30 =	vld [tilespmem:s12+$0x2800]  }
0x2d5: {  	v29 =	vld [tilespmem:s12+$0x2810];
	v3 =	vadd.f32 v4, v3  }
0x2d6: {  	v22 =	vld [tilespmem:s12+$0x2880]  }
0x2d7: {  	v20 =	vld [tilespmem:s12+$0x2890];
	[tilespmem:s12+$0x16980] =	vst v3  }
0x2d8: {  	v3 =	vld [tilespmem:s1+$0x10]  }
0x2d9: {  	v8 =	vld [tilespmem:s1+$0x410]  }
0x2da: {  	v18 =	vld [tilespmem:s12+$0x2900];
	s22 =	sor.u32 $0x810, s0  }
0x2db: {  	v10 =	vld [tilespmem:s22+$0xC800]  }
0x2dc: {  	s19 =	simm.s32 $0x0;
	v21 =	vld [tilespmem:s12+$0x2910];
	s23 =	sor.u32 $0xC10, s0  }
0x2dd: {  	s21 =	simm.s32 $0x100;
	s5 =	sand.u32 $0x200, s19;
	v12 =	vld [tilespmem:s23+$0xC800]  }
0x2de: {  	v19 =	vld [tilespmem:s12+$0x2820];
	s6 =	sor.u32 s5, s4;
	s5 =	sand.u32 $0x300, s21;
	v3 =	vmul.f32 v3, v24;
	v8 =	vmul.f32 v8, v28  }
0x2df: {  	p0 =	por $0x0, $0x0;
	v17 =	vld [tilespmem:s12+$0x2830];
	s18 =	sor.u32 s5, s4;
	s4 =	simm.s32 $0x1  }
0x2e0: {  	v23 =	vld [tilespmem:s12+$0x28A0];
	s4 =	simm.s32 @!p0 $0x0;
	v3 =	vadd.f32 v8, v3;
	v8 =	vmul.f32 v10, v25  }
0x2e1: {  	v27 =	vld [tilespmem:s12+$0x2920];
	s4 =	sshll.u32 s4, $0x9  }
0x2e2: {  	v9 =	vld [tilespmem:s18+$0x0];
	s20 =	sadd.s32 $0x0, s4;
	v3 =	vadd.f32 v8, v3;
	v8 =	vmul.f32 v12, v26  }
0x2e3: {  	v5 =	vld [tilespmem:s6+$0x0];
	s24 =	sor.u32 $0xC00, s20  }
0x2e4: {  	v13 =	vld [tilespmem:s24+$0xC800];
	v3 =	vadd.f32 v8, v3  }
0x2e5: {  	s4 =	sor.u32 $0x800, s20;
	v6 =	vld [tilespmem:s6+$0x400]  }
0x2e6: {  	v8 =	vld [tilespmem:s4+$0xC800];
	[tilespmem:s12+$0x16990] =	vst v3  }
0x2e7: {  	v3 =	vld [tilespmem:s1+$0x20]  }
0x2e8: {  	v12 =	vld [tilespmem:s1+$0x420]  }
0x2e9: {  	s2 =	sand.u32 $0x3, s2;
	s25 =	sor.u32 $0x820, s0;
	v4 =	vld [tilespmem:s17+$0x0]  }
0x2ea: {  	s2 =	sshll.u32 s2, $0x8;
	s26 =	sor.u32 $0xC20, s0;
	s19 =	sadd.s32 $0x80, s3;
	v5 =	vmul.f32 v5, v30;
	v6 =	vmul.f32 v6, v29;
	v14 =	vld [tilespmem:s25+$0xC800]  }
0x2eb: {  	s2 =	sadd.s32 $0x0, s2;
	s3 =	sor.u32 $0x800, s19;
	v15 =	vld [tilespmem:s26+$0xC800]  }
0x2ec: {  	v5 =	vadd.f32 v6, v5;
	v10 =	vld [tilespmem:s3+$0xC800];
	s4 =	sadd.s32 $0x100, s2;
	v6 =	vmul.f32 v8, v19  }
0x2ed: {  	v11 =	vld [tilespmem:s18+$0x400];
	s31 =	sor.u32 $0x800, s4;
	v3 =	vmul.f32 v3, v24;
	v12 =	vmul.f32 v12, v28  }
0x2ee: {  	s5 =	sor.u32 $0xC00, s19;
	v7 =	vmul.f32 v7, v20;
	v16 =	vld [tilespmem:s31+$0xC800];
	v5 =	vadd.f32 v6, v5;
	v6 =	vmul.f32 v13, v17  }
0x2ef: {  	v4 =	vmul.f32 v4, v22;
	v8 =	vld [tilespmem:s5+$0xC800];
	v14 =	vmul.f32 v14, v25;
	v12 =	vadd.f32 v12, v3  }
0x2f0: {  	v13 =	vmul.f32 v15, v26;
	v5 =	vadd.f32 v6, v5;
	v3 =	vld [tilespmem:s12+$0x28B0]  }
0x2f1: {  	s7 =	sor.u32 $0xC00, s4;
	v6 =	vadd.f32 v7, v4;
	v7 =	vmul.f32 v10, v23;
	v4 =	vld [tilespmem:s12+$0x2930];
	v12 =	vadd.f32 v14, v12  }
0x2f2: {  	v9 =	vmul.f32 v9, v18;
	[tilespmem:s12+$0x16800] =	vst v5;
	v14 =	vld [tilespmem:s7+$0xC800]  }
0x2f3: {  	s10 =	sor.u32 $0x810, s20;
	v11 =	vmul.f32 v11, v21;
	v5 =	vadd.f32 v7, v6;
	v7 =	vld [tilespmem:s6+$0x10];
	v10 =	vadd.f32 v13, v12  }
0x2f4: {  	v15 =	vld [tilespmem:s10+$0xC800]  }
0x2f5: {  	v6 =	vmul.f32 v8, v3;
	v8 =	vadd.f32 v11, v9;
	v11 =	vld [tilespmem:s6+$0x410];
	[tilespmem:s12+$0x169A0] =	vst v10  }
0x2f6: {  	v9 =	vmul.f32 v16, v27;
	v10 =	vld [tilespmem:s1+$0x30]  }
0x2f7: {  	s13 =	sor.u32 $0xC10, s20;
	v5 =	vadd.f32 v6, v5;
	v6 =	vld [tilespmem:s1+$0x430]  }
0x2f8: {  	s8 =	sor.u32 $0x830, s0;
	v16 =	vld [tilespmem:s13+$0xC800];
	v8 =	vadd.f32 v9, v8;
	v9 =	vmul.f32 v14, v4  }
0x2f9: {  	s9 =	sor.u32 $0xC30, s0;
	[tilespmem:s12+$0x16880] =	vst v5;
	v5 =	vld [tilespmem:s8+$0xC800]  }
0x2fa: {  	v12 =	vld [tilespmem:s9+$0xC800];
	v8 =	vadd.f32 v9, v8  }
0x2fb: {  	v9 =	vld [tilespmem:s17+$0x10]  }
0x2fc: {  	[tilespmem:s12+$0x16900] =	vst v8;
	v8 =	vld [tilespmem:s17+$0x410];
	v10 =	vmul.f32 v10, v24;
	v6 =	vmul.f32 v6, v28  }
0x2fd: {  	v13 =	vld [tilespmem:s18+$0x10]  }
0x2fe: {  	s11 =	sor.u32 $0x810, s19;
	v14 =	vld [tilespmem:s18+$0x410];
	v6 =	vadd.f32 v6, v10;
	v5 =	vmul.f32 v5, v25  }
0x2ff: {  	s14 =	sor.u32 $0x810, s4;
	v7 =	vmul.f32 v7, v30;
	v10 =	vld [tilespmem:s11+$0xC800]  }
0x300: {  	s15 =	sor.u32 $0xC10, s19;
	v11 =	vmul.f32 v11, v29;
	v5 =	vadd.f32 v5, v6;
	v6 =	vmul.f32 v12, v26;
	v12 =	vld [tilespmem:s14+$0xC800]  }
0x301: {  	v31 =	vld [tilespmem:s15+$0xC800];
	v9 =	vmul.f32 v9, v22;
	v8 =	vmul.f32 v8, v20  }
0x302: {  	s16 =	sor.u32 $0xC10, s4;
	v7 =	vadd.f32 v11, v7;
	v5 =	vadd.f32 v6, v5;
	v6 =	vmul.f32 v15, v19  }
0x303: {  	v11 =	vmul.f32 v13, v18;
	v13 =	vld [tilespmem:s16+$0xC800];
	v8 =	vadd.f32 v8, v9;
	v9 =	vmul.f32 v14, v21  }
0x304: {  	[tilespmem:s12+$0x169B0] =	vst v5;
	v5 =	vmul.f32 v10, v23;
	v6 =	vadd.f32 v6, v7;
	v7 =	vmul.f32 v16, v17  }
0x305: {  	v9 =	vadd.f32 v9, v11;
	v10 =	vld [tilespmem:s1+$0x40];
	v11 =	vmul.f32 v12, v27  }
0x306: {  	s21 =	sor.u32 $0x840, s0;
	v12 =	vld [tilespmem:s1+$0x440];
	v5 =	vadd.f32 v5, v8;
	v8 =	vmul.f32 v31, v3;
	v6 =	vadd.f32 v7, v6  }
0x307: {  	s22 =	sor.u32 $0xC40, s0;
	v7 =	vld [tilespmem:s21+$0xC800]  }
0x308: {  	v9 =	vadd.f32 v11, v9;
	v11 =	vmul.f32 v13, v4;
	v5 =	vadd.f32 v8, v5;
	v8 =	vld [tilespmem:s22+$0xC800];
	[tilespmem:s12+$0x16810] =	vst v6  }
0x309: {  	v6 =	vld [tilespmem:s6+$0x20]  }
0x30a: {  	v9 =	vadd.f32 v11, v9;
	[tilespmem:s12+$0x16890] =	vst v5;
	v5 =	vld [tilespmem:s6+$0x420]  }
0x30b: {  	v11 =	vld [tilespmem:s17+$0x20]  }
0x30c: {  	v10 =	vmul.f32 v10, v24;
	v12 =	vmul.f32 v12, v28;
	[tilespmem:s12+$0x16910] =	vst v9;
	v9 =	vld [tilespmem:s17+$0x420]  }
0x30d: {  	s23 =	sor.u32 $0x820, s20;
	v13 =	vld [tilespmem:s18+$0x20]  }
0x30e: {  	v7 =	vmul.f32 v7, v25;
	v10 =	vadd.f32 v12, v10;
	v12 =	vld [tilespmem:s23+$0xC800]  }
0x30f: {  	s25 =	sor.u32 $0xC20, s20;
	v14 =	vld [tilespmem:s18+$0x420]  }
0x310: {  	s24 =	sor.u32 $0x820, s19;
	v8 =	vmul.f32 v8, v26;
	v7 =	vadd.f32 v7, v10;
	v10 =	vld [tilespmem:s25+$0xC800]  }
0x311: {  	v15 =	vld [tilespmem:s24+$0xC800];
	v6 =	vmul.f32 v6, v30;
	v5 =	vmul.f32 v5, v29  }
0x312: {  	s31 =	sor.u32 $0xC20, s19;
	v7 =	vadd.f32 v8, v7;
	v8 =	vmul.f32 v11, v22;
	v9 =	vmul.f32 v9, v20  }
0x313: {  	s26 =	sor.u32 $0x820, s4;
	v11 =	vld [tilespmem:s31+$0xC800];
	v5 =	vadd.f32 v5, v6;
	v12 =	vmul.f32 v12, v19  }
0x314: {  	s5 =	sor.u32 $0xC20, s4;
	v16 =	vld [tilespmem:s26+$0xC800];
	v6 =	vmul.f32 v13, v18;
	v8 =	vadd.f32 v9, v8  }
0x315: {  	v9 =	vmul.f32 v14, v21;
	v14 =	vld [tilespmem:s5+$0xC800];
	[tilespmem:s12+$0x169C0] =	vst v7;
	v5 =	vadd.f32 v12, v5;
	v7 =	vmul.f32 v10, v17  }
0x316: {  	v13 =	vmul.f32 v15, v23;
	v10 =	vld [tilespmem:s1+$0x50]  }
0x317: {  	s8 =	sor.u32 $0xC50, s0;
	v6 =	vadd.f32 v9, v6;
	v9 =	vld [tilespmem:s1+$0x450];
	v5 =	vadd.f32 v7, v5  }
0x318: {  	s7 =	sor.u32 $0x850, s0;
	v8 =	vadd.f32 v13, v8;
	v13 =	vld [tilespmem:s8+$0xC800];
	v7 =	vmul.f32 v11, v3  }
0x319: {  	v12 =	vmul.f32 v16, v27;
	v11 =	vld [tilespmem:s7+$0xC800];
	[tilespmem:s12+$0x16820] =	vst v5  }
0x31a: {  	s9 =	sor.u32 $0x830, s20;
	v5 =	vadd.f32 v7, v8;
	v7 =	vld [tilespmem:s6+$0x30]  }
0x31b: {  	s11 =	sor.u32 $0xC30, s20;
	v6 =	vadd.f32 v12, v6;
	v12 =	vmul.f32 v14, v4;
	v15 =	vld [tilespmem:s9+$0xC800]  }
0x31c: {  	v16 =	vld [tilespmem:s11+$0xC800]  }
0x31d: {  	v6 =	vadd.f32 v12, v6;
	[tilespmem:s12+$0x168A0] =	vst v5;
	v5 =	vld [tilespmem:s6+$0x430]  }
0x31e: {  	v10 =	vmul.f32 v10, v24;
	v9 =	vmul.f32 v9, v28;
	v8 =	vld [tilespmem:s17+$0x30]  }
0x31f: {  	s10 =	sor.u32 $0x830, s19;
	[tilespmem:s12+$0x16920] =	vst v6;
	v6 =	vld [tilespmem:s17+$0x430]  }
0x320: {  	v9 =	vadd.f32 v9, v10;
	v10 =	vmul.f32 v11, v25;
	v11 =	vld [tilespmem:s10+$0xC800]  }
0x321: {  	v13 =	vmul.f32 v13, v26;
	v12 =	vld [tilespmem:s18+$0x30]  }
0x322: {  	s13 =	sor.u32 $0x830, s4;
	v14 =	vld [tilespmem:s18+$0x430];
	v9 =	vadd.f32 v10, v9;
	v7 =	vmul.f32 v7, v30;
	v5 =	vmul.f32 v5, v29  }
0x323: {  	s14 =	sor.u32 $0xC30, s19;
	v10 =	vld [tilespmem:s13+$0xC800]  }
0x324: {  	v61 =	vld [tilespmem:s14+$0xC800];
	v9 =	vadd.f32 v13, v9;
	v5 =	vadd.f32 v5, v7;
	v7 =	vmul.f32 v15, v19  }
0x325: {  	s15 =	sor.u32 $0xC30, s4;
	v8 =	vmul.f32 v8, v22;
	v6 =	vmul.f32 v6, v20  }
0x326: {  	v13 =	vld [tilespmem:s15+$0xC800];
	v12 =	vmul.f32 v12, v18;
	[tilespmem:s12+$0x169D0] =	vst v9;
	v5 =	vadd.f32 v7, v5;
	v7 =	vmul.f32 v16, v17  }
0x327: {  	s21 =	sor.u32 $0xC60, s0;
	v9 =	vmul.f32 v11, v23;
	v6 =	vadd.f32 v6, v8;
	v8 =	vmul.f32 v14, v21;
	v11 =	vld [tilespmem:s1+$0x60]  }
0x328: {  	v10 =	vmul.f32 v10, v27;
	v14 =	vld [tilespmem:s21+$0xC800];
	v5 =	vadd.f32 v7, v5  }
0x329: {  	s16 =	sor.u32 $0x860, s0;
	v8 =	vadd.f32 v8, v12;
	v12 =	vld [tilespmem:s1+$0x460];
	v6 =	vadd.f32 v9, v6;
	v9 =	vmul.f32 v61, v3  }
0x32a: {  	v7 =	vld [tilespmem:s16+$0xC800];
	[tilespmem:s12+$0x16830] =	vst v5  }
0x32b: {  	s22 =	sor.u32 $0x840, s20;
	v8 =	vadd.f32 v10, v8;
	v10 =	vmul.f32 v13, v4;
	v6 =	vadd.f32 v9, v6;
	v5 =	vld [tilespmem:s6+$0x40]  }
0x32c: {  	v15 =	vld [tilespmem:s22+$0xC800]  }
0x32d: {  	v8 =	vadd.f32 v10, v8;
	[tilespmem:s12+$0x168B0] =	vst v6;
	v6 =	vld [tilespmem:s6+$0x440]  }
0x32e: {  	v11 =	vmul.f32 v11, v24;
	v9 =	vld [tilespmem:s17+$0x40];
	v12 =	vmul.f32 v12, v28  }
0x32f: {  	s24 =	sor.u32 $0xC40, s20;
	[tilespmem:s12+$0x16930] =	vst v8;
	v8 =	vld [tilespmem:s17+$0x440]  }
0x330: {  	v16 =	vld [tilespmem:s24+$0xC800];
	v7 =	vmul.f32 v7, v25;
	v11 =	vadd.f32 v12, v11  }
0x331: {  	s26 =	sor.u32 $0xC40, s19;
	v13 =	vld [tilespmem:s18+$0x440]  }
0x332: {  	v14 =	vmul.f32 v14, v26;
	v62 =	vld [tilespmem:s26+$0xC800];
	v7 =	vadd.f32 v7, v11  }
0x333: {  	s23 =	sor.u32 $0x840, s19;
	v10 =	vld [tilespmem:s18+$0x40];
	v5 =	vmul.f32 v5, v30;
	v6 =	vmul.f32 v6, v29  }
0x334: {  	s25 =	sor.u32 $0x840, s4;
	v12 =	vld [tilespmem:s23+$0xC800];
	v9 =	vmul.f32 v9, v22;
	v8 =	vmul.f32 v8, v20;
	v7 =	vadd.f32 v14, v7  }
0x335: {  	s31 =	sor.u32 $0xC40, s4;
	v11 =	vld [tilespmem:s25+$0xC800];
	v5 =	vadd.f32 v6, v5  }
0x336: {  	s13 =	simm.s32 $0x800;
	v6 =	vmul.f32 v15, v19;
	v8 =	vadd.f32 v8, v9;
	v9 =	vmul.f32 v13, v21;
	v13 =	vld [tilespmem:s31+$0xC800];
	[tilespmem:s12+$0x169E0] =	vst v7  }
0x337: {  	s3 =	sor.u32 $0x870, s0;
	s9 =	sand.u32 $0x7000, s13;
	v34 =	vld [tilespmem:s1+$0x70]  }
0x338: {  	s15 =	simm.s32 $0x4;
	s11 =	sadd.s32 $0xC800, s9;
	s9 =	simm.s32 $0x200;
	v5 =	vadd.f32 v6, v5;
	v6 =	vmul.f32 v16, v17;
	v35 =	vld [tilespmem:s1+$0x470]  }
0x339: {  	s0 =	sor.u32 $0xC70, s0;
	s10 =	sand.u32 $0x7, s15;
	s24 =	sand.u32 $0x200, s9;
	v33 =	vld [tilespmem:s3+$0xC800]  }
0x33a: {  	v32 =	vld [tilespmem:s0+$0xC800];
	s1 =	sshll.u32 s10, $0x7;
	s10 =	sor.u32 s24, s11;
	v5 =	vadd.f32 v6, v5  }
0x33b: {  	v7 =	vmul.f32 v12, v23;
	v47 =	vld [tilespmem:s10+$0x0]  }
0x33c: {  	v48 =	vld [tilespmem:s10+$0x400];
	[tilespmem:s12+$0x16840] =	vst v5  }
0x33d: {  	v7 =	vadd.f32 v7, v8;
	v8 =	vmul.f32 v62, v3;
	s1 =	sadd.s32 $0x800, s1;
	v14 =	vld [tilespmem:s6+$0x50]  }
0x33e: {  	s5 =	sor.u32 $0x850, s20;
	s0 =	sadd.s32 $0x180, s1;
	v15 =	vld [tilespmem:s6+$0x450]  }
0x33f: {  	v10 =	vmul.f32 v10, v18;
	v7 =	vadd.f32 v8, v7;
	s22 =	sor.u32 $0xC00, s0;
	v43 =	vld [tilespmem:s5+$0xC800]  }
0x340: {  	s25 =	simm.s32 $0x280;
	s2 =	sadd.s32 $0x80, s1;
	s21 =	sor.u32 $0x800, s0;
	v8 =	vld [tilespmem:s22+$0xC800]  }
0x341: {  	v9 =	vadd.f32 v9, v10;
	v10 =	vmul.f32 v11, v27;
	s5 =	sand.u32 $0x280, s25;
	s25 =	sor.u32 $0xC00, s2;
	[tilespmem:s12+$0x168C0] =	vst v7;
	v7 =	vld [tilespmem:s21+$0xC800]  }
0x342: {  	s16 =	simm.s32 $0x380;
	v58 =	vld [tilespmem:s25+$0xC800]  }
0x343: {  	s7 =	sor.u32 $0x850, s19;
	s14 =	sand.u32 $0x380, s16;
	v6 =	vadd.f32 v10, v9;
	v9 =	vmul.f32 v13, v4;
	v16 =	vld [tilespmem:s17+$0x50]  }
0x344: {  	s3 =	sor.u32 s14, s11;
	v44 =	vld [tilespmem:s7+$0xC800]  }
0x345: {  	v5 =	vadd.f32 v9, v6;
	s7 =	simm.s32 $0x200;
	v6 =	vld [tilespmem:s3+$0x400]  }
0x346: {  	v37 =	vld [tilespmem:s7+$0x2980]  }
0x347: {  	v38 =	vld [tilespmem:s7+$0x2990]  }
0x348: {  	[tilespmem:s12+$0x16940] =	vst v5;
	v5 =	vld [tilespmem:s3+$0x0]  }
0x349: {  	v42 =	vld [tilespmem:s17+$0x450]  }
0x34a: {  	s23 =	sor.u32 $0xC50, s19;
	v36 =	vld [tilespmem:s7+$0x29A0]  }
0x34b: {  	v46 =	vld [tilespmem:s23+$0xC800]  }
0x34c: {  	s14 =	sor.u32 s5, s11;
	v31 =	vld [tilespmem:s7+$0x29B0]  }
0x34d: {  	v49 =	vld [tilespmem:s14+$0x0];
	v6 =	vmul.f32 v6, v38;
	v5 =	vmul.f32 v5, v37  }
0x34e: {  	v50 =	vld [tilespmem:s14+$0x400]  }
0x34f: {  	v39 =	vld [tilespmem:s18+$0x50];
	v5 =	vadd.f32 v6, v5;
	v6 =	vmul.f32 v7, v36  }
0x350: {  	s8 =	sor.u32 $0x850, s4;
	s26 =	simm.s32 $0x300;
	v40 =	vld [tilespmem:s18+$0x450]  }
0x351: {  	s31 =	sand.u32 $0x300, s26;
	v41 =	vld [tilespmem:s8+$0xC800];
	s8 =	sor.u32 $0xC50, s20;
	v5 =	vadd.f32 v6, v5;
	v6 =	vmul.f32 v8, v31  }
0x352: {  	v45 =	vld [tilespmem:s8+$0xC800];
	s8 =	sor.u32 s31, s11  }
0x353: {  	v14 =	vmul.f32 v14, v30;
	v15 =	vmul.f32 v15, v29;
	v51 =	vld [tilespmem:s8+$0x0];
	v6 =	vadd.f32 v6, v5  }
0x354: {  	v52 =	vld [tilespmem:s8+$0x400];
	v16 =	vmul.f32 v16, v22;
	v42 =	vmul.f32 v42, v20  }
0x355: {  	v14 =	vadd.f32 v15, v14;
	v7 =	vld [tilespmem:s7+$0x2880];
	[tilespmem:s7+$0x16980] =	vst v6  }
0x356: {  	v15 =	vmul.f32 v43, v19;
	v43 =	vmul.f32 v44, v23;
	v16 =	vadd.f32 v42, v16;
	v9 =	vld [tilespmem:s3+$0x10]  }
0x357: {  	v10 =	vld [tilespmem:s3+$0x410]  }
0x358: {  	s5 =	sor.u32 $0x810, s0;
	v43 =	vadd.f32 v43, v16;
	v16 =	vld [tilespmem:s7+$0x2830]  }
0x359: {  	v14 =	vadd.f32 v15, v14;
	v63 =	vmul.f32 v45, v17;
	v11 =	vld [tilespmem:s5+$0xC800]  }
0x35a: {  	s9 =	sor.u32 $0xC10, s0;
	v8 =	vld [tilespmem:s7+$0x2890]  }
0x35b: {  	v61 =	vmul.f32 v46, v3;
	v42 =	vadd.f32 v63, v14;
	v12 =	vld [tilespmem:s9+$0xC800]  }
0x35c: {  	s21 =	simm.s32 $0x2;
	v14 =	vld [tilespmem:s7+$0x28B0];
	v13 =	vmul.f32 v9, v37;
	v53 =	vmul.f32 v10, v38  }
0x35d: {  	s11 =	sand.u32 $0x3, s21;
	v5 =	vld [tilespmem:s7+$0x2800];
	[tilespmem:s12+$0x16850] =	vst v42  }
0x35e: {  	p0 =	por !p0, !p0;
	s22 =	sshll.u32 s11, $0x8;
	v43 =	vadd.f32 v61, v43;
	v42 =	vld [tilespmem:s6+$0x60];
	s9 =	simm.s32 $0x1;
	v11 =	vmul.f32 v11, v36;
	v13 =	vadd.f32 v53, v13  }
0x35f: {  	v44 =	vld [tilespmem:s6+$0x460];
	s5 =	sadd.s32 $0x800, s22;
	s9 =	simm.s32 @!p0 $0x0  }
0x360: {  	[tilespmem:s12+$0x168D0] =	vst v43;
	v6 =	vld [tilespmem:s7+$0x2810];
	s1 =	sadd.s32 $0x100, s5;
	s9 =	sshll.u32 s9, $0x9;
	v11 =	vadd.f32 v11, v13;
	v13 =	vmul.f32 v12, v31  }
0x361: {  	v43 =	vld [tilespmem:s17+$0x460];
	s11 =	sor.u32 $0x800, s1;
	s9 =	sadd.s32 $0x800, s9  }
0x362: {  	v54 =	vld [tilespmem:s11+$0xC800];
	s24 =	sor.u32 $0x800, s9;
	v56 =	vadd.f32 v13, v11  }
0x363: {  	s23 =	sor.u32 $0x800, s2;
	v55 =	vld [tilespmem:s24+$0xC800]  }
0x364: {  	v53 =	vld [tilespmem:s23+$0xC800];
	[tilespmem:s7+$0x16990] =	vst v56  }
0x365: {  	v47 =	vmul.f32 v47, v5;
	v48 =	vmul.f32 v48, v6;
	v56 =	vld [tilespmem:s3+$0x20]  }
0x366: {  	s23 =	sor.u32 $0xC50, s4;
	v57 =	vld [tilespmem:s3+$0x420]  }
0x367: {  	s26 =	sor.u32 $0x820, s0;
	v61 =	vadd.f32 v48, v47;
	v48 =	vld [tilespmem:s23+$0xC800]  }
0x368: {  	v39 =	vmul.f32 v39, v18;
	v40 =	vmul.f32 v40, v21;
	v59 =	vld [tilespmem:s26+$0xC800]  }
0x369: {  	s11 =	sor.u32 $0xC20, s0;
	v12 =	vld [tilespmem:s7+$0x2820]  }
0x36a: {  	v41 =	vmul.f32 v41, v27;
	v39 =	vadd.f32 v40, v39;
	s31 =	sor.u32 $0xC00, s1;
	v45 =	vld [tilespmem:s11+$0xC800]  }
0x36b: {  	v60 =	vld [tilespmem:s31+$0xC800];
	s22 =	sor.u32 $0xC00, s9;
	v15 =	vmul.f32 v56, v37;
	v62 =	vmul.f32 v57, v38  }
0x36c: {  	v39 =	vadd.f32 v41, v39;
	v46 =	vld [tilespmem:s22+$0xC800];
	v40 =	vmul.f32 v48, v4  }
0x36d: {  	v9 =	vld [tilespmem:s7+$0x2900];
	v63 =	vmul.f32 v59, v36;
	v56 =	vadd.f32 v62, v15  }
0x36e: {  	v10 =	vld [tilespmem:s7+$0x2910];
	v39 =	vadd.f32 v40, v39  }
0x36f: {  	v13 =	vld [tilespmem:s7+$0x28A0];
	v45 =	vmul.f32 v45, v31;
	v62 =	vmul.f32 v55, v12;
	v63 =	vadd.f32 v63, v56  }
0x370: {  	v11 =	vld [tilespmem:s7+$0x2920];
	[tilespmem:s12+$0x16950] =	vst v39  }
0x371: {  	v46 =	vmul.f32 v46, v16;
	v39 =	vld [tilespmem:s18+$0x60];
	v57 =	vadd.f32 v62, v61;
	v59 =	vadd.f32 v45, v63  }
0x372: {  	v49 =	vmul.f32 v49, v7;
	v50 =	vmul.f32 v50, v8;
	v15 =	vld [tilespmem:s7+$0x2930]  }
0x373: {  	v51 =	vmul.f32 v51, v9;
	v40 =	vld [tilespmem:s18+$0x460];
	v46 =	vadd.f32 v46, v57;
	[tilespmem:s7+$0x169A0] =	vst v59  }
0x374: {  	v49 =	vadd.f32 v50, v49;
	v52 =	vmul.f32 v52, v10;
	v61 =	vmul.f32 v53, v13;
	v63 =	vld [tilespmem:s3+$0x30]  }
0x375: {  	v57 =	vmul.f32 v58, v14;
	[tilespmem:s7+$0x16800] =	vst v46;
	v58 =	vld [tilespmem:s3+$0x430]  }
0x376: {  	s24 =	sor.u32 $0x830, s0;
	v62 =	vadd.f32 v52, v51;
	v56 =	vmul.f32 v54, v11;
	v49 =	vadd.f32 v61, v49;
	v53 =	vld [tilespmem:s10+$0x10]  }
0x377: {  	v59 =	vmul.f32 v60, v15;
	v60 =	vld [tilespmem:s24+$0xC800]  }
0x378: {  	s25 =	sor.u32 $0xC30, s0;
	v47 =	vadd.f32 v56, v62;
	v49 =	vadd.f32 v57, v49;
	v54 =	vld [tilespmem:s10+$0x410]  }
0x379: {  	s26 =	sor.u32 $0x810, s9;
	v61 =	vld [tilespmem:s25+$0xC800]  }
0x37a: {  	v56 =	vld [tilespmem:s26+$0xC800];
	v47 =	vadd.f32 v59, v47;
	[tilespmem:s7+$0x16880] =	vst v49;
	v51 =	vmul.f32 v63, v37;
	v46 =	vmul.f32 v58, v38  }
0x37b: {  	v52 =	vld [tilespmem:s14+$0x10]  }
0x37c: {  	v62 =	vld [tilespmem:s14+$0x410];
	[tilespmem:s7+$0x16900] =	vst v47;
	v50 =	vmul.f32 v60, v36;
	v46 =	vadd.f32 v46, v51  }
0x37d: {  	v55 =	vld [tilespmem:s8+$0x10]  }
0x37e: {  	s22 =	sor.u32 $0x810, s1;
	v63 =	vld [tilespmem:s8+$0x410];
	v49 =	vmul.f32 v61, v31;
	v46 =	vadd.f32 v50, v46  }
0x37f: {  	s31 =	sor.u32 $0x810, s2;
	v57 =	vld [tilespmem:s22+$0xC800]  }
0x380: {  	s23 =	sor.u32 $0xC10, s9;
	v50 =	vld [tilespmem:s31+$0xC800];
	v46 =	vadd.f32 v49, v46  }
0x381: {  	s24 =	sor.u32 $0xC10, s2;
	v60 =	vmul.f32 v53, v5;
	v61 =	vmul.f32 v54, v6;
	v49 =	vld [tilespmem:s23+$0xC800]  }
0x382: {  	v53 =	vld [tilespmem:s24+$0xC800];
	v52 =	vmul.f32 v52, v7;
	v62 =	vmul.f32 v62, v8;
	[tilespmem:s7+$0x169B0] =	vst v46  }
0x383: {  	v47 =	vmul.f32 v55, v9;
	v63 =	vmul.f32 v63, v10;
	v54 =	vld [tilespmem:s3+$0x40]  }
0x384: {  	s25 =	sor.u32 $0xC10, s1;
	v46 =	vadd.f32 v61, v60;
	v60 =	vmul.f32 v56, v12;
	v55 =	vld [tilespmem:s3+$0x440]  }
0x385: {  	s26 =	sor.u32 $0x840, s0;
	v47 =	vadd.f32 v63, v47;
	v56 =	vld [tilespmem:s25+$0xC800];
	v61 =	vadd.f32 v62, v52  }
0x386: {  	v62 =	vmul.f32 v50, v13;
	v50 =	vld [tilespmem:s26+$0xC800];
	v46 =	vadd.f32 v60, v46;
	v63 =	vmul.f32 v49, v16  }
0x387: {  	s11 =	sor.u32 $0xC40, s0;
	v45 =	vld [tilespmem:s17+$0x60]  }
0x388: {  	s31 =	sor.u32 $0x860, s20;
	v57 =	vmul.f32 v57, v11;
	v59 =	vld [tilespmem:s11+$0xC800];
	v46 =	vadd.f32 v63, v46  }
0x389: {  	s22 =	sor.u32 $0x860, s19;
	v52 =	vld [tilespmem:s31+$0xC800];
	v41 =	vadd.f32 v62, v61;
	v60 =	vmul.f32 v54, v37;
	v61 =	vmul.f32 v55, v38  }
0x38a: {  	v58 =	vmul.f32 v53, v14;
	v47 =	vadd.f32 v57, v47;
	[tilespmem:s7+$0x16810] =	vst v46;
	v46 =	vld [tilespmem:s22+$0xC800]  }
0x38b: {  	v62 =	vmul.f32 v56, v15;
	v50 =	vmul.f32 v50, v36;
	v48 =	vadd.f32 v61, v60;
	v51 =	vld [tilespmem:s10+$0x20]  }
0x38c: {  	s23 =	sor.u32 $0x820, s9;
	v41 =	vadd.f32 v58, v41;
	v63 =	vld [tilespmem:s10+$0x420]  }
0x38d: {  	s25 =	sor.u32 $0xC20, s9;
	v47 =	vadd.f32 v62, v47;
	v60 =	vmul.f32 v59, v31;
	v61 =	vld [tilespmem:s23+$0xC800];
	v48 =	vadd.f32 v50, v48  }
0x38e: {  	[tilespmem:s7+$0x16890] =	vst v41;
	v62 =	vld [tilespmem:s25+$0xC800]  }
0x38f: {  	[tilespmem:s7+$0x16910] =	vst v47;
	v47 =	vld [tilespmem:s14+$0x420];
	v48 =	vadd.f32 v60, v48  }
0x390: {  	v50 =	vld [tilespmem:s14+$0x20]  }
0x391: {  	v49 =	vld [tilespmem:s8+$0x20];
	[tilespmem:s7+$0x169C0] =	vst v48  }
0x392: {  	v48 =	vld [tilespmem:s3+$0x50]  }
0x393: {  	v54 =	vld [tilespmem:s3+$0x450]  }
0x394: {  	s24 =	sor.u32 $0x850, s0;
	v53 =	vld [tilespmem:s8+$0x420];
	v51 =	vmul.f32 v51, v5;
	v41 =	vmul.f32 v63, v6  }
0x395: {  	s31 =	sor.u32 $0x820, s2;
	v56 =	vld [tilespmem:s24+$0xC800]  }
0x396: {  	s26 =	sor.u32 $0xC50, s0;
	v60 =	vld [tilespmem:s31+$0xC800];
	v55 =	vmul.f32 v61, v12;
	v41 =	vadd.f32 v41, v51  }
0x397: {  	s23 =	sor.u32 $0xC20, s2;
	v57 =	vmul.f32 v62, v16;
	v63 =	vld [tilespmem:s26+$0xC800]  }
0x398: {  	s31 =	sor.u32 $0xC60, s19;
	v61 =	vld [tilespmem:s23+$0xC800];
	v41 =	vadd.f32 v55, v41;
	v48 =	vmul.f32 v48, v37;
	v54 =	vmul.f32 v54, v38  }
0x399: {  	s22 =	sor.u32 $0x820, s1;
	v59 =	vld [tilespmem:s31+$0xC800];
	v47 =	vmul.f32 v47, v8;
	v50 =	vmul.f32 v50, v7  }
0x39a: {  	v51 =	vld [tilespmem:s22+$0xC800];
	s24 =	sor.u32 $0xC20, s1;
	v41 =	vadd.f32 v57, v41;
	v56 =	vmul.f32 v56, v36;
	v48 =	vadd.f32 v54, v48  }
0x39b: {  	s26 =	sor.u32 $0xC60, s20;
	v49 =	vmul.f32 v49, v9;
	v53 =	vmul.f32 v53, v10;
	v55 =	vld [tilespmem:s24+$0xC800];
	v47 =	vadd.f32 v47, v50  }
0x39c: {  	v62 =	vmul.f32 v60, v13;
	v57 =	vld [tilespmem:s26+$0xC800];
	v58 =	vmul.f32 v63, v31;
	[tilespmem:s7+$0x16820] =	vst v41;
	v48 =	vadd.f32 v56, v48  }
0x39d: {  	v60 =	vadd.f32 v53, v49;
	v50 =	vld [tilespmem:s10+$0x30]  }
0x39e: {  	s25 =	sor.u32 $0x860, s4;
	v63 =	vadd.f32 v62, v47;
	v54 =	vmul.f32 v61, v14;
	v53 =	vld [tilespmem:s10+$0x430];
	v48 =	vadd.f32 v58, v48  }
0x39f: {  	s22 =	sor.u32 $0xC60, s4;
	v56 =	vld [tilespmem:s25+$0xC800]  }
0x3a0: {  	v61 =	vmul.f32 v51, v11;
	v41 =	vadd.f32 v54, v63;
	v58 =	vld [tilespmem:s22+$0xC800];
	[tilespmem:s7+$0x169D0] =	vst v48  }
0x3a1: {  	v51 =	vld [tilespmem:s3+$0x60]  }
0x3a2: {  	v63 =	vmul.f32 v55, v15;
	[tilespmem:s7+$0x168A0] =	vst v41;
	v48 =	vadd.f32 v61, v60;
	v62 =	vld [tilespmem:s3+$0x460]  }
0x3a3: {  	s23 =	sor.u32 $0x860, s0;
	v49 =	vld [tilespmem:s14+$0x30]  }
0x3a4: {  	s24 =	sor.u32 $0xC60, s0;
	v60 =	vld [tilespmem:s23+$0xC800];
	v48 =	vadd.f32 v63, v48  }
0x3a5: {  	v42 =	vmul.f32 v42, v30;
	v44 =	vmul.f32 v44, v29;
	v61 =	vld [tilespmem:s24+$0xC800]  }
0x3a6: {  	v43 =	vmul.f32 v43, v20;
	v45 =	vmul.f32 v45, v22;
	[tilespmem:s7+$0x16920] =	vst v48;
	v48 =	vld [tilespmem:s14+$0x430]  }
0x3a7: {  	v42 =	vadd.f32 v44, v42;
	s31 =	sor.u32 $0x830, s1;
	v55 =	vld [tilespmem:s8+$0x30];
	v51 =	vmul.f32 v51, v37;
	v47 =	vmul.f32 v62, v38  }
0x3a8: {  	v43 =	vadd.f32 v43, v45;
	s25 =	sor.u32 $0x830, s9;
	v63 =	vmul.f32 v46, v23;
	v45 =	vld [tilespmem:s31+$0xC800];
	v62 =	vmul.f32 v52, v19  }
0x3a9: {  	v41 =	vmul.f32 v60, v36;
	v52 =	vld [tilespmem:s25+$0xC800];
	v47 =	vadd.f32 v47, v51  }
0x3aa: {  	s24 =	sor.u32 $0xC30, s1;
	v43 =	vadd.f32 v63, v43;
	v60 =	vmul.f32 v57, v17;
	v51 =	vld [tilespmem:s8+$0x430];
	v42 =	vadd.f32 v62, v42  }
0x3ab: {  	s26 =	sor.u32 $0x830, s2;
	v54 =	vmul.f32 v61, v31;
	v57 =	vmul.f32 v59, v3;
	v59 =	vld [tilespmem:s24+$0xC800];
	v41 =	vadd.f32 v41, v47  }
0x3ac: {  	s22 =	sor.u32 $0xC30, s9;
	v63 =	vmul.f32 v49, v7;
	v61 =	vmul.f32 v50, v5;
	v47 =	vld [tilespmem:s26+$0xC800];
	v42 =	vadd.f32 v60, v42  }
0x3ad: {  	s23 =	sor.u32 $0xC30, s2;
	v62 =	vmul.f32 v53, v6;
	v48 =	vmul.f32 v48, v8;
	v41 =	vadd.f32 v54, v41;
	v54 =	vld [tilespmem:s22+$0xC800]  }
0x3ae: {  	v53 =	vld [tilespmem:s23+$0xC800];
	[tilespmem:s12+$0x16860] =	vst v42  }
0x3af: {  	v44 =	vadd.f32 v62, v61;
	v62 =	vadd.f32 v48, v63;
	v63 =	vmul.f32 v51, v10;
	v51 =	vld [tilespmem:s6+$0x70]  }
0x3b0: {  	v61 =	vmul.f32 v52, v12;
	v50 =	vld [tilespmem:s6+$0x470];
	[tilespmem:s7+$0x169E0] =	vst v41  }
0x3b1: {  	v43 =	vadd.f32 v57, v43;
	v60 =	vmul.f32 v55, v9;
	v52 =	vld [tilespmem:s3+$0x70]  }
0x3b2: {  	s25 =	sor.u32 $0x870, s0;
	s0 =	sor.u32 $0xC70, s0;
	v44 =	vadd.f32 v61, v44;
	v47 =	vmul.f32 v47, v13;
	v48 =	vld [tilespmem:s3+$0x470];
	v55 =	vmul.f32 v54, v16  }
0x3b3: {  	v45 =	vmul.f32 v45, v11;
	[tilespmem:s12+$0x168E0] =	vst v43;
	v46 =	vadd.f32 v63, v60;
	v43 =	vld [tilespmem:s0+$0xC800]  }
0x3b4: {  	v57 =	vmul.f32 v53, v14;
	v42 =	vadd.f32 v47, v62;
	v47 =	vld [tilespmem:s25+$0xC800];
	v44 =	vadd.f32 v55, v44  }
0x3b5: {  	v45 =	vadd.f32 v45, v46;
	v46 =	vld [tilespmem:s17+$0x470]  }
0x3b6: {  	v41 =	vmul.f32 v59, v15;
	v42 =	vadd.f32 v57, v42;
	[tilespmem:s7+$0x16830] =	vst v44;
	v44 =	vld [tilespmem:s17+$0x70]  }
0x3b7: {  	v59 =	vld [tilespmem:s10+$0x40]  }
0x3b8: {  	v41 =	vadd.f32 v41, v45;
	[tilespmem:s7+$0x168B0] =	vst v42;
	v60 =	vld [tilespmem:s10+$0x440]  }
0x3b9: {  	v24 =	vmul.f32 v34, v24;
	v28 =	vmul.f32 v35, v28;
	v45 =	vld [tilespmem:s14+$0x40]  }
0x3ba: {  	v25 =	vmul.f32 v33, v25;
	v26 =	vmul.f32 v32, v26;
	[tilespmem:s7+$0x16930] =	vst v41;
	v41 =	vld [tilespmem:s14+$0x440]  }
0x3bb: {  	v39 =	vmul.f32 v39, v18;
	v40 =	vmul.f32 v40, v21;
	s26 =	sor.u32 $0x840, s9;
	v49 =	vld [tilespmem:s8+$0x40]  }
0x3bc: {  	v24 =	vadd.f32 v28, v24;
	v62 =	vmul.f32 v56, v27;
	v30 =	vmul.f32 v51, v30;
	v63 =	vld [tilespmem:s26+$0xC800]  }
0x3bd: {  	v61 =	vadd.f32 v40, v39;
	s6 =	sor.u32 $0xC40, s9;
	v29 =	vmul.f32 v50, v29;
	v55 =	vmul.f32 v58, v4;
	v34 =	vld [tilespmem:s8+$0x440]  }
0x3be: {  	v24 =	vadd.f32 v25, v24;
	s5 =	sor.u32 $0x840, s1;
	v25 =	vmul.f32 v52, v37;
	v56 =	vmul.f32 v48, v38;
	v57 =	vld [tilespmem:s6+$0xC800]  }
0x3bf: {  	s31 =	sor.u32 $0x840, s2;
	v54 =	vadd.f32 v62, v61;
	v31 =	vmul.f32 v43, v31;
	v35 =	vld [tilespmem:s5+$0xC800];
	v36 =	vmul.f32 v47, v36  }
0x3c0: {  	v26 =	vadd.f32 v26, v24;
	s22 =	sor.u32 $0xC40, s1;
	v53 =	vld [tilespmem:s31+$0xC800];
	v58 =	vmul.f32 v59, v5;
	v59 =	vmul.f32 v60, v6  }
0x3c1: {  	s11 =	sor.u32 $0xC40, s2;
	v32 =	vadd.f32 v55, v54;
	v61 =	vld [tilespmem:s22+$0xC800];
	v24 =	vmul.f32 v45, v7;
	v63 =	vmul.f32 v63, v12  }
0x3c2: {  	s24 =	sor.u32 $0x870, s19;
	v60 =	vld [tilespmem:s11+$0xC800];
	v52 =	vmul.f32 v49, v9;
	v34 =	vmul.f32 v34, v10;
	v62 =	vadd.f32 v59, v58  }
0x3c3: {  	v55 =	vld [tilespmem:s24+$0xC800];
	v25 =	vadd.f32 v56, v25;
	[tilespmem:s12+$0x16960] =	vst v32;
	v41 =	vmul.f32 v41, v8;
	v50 =	vmul.f32 v57, v16  }
0x3c4: {  	s23 =	sor.u32 $0x870, s20;
	v48 =	vld [tilespmem:s18+$0x70];
	v35 =	vmul.f32 v35, v11;
	v34 =	vadd.f32 v34, v52;
	v32 =	vadd.f32 v63, v62  }
0x3c5: {  	v25 =	vadd.f32 v36, v25;
	v28 =	vmul.f32 v53, v13;
	v53 =	vld [tilespmem:s23+$0xC800];
	v24 =	vadd.f32 v41, v24  }
0x3c6: {  	s26 =	sor.u32 $0xC70, s20;
	v51 =	vld [tilespmem:s18+$0x470];
	v59 =	vmul.f32 v61, v15;
	v58 =	vadd.f32 v35, v34;
	v32 =	vadd.f32 v50, v32  }
0x3c7: {  	s25 =	sor.u32 $0x870, s4;
	v57 =	vld [tilespmem:s26+$0xC800];
	v24 =	vadd.f32 v28, v24;
	v54 =	vmul.f32 v60, v14  }
0x3c8: {  	s29 =	simm.s32 $0x4;
	v56 =	vld [tilespmem:s25+$0xC800];
	v31 =	vadd.f32 v31, v25;
	v25 =	vadd.f32 v59, v58;
	[tilespmem:s7+$0x16840] =	vst v32  }
0x3c9: {  	p0 =	por !p0, !p0;
	s28 =	sor.u32 $0xC60, s1;
	s30 =	sor.u32 $0x860, s9;
	v20 =	vmul.f32 v46, v20;
	v22 =	vmul.f32 v44, v22;
	v24 =	vadd.f32 v54, v24;
	v60 =	vld [tilespmem:s10+$0x50]  }
0x3ca: {  	s3 =	sor.u32 $0xC70, s4;
	s0 =	sor.u32 $0x870, s2;
	v29 =	vadd.f32 v29, v30;
	s31 =	sor.u32 $0x850, s9;
	v19 =	vmul.f32 v53, v19;
	[tilespmem:s7+$0x16940] =	vst v25;
	v61 =	vld [tilespmem:s10+$0x450]  }
0x3cb: {  	s4 =	sor.u32 $0xC70, s2;
	s17 =	sor.u32 $0xC50, s2;
	s24 =	sor.u32 $0xC50, s9;
	v18 =	vmul.f32 v48, v18;
	v62 =	vadd.f32 v20, v22;
	[tilespmem:s7+$0x168C0] =	vst v24;
	v24 =	vmul.f32 v51, v21;
	v20 =	vld [tilespmem:s31+$0xC800]  }
0x3cc: {  	s5 =	sor.u32 $0xC70, s19;
	s19 =	sor.u32 $0x850, s2;
	s20 =	sor.u32 $0x860, s1;
	v23 =	vmul.f32 v55, v23;
	v28 =	vmul.f32 v57, v17;
	v19 =	vadd.f32 v19, v29;
	v22 =	vld [tilespmem:s8+$0x50]  }
0x3cd: {  	s22 =	sor.u32 $0xC60, s2;
	s6 =	sor.u32 $0x870, s9;
	s18 =	sor.u32 $0x850, s1;
	v27 =	vmul.f32 v56, v27;
	v21 =	vld [tilespmem:s14+$0x50];
	v63 =	vadd.f32 v24, v18  }
0x3ce: {  	[tilespmem:s12+$0x169F0] =	vst v26;
	s25 =	sor.u32 $0x860, s2;
	s2 =	sor.u32 $0xC70, s9;
	s26 =	sor.u32 $0xC50, s1;
	v19 =	vadd.f32 v28, v19;
	v24 =	vld [tilespmem:s14+$0x450];
	v18 =	vadd.f32 v23, v62  }
0x3cf: {  	s23 =	sor.u32 $0xC60, s9;
	s9 =	sor.u32 $0x870, s1;
	s11 =	sor.u32 $0xC70, s1;
	[tilespmem:s7+$0x169F0] =	vst v31;
	v23 =	vld [tilespmem:s8+$0x450];
	v17 =	vadd.f32 v27, v63;
	v25 =	vmul.f32 v60, v5;
	v26 =	vmul.f32 v61, v6  }
.LBB2_7:
0x3d0: {  	[smem:$0x7AF] =	sst s25  }
0x3d1: {  	[smem:$0x7B6] =	sst s20  }
0x3d2: {  	[smem:$0x7B8] =	sst s23;
	v27 =	vld [tilespmem:s19+$0xC800]  }
0x3d3: {  	[smem:$0x7C1] =	sst s11;
	s21 =	sadd.s32 $0x2, s21;
	s13 =	sadd.s32 $0x800, s13;
	v25 =	vadd.f32 v26, v25;
	[tilespmem:s12+$0x16870] =	vst v19;
	v26 =	vld [tilespmem:s18+$0xC800]  }
0x3d4: {  	s16 =	sadd.s32 $0x200, s16;
	v28 =	vld [tilespmem:s24+$0xC800];
	s19 =	sshra.s32 s13, $0x2;
	s24 =	sand.u32 $0x7000, s13  }
0x3d5: {  	s1 =	sand.u32 $0x3, s21;
	s11 =	sand.u32 $0x380, s16;
	s31 =	sadd.s32 $0xC800, s24;
	v19 =	vld [tilespmem:s19+$0x2980];
	v21 =	vmul.f32 v21, v7  }
0x3d6: {  	s23 =	sshll.u32 s1, $0x8;
	s18 =	sadd.s32 $0xFFFFFF80, s16;
	v24 =	vmul.f32 v24, v8;
	v29 =	vmul.f32 v20, v12;
	v20 =	vld [tilespmem:s19+$0x2990];
	s1 =	sor.u32 s11, s31  }
0x3d7: {  	[dreg:$0x9] =	wrdreg s9;
	s15 =	sadd.s32 $0x4, s15;
	s9 =	sand.u32 $0x300, s18;
	v57 =	vld [tilespmem:s1+$0x400]  }
0x3d8: {  	[smem:$0x7BA] =	sst s22;
	s25 =	sand.u32 $0x7, s15;
	s9 =	sor.u32 s9, s31;
	v21 =	vadd.f32 v24, v21;
	v24 =	vld [tilespmem:s17+$0xC800]  }
0x3d9: {  	[smem:$0x7C0] =	sst s3;
	s3 =	sshll.u32 s25, $0x7;
	v22 =	vmul.f32 v22, v9;
	v23 =	vmul.f32 v23, v10;
	v33 =	vld [tilespmem:s9+$0x0]  }
0x3da: {  	[smem:$0x7BE] =	sst s5;
	s3 =	sadd.s32 s3, s13;
	v34 =	vld [tilespmem:s9+$0x400];
	s17 =	sadd.s32 $0xFFFFFF00, s16;
	v27 =	vmul.f32 v27, v13  }
0x3db: {  	[dreg:$0xb] =	wrdreg s6;
	v22 =	vadd.f32 v23, v22;
	v23 =	vld [tilespmem:s1+$0x0];
	v26 =	vmul.f32 v26, v11;
	s6 =	sand.u32 $0x280, s17;
	s17 =	sadd.s32 $0x180, s3  }
0x3dc: {  	[smem:$0x7C3] =	sst s12;
	v25 =	vadd.f32 v29, v25;
	v28 =	vmul.f32 v28, v16;
	s22 =	sor.u32 $0x800, s17;
	v27 =	vadd.f32 v27, v21;
	v21 =	vld [tilespmem:s19+$0x29A0]  }
0x3dd: {  	[dreg:$0x5] =	wrdreg s0;
	s12 =	sadd.s32 $0xFFFFFE80, s16;
	s20 =	sadd.s32 s13, s23;
	v35 =	vadd.f32 v26, v22;
	v26 =	vld [tilespmem:s22+$0xC800];
	v24 =	vmul.f32 v24, v14  }
0x3de: {  	s5 =	sand.u32 $0x200, s12;
	s24 =	sadd.s32 $0x100, s20;
	s23 =	sor.u32 $0xC00, s17;
	v25 =	vadd.f32 v28, v25;
	v22 =	vld [tilespmem:s19+$0x29B0]  }
0x3df: {  	s0 =	simm.s32 $0x1;
	s18 =	sor.u32 s5, s31;
	s5 =	sor.u32 $0x800, s24;
	v24 =	vadd.f32 v24, v27;
	v27 =	vld [tilespmem:s23+$0xC800]  }
0x3e0: {  	s0 =	simm.s32 @!p0 $0x0;
	v40 =	vld [tilespmem:s5+$0xC800];
	v58 =	vmul.f32 v57, v20;
	[tilespmem:s7+$0x16850] =	vst v25;
	v23 =	vmul.f32 v23, v19  }
0x3e1: {  	s0 =	sshll.u32 s0, $0x9;
	v25 =	vld [tilespmem:s18+$0x0]  }
0x3e2: {  	[smem:$0x7BF] =	sst s4;
	s4 =	smov.u32 s30;
	s30 =	sadd.s32 s0, s13;
	v32 =	vld [tilespmem:s19+$0x2800];
	v23 =	vadd.f32 v58, v23;
	v26 =	vmul.f32 v26, v21  }
0x3e3: {  	s11 =	sor.u32 $0x800, s30;
	v31 =	vld [tilespmem:s19+$0x2810]  }
0x3e4: {  	v60 =	vld [tilespmem:s11+$0xC800];
	v23 =	vadd.f32 v26, v23;
	v26 =	vmul.f32 v27, v22  }
0x3e5: {  	[dreg:$0x7] =	wrdreg s2;
	s2 =	sor.u32 s6, s31;
	[tilespmem:s7+$0x168D0] =	vst v24;
	v24 =	vld [tilespmem:s18+$0x400]  }
0x3e6: {  	v30 =	vld [tilespmem:s2+$0x0];
	v23 =	vadd.f32 v26, v23  }
0x3e7: {  	[smem:$0x7BC] =	sst s28;
	s25 =	sor.u32 $0x810, s30;
	v59 =	vld [tilespmem:s2+$0x400]  }
0x3e8: {  	[smem:$0x7A9] =	sst s25;
	s20 =	sor.u32 $0x810, s24;
	v29 =	vld [tilespmem:s19+$0x2880];
	[tilespmem:s19+$0x16980] =	vst v23  }
0x3e9: {  	s25 =	sor.u32 $0xC10, s30;
	[smem:$0x7AB] =	sst s20;
	v26 =	vld [tilespmem:s1+$0x10]  }
0x3ea: {  	[smem:$0x7AC] =	sst s25;
	s20 =	sor.u32 $0xC10, s24;
	v27 =	vld [tilespmem:s1+$0x410]  }
0x3eb: {  	s25 =	sor.u32 $0x820, s30;
	[smem:$0x7AE] =	sst s20;
	s6 =	sor.u32 $0x810, s17;
	v36 =	vmul.f32 v24, v31;
	v24 =	vld [tilespmem:s19+$0x2900]  }
0x3ec: {  	s12 =	sadd.s32 $0x80, s3;
	[smem:$0x7B0] =	sst s25;
	s20 =	sor.u32 $0x820, s24;
	v37 =	vld [tilespmem:s6+$0xC800]  }
0x3ed: {  	s25 =	sor.u32 $0xC20, s30;
	[smem:$0x7B2] =	sst s20;
	s28 =	sor.u32 $0xC10, s17;
	v25 =	vmul.f32 v25, v32;
	v23 =	vld [tilespmem:s19+$0x2890]  }
0x3ee: {  	s0 =	smov.u32 s26;
	s31 =	sor.u32 $0x810, s12;
	[smem:$0x7B3] =	sst s25;
	v38 =	vld [tilespmem:s28+$0xC800]  }
0x3ef: {  	s20 =	sor.u32 $0xC20, s24;
	s22 =	sor.u32 $0xC00, s30;
	[smem:$0x7AA] =	sst s31;
	v36 =	vadd.f32 v36, v25;
	v25 =	vld [tilespmem:s19+$0x2910];
	v26 =	vmul.f32 v26, v19;
	v27 =	vmul.f32 v27, v20  }
0x3f0: {  	s25 =	sor.u32 $0x830, s30;
	[smem:$0x7B5] =	sst s20;
	v43 =	vld [tilespmem:s22+$0xC800];
	s23 =	sor.u32 $0xC00, s24  }
0x3f1: {  	s26 =	sor.u32 $0x800, s12;
	s31 =	sor.u32 $0xC10, s12;
	[smem:$0x7C5] =	sst s25;
	v42 =	vld [tilespmem:s23+$0xC800];
	v26 =	vadd.f32 v27, v26;
	v27 =	vmul.f32 v37, v21  }
0x3f2: {  	s3 =	sor.u32 $0xC00, s12;
	s20 =	sor.u32 $0x830, s24;
	[smem:$0x7AD] =	sst s31;
	v39 =	vld [tilespmem:s26+$0xC800];
	v30 =	vmul.f32 v30, v29  }
0x3f3: {  	s25 =	sor.u32 $0xC30, s30;
	[smem:$0x7C7] =	sst s20;
	v61 =	vld [tilespmem:s3+$0xC800];
	v28 =	vmul.f32 v59, v23;
	v38 =	vmul.f32 v38, v22;
	v41 =	vadd.f32 v27, v26  }
0x3f4: {  	s31 =	sor.u32 $0x820, s12;
	[smem:$0x7C8] =	sst s25;
	v33 =	vmul.f32 v33, v24;
	v34 =	vmul.f32 v34, v25;
	v27 =	vld [tilespmem:s19+$0x28A0]  }
0x3f5: {  	s20 =	sor.u32 $0xC30, s24;
	[smem:$0x7B1] =	sst s31;
	v30 =	vadd.f32 v28, v30;
	v28 =	vld [tilespmem:s19+$0x2820];
	v38 =	vadd.f32 v38, v41  }
0x3f6: {  	s25 =	sor.u32 $0x840, s30;
	[smem:$0x7CA] =	sst s20;
	v33 =	vadd.f32 v34, v33;
	v34 =	vld [tilespmem:s19+$0x28B0]  }
0x3f7: {  	s31 =	sor.u32 $0xC20, s12;
	[dreg:$0x1f] =	wrdreg s25;
	v26 =	vld [tilespmem:s19+$0x2920];
	[tilespmem:s19+$0x16990] =	vst v38  }
0x3f8: {  	s20 =	sor.u32 $0x840, s24;
	[smem:$0x7B4] =	sst s31;
	v63 =	vld [tilespmem:s1+$0x20]  }
0x3f9: {  	s25 =	sor.u32 $0xC40, s30;
	[dreg:$0x18] =	wrdreg s20;
	s23 =	sor.u32 $0x820, s17;
	v48 =	vmul.f32 v39, v27;
	v49 =	vld [tilespmem:s1+$0x420]  }
0x3fa: {  	[dreg:$0x1b] =	wrdreg s25;
	v51 =	vld [tilespmem:s23+$0xC800]  }
0x3fb: {  	s31 =	sor.u32 $0x830, s12;
	s22 =	sld [smem:$0x7AC];
	v38 =	vadd.f32 v48, v30;
	v30 =	vld [tilespmem:s19+$0x2830]  }
0x3fc: {  	v53 =	vld [tilespmem:s0+$0xC800];
	s20 =	sor.u32 $0xC40, s24;
	[smem:$0x7C6] =	sst s31;
	s26 =	sor.u32 $0xC20, s17;
	v62 =	vmul.f32 v60, v28  }
0x3fd: {  	s25 =	sor.u32 $0x850, s30;
	[dreg:$0x10] =	wrdreg s20;
	v41 =	vmul.f32 v61, v34;
	v50 =	vmul.f32 v40, v26;
	v45 =	vld [tilespmem:s26+$0xC800]  }
0x3fe: {  	s31 =	sor.u32 $0xC30, s12;
	[dreg:$0xe] =	wrdreg s25;
	v56 =	vld [tilespmem:s14+$0x60];
	v36 =	vadd.f32 v62, v36;
	v37 =	vmul.f32 v63, v19;
	v39 =	vmul.f32 v49, v20  }
0x3ff: {  	v46 =	vld [tilespmem:s10+$0x60];
	s20 =	sor.u32 $0x850, s24;
	[smem:$0x7C9] =	sst s31;
	v44 =	vadd.f32 v50, v33;
	v58 =	vadd.f32 v41, v38  }
0x400: {  	s25 =	sor.u32 $0xC50, s12;
	[smem:$0x7CC] =	sst s20;
	v33 =	vld [tilespmem:s19+$0x2930];
	v52 =	vmul.f32 v51, v21;
	v37 =	vadd.f32 v39, v37;
	v43 =	vmul.f32 v43, v30  }
0x401: {  	v55 =	vld [tilespmem:s10+$0x460];
	s31 =	sor.u32 $0x840, s12;
	[smem:$0x7CB] =	sst s25  }
0x402: {  	s20 =	sor.u32 $0x860, s24;
	[dreg:$0x1d] =	wrdreg s31;
	v57 =	vld [tilespmem:s14+$0x460];
	v54 =	vmul.f32 v45, v22;
	[tilespmem:s19+$0x16880] =	vst v58;
	v37 =	vadd.f32 v52, v37;
	v36 =	vadd.f32 v43, v36  }
0x403: {  	s31 =	sor.u32 $0xC40, s12;
	[smem:$0x7B7] =	sst s20;
	v49 =	vmul.f32 v56, v7;
	v56 =	vld [tilespmem:s2+$0x410]  }
0x404: {  	s20 =	sor.u32 $0xC60, s12;
	[dreg:$0x14] =	wrdreg s31;
	v37 =	vadd.f32 v54, v37;
	[tilespmem:s19+$0x16800] =	vst v36;
	v54 =	vld [tilespmem:s2+$0x10]  }
0x405: {  	s31 =	sor.u32 $0x850, s12;
	[smem:$0x7BB] =	sst s20;
	v42 =	vmul.f32 v42, v33;
	v59 =	vld [tilespmem:s4+$0xC800]  }
0x406: {  	s20 =	sor.u32 $0xC60, s30;
	[smem:$0x7C4] =	sst s31;
	v40 =	vmul.f32 v53, v15;
	v60 =	vld [tilespmem:s18+$0x10];
	[tilespmem:s19+$0x169A0] =	vst v37  }
0x407: {  	[smem:$0x7B9] =	sst s20;
	s20 =	sor.u32 $0x870, s12;
	v42 =	vadd.f32 v42, v44;
	v62 =	vld [tilespmem:s1+$0x30]  }
0x408: {  	[dreg:$0x16] =	wrdreg s20;
	s20 =	sor.u32 $0xC60, s24;
	v35 =	vadd.f32 v40, v35;
	v48 =	vld [tilespmem:s1+$0x430]  }
0x409: {  	[smem:$0x7BD] =	sst s20;
	s20 =	sor.u32 $0x870, s30;
	[tilespmem:s19+$0x16900] =	vst v42;
	v50 =	vld [tilespmem:s18+$0x410];
	s4 =	sor.u32 $0x830, s17  }
0x40a: {  	[smem:$0x7CD] =	sst s20;
	s20 =	sor.u32 $0x870, s24;
	[tilespmem:s7+$0x16950] =	vst v35;
	v51 =	vld [tilespmem:s4+$0xC800]  }
0x40b: {  	s5 =	sor.u32 $0xC30, s17;
	s25 =	sor.u32 $0xC50, s24;
	[dreg:$0x19] =	wrdreg s20;
	v39 =	vmul.f32 v57, v8;
	v57 =	vld [tilespmem:s9+$0x10]  }
0x40c: {  	s31 =	sor.u32 $0xC50, s30;
	s20 =	sld [smem:$0x7AB];
	s6 =	sor.u32 $0x860, s30;
	v61 =	vmul.f32 v46, v5;
	v63 =	vmul.f32 v55, v6;
	v55 =	vld [tilespmem:s5+$0xC800]  }
0x40d: {  	s28 =	sor.u32 $0xC70, s30;
	s30 =	smov.u32 s6;
	s6 =	sld [smem:$0x7A9];
	v58 =	vld [tilespmem:s9+$0x410];
	v36 =	vmul.f32 v62, v19;
	v40 =	vmul.f32 v48, v20  }
0x40e: {  	s26 =	smov.u32 s25;
	s25 =	sld [smem:$0x7AE];
	v47 =	vld [tilespmem:s22+$0xC800];
	v37 =	vadd.f32 v63, v61;
	v41 =	vmul.f32 v54, v29  }
0x40f: {  	s11 =	sld [smem:$0x7AA];
	v63 =	vld [tilespmem:s20+$0xC800];
	v52 =	vmul.f32 v59, v12;
	v59 =	vmul.f32 v51, v21;
	v36 =	vadd.f32 v40, v36  }
0x410: {  	v39 =	vadd.f32 v39, v49;
	v53 =	vmul.f32 v60, v32;
	v43 =	vmul.f32 v50, v31;
	v60 =	vld [tilespmem:s6+$0xC800]  }
0x411: {  	s23 =	sld [smem:$0x7AD];
	v50 =	vld [tilespmem:s25+$0xC800];
	v45 =	vmul.f32 v57, v24;
	v62 =	vmul.f32 v55, v22;
	v36 =	vadd.f32 v59, v36  }
0x412: {  	v61 =	vld [tilespmem:s11+$0xC800];
	v49 =	vmul.f32 v58, v25;
	v35 =	vadd.f32 v52, v37;
	v37 =	vmul.f32 v56, v23  }
0x413: {  	v58 =	vld [tilespmem:s8+$0x460];
	v36 =	vadd.f32 v62, v36  }
0x414: {  	v42 =	vmul.f32 v63, v26;
	v48 =	vld [tilespmem:s23+$0xC800];
	v37 =	vadd.f32 v37, v41;
	v41 =	vadd.f32 v49, v45  }
0x415: {  	s5 =	sld [smem:$0x7AF];
	v38 =	vadd.f32 v43, v53;
	v55 =	vld [tilespmem:s8+$0x60];
	[tilespmem:s19+$0x169B0] =	vst v36  }
0x416: {  	v43 =	vmul.f32 v60, v28;
	v57 =	vmul.f32 v50, v33;
	v41 =	vadd.f32 v42, v41;
	v52 =	vld [tilespmem:s1+$0x40]  }
0x417: {  	v54 =	vmul.f32 v47, v30;
	v53 =	vld [tilespmem:s1+$0x440]  }
0x418: {  	s3 =	sor.u32 $0x840, s17;
	v51 =	vmul.f32 v61, v27;
	v38 =	vadd.f32 v43, v38;
	v60 =	vadd.f32 v57, v41;
	v62 =	vld [tilespmem:s5+$0xC800]  }
0x419: {  	s4 =	sor.u32 $0xC40, s17;
	v56 =	vld [tilespmem:s3+$0xC800]  }
0x41a: {  	v40 =	vmul.f32 v48, v34;
	v38 =	vadd.f32 v54, v38;
	v36 =	vadd.f32 v51, v37;
	[tilespmem:s19+$0x16910] =	vst v60;
	v59 =	vld [tilespmem:s4+$0xC800]  }
0x41b: {  	v48 =	vmul.f32 v55, v9;
	v55 =	vld [tilespmem:s9+$0x20]  }
0x41c: {  	[tilespmem:s19+$0x16810] =	vst v38;
	v57 =	vld [tilespmem:s9+$0x420];
	v36 =	vadd.f32 v40, v36;
	v61 =	vmul.f32 v52, v19;
	v43 =	vmul.f32 v53, v20  }
0x41d: {  	v63 =	vld [tilespmem:s18+$0x20]  }
0x41e: {  	s6 =	sld [smem:$0x7B0];
	v49 =	vld [tilespmem:s18+$0x420];
	[tilespmem:s19+$0x16890] =	vst v36;
	v51 =	vmul.f32 v56, v21;
	v50 =	vadd.f32 v43, v61  }
0x41f: {  	s11 =	sld [smem:$0x7B1];
	v54 =	vld [tilespmem:s2+$0x420]  }
0x420: {  	s3 =	sld [smem:$0x7B4];
	v52 =	vld [tilespmem:s2+$0x20];
	v40 =	vmul.f32 v59, v22;
	v38 =	vadd.f32 v51, v50  }
0x421: {  	s23 =	sld [smem:$0x7B3];
	v53 =	vmul.f32 v58, v10;
	v58 =	vld [tilespmem:s6+$0xC800]  }
0x422: {  	v59 =	vld [tilespmem:s11+$0xC800];
	v38 =	vadd.f32 v40, v38  }
0x423: {  	v41 =	vmul.f32 v55, v24;
	v55 =	vld [tilespmem:s3+$0xC800]  }
0x424: {  	s20 =	sld [smem:$0x7B2];
	v36 =	vadd.f32 v53, v48;
	v48 =	vld [tilespmem:s23+$0xC800];
	[tilespmem:s19+$0x169C0] =	vst v38  }
0x425: {  	[smem:$0x7C2] =	sst s31;
	v61 =	vld [tilespmem:s1+$0x50]  }
0x426: {  	s5 =	sld [smem:$0x7B6];
	v44 =	vmul.f32 v62, v13;
	v62 =	vld [tilespmem:s1+$0x450]  }
0x427: {  	s31 =	sor.u32 $0x860, s12;
	s22 =	sor.u32 $0x850, s17;
	s4 =	sld [smem:$0x7B5];
	v42 =	vmul.f32 v52, v29;
	v52 =	vld [tilespmem:s20+$0xC800]  }
0x428: {  	s25 =	smov.u32 s31;
	s31 =	sor.u32 $0xC50, s17;
	s6 =	sld [smem:$0x7B7];
	v56 =	vmul.f32 v63, v32;
	v37 =	vmul.f32 v49, v31;
	v53 =	vld [tilespmem:s22+$0xC800]  }
0x429: {  	v63 =	vmul.f32 v57, v25;
	v60 =	vmul.f32 v54, v23;
	v54 =	vld [tilespmem:s31+$0xC800];
	s31 =	sld [smem:$0x7BA]  }
0x42a: {  	v39 =	vadd.f32 v44, v39;
	v57 =	vld [tilespmem:s4+$0xC800];
	s4 =	sld [smem:$0x7BC];
	v44 =	vmul.f32 v59, v27;
	v40 =	vmul.f32 v58, v28  }
0x42b: {  	s11 =	sld [smem:$0x7B8];
	v37 =	vadd.f32 v37, v56;
	v59 =	vld [tilespmem:s5+$0xC800];
	v43 =	vmul.f32 v61, v19;
	v56 =	vmul.f32 v62, v20  }
0x42c: {  	s12 =	sor.u32 $0xC70, s12;
	v41 =	vadd.f32 v63, v41;
	s20 =	smov.u32 s6;
	s6 =	sld [smem:$0x7BE];
	v48 =	vmul.f32 v48, v30;
	v38 =	vadd.f32 v60, v42;
	v61 =	vld [tilespmem:s31+$0xC800]  }
0x42d: {  	v37 =	vadd.f32 v40, v37;
	v58 =	vmul.f32 v53, v21;
	v62 =	vld [tilespmem:s4+$0xC800];
	s4 =	smov.u32 s12;
	s12 =	sld [smem:$0x7C0];
	v43 =	vadd.f32 v56, v43  }
0x42e: {  	v60 =	vld [tilespmem:s11+$0xC800];
	v42 =	vmul.f32 v55, v34;
	v38 =	vadd.f32 v44, v38;
	v45 =	vmul.f32 v52, v26  }
0x42f: {  	v63 =	vld [tilespmem:s6+$0xC800];
	v37 =	vadd.f32 v48, v37;
	v40 =	vmul.f32 v54, v22;
	v43 =	vadd.f32 v58, v43  }
0x430: {  	s3 =	sld [smem:$0x7BB];
	v46 =	vmul.f32 v57, v33;
	v49 =	vadd.f32 v42, v38;
	v51 =	vld [tilespmem:s12+$0xC800]  }
0x431: {  	s22 =	sld [smem:$0x7B9];
	v50 =	vmul.f32 v59, v11;
	v41 =	vadd.f32 v45, v41;
	[tilespmem:s19+$0x16820] =	vst v37;
	v40 =	vadd.f32 v40, v43  }
0x432: {  	v52 =	vld [tilespmem:s18+$0x30];
	s31 =	sld [smem:$0x7C1];
	[tilespmem:s19+$0x168A0] =	vst v49;
	v44 =	vmul.f32 v61, v14  }
0x433: {  	v36 =	vadd.f32 v50, v36;
	v41 =	vadd.f32 v46, v41;
	v56 =	vmul.f32 v62, v15;
	v62 =	vld [tilespmem:s2+$0x30];
	[tilespmem:s19+$0x169D0] =	vst v40  }
0x434: {  	s6 =	sor.u32 $0x860, s17;
	s23 =	smov.u32 s22;
	v43 =	vmul.f32 v63, v3;
	v39 =	vadd.f32 v44, v39;
	v54 =	vld [tilespmem:s1+$0x60]  }
0x435: {  	s22 =	smov.u32 s3;
	v53 =	vmul.f32 v60, v16;
	s3 =	smov.u32 s31;
	[tilespmem:s19+$0x16920] =	vst v41;
	s31 =	sld [smem:$0x7C3];
	v59 =	vadd.f32 v56, v36;
	v60 =	vmul.f32 v51, v4;
	v55 =	vld [tilespmem:s1+$0x460]  }
0x436: {  	s12 =	sor.u32 $0xC60, s17;
	v18 =	vadd.f32 v43, v18;
	v58 =	vld [tilespmem:s6+$0xC800];
	[tilespmem:s7+$0x168E0] =	vst v39  }
0x437: {  	v63 =	vld [tilespmem:s12+$0xC800];
	[tilespmem:s7+$0x16960] =	vst v59;
	v17 =	vadd.f32 v60, v17  }
0x438: {  	v35 =	vadd.f32 v53, v35;
	s6 =	sld [smem:$0x7C5];
	v44 =	vld [tilespmem:s2+$0x430];
	[tilespmem:s31+$0x168F0] =	vst v18  }
0x439: {  	v47 =	vld [tilespmem:s9+$0x30];
	[tilespmem:s31+$0x16970] =	vst v17;
	s31 =	sld [smem:$0x7C6]  }
0x43a: {  	v57 =	vld [tilespmem:s18+$0x430];
	[tilespmem:s7+$0x16860] =	vst v35;
	v45 =	vmul.f32 v54, v19;
	v46 =	vmul.f32 v55, v20  }
0x43b: {  	v48 =	vld [tilespmem:s6+$0xC800];
	s6 =	sld [smem:$0x7C7]  }
0x43c: {  	v3 =	vmovc v14;
	v14 =	vmov v34;
	v34 =	vmul.f32 v58, v21;
	v50 =	vld [tilespmem:s31+$0xC800];
	s31 =	sld [smem:$0x7C8];
	v36 =	vadd.f32 v46, v45;
	_ =	sdelay $0x1  }
0x43d: {  	v61 =	vmul.f32 v52, v32;
	v51 =	vmul.f32 v63, v22;
	v52 =	vld [tilespmem:s6+$0xC800];
	s6 =	sld [smem:$0x7C9];
	v34 =	vadd.f32 v34, v36  }
0x43e: {  	v53 =	vld [tilespmem:s31+$0xC800];
	s31 =	sld [smem:$0x7CA]  }
0x43f: {  	v17 =	vld [tilespmem:s9+$0x430];
	v34 =	vadd.f32 v51, v34  }
0x440: {  	s12 =	smov.u32 s7;
	s7 =	smov.u32 s19;
	v18 =	vmul.f32 v57, v31;
	v54 =	vld [tilespmem:s6+$0xC800]  }
0x441: {  	v4 =	vmov v15;
	v55 =	vld [tilespmem:s31+$0xC800];
	[tilespmem:s7+$0x169E0] =	vst v34  }
0x442: {  	v15 =	vmovc v33;
	v49 =	vmul.f32 v62, v29;
	v18 =	vadd.f32 v18, v61;
	v33 =	vmul.f32 v48, v28;
	v57 =	vld [tilespmem:s1+$0x70]  }
0x443: {  	v35 =	vmul.f32 v44, v23;
	v38 =	vmul.f32 v47, v24;
	v59 =	vld [tilespmem:s1+$0x470]  }
0x444: {  	v61 =	vld [tilespmem:s10+$0x70];
	v17 =	vmul.f32 v17, v25;
	v18 =	vadd.f32 v33, v18;
	v60 =	vmul.f32 v53, v30  }
0x445: {  	v63 =	vld [tilespmem:s10+$0x470];
	v35 =	vadd.f32 v35, v49;
	s6 =	sor.u32 $0xC70, s17;
	v56 =	vmul.f32 v50, v27  }
0x446: {  	v17 =	vadd.f32 v17, v38;
	v58 =	vmul.f32 v52, v26;
	s1 =	sor.u32 $0x870, s17;
	v44 =	vld [tilespmem:s6+$0xC800];
	v18 =	vadd.f32 v60, v18  }
0x447: {  	v34 =	vadd.f32 v56, v35;
	v36 =	vmul.f32 v54, v14;
	v62 =	vld [tilespmem:s1+$0xC800];
	v37 =	vmul.f32 v55, v15  }
0x448: {  	s10 =	smov.u32 s18;
	v17 =	vadd.f32 v58, v17;
	[tilespmem:s7+$0x16830] =	vst v18;
	v18 =	vmul.f32 v57, v19;
	v19 =	vmul.f32 v59, v20;
	v20 =	vld [tilespmem:s14+$0x70]  }
0x449: {  	v34 =	vadd.f32 v36, v34;
	v45 =	vld [tilespmem:s10+$0x40]  }
0x44a: {  	s31 =	rddreg [dreg:$0x1f];
	v17 =	vadd.f32 v37, v17;
	v47 =	vld [tilespmem:s10+$0x440]  }
0x44b: {  	[tilespmem:s7+$0x168B0] =	vst v34;
	v51 =	vld [tilespmem:s31+$0xC800]  }
0x44c: {  	v48 =	vld [tilespmem:s2+$0x440];
	[tilespmem:s7+$0x16930] =	vst v17;
	v17 =	vadd.f32 v19, v18;
	v18 =	vmul.f32 v62, v21  }
0x44d: {  	v46 =	vmul.f32 v61, v5;
	s1 =	rddreg [dreg:$0x1d];
	v19 =	vld [tilespmem:s2+$0x40];
	v21 =	vmul.f32 v63, v6  }
0x44e: {  	v52 =	vld [tilespmem:s1+$0xC800];
	v17 =	vadd.f32 v18, v17;
	v18 =	vmul.f32 v44, v22  }
0x44f: {  	[dreg:$0x12] =	wrdreg s28;
	v5 =	vmov v32;
	v6 =	vmov v31;
	v50 =	vld [tilespmem:s9+$0x440];
	v49 =	vadd.f32 v21, v46  }
0x450: {  	s31 =	rddreg [dreg:$0x1b];
	v22 =	vld [tilespmem:s9+$0x40];
	v21 =	vmul.f32 v45, v5;
	v17 =	vadd.f32 v18, v17;
	v18 =	vmul.f32 v47, v6  }
0x451: {  	s6 =	rddreg [dreg:$0x18];
	v53 =	vld [tilespmem:s31+$0xC800];
	v20 =	vmul.f32 v20, v7;
	v7 =	vmov v29  }
0x452: {  	s5 =	sld [smem:$0x7BD];
	v19 =	vmul.f32 v19, v7;
	[tilespmem:s7+$0x169F0] =	vst v17;
	v17 =	vadd.f32 v18, v21;
	v18 =	vmul.f32 v48, v23;
	v21 =	vld [tilespmem:s6+$0xC800]  }
0x453: {  	s1 =	rddreg [dreg:$0x14];
	v55 =	vld [tilespmem:s14+$0x470]  }
0x454: {  	v32 =	vmul.f32 v51, v28;
	s6 =	rddreg [dreg:$0x10];
	v18 =	vadd.f32 v18, v19;
	v19 =	vld [tilespmem:s1+$0xC800]  }
0x455: {  	s11 =	sld [smem:$0x7BF];
	v29 =	vmul.f32 v50, v25;
	v22 =	vmul.f32 v22, v24;
	v54 =	vld [tilespmem:s6+$0xC800]  }
0x456: {  	s14 =	smov.u32 s2;
	s2 =	rddreg [dreg:$0x16];
	v56 =	vld [tilespmem:s8+$0x70];
	v31 =	vmul.f32 v53, v30;
	v17 =	vadd.f32 v32, v17  }
0x457: {  	v57 =	vld [tilespmem:s8+$0x470];
	v34 =	vmul.f32 v52, v27;
	s1 =	rddreg [dreg:$0x5];
	v22 =	vadd.f32 v29, v22;
	v21 =	vmul.f32 v21, v26  }
0x458: {  	s8 =	smov.u32 s9;
	s9 =	rddreg [dreg:$0xb];
	v59 =	vld [tilespmem:s1+$0xC800];
	v17 =	vadd.f32 v31, v17  }
0x459: {  	s24 =	sor.u32 $0xC70, s24;
	v18 =	vadd.f32 v34, v18;
	v19 =	vmul.f32 v19, v14;
	v21 =	vadd.f32 v21, v22;
	v22 =	vld [tilespmem:s9+$0xC800];
	s9 =	rddreg [dreg:$0x9]  }
0x45a: {  	s28 =	smov.u32 s5;
	s0 =	smov.u32 s2;
	s2 =	rddreg [dreg:$0x7];
	v58 =	vmul.f32 v54, v15;
	[tilespmem:s7+$0x16840] =	vst v17;
	v60 =	vld [tilespmem:s9+$0xC800]  }
0x45b: {  	s5 =	smov.u32 s11;
	s11 =	smov.u32 s24;
	s24 =	sld [smem:$0x7C2];
	v18 =	vadd.f32 v19, v18;
	v19 =	vmul.f32 v55, v8;
	v8 =	vmov v23;
	v23 =	vld [tilespmem:s2+$0xC800]  }
0x45c: {  	s29 =	sadd.s32 $0x4, s29;
	s31 =	sld [smem:$0x7CD];
	v62 =	vld [tilespmem:s10+$0x50];
	v17 =	vadd.f32 v58, v21  }
0x45d: {  	p2 =	slt.u32 s29, $0x3C;
	s19 =	sld [smem:$0x7C4];
	v61 =	vmul.f32 v56, v9;
	[tilespmem:s7+$0x168C0] =	vst v18;
	v18 =	vadd.f32 v19, v20;
	v19 =	vmul.f32 v57, v10;
	v20 =	vld [tilespmem:s10+$0x450]  }
.Ltmp4:
0x45e: {  	s18 =	sld [smem:$0x7CC];
	[tilespmem:s7+$0x16940] =	vst v17;
	v17 =	vmul.f32 v22, v12;
	v21 =	vld [tilespmem:s14+$0x50];
	(pc) =	sbr.rel @p2 .LBB2_7-.Ltmp4, $4  }
0x45f: {  	v9 =	vmovc v24;
	s6 =	smov.u32 s31;
	s31 =	rddreg [dreg:$0x19];
	v10 =	vmov v25;
	v25 =	vmul.f32 v59, v13;
	v24 =	vld [tilespmem:s14+$0x450];
	v19 =	vadd.f32 v19, v61  }
0x460: {  	s9 =	smov.u32 s31;
	s31 =	rddreg [dreg:$0x12];
	v13 =	vmovc v27;
	v22 =	vld [tilespmem:s8+$0x50];
	v27 =	vadd.f32 v17, v49;
	v17 =	vmul.f32 v60, v11;
	v63 =	vmul.f32 v23, v16  }
0x461: {  	s2 =	smov.u32 s31;
	s31 =	rddreg [dreg:$0xe];
	v12 =	vmovc v28;
	v18 =	vadd.f32 v25, v18;
	v25 =	vmul.f32 v62, v5;
	v11 =	vmov v26;
	v23 =	vld [tilespmem:s8+$0x450]  }
0x462: {  	p0 =	por !p0, !p0;
	s17 =	sld [smem:$0x7CB];
	v16 =	vmovc v30;
	v17 =	vadd.f32 v17, v19;
	v26 =	vmul.f32 v20, v6;
	v20 =	vld [tilespmem:s31+$0xC800];
	v19 =	vadd.f32 v63, v27  }
0x463: {  	_ = 	snop  }
0x464: {  	v28 =	vld [tilespmem:s24+$0xC800];
	_ =	sdelay $0x1  }
0x465: {  	v27 =	vld [tilespmem:s19+$0xC800]  }
0x466: {  	v51 =	vld [tilespmem:s18+$0xC800];
	v25 =	vadd.f32 v26, v25;
	v20 =	vmul.f32 v20, v12  }
0x467: {  	v21 =	vmul.f32 v21, v7;
	v29 =	vld [tilespmem:s17+$0xC800]  }
0x468: {  	v24 =	vmul.f32 v24, v8;
	v53 =	vmul.f32 v28, v16;
	v20 =	vadd.f32 v20, v25  }
0x469: {  	v54 =	vld [tilespmem:s26+$0xC800];
	v22 =	vmul.f32 v22, v9;
	v23 =	vmul.f32 v23, v10  }
0x46a: {  	v21 =	vadd.f32 v24, v21;
	v52 =	vmul.f32 v27, v13;
	v20 =	vadd.f32 v53, v20  }
0x46b: {  	v22 =	vadd.f32 v23, v22  }
0x46c: {  	v56 =	vmul.f32 v51, v11;
	v21 =	vadd.f32 v52, v21;
	v55 =	vmul.f32 v29, v14;
	[tilespmem:s7+$0x16850] =	vst v20  }
0x46d: {  	v20 =	vld [tilespmem:s30+$0xC800]  }
0x46e: {  	v57 =	vmul.f32 v54, v15;
	v22 =	vadd.f32 v56, v22;
	v21 =	vadd.f32 v55, v21;
	v58 =	vld [tilespmem:s10+$0x60]  }
0x46f: {  	v59 =	vld [tilespmem:s10+$0x460]  }
0x470: {  	v22 =	vadd.f32 v57, v22;
	[tilespmem:s7+$0x168D0] =	vst v21;
	v63 =	vld [tilespmem:s23+$0xC800]  }
0x471: {  	v60 =	vld [tilespmem:s14+$0x60]  }
0x472: {  	[tilespmem:s7+$0x16950] =	vst v22;
	v61 =	vld [tilespmem:s14+$0x460]  }
0x473: {  	v22 =	vld [tilespmem:s8+$0x60]  }
0x474: {  	v62 =	vld [tilespmem:s8+$0x460];
	v24 =	vmul.f32 v58, v5;
	v25 =	vmul.f32 v59, v6  }
0x475: {  	v21 =	vld [tilespmem:s25+$0xC800]  }
0x476: {  	v33 =	vld [tilespmem:s20+$0xC800];
	v20 =	vmul.f32 v20, v12;
	v24 =	vadd.f32 v25, v24  }
0x477: {  	v30 =	vld [tilespmem:s22+$0xC800];
	v36 =	vmul.f32 v63, v16  }
0x478: {  	v23 =	vmul.f32 v60, v7;
	v26 =	vmul.f32 v61, v8;
	v20 =	vadd.f32 v20, v24  }
0x479: {  	v34 =	vld [tilespmem:s28+$0xC800];
	v22 =	vmul.f32 v22, v9;
	v35 =	vmul.f32 v62, v10  }
0x47a: {  	v21 =	vmul.f32 v21, v13;
	v23 =	vadd.f32 v26, v23;
	v20 =	vadd.f32 v36, v20  }
0x47b: {  	v39 =	vld [tilespmem:s5+$0xC800];
	v37 =	vmul.f32 v33, v11  }
0x47c: {  	v40 =	vld [tilespmem:s3+$0xC800];
	v38 =	vmul.f32 v30, v14;
	v22 =	vadd.f32 v35, v22;
	v21 =	vadd.f32 v21, v23;
	[tilespmem:s7+$0x16860] =	vst v20  }
0x47d: {  	v20 =	vld [tilespmem:s10+$0x70]  }
0x47e: {  	v41 =	vmul.f32 v34, v15;
	v22 =	vadd.f32 v37, v22;
	v21 =	vadd.f32 v38, v21;
	v42 =	vld [tilespmem:s10+$0x470]  }
0x47f: {  	v45 =	vld [tilespmem:s6+$0xC800]  }
0x480: {  	v22 =	vadd.f32 v41, v22;
	[tilespmem:s7+$0x168E0] =	vst v21;
	v48 =	vld [tilespmem:s2+$0xC800]  }
0x481: {  	v21 =	vld [tilespmem:s14+$0x70]  }
0x482: {  	[tilespmem:s7+$0x16960] =	vst v22;
	v43 =	vld [tilespmem:s14+$0x470]  }
0x483: {  	v22 =	vld [tilespmem:s8+$0x70]  }
0x484: {  	v44 =	vld [tilespmem:s8+$0x470]  }
0x485: {  	v3 =	vmul.f32 v39, v3;
	v46 =	vld [tilespmem:s0+$0xC800]  }
0x486: {  	v4 =	vmul.f32 v40, v4;
	v47 =	vld [tilespmem:s9+$0xC800];
	v49 =	vmul.f32 v20, v5  }
0x487: {  	v51 =	vld [tilespmem:s4+$0xC800];
	v50 =	vmul.f32 v42, v6;
	v57 =	vmul.f32 v45, v12  }
0x488: {  	v3 =	vadd.f32 v3, v18;
	v54 =	vld [tilespmem:s11+$0xC800];
	v52 =	vmul.f32 v21, v7;
	v53 =	vmul.f32 v43, v8  }
0x489: {  	v55 =	vmul.f32 v22, v9;
	v56 =	vmul.f32 v44, v10;
	v5 =	vadd.f32 v50, v49  }
0x48a: {  	v60 =	vmul.f32 v48, v16;
	v58 =	vmul.f32 v46, v13;
	v7 =	vadd.f32 v53, v52  }
0x48b: {  	v59 =	vmul.f32 v47, v11;
	v9 =	vadd.f32 v56, v55;
	v5 =	vadd.f32 v57, v5  }
0x48c: {  	[tilespmem:s12+$0x16870] =	vst v19;
	v4 =	vadd.f32 v4, v17;
	v61 =	vmul.f32 v51, v14;
	v7 =	vadd.f32 v58, v7  }
0x48d: {  	[tilespmem:s12+$0x168F0] =	vst v3;
	v62 =	vmul.f32 v54, v15;
	v3 =	vadd.f32 v59, v9;
	v5 =	vadd.f32 v60, v5  }
0x48e: {  	[tilespmem:s12+$0x16970] =	vst v4;
	v63 =	vadd.f32 v61, v7  }
0x48f: {  	v3 =	vadd.f32 v62, v3;
	[tilespmem:s7+$0x16870] =	vst v5  }
0x490: {  	[tilespmem:s7+$0x168F0] =	vst v63  }
0x491: {  	s14 =	sld [smem:$0x7F1];
	[tilespmem:s7+$0x16970] =	vst v3  }
.Ltmp5:
0x492: {  	s1 =	sld [smem:$0x7FD];
	(pc) =	sbr.rel @p1 .LBB2_10-.Ltmp5, $4  }
0x493: {  	_ = 	snop  }
0x494: {  	s30 =	sshll.u32 s14, $0xB  }
0x495: {  	s31 =	simm.s32 $0x16800;
	s6 =	simm.s32 $0x0;
	s0 =	sadd.s32 s1, s30  }
0x496: {  	[hbm4b:s0+s6] =	stream.linear.scatter [tilespmem:s31], [sflag:$0x6], $0x2000, $0x38;
	[tilespmem:$0x18800] =	vst v63  }
0x497: {  	s0 =	sld [smem:$0x7F2];
	_ =	sdelay $0x1  }
0x498: {  	s2 =	sld [smem:$0x7F5]  }
0x499: {  	s0 =	sadd.s32 $0x3, s0  }
0x49a: {  	s11 =	sld [smem:$0x7F7];
	s1 =	sshll.u32 s0, $0xD  }
0x49b: {  	s1 =	sadd.s32 s2, s1  }
0x49c: {  	s0 =	sshll.u32 s0, $0x6;
	s1 =	sshrl.u32 s1, $0x3  }
0x49d: {  	s12 =	simm.s32 $0x2800;
	s0 =	sand.u32 $0xF80, s0;
	s1 =	sadd.s32 s11, s1  }
0x49e: {  	[tilespmem:s12], [sflag:$0x4] =	stream.linear.gather [hbm4b:s1+s6], $0x2000, $0x38;
	[tilespmem:$0x18800] =	vst v63  }
0x49f: {  	v3 =	vld [tilespmem:s0+$0x40];
	_ =	sdelay $0x4  }
0x4a0: {  	v4 =	vshll.u32 v3, $0x2  }
0x4a1: {  	v3 =	vand.u32 $0x7, v3;
	v4 =	vand.u32 $0xFFFFFFE0, v4  }
0x4a2: {  	v3 =	vor.u32 v3, v4  }
0x4a3: {  	v4 =	vperm.xlane v3, v0;
	_ =	sdelay $0x1  }
0x4a4: {  	v4 =	vadd.s32 v1, v4;
	_ =	sdelay $0x1  }
0x4a5: {  	s13 =	sld [smem:$0x7F4];
	v3 =	vperm.xlane v3, v2;
	_ =	sdelay $0x1  }
0x4a6: {  	s15 =	simm.s32 $0xC800;
	s16 =	sld [smem:$0x7F8];
	v3 =	vadd.s32 v1, v3  }
0x4a7: {  	[tilespmem:s15], [sflag:$0x2] =	stream.indirect_vreg.gather [hbm4b:s13+s6], $0x80, v4, vm0, $0xb8;
	[tilespmem:$0x18800] =	vst v63  }
0x4a8: {  	s3 =	simm.s32 $0xD000  }
0x4a9: {  	[tilespmem:s3], [sflag:$0x2] =	stream.indirect_vreg.gather [hbm4b:s16+s6], $0x80, v4, vm0, $0xb8;
	[tilespmem:$0x18800] =	vst v63  }
0x4aa: {  	s17 =	simm.s32 $0xD800  }
0x4ab: {  	[tilespmem:s17], [sflag:$0x2] =	stream.indirect_vreg.gather [hbm4b:s13+s6], $0x80, v3, vm0, $0xb8;
	[tilespmem:$0x18800] =	vst v63  }
0x4ac: {  	s18 =	simm.s32 $0xE000  }
0x4ad: {  	[tilespmem:s18], [sflag:$0x2] =	stream.indirect_vreg.gather [hbm4b:s16+s6], $0x80, v3, vm0, $0xb8;
	[tilespmem:$0x18800] =	vst v63  }
0x4ae: {  	v3 =	vld [tilespmem:s0+$0x50];
	_ =	sdelay $0x4  }
0x4af: {  	v61 =	vshll.u32 v3, $0x2  }
0x4b0: {  	v3 =	vand.u32 $0x7, v3;
	v4 =	vand.u32 $0xFFFFFFE0, v61  }
0x4b1: {  	v3 =	vor.u32 v3, v4  }
0x4b2: {  	v4 =	vperm.xlane v3, v0;
	_ =	sdelay $0x1  }
0x4b3: {  	v4 =	vadd.s32 v1, v4;
	_ =	sdelay $0x1  }
0x4b4: {  	v3 =	vperm.xlane v3, v2;
	_ =	sdelay $0x1  }
0x4b5: {  	s19 =	simm.s32 $0xE800;
	v3 =	vadd.s32 v1, v3  }
0x4b6: {  	[tilespmem:s19], [sflag:$0x2] =	stream.indirect_vreg.gather [hbm4b:s13+s6], $0x80, v4, vm0, $0xb8;
	[tilespmem:$0x18800] =	vst v63  }
0x4b7: {  	s20 =	simm.s32 $0xF000  }
0x4b8: {  	[tilespmem:s20], [sflag:$0x2] =	stream.indirect_vreg.gather [hbm4b:s16+s6], $0x80, v4, vm0, $0xb8;
	[tilespmem:$0x18800] =	vst v63  }
0x4b9: {  	s21 =	simm.s32 $0xF800  }
0x4ba: {  	[tilespmem:s21], [sflag:$0x2] =	stream.indirect_vreg.gather [hbm4b:s13+s6], $0x80, v3, vm0, $0xb8;
	[tilespmem:$0x18800] =	vst v63  }
0x4bb: {  	s22 =	simm.s32 $0x10000  }
0x4bc: {  	[tilespmem:s22], [sflag:$0x2] =	stream.indirect_vreg.gather [hbm4b:s16+s6], $0x80, v3, vm0, $0xb8;
	[tilespmem:$0x18800] =	vst v63  }
0x4bd: {  	v3 =	vld [tilespmem:s0+$0x60];
	_ =	sdelay $0x4  }
0x4be: {  	v62 =	vshll.u32 v3, $0x2  }
0x4bf: {  	v3 =	vand.u32 $0x7, v3;
	v4 =	vand.u32 $0xFFFFFFE0, v62  }
0x4c0: {  	v3 =	vor.u32 v3, v4  }
0x4c1: {  	v4 =	vperm.xlane v3, v0;
	_ =	sdelay $0x1  }
0x4c2: {  	v4 =	vadd.s32 v1, v4;
	_ =	sdelay $0x1  }
0x4c3: {  	v3 =	vperm.xlane v3, v2;
	_ =	sdelay $0x1  }
0x4c4: {  	s23 =	simm.s32 $0x10800;
	v3 =	vadd.s32 v1, v3  }
0x4c5: {  	[tilespmem:s23], [sflag:$0x2] =	stream.indirect_vreg.gather [hbm4b:s13+s6], $0x80, v4, vm0, $0xb8;
	[tilespmem:$0x18800] =	vst v63  }
0x4c6: {  	s24 =	simm.s32 $0x11000  }
0x4c7: {  	[tilespmem:s24], [sflag:$0x2] =	stream.indirect_vreg.gather [hbm4b:s16+s6], $0x80, v4, vm0, $0xb8;
	[tilespmem:$0x18800] =	vst v63  }
0x4c8: {  	s25 =	simm.s32 $0x11800  }
0x4c9: {  	[tilespmem:s25], [sflag:$0x2] =	stream.indirect_vreg.gather [hbm4b:s13+s6], $0x80, v3, vm0, $0xb8;
	[tilespmem:$0x18800] =	vst v63  }
0x4ca: {  	s26 =	simm.s32 $0x12000  }
0x4cb: {  	[tilespmem:s26], [sflag:$0x2] =	stream.indirect_vreg.gather [hbm4b:s16+s6], $0x80, v3, vm0, $0xb8;
	[tilespmem:$0x18800] =	vst v63  }
0x4cc: {  	v3 =	vld [tilespmem:s0+$0x70];
	_ =	sdelay $0x4  }
0x4cd: {  	v63 =	vshll.u32 v3, $0x2  }
0x4ce: {  	v3 =	vand.u32 $0x7, v3;
	v4 =	vand.u32 $0xFFFFFFE0, v63  }
0x4cf: {  	v3 =	vor.u32 v3, v4  }
0x4d0: {  	v4 =	vperm.xlane v3, v0;
	_ =	sdelay $0x1  }
0x4d1: {  	v4 =	vadd.s32 v1, v4;
	_ =	sdelay $0x2  }
0x4d2: {  	v3 =	vperm.xlane v3, v2  }
0x4d3: {  	s28 =	simm.s32 $0x12800  }
0x4d4: {  	v3 =	vadd.s32 v1, v3;
	[tilespmem:s28], [sflag:$0x2] =	stream.indirect_vreg.gather [hbm4b:s13+s6], $0x80, v4, vm0, $0xb8;
	[tilespmem:$0x18800] =	vst v63  }
0x4d5: {  	s29 =	simm.s32 $0x13000  }
0x4d6: {  	[tilespmem:s29], [sflag:$0x2] =	stream.indirect_vreg.gather [hbm4b:s16+s6], $0x80, v4, vm0, $0xb8;
	[tilespmem:$0x18800] =	vst v63  }
.Ltmp6:
0x4d7: {  	_ = 	snop;
	(pc) =	sbr.rel .LBB2_2-.Ltmp6, $4  }
0x4d8: {  	s30 =	simm.s32 $0x13800  }
0x4d9: {  	[tilespmem:s30], [sflag:$0x2] =	stream.indirect_vreg.gather [hbm4b:s13+s6], $0x80, v3, vm0, $0xb8;
	[tilespmem:$0x18800] =	vst v63  }
0x4da: {  	s31 =	simm.s32 $0x14000;
	s14 =	sadd.s32 $0x1, s14  }
0x4db: {  	[tilespmem:s31], [sflag:$0x2] =	stream.indirect_vreg.gather [hbm4b:s16+s6], $0x80, v3, vm0, $0xb8;
	[tilespmem:$0x18800] =	vst v63  }
.LBB2_11:
0x4dc: {  	_ =	sfence.sel $0x180000  }
0x4dd: {  	[bflag:$0x0] =	sbarrier.arrive $0xFFFF  }
0x4de: {  	_ =	strace $0x90000047  }
0x4df: {  	s0 =	stileid.u32;
	[bflag:$0x2] =	sbarrier.arrive $0xFFFF  }
0x4e0: {  	p0 =	sne.s32 s0, $0x0;
	s0 =	rddreg [dreg:$0x2]  }
0x4e1: {  	s0 =	sadd.s32 @!p0 $0x100000, s0  }
0x4e2: {  	[sflag:s0] =	ssyncadd.tile.s32 @!p0 $0x1;
	_ =	shalt  }
.Lfunc_end2:
_tile_overlayer_lowered:
.L_overlay_start_2:
0x4e3: {  	(tag) =	ssettag $0x2  }
0x4e4: {  	s0 =	rddreg [dreg:$0x0];
	s2 =	stileid.u32  }
0x4e5: {  	s1 =	rddreg [dreg:$0x1];
	p0 =	sne.s32 s2, $0x0  }
0x4e6: {  	s3 =	rddreg [dreg:$0x2];
	[bflag:$0x3] =	sbarrier.arrive $0xFFFF;
	s2 =	simm.s32 @!p0 $0x1C07  }
0x4e7: {  	[timem:s3], [sflag:s2] =	dma.local @!p0 [hbm:s0], s1  }
0x4e8: {  	s0 =	simm.s32 @!p0 $0x7  }
0x4e9: {  	_ =	swait.ge @!p0 [sflag:s0], s1  }
0x4ea: {  	s1 =	ssub.s32 @!p0 $0x0, s1;
	[sflag:s0] =	ssyncset.done @!p0 $0x0  }
0x4eb: {  	[sflag:s0] =	ssyncadd.s32 @!p0 s1  }
0x4ec: {  	[bflag:$0x3] =	sbarrier.arrive $0xFFFF  }
0x4ed: {  	_ =	shalt  }

</sc_bundles>
